<compile_context>
chip_gen: v7x
topology: tpu7x:2x2x1
jax: 0.10.2.dev20260603
libtpu: 0.0.44.dev20260713+nightly
codegen_flags: <defaults>
</compile_context>

<pallas_src>
import functools

import jax
import jax.numpy as jnp
from jax import lax
from jax.experimental import pallas as pl
from jax.experimental.pallas import tpu as pltpu
from jax.experimental.pallas import tpu_sc as plsc

_NUM_CORES = 2
_NUM_SUBCORES = 16
_NUM_WORKERS = _NUM_CORES * _NUM_SUBCORES
_L = 16

_RADIX_BITS = 11
_NUM_BINS = 1 << _RADIX_BITS
_SHIFTS = (0, _RADIX_BITS, 2 * _RADIX_BITS)


def _vec(val):
  return lax.full((_L,), val, jnp.int32)


def _lsr(x, k):
  if k == 0:
    return x
  return lax.shift_right_logical(x, _vec(k))


def _to_sortable_bits(f):
  b = plsc.bitcast(f, jnp.int32)
  sgn = lax.shift_right_arithmetic(b, _vec(31))
  flip = lax.bitwise_or(sgn, _vec(-(2**31)))
  return lax.bitwise_xor(b, flip)


@functools.partial(jax.jit, static_argnames=())
def _argsort_rows(x):
  rows, n = x.shape
  assert rows % _NUM_WORKERS == 0 and n % _L == 0
  rows_per_worker = rows // _NUM_WORKERS
  num_chunks = n // _L
  hist_chunks = _NUM_BINS // _L

  mesh = plsc.VectorSubcoreMesh(
      core_axis_name="c", subcore_axis_name="s")

  def body(x_hbm, out_hbm, keyf, ping, pong, meta, hist0, hist1, hist2):
    cid = lax.axis_index("c")
    sid = lax.axis_index("s")
    wid = sid * _NUM_CORES + cid
    hists = (hist0, hist1, hist2)

    def zero_hists():
      @plsc.parallel_loop(0, hist_chunks, unroll=4)
      def _(j):
        sl = pl.ds(j * _L, _L)
        hist0[sl] = _vec(0)
        hist1[sl] = _vec(0)
        hist2[sl] = _vec(0)

    def transform_and_count():
      @plsc.parallel_loop(0, num_chunks, unroll=4)
      def _(j):
        sl = pl.ds(j * _L, _L)
        u = _to_sortable_bits(keyf[sl])
        keyf[sl] = plsc.bitcast(u, jnp.float32)
        for p in range(3):
          d = lax.bitwise_and(_lsr(u, _SHIFTS[p]), _vec(_NUM_BINS - 1))
          occ, last = plsc.scan_count(d)
          plsc.addupdate_scatter(hists[p], [d], occ, mask=last)

    def prefix_hist(h):
      def pbody(j, carry):
        v = h[pl.ds(j * _L, _L)]
        csum = plsc.cumsum(v)
        h[pl.ds(j * _L, _L)] = csum - v + carry
        return carry + jnp.sum(v)
      lax.fori_loop(0, hist_chunks, pbody, jnp.int32(-1))

    def meta_chunk(src, shift, j, c):
      sl = pl.ds(c * _L, _L)
      if src is None:
        u = plsc.bitcast(keyf[sl], jnp.int32)
      else:
        u = plsc.bitcast(plsc.load_gather(keyf, [src[sl]]), jnp.int32)
      d = lax.bitwise_and(_lsr(u, shift), _vec(_NUM_BINS - 1))
      occ, last = plsc.scan_count(d)
      lasti = lax.convert_element_type(last, jnp.int32)
      meta[pl.ds(j * _L, _L)] = lax.bitwise_or(
          d,
          lax.bitwise_or(
              lax.shift_left(occ, _vec(_RADIX_BITS)),
              lax.shift_left(lasti, _vec(_RADIX_BITS + 5)),
          ),
      )

    def permute(src, dst, shift, hist_cur):
      iota = lax.iota(jnp.int32, _L)
      half_chunks = num_chunks // 2
      group = 16

      for half in range(2):
        base_chunk = half * half_chunks

        @plsc.parallel_loop(0, half_chunks, unroll=8)
        def _(j):
          meta_chunk(src, shift, j, j + base_chunk)

        def cbody(g, _):
          regs = []
          for k in range(group):
            j = g * group + k
            c = j + base_chunk
            p = meta[pl.ds(j * _L, _L)]
            if src is None:
              v_idx = iota + c * _L
            else:
              v_idx = src[pl.ds(c * _L, _L)]
            d = lax.bitwise_and(p, _vec(_NUM_BINS - 1))
            occ = lax.bitwise_and(_lsr(p, _RADIX_BITS), _vec(31))
            last = lax.ne(_lsr(p, _RADIX_BITS + 5), _vec(0))
            regs.append((d, occ, last, v_idx))
          for d, occ, last, v_idx in regs:
            base = plsc.load_gather(hist_cur, [d])
            pos = base + occ
            plsc.store_scatter(hist_cur, [d], pos, mask=last)
            plsc.store_scatter(dst, [pos], v_idx)
          return 0

        lax.fori_loop(0, half_chunks // group, cbody, 0)

    def row_body(r, _):
      row = wid * rows_per_worker + r
      pltpu.sync_copy(x_hbm.at[row], keyf)
      zero_hists()
      transform_and_count()
      prefix_hist(hist0)
      permute(None, ping, _SHIFTS[0], hist0)
      prefix_hist(hist1)
      permute(ping, pong, _SHIFTS[1], hist1)
      prefix_hist(hist2)
      permute(pong, ping, _SHIFTS[2], hist2)
      pltpu.sync_copy(ping, out_hbm.at[row])
      return 0

    lax.fori_loop(0, rows_per_worker, row_body, 0)

  run = pl.kernel(
      body,
      out_type=jax.ShapeDtypeStruct((rows, n), jnp.int32),
      mesh=mesh,
      compiler_params=pltpu.CompilerParams(needs_layout_passes=False),
      scratch_types=[
          pltpu.VMEM((n,), jnp.float32),
          pltpu.VMEM((n,), jnp.int32),
          pltpu.VMEM((n,), jnp.int32),
          pltpu.VMEM((n // 2,), jnp.int32),
          pltpu.VMEM((_NUM_BINS,), jnp.int32),
          pltpu.VMEM((_NUM_BINS,), jnp.int32),
          pltpu.VMEM((_NUM_BINS,), jnp.int32),
      ],
  )
  return run(x)


def kernel(x):
  return _argsort_rows(x)

# --- scband reference (transcript-rebuilt; emitter-appended) ---
"""Pipeline reference for scband-sort-model-44985487458772 (READ-ONLY COPY).

The authoritative reference and input builder live on the scoring server;
editing this copy changes nothing except your own understanding.
"""

import jax, jax.numpy as jnp
import numpy as np

def setup_inputs(seed: int = 0) -> dict:
    key = jax.random.key(seed)
    x = jax.random.normal(key, (128, 32768), dtype=jnp.float32)
    return {"x": x}

def reference(x):
    # Faithful translation of SortModel.forward: x.argsort(dim=-1)
    return jnp.argsort(x, axis=-1)

if __name__ == "__main__":
    import jax
    _d = setup_inputs()
    print(jax.jit(kernel)(*tuple(_d.values())))

</pallas_src>

<mosaic_0001>
#map = affine_map<(d0, d1) -> (0, 0)>
module attributes {stable_mosaic.version = 14 : i64} {
  func.func @body(%arg0: i32, %arg1: i32, %arg2: memref<128x32768xf32, #tpu.memory_space<hbm>>, %arg3: memref<128x32768xi32, #tpu.memory_space<hbm>>, %arg4: memref<32768xf32, #tpu.memory_space<vmem>>, %arg5: memref<32768xi32, #tpu.memory_space<vmem>>, %arg6: memref<32768xi32, #tpu.memory_space<vmem>>, %arg7: memref<16384xi32, #tpu.memory_space<vmem>>, %arg8: memref<2048xi32, #tpu.memory_space<vmem>>, %arg9: memref<2048xi32, #tpu.memory_space<vmem>>, %arg10: memref<2048xi32, #tpu.memory_space<vmem>>) attributes {dimension_semantics = [#tpu.dimension_semantics<core_parallel>, #tpu.dimension_semantics<subcore_parallel>], iteration_bounds = array<i64: 2, 16>, scalar_prefetch = 0 : i64, scratch_operands = 7 : i64, tpu.core_type = #tpu.core_type<sc_vector_subcore>, window_params = [{transform_indices = #map}, {transform_indices = #map}]} {
    %mul3A = arith.constant 2 : i32
    %mul3A_0 = arith.muli %arg1, %mul3A : i32
    %add3A = arith.addi %mul3A_0, %arg0 : i32
    %scan3A = arith.constant 0 : i32
    %scan3A_1 = arith.constant 0 : i32
    %scan3A_2 = arith.constant 4 : i32
    %scan3A_3 = arith.addi %scan3A_1, %scan3A_2 : i32
    %scan3A_4 = arith.constant 1 : i32
    %scan3A_5 = scf.for %scan3A_7 = %scan3A_1 to %scan3A_3 step %scan3A_4 iter_args(%scan3A_8 = %scan3A) -> (i32)  : i32 {
      %mul3A_9 = arith.constant 4 : i32
      %mul3A_10 = arith.muli %add3A, %mul3A_9 : i32
      %add3A_11 = arith.addi %mul3A_10, %scan3A_7 : i32
      "tpu.region"() ({
        %run_scoped3A = tpu.sem_alloc : memref<!tpu.dma_semaphore, #tpu.memory_space<semaphore_mem>>
        %dma_start3A = arith.constant 0 : i32
        %dma_start3A_101 = tpu.memref_slice %arg2[%add3A_11, %dma_start3A] : memref<128x32768xf32, #tpu.memory_space<hbm>> -> memref<1x32768xf32, #tpu.memory_space<hbm>>
        %dma_start3A_102 = tpu.memref_squeeze %dma_start3A_101 : memref<1x32768xf32, #tpu.memory_space<hbm>> -> memref<32768xf32, #tpu.memory_space<hbm>>
        %dma_start3A_103 = arith.constant 0 : i32
        %dma_start3A_104 = tpu.memref_slice %arg2[%add3A_11, %dma_start3A_103] : memref<128x32768xf32, #tpu.memory_space<hbm>> -> memref<1x32768xf32, #tpu.memory_space<hbm>>
        %dma_start3A_105 = tpu.memref_squeeze %dma_start3A_104 : memref<1x32768xf32, #tpu.memory_space<hbm>> -> memref<32768xf32, #tpu.memory_space<hbm>>
        tpu.enqueue_dma source(%dma_start3A_105 : memref<32768xf32, #tpu.memory_space<hbm>>) target(%arg4 : memref<32768xf32, #tpu.memory_space<vmem>>) target_semaphore(%run_scoped3A : memref<!tpu.dma_semaphore, #tpu.memory_space<semaphore_mem>>)
        %dma_wait3A = arith.constant 0 : i32
        %dma_wait3A_106 = tpu.memref_slice %arg2[%add3A_11, %dma_wait3A] : memref<128x32768xf32, #tpu.memory_space<hbm>> -> memref<1x32768xf32, #tpu.memory_space<hbm>>
        %dma_wait3A_107 = tpu.memref_squeeze %dma_wait3A_106 : memref<1x32768xf32, #tpu.memory_space<hbm>> -> memref<32768xf32, #tpu.memory_space<hbm>>
        %dma_wait3A_108 = arith.constant 0 : i32
        %dma_wait3A_109 = tpu.memref_slice %arg2[%add3A_11, %dma_wait3A_108] : memref<128x32768xf32, #tpu.memory_space<hbm>> -> memref<1x32768xf32, #tpu.memory_space<hbm>>
        %dma_wait3A_110 = tpu.memref_squeeze %dma_wait3A_109 : memref<1x32768xf32, #tpu.memory_space<hbm>> -> memref<32768xf32, #tpu.memory_space<hbm>>
        tpu.wait_dma2 semaphore(%run_scoped3A : memref<!tpu.dma_semaphore, #tpu.memory_space<semaphore_mem>>) src(%dma_wait3A_110 : memref<32768xf32, #tpu.memory_space<hbm>>) dst(%arg4 : memref<32768xf32, #tpu.memory_space<vmem>>)
        tpu.yield
      }) : () -> ()
      %parallel_loop3A = arith.constant 0 : i32
      %parallel_loop3A_12 = arith.constant 128 : i32
      %parallel_loop3A_13 = arith.constant 1 : i32
      scf.for %parallel_loop3A_101 = %parallel_loop3A to %parallel_loop3A_12 step %parallel_loop3A_13  : i32 {
        %parallel_loop3A_102 = arith.constant 16 : i32
        %parallel_loop3A_103 = arith.muli %parallel_loop3A_101, %parallel_loop3A_102 : i32
        %parallel_loop3A_104 = arith.constant 0 : i32
        %parallel_loop3A_105 = vector.broadcast %parallel_loop3A_104 : i32 to vector<16xi32>
        %parallel_loop3A_106 = arith.index_cast %parallel_loop3A_103 : i32 to index
        %parallel_loop3A_107 = tpu.vector_load %arg8[%parallel_loop3A_106] {strides = array<i32>} : memref<2048xi32, #tpu.memory_space<vmem>>, vector<16xi32>,
        tpu.vector_store %arg8[%parallel_loop3A_106], %parallel_loop3A_105 {strides = array<i32>} : memref<2048xi32, #tpu.memory_space<vmem>>, vector<16xi32>,
        %parallel_loop3A_108 = arith.constant 0 : i32
        %parallel_loop3A_109 = vector.broadcast %parallel_loop3A_108 : i32 to vector<16xi32>
        %parallel_loop3A_110 = arith.index_cast %parallel_loop3A_103 : i32 to index
        %parallel_loop3A_111 = tpu.vector_load %arg9[%parallel_loop3A_110] {strides = array<i32>} : memref<2048xi32, #tpu.memory_space<vmem>>, vector<16xi32>,
        tpu.vector_store %arg9[%parallel_loop3A_110], %parallel_loop3A_109 {strides = array<i32>} : memref<2048xi32, #tpu.memory_space<vmem>>, vector<16xi32>,
        %parallel_loop3A_112 = arith.constant 0 : i32
        %parallel_loop3A_113 = vector.broadcast %parallel_loop3A_112 : i32 to vector<16xi32>
        %parallel_loop3A_114 = arith.index_cast %parallel_loop3A_103 : i32 to index
        %parallel_loop3A_115 = tpu.vector_load %arg10[%parallel_loop3A_114] {strides = array<i32>} : memref<2048xi32, #tpu.memory_space<vmem>>, vector<16xi32>,
        tpu.vector_store %arg10[%parallel_loop3A_114], %parallel_loop3A_113 {strides = array<i32>} : memref<2048xi32, #tpu.memory_space<vmem>>, vector<16xi32>,
      } {sc.loop_unroll_factor = 4 : i64, sc.parallel_access}
      %parallel_loop3A_14 = arith.constant 0 : i32
      %parallel_loop3A_15 = arith.constant 2048 : i32
      %parallel_loop3A_16 = arith.constant 1 : i32
      scf.for %parallel_loop3A_101 = %parallel_loop3A_14 to %parallel_loop3A_15 step %parallel_loop3A_16  : i32 {
        %parallel_loop3A_102 = arith.constant 16 : i32
        %parallel_loop3A_103 = arith.muli %parallel_loop3A_101, %parallel_loop3A_102 : i32
        %parallel_loop3A_104 = arith.index_cast %parallel_loop3A_103 : i32 to index
        %parallel_loop3A_105 = tpu.vector_load %arg4[%parallel_loop3A_104] {strides = array<i32>} : memref<32768xf32, #tpu.memory_space<vmem>>, vector<16xf32>,
        %parallel_loop3A_106 = vector.bitcast %parallel_loop3A_105 : vector<16xf32> to vector<16xi32>
        %parallel_loop3A_107 = arith.constant 31 : i32
        %parallel_loop3A_108 = vector.broadcast %parallel_loop3A_107 : i32 to vector<16xi32>
        %parallel_loop3A_109 = arith.shrsi %parallel_loop3A_106, %parallel_loop3A_108 : vector<16xi32>
        %parallel_loop3A_110 = arith.constant -2147483648 : i32
        %parallel_loop3A_111 = vector.broadcast %parallel_loop3A_110 : i32 to vector<16xi32>
        %parallel_loop3A_112 = arith.ori %parallel_loop3A_109, %parallel_loop3A_111 : vector<16xi32>
        %parallel_loop3A_113 = arith.xori %parallel_loop3A_106, %parallel_loop3A_112 : vector<16xi32>
        %parallel_loop3A_114 = vector.bitcast %parallel_loop3A_113 : vector<16xi32> to vector<16xf32>
        %parallel_loop3A_115 = arith.index_cast %parallel_loop3A_103 : i32 to index
        %parallel_loop3A_116 = tpu.vector_load %arg4[%parallel_loop3A_115] {strides = array<i32>} : memref<32768xf32, #tpu.memory_space<vmem>>, vector<16xf32>,
        tpu.vector_store %arg4[%parallel_loop3A_115], %parallel_loop3A_114 {strides = array<i32>} : memref<32768xf32, #tpu.memory_space<vmem>>, vector<16xf32>,
        %parallel_loop3A_117 = arith.constant 2047 : i32
        %parallel_loop3A_118 = vector.broadcast %parallel_loop3A_117 : i32 to vector<16xi32>
        %parallel_loop3A_119 = arith.andi %parallel_loop3A_113, %parallel_loop3A_118 : vector<16xi32>
        %parallel_loop3A_120 = arith.constant true
        %parallel_loop3A_121 = vector.broadcast %parallel_loop3A_120 : i1 to vector<16xi1>
        %parallel_loop3A_122, %parallel_loop3A_123 = tpu.scan_count mask(%parallel_loop3A_121 : vector<16xi1>) value(%parallel_loop3A_119 : vector<16xi32>) : vector<16xi1>, vector<16xi32>
        tpu.vector_store_idx %arg8[%parallel_loop3A_119], %parallel_loop3A_123 masked %parallel_loop3A_122 {add = true} : memref<2048xi32, #tpu.memory_space<vmem>>[vector<16xi32>], vector<16xi32>, vector<16xi1>
        %parallel_loop3A_124 = arith.constant 11 : i32
        %parallel_loop3A_125 = vector.broadcast %parallel_loop3A_124 : i32 to vector<16xi32>
        %parallel_loop3A_126 = arith.shrui %parallel_loop3A_113, %parallel_loop3A_125 : vector<16xi32>
        %parallel_loop3A_127 = arith.constant 2047 : i32
        %parallel_loop3A_128 = vector.broadcast %parallel_loop3A_127 : i32 to vector<16xi32>
        %parallel_loop3A_129 = arith.andi %parallel_loop3A_126, %parallel_loop3A_128 : vector<16xi32>
        %parallel_loop3A_130 = arith.constant true
        %parallel_loop3A_131 = vector.broadcast %parallel_loop3A_130 : i1 to vector<16xi1>
        %parallel_loop3A_132, %parallel_loop3A_133 = tpu.scan_count mask(%parallel_loop3A_131 : vector<16xi1>) value(%parallel_loop3A_129 : vector<16xi32>) : vector<16xi1>, vector<16xi32>
        tpu.vector_store_idx %arg9[%parallel_loop3A_129], %parallel_loop3A_133 masked %parallel_loop3A_132 {add = true} : memref<2048xi32, #tpu.memory_space<vmem>>[vector<16xi32>], vector<16xi32>, vector<16xi1>
        %parallel_loop3A_134 = arith.constant 22 : i32
        %parallel_loop3A_135 = vector.broadcast %parallel_loop3A_134 : i32 to vector<16xi32>
        %parallel_loop3A_136 = arith.shrui %parallel_loop3A_113, %parallel_loop3A_135 : vector<16xi32>
        %parallel_loop3A_137 = arith.constant 2047 : i32
        %parallel_loop3A_138 = vector.broadcast %parallel_loop3A_137 : i32 to vector<16xi32>
        %parallel_loop3A_139 = arith.andi %parallel_loop3A_136, %parallel_loop3A_138 : vector<16xi32>
        %parallel_loop3A_140 = arith.constant true
        %parallel_loop3A_141 = vector.broadcast %parallel_loop3A_140 : i1 to vector<16xi1>
        %parallel_loop3A_142, %parallel_loop3A_143 = tpu.scan_count mask(%parallel_loop3A_141 : vector<16xi1>) value(%parallel_loop3A_139 : vector<16xi32>) : vector<16xi1>, vector<16xi32>
        tpu.vector_store_idx %arg10[%parallel_loop3A_139], %parallel_loop3A_143 masked %parallel_loop3A_142 {add = true} : memref<2048xi32, #tpu.memory_space<vmem>>[vector<16xi32>], vector<16xi32>, vector<16xi1>
      } {sc.loop_unroll_factor = 4 : i64, sc.parallel_access}
      %scan3A_17 = arith.constant -1 : i32
      %scan3A_18 = arith.constant 0 : i32
      %scan3A_19 = arith.constant 128 : i32
      %scan3A_20 = arith.addi %scan3A_18, %scan3A_19 : i32
      %scan3A_21 = arith.constant 1 : i32
      %scan3A_22 = scf.for %scan3A_101 = %scan3A_18 to %scan3A_20 step %scan3A_21 iter_args(%scan3A_102 = %scan3A_17) -> (i32)  : i32 {
        %mul3A_103 = arith.constant 16 : i32
        %mul3A_104 = arith.muli %scan3A_101, %mul3A_103 : i32
        %get3A = arith.index_cast %mul3A_104 : i32 to index
        %get3A_105 = tpu.vector_load %arg8[%get3A] {strides = array<i32>} : memref<2048xi32, #tpu.memory_space<vmem>>, vector<16xi32>,
        %broadcast_in_dim3A = arith.constant true
        %broadcast_in_dim3A_106 = vector.broadcast %broadcast_in_dim3A : i1 to vector<16xi1>
        %masked_cumsum3A = tpu.scan <sum>, %get3A_105 masked %broadcast_in_dim3A_106 : vector<16xi32>, vector<16xi1> -> vector<16xi32>
        %sub3A = arith.subi %masked_cumsum3A, %get3A_105 : vector<16xi32>
        %add3A_107 = vector.broadcast %scan3A_102 : i32 to vector<16xi32>
        %add3A_108 = arith.addi %sub3A, %add3A_107 : vector<16xi32>
        %mul3A_109 = arith.constant 16 : i32
        %mul3A_110 = arith.muli %scan3A_101, %mul3A_109 : i32
        %swap3A = arith.index_cast %mul3A_110 : i32 to index
        %swap3A_111 = tpu.vector_load %arg8[%swap3A] {strides = array<i32>} : memref<2048xi32, #tpu.memory_space<vmem>>, vector<16xi32>,
        tpu.vector_store %arg8[%swap3A], %add3A_108 {strides = array<i32>} : memref<2048xi32, #tpu.memory_space<vmem>>, vector<16xi32>,
        %reduce_sum3A = arith.constant true
        %reduce_sum3A_112 = vector.broadcast %reduce_sum3A : i1 to vector<16xi1>
        %reduce_sum3A_113 = tpu.scan <sum>, %get3A_105 masked %reduce_sum3A_112 : vector<16xi32>, vector<16xi1> -> vector<16xi32>
        %reduce_sum3A_114 = vector.extract %reduce_sum3A_113[15] : i32 from vector<16xi32>
        %add3A_115 = arith.addi %scan3A_102, %reduce_sum3A_114 : i32
        scf.yield %add3A_115 : i32
      }
      %scan3A_23 = arith.constant 128 : i32
      %iota3A = tpu.iota {dimensions = array<i32: 0>} : vector<16xi32>
      %parallel_loop3A_24 = arith.constant 0 : i32
      %parallel_loop3A_25 = arith.constant 1024 : i32
      %parallel_loop3A_26 = arith.constant 1 : i32
      scf.for %parallel_loop3A_101 = %parallel_loop3A_24 to %parallel_loop3A_25 step %parallel_loop3A_26  : i32 {
        %parallel_loop3A_102 = arith.constant 0 : i32
        %parallel_loop3A_103 = arith.addi %parallel_loop3A_101, %parallel_loop3A_102 : i32
        %parallel_loop3A_104 = arith.constant 16 : i32
        %parallel_loop3A_105 = arith.muli %parallel_loop3A_103, %parallel_loop3A_104 : i32
        %parallel_loop3A_106 = arith.index_cast %parallel_loop3A_105 : i32 to index
        %parallel_loop3A_107 = tpu.vector_load %arg4[%parallel_loop3A_106] {strides = array<i32>} : memref<32768xf32, #tpu.memory_space<vmem>>, vector<16xf32>,
        %parallel_loop3A_108 = vector.bitcast %parallel_loop3A_107 : vector<16xf32> to vector<16xi32>
        %parallel_loop3A_109 = arith.constant 2047 : i32
        %parallel_loop3A_110 = vector.broadcast %parallel_loop3A_109 : i32 to vector<16xi32>
        %parallel_loop3A_111 = arith.andi %parallel_loop3A_108, %parallel_loop3A_110 : vector<16xi32>
        %parallel_loop3A_112 = arith.constant true
        %parallel_loop3A_113 = vector.broadcast %parallel_loop3A_112 : i1 to vector<16xi1>
        %parallel_loop3A_114, %parallel_loop3A_115 = tpu.scan_count mask(%parallel_loop3A_113 : vector<16xi1>) value(%parallel_loop3A_111 : vector<16xi32>) : vector<16xi1>, vector<16xi32>
        %parallel_loop3A_116 = arith.extui %parallel_loop3A_114 : vector<16xi1> to vector<16xi32>
        %parallel_loop3A_117 = arith.constant 11 : i32
        %parallel_loop3A_118 = vector.broadcast %parallel_loop3A_117 : i32 to vector<16xi32>
        %parallel_loop3A_119 = arith.shli %parallel_loop3A_115, %parallel_loop3A_118 : vector<16xi32>
        %parallel_loop3A_120 = arith.constant 16 : i32
        %parallel_loop3A_121 = vector.broadcast %parallel_loop3A_120 : i32 to vector<16xi32>
        %parallel_loop3A_122 = arith.shli %parallel_loop3A_116, %parallel_loop3A_121 : vector<16xi32>
        %parallel_loop3A_123 = arith.ori %parallel_loop3A_119, %parallel_loop3A_122 : vector<16xi32>
        %parallel_loop3A_124 = arith.ori %parallel_loop3A_111, %parallel_loop3A_123 : vector<16xi32>
        %parallel_loop3A_125 = arith.constant 16 : i32
        %parallel_loop3A_126 = arith.muli %parallel_loop3A_101, %parallel_loop3A_125 : i32
        %parallel_loop3A_127 = arith.index_cast %parallel_loop3A_126 : i32 to index
        %parallel_loop3A_128 = tpu.vector_load %arg7[%parallel_loop3A_127] {strides = array<i32>} : memref<16384xi32, #tpu.memory_space<vmem>>, vector<16xi32>,
        tpu.vector_store %arg7[%parallel_loop3A_127], %parallel_loop3A_124 {strides = array<i32>} : memref<16384xi32, #tpu.memory_space<vmem>>, vector<16xi32>,
      } {sc.loop_unroll_factor = 8 : i64, sc.parallel_access}
      %scan3A_27 = arith.constant 0 : i32
      %scan3A_28 = arith.constant 0 : i32
      %scan3A_29 = arith.constant 64 : i32
      %scan3A_30 = arith.addi %scan3A_28, %scan3A_29 : i32
      %scan3A_31 = arith.constant 1 : i32
      %scan3A_32 = scf.for %scan3A_101 = %scan3A_28 to %scan3A_30 step %scan3A_31 iter_args(%scan3A_102 = %scan3A_27) -> (i32)  : i32 {
        %mul3A_103 = arith.constant 16 : i32
        %mul3A_104 = arith.muli %scan3A_101, %mul3A_103 : i32
        %add3A_105 = arith.constant 0 : i32
        %add3A_106 = arith.addi %mul3A_104, %add3A_105 : i32
        %add3A_107 = arith.constant 0 : i32
        %add3A_108 = arith.addi %add3A_106, %add3A_107 : i32
        %mul3A_109 = arith.constant 16 : i32
        %mul3A_110 = arith.muli %add3A_106, %mul3A_109 : i32
        %get3A = arith.index_cast %mul3A_110 : i32 to index
        %get3A_111 = tpu.vector_load %arg7[%get3A] {strides = array<i32>} : memref<16384xi32, #tpu.memory_space<vmem>>, vector<16xi32>,
        %mul3A_112 = arith.constant 16 : i32
        %mul3A_113 = arith.muli %add3A_108, %mul3A_112 : i32
        %add3A_114 = vector.broadcast %mul3A_113 : i32 to vector<16xi32>
        %add3A_115 = arith.addi %iota3A, %add3A_114 : vector<16xi32>
        %broadcast_in_dim3A = arith.constant 2047 : i32
        %broadcast_in_dim3A_116 = vector.broadcast %broadcast_in_dim3A : i32 to vector<16xi32>
        %and3A = arith.andi %get3A_111, %broadcast_in_dim3A_116 : vector<16xi32>
        %broadcast_in_dim3A_117 = arith.constant 11 : i32
        %broadcast_in_dim3A_118 = vector.broadcast %broadcast_in_dim3A_117 : i32 to vector<16xi32>
        %shift_right_logical3A = arith.shrui %get3A_111, %broadcast_in_dim3A_118 : vector<16xi32>
        %broadcast_in_dim3A_119 = arith.constant 31 : i32
        %broadcast_in_dim3A_120 = vector.broadcast %broadcast_in_dim3A_119 : i32 to vector<16xi32>
        %and3A_121 = arith.andi %shift_right_logical3A, %broadcast_in_dim3A_120 : vector<16xi32>
        %broadcast_in_dim3A_122 = arith.constant 16 : i32
        %broadcast_in_dim3A_123 = vector.broadcast %broadcast_in_dim3A_122 : i32 to vector<16xi32>
        %shift_right_logical3A_124 = arith.shrui %get3A_111, %broadcast_in_dim3A_123 : vector<16xi32>
        %broadcast_in_dim3A_125 = arith.constant 0 : i32
        %broadcast_in_dim3A_126 = vector.broadcast %broadcast_in_dim3A_125 : i32 to vector<16xi32>
        %ne3A = arith.cmpi ne, %shift_right_logical3A_124, %broadcast_in_dim3A_126 : vector<16xi32>
        %mul3A_127 = arith.constant 16 : i32
        %mul3A_128 = arith.muli %scan3A_101, %mul3A_127 : i32
        %add3A_129 = arith.constant 1 : i32
        %add3A_130 = arith.addi %mul3A_128, %add3A_129 : i32
        %add3A_131 = arith.constant 0 : i32
        %add3A_132 = arith.addi %add3A_130, %add3A_131 : i32
        %mul3A_133 = arith.constant 16 : i32
        %mul3A_134 = arith.muli %add3A_130, %mul3A_133 : i32
        %get3A_135 = arith.index_cast %mul3A_134 : i32 to index
        %get3A_136 = tpu.vector_load %arg7[%get3A_135] {strides = array<i32>} : memref<16384xi32, #tpu.memory_space<vmem>>, vector<16xi32>,
        %mul3A_137 = arith.constant 16 : i32
        %mul3A_138 = arith.muli %add3A_132, %mul3A_137 : i32
        %add3A_139 = vector.broadcast %mul3A_138 : i32 to vector<16xi32>
        %add3A_140 = arith.addi %iota3A, %add3A_139 : vector<16xi32>
        %broadcast_in_dim3A_141 = arith.constant 2047 : i32
        %broadcast_in_dim3A_142 = vector.broadcast %broadcast_in_dim3A_141 : i32 to vector<16xi32>
        %and3A_143 = arith.andi %get3A_136, %broadcast_in_dim3A_142 : vector<16xi32>
        %broadcast_in_dim3A_144 = arith.constant 11 : i32
        %broadcast_in_dim3A_145 = vector.broadcast %broadcast_in_dim3A_144 : i32 to vector<16xi32>
        %shift_right_logical3A_146 = arith.shrui %get3A_136, %broadcast_in_dim3A_145 : vector<16xi32>
        %broadcast_in_dim3A_147 = arith.constant 31 : i32
        %broadcast_in_dim3A_148 = vector.broadcast %broadcast_in_dim3A_147 : i32 to vector<16xi32>
        %and3A_149 = arith.andi %shift_right_logical3A_146, %broadcast_in_dim3A_148 : vector<16xi32>
        %broadcast_in_dim3A_150 = arith.constant 16 : i32
        %broadcast_in_dim3A_151 = vector.broadcast %broadcast_in_dim3A_150 : i32 to vector<16xi32>
        %shift_right_logical3A_152 = arith.shrui %get3A_136, %broadcast_in_dim3A_151 : vector<16xi32>
        %broadcast_in_dim3A_153 = arith.constant 0 : i32
        %broadcast_in_dim3A_154 = vector.broadcast %broadcast_in_dim3A_153 : i32 to vector<16xi32>
        %ne3A_155 = arith.cmpi ne, %shift_right_logical3A_152, %broadcast_in_dim3A_154 : vector<16xi32>
        %mul3A_156 = arith.constant 16 : i32
        %mul3A_157 = arith.muli %scan3A_101, %mul3A_156 : i32
        %add3A_158 = arith.constant 2 : i32
        %add3A_159 = arith.addi %mul3A_157, %add3A_158 : i32
        %add3A_160 = arith.constant 0 : i32
        %add3A_161 = arith.addi %add3A_159, %add3A_160 : i32
        %mul3A_162 = arith.constant 16 : i32
        %mul3A_163 = arith.muli %add3A_159, %mul3A_162 : i32
        %get3A_164 = arith.index_cast %mul3A_163 : i32 to index
        %get3A_165 = tpu.vector_load %arg7[%get3A_164] {strides = array<i32>} : memref<16384xi32, #tpu.memory_space<vmem>>, vector<16xi32>,
        %mul3A_166 = arith.constant 16 : i32
        %mul3A_167 = arith.muli %add3A_161, %mul3A_166 : i32
        %add3A_168 = vector.broadcast %mul3A_167 : i32 to vector<16xi32>
        %add3A_169 = arith.addi %iota3A, %add3A_168 : vector<16xi32>
        %broadcast_in_dim3A_170 = arith.constant 2047 : i32
        %broadcast_in_dim3A_171 = vector.broadcast %broadcast_in_dim3A_170 : i32 to vector<16xi32>
        %and3A_172 = arith.andi %get3A_165, %broadcast_in_dim3A_171 : vector<16xi32>
        %broadcast_in_dim3A_173 = arith.constant 11 : i32
        %broadcast_in_dim3A_174 = vector.broadcast %broadcast_in_dim3A_173 : i32 to vector<16xi32>
        %shift_right_logical3A_175 = arith.shrui %get3A_165, %broadcast_in_dim3A_174 : vector<16xi32>
        %broadcast_in_dim3A_176 = arith.constant 31 : i32
        %broadcast_in_dim3A_177 = vector.broadcast %broadcast_in_dim3A_176 : i32 to vector<16xi32>
        %and3A_178 = arith.andi %shift_right_logical3A_175, %broadcast_in_dim3A_177 : vector<16xi32>
        %broadcast_in_dim3A_179 = arith.constant 16 : i32
        %broadcast_in_dim3A_180 = vector.broadcast %broadcast_in_dim3A_179 : i32 to vector<16xi32>
        %shift_right_logical3A_181 = arith.shrui %get3A_165, %broadcast_in_dim3A_180 : vector<16xi32>
        %broadcast_in_dim3A_182 = arith.constant 0 : i32
        %broadcast_in_dim3A_183 = vector.broadcast %broadcast_in_dim3A_182 : i32 to vector<16xi32>
        %ne3A_184 = arith.cmpi ne, %shift_right_logical3A_181, %broadcast_in_dim3A_183 : vector<16xi32>
        %mul3A_185 = arith.constant 16 : i32
        %mul3A_186 = arith.muli %scan3A_101, %mul3A_185 : i32
        %add3A_187 = arith.constant 3 : i32
        %add3A_188 = arith.addi %mul3A_186, %add3A_187 : i32
        %add3A_189 = arith.constant 0 : i32
        %add3A_190 = arith.addi %add3A_188, %add3A_189 : i32
        %mul3A_191 = arith.constant 16 : i32
        %mul3A_192 = arith.muli %add3A_188, %mul3A_191 : i32
        %get3A_193 = arith.index_cast %mul3A_192 : i32 to index
        %get3A_194 = tpu.vector_load %arg7[%get3A_193] {strides = array<i32>} : memref<16384xi32, #tpu.memory_space<vmem>>, vector<16xi32>,
        %mul3A_195 = arith.constant 16 : i32
        %mul3A_196 = arith.muli %add3A_190, %mul3A_195 : i32
        %add3A_197 = vector.broadcast %mul3A_196 : i32 to vector<16xi32>
        %add3A_198 = arith.addi %iota3A, %add3A_197 : vector<16xi32>
        %broadcast_in_dim3A_199 = arith.constant 2047 : i32
        %broadcast_in_dim3A_200 = vector.broadcast %broadcast_in_dim3A_199 : i32 to vector<16xi32>
        %and3A_201 = arith.andi %get3A_194, %broadcast_in_dim3A_200 : vector<16xi32>
        %broadcast_in_dim3A_202 = arith.constant 11 : i32
        %broadcast_in_dim3A_203 = vector.broadcast %broadcast_in_dim3A_202 : i32 to vector<16xi32>
        %shift_right_logical3A_204 = arith.shrui %get3A_194, %broadcast_in_dim3A_203 : vector<16xi32>
        %broadcast_in_dim3A_205 = arith.constant 31 : i32
        %broadcast_in_dim3A_206 = vector.broadcast %broadcast_in_dim3A_205 : i32 to vector<16xi32>
        %and3A_207 = arith.andi %shift_right_logical3A_204, %broadcast_in_dim3A_206 : vector<16xi32>
        %broadcast_in_dim3A_208 = arith.constant 16 : i32
        %broadcast_in_dim3A_209 = vector.broadcast %broadcast_in_dim3A_208 : i32 to vector<16xi32>
        %shift_right_logical3A_210 = arith.shrui %get3A_194, %broadcast_in_dim3A_209 : vector<16xi32>
        %broadcast_in_dim3A_211 = arith.constant 0 : i32
        %broadcast_in_dim3A_212 = vector.broadcast %broadcast_in_dim3A_211 : i32 to vector<16xi32>
        %ne3A_213 = arith.cmpi ne, %shift_right_logical3A_210, %broadcast_in_dim3A_212 : vector<16xi32>
        %mul3A_214 = arith.constant 16 : i32
        %mul3A_215 = arith.muli %scan3A_101, %mul3A_214 : i32
        %add3A_216 = arith.constant 4 : i32
        %add3A_217 = arith.addi %mul3A_215, %add3A_216 : i32
        %add3A_218 = arith.constant 0 : i32
        %add3A_219 = arith.addi %add3A_217, %add3A_218 : i32
        %mul3A_220 = arith.constant 16 : i32
        %mul3A_221 = arith.muli %add3A_217, %mul3A_220 : i32
        %get3A_222 = arith.index_cast %mul3A_221 : i32 to index
        %get3A_223 = tpu.vector_load %arg7[%get3A_222] {strides = array<i32>} : memref<16384xi32, #tpu.memory_space<vmem>>, vector<16xi32>,
        %mul3A_224 = arith.constant 16 : i32
        %mul3A_225 = arith.muli %add3A_219, %mul3A_224 : i32
        %add3A_226 = vector.broadcast %mul3A_225 : i32 to vector<16xi32>
        %add3A_227 = arith.addi %iota3A, %add3A_226 : vector<16xi32>
        %broadcast_in_dim3A_228 = arith.constant 2047 : i32
        %broadcast_in_dim3A_229 = vector.broadcast %broadcast_in_dim3A_228 : i32 to vector<16xi32>
        %and3A_230 = arith.andi %get3A_223, %broadcast_in_dim3A_229 : vector<16xi32>
        %broadcast_in_dim3A_231 = arith.constant 11 : i32
        %broadcast_in_dim3A_232 = vector.broadcast %broadcast_in_dim3A_231 : i32 to vector<16xi32>
        %shift_right_logical3A_233 = arith.shrui %get3A_223, %broadcast_in_dim3A_232 : vector<16xi32>
        %broadcast_in_dim3A_234 = arith.constant 31 : i32
        %broadcast_in_dim3A_235 = vector.broadcast %broadcast_in_dim3A_234 : i32 to vector<16xi32>
        %and3A_236 = arith.andi %shift_right_logical3A_233, %broadcast_in_dim3A_235 : vector<16xi32>
        %broadcast_in_dim3A_237 = arith.constant 16 : i32
        %broadcast_in_dim3A_238 = vector.broadcast %broadcast_in_dim3A_237 : i32 to vector<16xi32>
        %shift_right_logical3A_239 = arith.shrui %get3A_223, %broadcast_in_dim3A_238 : vector<16xi32>
        %broadcast_in_dim3A_240 = arith.constant 0 : i32
        %broadcast_in_dim3A_241 = vector.broadcast %broadcast_in_dim3A_240 : i32 to vector<16xi32>
        %ne3A_242 = arith.cmpi ne, %shift_right_logical3A_239, %broadcast_in_dim3A_241 : vector<16xi32>
        %mul3A_243 = arith.constant 16 : i32
        %mul3A_244 = arith.muli %scan3A_101, %mul3A_243 : i32
        %add3A_245 = arith.constant 5 : i32
        %add3A_246 = arith.addi %mul3A_244, %add3A_245 : i32
        %add3A_247 = arith.constant 0 : i32
        %add3A_248 = arith.addi %add3A_246, %add3A_247 : i32
        %mul3A_249 = arith.constant 16 : i32
        %mul3A_250 = arith.muli %add3A_246, %mul3A_249 : i32
        %get3A_251 = arith.index_cast %mul3A_250 : i32 to index
        %get3A_252 = tpu.vector_load %arg7[%get3A_251] {strides = array<i32>} : memref<16384xi32, #tpu.memory_space<vmem>>, vector<16xi32>,
        %mul3A_253 = arith.constant 16 : i32
        %mul3A_254 = arith.muli %add3A_248, %mul3A_253 : i32
        %add3A_255 = vector.broadcast %mul3A_254 : i32 to vector<16xi32>
        %add3A_256 = arith.addi %iota3A, %add3A_255 : vector<16xi32>
        %broadcast_in_dim3A_257 = arith.constant 2047 : i32
        %broadcast_in_dim3A_258 = vector.broadcast %broadcast_in_dim3A_257 : i32 to vector<16xi32>
        %and3A_259 = arith.andi %get3A_252, %broadcast_in_dim3A_258 : vector<16xi32>
        %broadcast_in_dim3A_260 = arith.constant 11 : i32
        %broadcast_in_dim3A_261 = vector.broadcast %broadcast_in_dim3A_260 : i32 to vector<16xi32>
        %shift_right_logical3A_262 = arith.shrui %get3A_252, %broadcast_in_dim3A_261 : vector<16xi32>
        %broadcast_in_dim3A_263 = arith.constant 31 : i32
        %broadcast_in_dim3A_264 = vector.broadcast %broadcast_in_dim3A_263 : i32 to vector<16xi32>
        %and3A_265 = arith.andi %shift_right_logical3A_262, %broadcast_in_dim3A_264 : vector<16xi32>
        %broadcast_in_dim3A_266 = arith.constant 16 : i32
        %broadcast_in_dim3A_267 = vector.broadcast %broadcast_in_dim3A_266 : i32 to vector<16xi32>
        %shift_right_logical3A_268 = arith.shrui %get3A_252, %broadcast_in_dim3A_267 : vector<16xi32>
        %broadcast_in_dim3A_269 = arith.constant 0 : i32
        %broadcast_in_dim3A_270 = vector.broadcast %broadcast_in_dim3A_269 : i32 to vector<16xi32>
        %ne3A_271 = arith.cmpi ne, %shift_right_logical3A_268, %broadcast_in_dim3A_270 : vector<16xi32>
        %mul3A_272 = arith.constant 16 : i32
        %mul3A_273 = arith.muli %scan3A_101, %mul3A_272 : i32
        %add3A_274 = arith.constant 6 : i32
        %add3A_275 = arith.addi %mul3A_273, %add3A_274 : i32
        %add3A_276 = arith.constant 0 : i32
        %add3A_277 = arith.addi %add3A_275, %add3A_276 : i32
        %mul3A_278 = arith.constant 16 : i32
        %mul3A_279 = arith.muli %add3A_275, %mul3A_278 : i32
        %get3A_280 = arith.index_cast %mul3A_279 : i32 to index
        %get3A_281 = tpu.vector_load %arg7[%get3A_280] {strides = array<i32>} : memref<16384xi32, #tpu.memory_space<vmem>>, vector<16xi32>,
        %mul3A_282 = arith.constant 16 : i32
        %mul3A_283 = arith.muli %add3A_277, %mul3A_282 : i32
        %add3A_284 = vector.broadcast %mul3A_283 : i32 to vector<16xi32>
        %add3A_285 = arith.addi %iota3A, %add3A_284 : vector<16xi32>
        %broadcast_in_dim3A_286 = arith.constant 2047 : i32
        %broadcast_in_dim3A_287 = vector.broadcast %broadcast_in_dim3A_286 : i32 to vector<16xi32>
        %and3A_288 = arith.andi %get3A_281, %broadcast_in_dim3A_287 : vector<16xi32>
        %broadcast_in_dim3A_289 = arith.constant 11 : i32
        %broadcast_in_dim3A_290 = vector.broadcast %broadcast_in_dim3A_289 : i32 to vector<16xi32>
        %shift_right_logical3A_291 = arith.shrui %get3A_281, %broadcast_in_dim3A_290 : vector<16xi32>
        %broadcast_in_dim3A_292 = arith.constant 31 : i32
        %broadcast_in_dim3A_293 = vector.broadcast %broadcast_in_dim3A_292 : i32 to vector<16xi32>
        %and3A_294 = arith.andi %shift_right_logical3A_291, %broadcast_in_dim3A_293 : vector<16xi32>
        %broadcast_in_dim3A_295 = arith.constant 16 : i32
        %broadcast_in_dim3A_296 = vector.broadcast %broadcast_in_dim3A_295 : i32 to vector<16xi32>
        %shift_right_logical3A_297 = arith.shrui %get3A_281, %broadcast_in_dim3A_296 : vector<16xi32>
        %broadcast_in_dim3A_298 = arith.constant 0 : i32
        %broadcast_in_dim3A_299 = vector.broadcast %broadcast_in_dim3A_298 : i32 to vector<16xi32>
        %ne3A_300 = arith.cmpi ne, %shift_right_logical3A_297, %broadcast_in_dim3A_299 : vector<16xi32>
        %mul3A_301 = arith.constant 16 : i32
        %mul3A_302 = arith.muli %scan3A_101, %mul3A_301 : i32
        %add3A_303 = arith.constant 7 : i32
        %add3A_304 = arith.addi %mul3A_302, %add3A_303 : i32
        %add3A_305 = arith.constant 0 : i32
        %add3A_306 = arith.addi %add3A_304, %add3A_305 : i32
        %mul3A_307 = arith.constant 16 : i32
        %mul3A_308 = arith.muli %add3A_304, %mul3A_307 : i32
        %get3A_309 = arith.index_cast %mul3A_308 : i32 to index
        %get3A_310 = tpu.vector_load %arg7[%get3A_309] {strides = array<i32>} : memref<16384xi32, #tpu.memory_space<vmem>>, vector<16xi32>,
        %mul3A_311 = arith.constant 16 : i32
        %mul3A_312 = arith.muli %add3A_306, %mul3A_311 : i32
        %add3A_313 = vector.broadcast %mul3A_312 : i32 to vector<16xi32>
        %add3A_314 = arith.addi %iota3A, %add3A_313 : vector<16xi32>
        %broadcast_in_dim3A_315 = arith.constant 2047 : i32
        %broadcast_in_dim3A_316 = vector.broadcast %broadcast_in_dim3A_315 : i32 to vector<16xi32>
        %and3A_317 = arith.andi %get3A_310, %broadcast_in_dim3A_316 : vector<16xi32>
        %broadcast_in_dim3A_318 = arith.constant 11 : i32
        %broadcast_in_dim3A_319 = vector.broadcast %broadcast_in_dim3A_318 : i32 to vector<16xi32>
        %shift_right_logical3A_320 = arith.shrui %get3A_310, %broadcast_in_dim3A_319 : vector<16xi32>
        %broadcast_in_dim3A_321 = arith.constant 31 : i32
        %broadcast_in_dim3A_322 = vector.broadcast %broadcast_in_dim3A_321 : i32 to vector<16xi32>
        %and3A_323 = arith.andi %shift_right_logical3A_320, %broadcast_in_dim3A_322 : vector<16xi32>
        %broadcast_in_dim3A_324 = arith.constant 16 : i32
        %broadcast_in_dim3A_325 = vector.broadcast %broadcast_in_dim3A_324 : i32 to vector<16xi32>
        %shift_right_logical3A_326 = arith.shrui %get3A_310, %broadcast_in_dim3A_325 : vector<16xi32>
        %broadcast_in_dim3A_327 = arith.constant 0 : i32
        %broadcast_in_dim3A_328 = vector.broadcast %broadcast_in_dim3A_327 : i32 to vector<16xi32>
        %ne3A_329 = arith.cmpi ne, %shift_right_logical3A_326, %broadcast_in_dim3A_328 : vector<16xi32>
        %mul3A_330 = arith.constant 16 : i32
        %mul3A_331 = arith.muli %scan3A_101, %mul3A_330 : i32
        %add3A_332 = arith.constant 8 : i32
        %add3A_333 = arith.addi %mul3A_331, %add3A_332 : i32
        %add3A_334 = arith.constant 0 : i32
        %add3A_335 = arith.addi %add3A_333, %add3A_334 : i32
        %mul3A_336 = arith.constant 16 : i32
        %mul3A_337 = arith.muli %add3A_333, %mul3A_336 : i32
        %get3A_338 = arith.index_cast %mul3A_337 : i32 to index
        %get3A_339 = tpu.vector_load %arg7[%get3A_338] {strides = array<i32>} : memref<16384xi32, #tpu.memory_space<vmem>>, vector<16xi32>,
        %mul3A_340 = arith.constant 16 : i32
        %mul3A_341 = arith.muli %add3A_335, %mul3A_340 : i32
        %add3A_342 = vector.broadcast %mul3A_341 : i32 to vector<16xi32>
        %add3A_343 = arith.addi %iota3A, %add3A_342 : vector<16xi32>
        %broadcast_in_dim3A_344 = arith.constant 2047 : i32
        %broadcast_in_dim3A_345 = vector.broadcast %broadcast_in_dim3A_344 : i32 to vector<16xi32>
        %and3A_346 = arith.andi %get3A_339, %broadcast_in_dim3A_345 : vector<16xi32>
        %broadcast_in_dim3A_347 = arith.constant 11 : i32
        %broadcast_in_dim3A_348 = vector.broadcast %broadcast_in_dim3A_347 : i32 to vector<16xi32>
        %shift_right_logical3A_349 = arith.shrui %get3A_339, %broadcast_in_dim3A_348 : vector<16xi32>
        %broadcast_in_dim3A_350 = arith.constant 31 : i32
        %broadcast_in_dim3A_351 = vector.broadcast %broadcast_in_dim3A_350 : i32 to vector<16xi32>
        %and3A_352 = arith.andi %shift_right_logical3A_349, %broadcast_in_dim3A_351 : vector<16xi32>
        %broadcast_in_dim3A_353 = arith.constant 16 : i32
        %broadcast_in_dim3A_354 = vector.broadcast %broadcast_in_dim3A_353 : i32 to vector<16xi32>
        %shift_right_logical3A_355 = arith.shrui %get3A_339, %broadcast_in_dim3A_354 : vector<16xi32>
        %broadcast_in_dim3A_356 = arith.constant 0 : i32
        %broadcast_in_dim3A_357 = vector.broadcast %broadcast_in_dim3A_356 : i32 to vector<16xi32>
        %ne3A_358 = arith.cmpi ne, %shift_right_logical3A_355, %broadcast_in_dim3A_357 : vector<16xi32>
        %mul3A_359 = arith.constant 16 : i32
        %mul3A_360 = arith.muli %scan3A_101, %mul3A_359 : i32
        %add3A_361 = arith.constant 9 : i32
        %add3A_362 = arith.addi %mul3A_360, %add3A_361 : i32
        %add3A_363 = arith.constant 0 : i32
        %add3A_364 = arith.addi %add3A_362, %add3A_363 : i32
        %mul3A_365 = arith.constant 16 : i32
        %mul3A_366 = arith.muli %add3A_362, %mul3A_365 : i32
        %get3A_367 = arith.index_cast %mul3A_366 : i32 to index
        %get3A_368 = tpu.vector_load %arg7[%get3A_367] {strides = array<i32>} : memref<16384xi32, #tpu.memory_space<vmem>>, vector<16xi32>,
        %mul3A_369 = arith.constant 16 : i32
        %mul3A_370 = arith.muli %add3A_364, %mul3A_369 : i32
        %add3A_371 = vector.broadcast %mul3A_370 : i32 to vector<16xi32>
        %add3A_372 = arith.addi %iota3A, %add3A_371 : vector<16xi32>
        %broadcast_in_dim3A_373 = arith.constant 2047 : i32
        %broadcast_in_dim3A_374 = vector.broadcast %broadcast_in_dim3A_373 : i32 to vector<16xi32>
        %and3A_375 = arith.andi %get3A_368, %broadcast_in_dim3A_374 : vector<16xi32>
        %broadcast_in_dim3A_376 = arith.constant 11 : i32
        %broadcast_in_dim3A_377 = vector.broadcast %broadcast_in_dim3A_376 : i32 to vector<16xi32>
        %shift_right_logical3A_378 = arith.shrui %get3A_368, %broadcast_in_dim3A_377 : vector<16xi32>
        %broadcast_in_dim3A_379 = arith.constant 31 : i32
        %broadcast_in_dim3A_380 = vector.broadcast %broadcast_in_dim3A_379 : i32 to vector<16xi32>
        %and3A_381 = arith.andi %shift_right_logical3A_378, %broadcast_in_dim3A_380 : vector<16xi32>
        %broadcast_in_dim3A_382 = arith.constant 16 : i32
        %broadcast_in_dim3A_383 = vector.broadcast %broadcast_in_dim3A_382 : i32 to vector<16xi32>
        %shift_right_logical3A_384 = arith.shrui %get3A_368, %broadcast_in_dim3A_383 : vector<16xi32>
        %broadcast_in_dim3A_385 = arith.constant 0 : i32
        %broadcast_in_dim3A_386 = vector.broadcast %broadcast_in_dim3A_385 : i32 to vector<16xi32>
        %ne3A_387 = arith.cmpi ne, %shift_right_logical3A_384, %broadcast_in_dim3A_386 : vector<16xi32>
        %mul3A_388 = arith.constant 16 : i32
        %mul3A_389 = arith.muli %scan3A_101, %mul3A_388 : i32
        %add3A_390 = arith.constant 10 : i32
        %add3A_391 = arith.addi %mul3A_389, %add3A_390 : i32
        %add3A_392 = arith.constant 0 : i32
        %add3A_393 = arith.addi %add3A_391, %add3A_392 : i32
        %mul3A_394 = arith.constant 16 : i32
        %mul3A_395 = arith.muli %add3A_391, %mul3A_394 : i32
        %get3A_396 = arith.index_cast %mul3A_395 : i32 to index
        %get3A_397 = tpu.vector_load %arg7[%get3A_396] {strides = array<i32>} : memref<16384xi32, #tpu.memory_space<vmem>>, vector<16xi32>,
        %mul3A_398 = arith.constant 16 : i32
        %mul3A_399 = arith.muli %add3A_393, %mul3A_398 : i32
        %add3A_400 = vector.broadcast %mul3A_399 : i32 to vector<16xi32>
        %add3A_401 = arith.addi %iota3A, %add3A_400 : vector<16xi32>
        %broadcast_in_dim3A_402 = arith.constant 2047 : i32
        %broadcast_in_dim3A_403 = vector.broadcast %broadcast_in_dim3A_402 : i32 to vector<16xi32>
        %and3A_404 = arith.andi %get3A_397, %broadcast_in_dim3A_403 : vector<16xi32>
        %broadcast_in_dim3A_405 = arith.constant 11 : i32
        %broadcast_in_dim3A_406 = vector.broadcast %broadcast_in_dim3A_405 : i32 to vector<16xi32>
        %shift_right_logical3A_407 = arith.shrui %get3A_397, %broadcast_in_dim3A_406 : vector<16xi32>
        %broadcast_in_dim3A_408 = arith.constant 31 : i32
        %broadcast_in_dim3A_409 = vector.broadcast %broadcast_in_dim3A_408 : i32 to vector<16xi32>
        %and3A_410 = arith.andi %shift_right_logical3A_407, %broadcast_in_dim3A_409 : vector<16xi32>
        %broadcast_in_dim3A_411 = arith.constant 16 : i32
        %broadcast_in_dim3A_412 = vector.broadcast %broadcast_in_dim3A_411 : i32 to vector<16xi32>
        %shift_right_logical3A_413 = arith.shrui %get3A_397, %broadcast_in_dim3A_412 : vector<16xi32>
        %broadcast_in_dim3A_414 = arith.constant 0 : i32
        %broadcast_in_dim3A_415 = vector.broadcast %broadcast_in_dim3A_414 : i32 to vector<16xi32>
        %ne3A_416 = arith.cmpi ne, %shift_right_logical3A_413, %broadcast_in_dim3A_415 : vector<16xi32>
        %mul3A_417 = arith.constant 16 : i32
        %mul3A_418 = arith.muli %scan3A_101, %mul3A_417 : i32
        %add3A_419 = arith.constant 11 : i32
        %add3A_420 = arith.addi %mul3A_418, %add3A_419 : i32
        %add3A_421 = arith.constant 0 : i32
        %add3A_422 = arith.addi %add3A_420, %add3A_421 : i32
        %mul3A_423 = arith.constant 16 : i32
        %mul3A_424 = arith.muli %add3A_420, %mul3A_423 : i32
        %get3A_425 = arith.index_cast %mul3A_424 : i32 to index
        %get3A_426 = tpu.vector_load %arg7[%get3A_425] {strides = array<i32>} : memref<16384xi32, #tpu.memory_space<vmem>>, vector<16xi32>,
        %mul3A_427 = arith.constant 16 : i32
        %mul3A_428 = arith.muli %add3A_422, %mul3A_427 : i32
        %add3A_429 = vector.broadcast %mul3A_428 : i32 to vector<16xi32>
        %add3A_430 = arith.addi %iota3A, %add3A_429 : vector<16xi32>
        %broadcast_in_dim3A_431 = arith.constant 2047 : i32
        %broadcast_in_dim3A_432 = vector.broadcast %broadcast_in_dim3A_431 : i32 to vector<16xi32>
        %and3A_433 = arith.andi %get3A_426, %broadcast_in_dim3A_432 : vector<16xi32>
        %broadcast_in_dim3A_434 = arith.constant 11 : i32
        %broadcast_in_dim3A_435 = vector.broadcast %broadcast_in_dim3A_434 : i32 to vector<16xi32>
        %shift_right_logical3A_436 = arith.shrui %get3A_426, %broadcast_in_dim3A_435 : vector<16xi32>
        %broadcast_in_dim3A_437 = arith.constant 31 : i32
        %broadcast_in_dim3A_438 = vector.broadcast %broadcast_in_dim3A_437 : i32 to vector<16xi32>
        %and3A_439 = arith.andi %shift_right_logical3A_436, %broadcast_in_dim3A_438 : vector<16xi32>
        %broadcast_in_dim3A_440 = arith.constant 16 : i32
        %broadcast_in_dim3A_441 = vector.broadcast %broadcast_in_dim3A_440 : i32 to vector<16xi32>
        %shift_right_logical3A_442 = arith.shrui %get3A_426, %broadcast_in_dim3A_441 : vector<16xi32>
        %broadcast_in_dim3A_443 = arith.constant 0 : i32
        %broadcast_in_dim3A_444 = vector.broadcast %broadcast_in_dim3A_443 : i32 to vector<16xi32>
        %ne3A_445 = arith.cmpi ne, %shift_right_logical3A_442, %broadcast_in_dim3A_444 : vector<16xi32>
        %mul3A_446 = arith.constant 16 : i32
        %mul3A_447 = arith.muli %scan3A_101, %mul3A_446 : i32
        %add3A_448 = arith.constant 12 : i32
        %add3A_449 = arith.addi %mul3A_447, %add3A_448 : i32
        %add3A_450 = arith.constant 0 : i32
        %add3A_451 = arith.addi %add3A_449, %add3A_450 : i32
        %mul3A_452 = arith.constant 16 : i32
        %mul3A_453 = arith.muli %add3A_449, %mul3A_452 : i32
        %get3A_454 = arith.index_cast %mul3A_453 : i32 to index
        %get3A_455 = tpu.vector_load %arg7[%get3A_454] {strides = array<i32>} : memref<16384xi32, #tpu.memory_space<vmem>>, vector<16xi32>,
        %mul3A_456 = arith.constant 16 : i32
        %mul3A_457 = arith.muli %add3A_451, %mul3A_456 : i32
        %add3A_458 = vector.broadcast %mul3A_457 : i32 to vector<16xi32>
        %add3A_459 = arith.addi %iota3A, %add3A_458 : vector<16xi32>
        %broadcast_in_dim3A_460 = arith.constant 2047 : i32
        %broadcast_in_dim3A_461 = vector.broadcast %broadcast_in_dim3A_460 : i32 to vector<16xi32>
        %and3A_462 = arith.andi %get3A_455, %broadcast_in_dim3A_461 : vector<16xi32>
        %broadcast_in_dim3A_463 = arith.constant 11 : i32
        %broadcast_in_dim3A_464 = vector.broadcast %broadcast_in_dim3A_463 : i32 to vector<16xi32>
        %shift_right_logical3A_465 = arith.shrui %get3A_455, %broadcast_in_dim3A_464 : vector<16xi32>
        %broadcast_in_dim3A_466 = arith.constant 31 : i32
        %broadcast_in_dim3A_467 = vector.broadcast %broadcast_in_dim3A_466 : i32 to vector<16xi32>
        %and3A_468 = arith.andi %shift_right_logical3A_465, %broadcast_in_dim3A_467 : vector<16xi32>
        %broadcast_in_dim3A_469 = arith.constant 16 : i32
        %broadcast_in_dim3A_470 = vector.broadcast %broadcast_in_dim3A_469 : i32 to vector<16xi32>
        %shift_right_logical3A_471 = arith.shrui %get3A_455, %broadcast_in_dim3A_470 : vector<16xi32>
        %broadcast_in_dim3A_472 = arith.constant 0 : i32
        %broadcast_in_dim3A_473 = vector.broadcast %broadcast_in_dim3A_472 : i32 to vector<16xi32>
        %ne3A_474 = arith.cmpi ne, %shift_right_logical3A_471, %broadcast_in_dim3A_473 : vector<16xi32>
        %mul3A_475 = arith.constant 16 : i32
        %mul3A_476 = arith.muli %scan3A_101, %mul3A_475 : i32
        %add3A_477 = arith.constant 13 : i32
        %add3A_478 = arith.addi %mul3A_476, %add3A_477 : i32
        %add3A_479 = arith.constant 0 : i32
        %add3A_480 = arith.addi %add3A_478, %add3A_479 : i32
        %mul3A_481 = arith.constant 16 : i32
        %mul3A_482 = arith.muli %add3A_478, %mul3A_481 : i32
        %get3A_483 = arith.index_cast %mul3A_482 : i32 to index
        %get3A_484 = tpu.vector_load %arg7[%get3A_483] {strides = array<i32>} : memref<16384xi32, #tpu.memory_space<vmem>>, vector<16xi32>,
        %mul3A_485 = arith.constant 16 : i32
        %mul3A_486 = arith.muli %add3A_480, %mul3A_485 : i32
        %add3A_487 = vector.broadcast %mul3A_486 : i32 to vector<16xi32>
        %add3A_488 = arith.addi %iota3A, %add3A_487 : vector<16xi32>
        %broadcast_in_dim3A_489 = arith.constant 2047 : i32
        %broadcast_in_dim3A_490 = vector.broadcast %broadcast_in_dim3A_489 : i32 to vector<16xi32>
        %and3A_491 = arith.andi %get3A_484, %broadcast_in_dim3A_490 : vector<16xi32>
        %broadcast_in_dim3A_492 = arith.constant 11 : i32
        %broadcast_in_dim3A_493 = vector.broadcast %broadcast_in_dim3A_492 : i32 to vector<16xi32>
        %shift_right_logical3A_494 = arith.shrui %get3A_484, %broadcast_in_dim3A_493 : vector<16xi32>
        %broadcast_in_dim3A_495 = arith.constant 31 : i32
        %broadcast_in_dim3A_496 = vector.broadcast %broadcast_in_dim3A_495 : i32 to vector<16xi32>
        %and3A_497 = arith.andi %shift_right_logical3A_494, %broadcast_in_dim3A_496 : vector<16xi32>
        %broadcast_in_dim3A_498 = arith.constant 16 : i32
        %broadcast_in_dim3A_499 = vector.broadcast %broadcast_in_dim3A_498 : i32 to vector<16xi32>
        %shift_right_logical3A_500 = arith.shrui %get3A_484, %broadcast_in_dim3A_499 : vector<16xi32>
        %broadcast_in_dim3A_501 = arith.constant 0 : i32
        %broadcast_in_dim3A_502 = vector.broadcast %broadcast_in_dim3A_501 : i32 to vector<16xi32>
        %ne3A_503 = arith.cmpi ne, %shift_right_logical3A_500, %broadcast_in_dim3A_502 : vector<16xi32>
        %mul3A_504 = arith.constant 16 : i32
        %mul3A_505 = arith.muli %scan3A_101, %mul3A_504 : i32
        %add3A_506 = arith.constant 14 : i32
        %add3A_507 = arith.addi %mul3A_505, %add3A_506 : i32
        %add3A_508 = arith.constant 0 : i32
        %add3A_509 = arith.addi %add3A_507, %add3A_508 : i32
        %mul3A_510 = arith.constant 16 : i32
        %mul3A_511 = arith.muli %add3A_507, %mul3A_510 : i32
        %get3A_512 = arith.index_cast %mul3A_511 : i32 to index
        %get3A_513 = tpu.vector_load %arg7[%get3A_512] {strides = array<i32>} : memref<16384xi32, #tpu.memory_space<vmem>>, vector<16xi32>,
        %mul3A_514 = arith.constant 16 : i32
        %mul3A_515 = arith.muli %add3A_509, %mul3A_514 : i32
        %add3A_516 = vector.broadcast %mul3A_515 : i32 to vector<16xi32>
        %add3A_517 = arith.addi %iota3A, %add3A_516 : vector<16xi32>
        %broadcast_in_dim3A_518 = arith.constant 2047 : i32
        %broadcast_in_dim3A_519 = vector.broadcast %broadcast_in_dim3A_518 : i32 to vector<16xi32>
        %and3A_520 = arith.andi %get3A_513, %broadcast_in_dim3A_519 : vector<16xi32>
        %broadcast_in_dim3A_521 = arith.constant 11 : i32
        %broadcast_in_dim3A_522 = vector.broadcast %broadcast_in_dim3A_521 : i32 to vector<16xi32>
        %shift_right_logical3A_523 = arith.shrui %get3A_513, %broadcast_in_dim3A_522 : vector<16xi32>
        %broadcast_in_dim3A_524 = arith.constant 31 : i32
        %broadcast_in_dim3A_525 = vector.broadcast %broadcast_in_dim3A_524 : i32 to vector<16xi32>
        %and3A_526 = arith.andi %shift_right_logical3A_523, %broadcast_in_dim3A_525 : vector<16xi32>
        %broadcast_in_dim3A_527 = arith.constant 16 : i32
        %broadcast_in_dim3A_528 = vector.broadcast %broadcast_in_dim3A_527 : i32 to vector<16xi32>
        %shift_right_logical3A_529 = arith.shrui %get3A_513, %broadcast_in_dim3A_528 : vector<16xi32>
        %broadcast_in_dim3A_530 = arith.constant 0 : i32
        %broadcast_in_dim3A_531 = vector.broadcast %broadcast_in_dim3A_530 : i32 to vector<16xi32>
        %ne3A_532 = arith.cmpi ne, %shift_right_logical3A_529, %broadcast_in_dim3A_531 : vector<16xi32>
        %mul3A_533 = arith.constant 16 : i32
        %mul3A_534 = arith.muli %scan3A_101, %mul3A_533 : i32
        %add3A_535 = arith.constant 15 : i32
        %add3A_536 = arith.addi %mul3A_534, %add3A_535 : i32
        %add3A_537 = arith.constant 0 : i32
        %add3A_538 = arith.addi %add3A_536, %add3A_537 : i32
        %mul3A_539 = arith.constant 16 : i32
        %mul3A_540 = arith.muli %add3A_536, %mul3A_539 : i32
        %get3A_541 = arith.index_cast %mul3A_540 : i32 to index
        %get3A_542 = tpu.vector_load %arg7[%get3A_541] {strides = array<i32>} : memref<16384xi32, #tpu.memory_space<vmem>>, vector<16xi32>,
        %mul3A_543 = arith.constant 16 : i32
        %mul3A_544 = arith.muli %add3A_538, %mul3A_543 : i32
        %add3A_545 = vector.broadcast %mul3A_544 : i32 to vector<16xi32>
        %add3A_546 = arith.addi %iota3A, %add3A_545 : vector<16xi32>
        %broadcast_in_dim3A_547 = arith.constant 2047 : i32
        %broadcast_in_dim3A_548 = vector.broadcast %broadcast_in_dim3A_547 : i32 to vector<16xi32>
        %and3A_549 = arith.andi %get3A_542, %broadcast_in_dim3A_548 : vector<16xi32>
        %broadcast_in_dim3A_550 = arith.constant 11 : i32
        %broadcast_in_dim3A_551 = vector.broadcast %broadcast_in_dim3A_550 : i32 to vector<16xi32>
        %shift_right_logical3A_552 = arith.shrui %get3A_542, %broadcast_in_dim3A_551 : vector<16xi32>
        %broadcast_in_dim3A_553 = arith.constant 31 : i32
        %broadcast_in_dim3A_554 = vector.broadcast %broadcast_in_dim3A_553 : i32 to vector<16xi32>
        %and3A_555 = arith.andi %shift_right_logical3A_552, %broadcast_in_dim3A_554 : vector<16xi32>
        %broadcast_in_dim3A_556 = arith.constant 16 : i32
        %broadcast_in_dim3A_557 = vector.broadcast %broadcast_in_dim3A_556 : i32 to vector<16xi32>
        %shift_right_logical3A_558 = arith.shrui %get3A_542, %broadcast_in_dim3A_557 : vector<16xi32>
        %broadcast_in_dim3A_559 = arith.constant 0 : i32
        %broadcast_in_dim3A_560 = vector.broadcast %broadcast_in_dim3A_559 : i32 to vector<16xi32>
        %ne3A_561 = arith.cmpi ne, %shift_right_logical3A_558, %broadcast_in_dim3A_560 : vector<16xi32>
        %gather3A = tpu.vector_load_idx %arg8[%and3A] : memref<2048xi32, #tpu.memory_space<vmem>>[vector<16xi32>], vector<16xi32>,
        %add3A_562 = arith.addi %gather3A, %and3A_121 : vector<16xi32>
        tpu.vector_store_idx %arg8[%and3A], %add3A_562 masked %ne3A : memref<2048xi32, #tpu.memory_space<vmem>>[vector<16xi32>], vector<16xi32>, vector<16xi1>
        tpu.vector_store_idx %arg5[%add3A_562], %add3A_115 : memref<32768xi32, #tpu.memory_space<vmem>>[vector<16xi32>], vector<16xi32>,
        %gather3A_563 = tpu.vector_load_idx %arg8[%and3A_143] : memref<2048xi32, #tpu.memory_space<vmem>>[vector<16xi32>], vector<16xi32>,
        %add3A_564 = arith.addi %gather3A_563, %and3A_149 : vector<16xi32>
        tpu.vector_store_idx %arg8[%and3A_143], %add3A_564 masked %ne3A_155 : memref<2048xi32, #tpu.memory_space<vmem>>[vector<16xi32>], vector<16xi32>, vector<16xi1>
        tpu.vector_store_idx %arg5[%add3A_564], %add3A_140 : memref<32768xi32, #tpu.memory_space<vmem>>[vector<16xi32>], vector<16xi32>,
        %gather3A_565 = tpu.vector_load_idx %arg8[%and3A_172] : memref<2048xi32, #tpu.memory_space<vmem>>[vector<16xi32>], vector<16xi32>,
        %add3A_566 = arith.addi %gather3A_565, %and3A_178 : vector<16xi32>
        tpu.vector_store_idx %arg8[%and3A_172], %add3A_566 masked %ne3A_184 : memref<2048xi32, #tpu.memory_space<vmem>>[vector<16xi32>], vector<16xi32>, vector<16xi1>
        tpu.vector_store_idx %arg5[%add3A_566], %add3A_169 : memref<32768xi32, #tpu.memory_space<vmem>>[vector<16xi32>], vector<16xi32>,
        %gather3A_567 = tpu.vector_load_idx %arg8[%and3A_201] : memref<2048xi32, #tpu.memory_space<vmem>>[vector<16xi32>], vector<16xi32>,
        %add3A_568 = arith.addi %gather3A_567, %and3A_207 : vector<16xi32>
        tpu.vector_store_idx %arg8[%and3A_201], %add3A_568 masked %ne3A_213 : memref<2048xi32, #tpu.memory_space<vmem>>[vector<16xi32>], vector<16xi32>, vector<16xi1>
        tpu.vector_store_idx %arg5[%add3A_568], %add3A_198 : memref<32768xi32, #tpu.memory_space<vmem>>[vector<16xi32>], vector<16xi32>,
        %gather3A_569 = tpu.vector_load_idx %arg8[%and3A_230] : memref<2048xi32, #tpu.memory_space<vmem>>[vector<16xi32>], vector<16xi32>,
        %add3A_570 = arith.addi %gather3A_569, %and3A_236 : vector<16xi32>
        tpu.vector_store_idx %arg8[%and3A_230], %add3A_570 masked %ne3A_242 : memref<2048xi32, #tpu.memory_space<vmem>>[vector<16xi32>], vector<16xi32>, vector<16xi1>
        tpu.vector_store_idx %arg5[%add3A_570], %add3A_227 : memref<32768xi32, #tpu.memory_space<vmem>>[vector<16xi32>], vector<16xi32>,
        %gather3A_571 = tpu.vector_load_idx %arg8[%and3A_259] : memref<2048xi32, #tpu.memory_space<vmem>>[vector<16xi32>], vector<16xi32>,
        %add3A_572 = arith.addi %gather3A_571, %and3A_265 : vector<16xi32>
        tpu.vector_store_idx %arg8[%and3A_259], %add3A_572 masked %ne3A_271 : memref<2048xi32, #tpu.memory_space<vmem>>[vector<16xi32>], vector<16xi32>, vector<16xi1>
        tpu.vector_store_idx %arg5[%add3A_572], %add3A_256 : memref<32768xi32, #tpu.memory_space<vmem>>[vector<16xi32>], vector<16xi32>,
        %gather3A_573 = tpu.vector_load_idx %arg8[%and3A_288] : memref<2048xi32, #tpu.memory_space<vmem>>[vector<16xi32>], vector<16xi32>,
        %add3A_574 = arith.addi %gather3A_573, %and3A_294 : vector<16xi32>
        tpu.vector_store_idx %arg8[%and3A_288], %add3A_574 masked %ne3A_300 : memref<2048xi32, #tpu.memory_space<vmem>>[vector<16xi32>], vector<16xi32>, vector<16xi1>
        tpu.vector_store_idx %arg5[%add3A_574], %add3A_285 : memref<32768xi32, #tpu.memory_space<vmem>>[vector<16xi32>], vector<16xi32>,
        %gather3A_575 = tpu.vector_load_idx %arg8[%and3A_317] : memref<2048xi32, #tpu.memory_space<vmem>>[vector<16xi32>], vector<16xi32>,
        %add3A_576 = arith.addi %gather3A_575, %and3A_323 : vector<16xi32>
        tpu.vector_store_idx %arg8[%and3A_317], %add3A_576 masked %ne3A_329 : memref<2048xi32, #tpu.memory_space<vmem>>[vector<16xi32>], vector<16xi32>, vector<16xi1>
        tpu.vector_store_idx %arg5[%add3A_576], %add3A_314 : memref<32768xi32, #tpu.memory_space<vmem>>[vector<16xi32>], vector<16xi32>,
        %gather3A_577 = tpu.vector_load_idx %arg8[%and3A_346] : memref<2048xi32, #tpu.memory_space<vmem>>[vector<16xi32>], vector<16xi32>,
        %add3A_578 = arith.addi %gather3A_577, %and3A_352 : vector<16xi32>
        tpu.vector_store_idx %arg8[%and3A_346], %add3A_578 masked %ne3A_358 : memref<2048xi32, #tpu.memory_space<vmem>>[vector<16xi32>], vector<16xi32>, vector<16xi1>
        tpu.vector_store_idx %arg5[%add3A_578], %add3A_343 : memref<32768xi32, #tpu.memory_space<vmem>>[vector<16xi32>], vector<16xi32>,
        %gather3A_579 = tpu.vector_load_idx %arg8[%and3A_375] : memref<2048xi32, #tpu.memory_space<vmem>>[vector<16xi32>], vector<16xi32>,
        %add3A_580 = arith.addi %gather3A_579, %and3A_381 : vector<16xi32>
        tpu.vector_store_idx %arg8[%and3A_375], %add3A_580 masked %ne3A_387 : memref<2048xi32, #tpu.memory_space<vmem>>[vector<16xi32>], vector<16xi32>, vector<16xi1>
        tpu.vector_store_idx %arg5[%add3A_580], %add3A_372 : memref<32768xi32, #tpu.memory_space<vmem>>[vector<16xi32>], vector<16xi32>,
        %gather3A_581 = tpu.vector_load_idx %arg8[%and3A_404] : memref<2048xi32, #tpu.memory_space<vmem>>[vector<16xi32>], vector<16xi32>,
        %add3A_582 = arith.addi %gather3A_581, %and3A_410 : vector<16xi32>
        tpu.vector_store_idx %arg8[%and3A_404], %add3A_582 masked %ne3A_416 : memref<2048xi32, #tpu.memory_space<vmem>>[vector<16xi32>], vector<16xi32>, vector<16xi1>
        tpu.vector_store_idx %arg5[%add3A_582], %add3A_401 : memref<32768xi32, #tpu.memory_space<vmem>>[vector<16xi32>], vector<16xi32>,
        %gather3A_583 = tpu.vector_load_idx %arg8[%and3A_433] : memref<2048xi32, #tpu.memory_space<vmem>>[vector<16xi32>], vector<16xi32>,
        %add3A_584 = arith.addi %gather3A_583, %and3A_439 : vector<16xi32>
        tpu.vector_store_idx %arg8[%and3A_433], %add3A_584 masked %ne3A_445 : memref<2048xi32, #tpu.memory_space<vmem>>[vector<16xi32>], vector<16xi32>, vector<16xi1>
        tpu.vector_store_idx %arg5[%add3A_584], %add3A_430 : memref<32768xi32, #tpu.memory_space<vmem>>[vector<16xi32>], vector<16xi32>,
        %gather3A_585 = tpu.vector_load_idx %arg8[%and3A_462] : memref<2048xi32, #tpu.memory_space<vmem>>[vector<16xi32>], vector<16xi32>,
        %add3A_586 = arith.addi %gather3A_585, %and3A_468 : vector<16xi32>
        tpu.vector_store_idx %arg8[%and3A_462], %add3A_586 masked %ne3A_474 : memref<2048xi32, #tpu.memory_space<vmem>>[vector<16xi32>], vector<16xi32>, vector<16xi1>
        tpu.vector_store_idx %arg5[%add3A_586], %add3A_459 : memref<32768xi32, #tpu.memory_space<vmem>>[vector<16xi32>], vector<16xi32>,
        %gather3A_587 = tpu.vector_load_idx %arg8[%and3A_491] : memref<2048xi32, #tpu.memory_space<vmem>>[vector<16xi32>], vector<16xi32>,
        %add3A_588 = arith.addi %gather3A_587, %and3A_497 : vector<16xi32>
        tpu.vector_store_idx %arg8[%and3A_491], %add3A_588 masked %ne3A_503 : memref<2048xi32, #tpu.memory_space<vmem>>[vector<16xi32>], vector<16xi32>, vector<16xi1>
        tpu.vector_store_idx %arg5[%add3A_588], %add3A_488 : memref<32768xi32, #tpu.memory_space<vmem>>[vector<16xi32>], vector<16xi32>,
        %gather3A_589 = tpu.vector_load_idx %arg8[%and3A_520] : memref<2048xi32, #tpu.memory_space<vmem>>[vector<16xi32>], vector<16xi32>,
        %add3A_590 = arith.addi %gather3A_589, %and3A_526 : vector<16xi32>
        tpu.vector_store_idx %arg8[%and3A_520], %add3A_590 masked %ne3A_532 : memref<2048xi32, #tpu.memory_space<vmem>>[vector<16xi32>], vector<16xi32>, vector<16xi1>
        tpu.vector_store_idx %arg5[%add3A_590], %add3A_517 : memref<32768xi32, #tpu.memory_space<vmem>>[vector<16xi32>], vector<16xi32>,
        %gather3A_591 = tpu.vector_load_idx %arg8[%and3A_549] : memref<2048xi32, #tpu.memory_space<vmem>>[vector<16xi32>], vector<16xi32>,
        %add3A_592 = arith.addi %gather3A_591, %and3A_555 : vector<16xi32>
        tpu.vector_store_idx %arg8[%and3A_549], %add3A_592 masked %ne3A_561 : memref<2048xi32, #tpu.memory_space<vmem>>[vector<16xi32>], vector<16xi32>, vector<16xi1>
        tpu.vector_store_idx %arg5[%add3A_592], %add3A_546 : memref<32768xi32, #tpu.memory_space<vmem>>[vector<16xi32>], vector<16xi32>,
        %scan3A_593 = arith.constant 0 : i32
        scf.yield %scan3A_593 : i32
      }
      %scan3A_33 = arith.constant 64 : i32
      %parallel_loop3A_34 = arith.constant 0 : i32
      %parallel_loop3A_35 = arith.constant 1024 : i32
      %parallel_loop3A_36 = arith.constant 1 : i32
      scf.for %parallel_loop3A_101 = %parallel_loop3A_34 to %parallel_loop3A_35 step %parallel_loop3A_36  : i32 {
        %parallel_loop3A_102 = arith.constant 1024 : i32
        %parallel_loop3A_103 = arith.addi %parallel_loop3A_101, %parallel_loop3A_102 : i32
        %parallel_loop3A_104 = arith.constant 16 : i32
        %parallel_loop3A_105 = arith.muli %parallel_loop3A_103, %parallel_loop3A_104 : i32
        %parallel_loop3A_106 = arith.index_cast %parallel_loop3A_105 : i32 to index
        %parallel_loop3A_107 = tpu.vector_load %arg4[%parallel_loop3A_106] {strides = array<i32>} : memref<32768xf32, #tpu.memory_space<vmem>>, vector<16xf32>,
        %parallel_loop3A_108 = vector.bitcast %parallel_loop3A_107 : vector<16xf32> to vector<16xi32>
        %parallel_loop3A_109 = arith.constant 2047 : i32
        %parallel_loop3A_110 = vector.broadcast %parallel_loop3A_109 : i32 to vector<16xi32>
        %parallel_loop3A_111 = arith.andi %parallel_loop3A_108, %parallel_loop3A_110 : vector<16xi32>
        %parallel_loop3A_112 = arith.constant true
        %parallel_loop3A_113 = vector.broadcast %parallel_loop3A_112 : i1 to vector<16xi1>
        %parallel_loop3A_114, %parallel_loop3A_115 = tpu.scan_count mask(%parallel_loop3A_113 : vector<16xi1>) value(%parallel_loop3A_111 : vector<16xi32>) : vector<16xi1>, vector<16xi32>
        %parallel_loop3A_116 = arith.extui %parallel_loop3A_114 : vector<16xi1> to vector<16xi32>
        %parallel_loop3A_117 = arith.constant 11 : i32
        %parallel_loop3A_118 = vector.broadcast %parallel_loop3A_117 : i32 to vector<16xi32>
        %parallel_loop3A_119 = arith.shli %parallel_loop3A_115, %parallel_loop3A_118 : vector<16xi32>
        %parallel_loop3A_120 = arith.constant 16 : i32
        %parallel_loop3A_121 = vector.broadcast %parallel_loop3A_120 : i32 to vector<16xi32>
        %parallel_loop3A_122 = arith.shli %parallel_loop3A_116, %parallel_loop3A_121 : vector<16xi32>
        %parallel_loop3A_123 = arith.ori %parallel_loop3A_119, %parallel_loop3A_122 : vector<16xi32>
        %parallel_loop3A_124 = arith.ori %parallel_loop3A_111, %parallel_loop3A_123 : vector<16xi32>
        %parallel_loop3A_125 = arith.constant 16 : i32
        %parallel_loop3A_126 = arith.muli %parallel_loop3A_101, %parallel_loop3A_125 : i32
        %parallel_loop3A_127 = arith.index_cast %parallel_loop3A_126 : i32 to index
        %parallel_loop3A_128 = tpu.vector_load %arg7[%parallel_loop3A_127] {strides = array<i32>} : memref<16384xi32, #tpu.memory_space<vmem>>, vector<16xi32>,
        tpu.vector_store %arg7[%parallel_loop3A_127], %parallel_loop3A_124 {strides = array<i32>} : memref<16384xi32, #tpu.memory_space<vmem>>, vector<16xi32>,
      } {sc.loop_unroll_factor = 8 : i64, sc.parallel_access}
      %scan3A_37 = arith.constant 0 : i32
      %scan3A_38 = arith.constant 0 : i32
      %scan3A_39 = arith.constant 64 : i32
      %scan3A_40 = arith.addi %scan3A_38, %scan3A_39 : i32
      %scan3A_41 = arith.constant 1 : i32
      %scan3A_42 = scf.for %scan3A_101 = %scan3A_38 to %scan3A_40 step %scan3A_41 iter_args(%scan3A_102 = %scan3A_37) -> (i32)  : i32 {
        %mul3A_103 = arith.constant 16 : i32
        %mul3A_104 = arith.muli %scan3A_101, %mul3A_103 : i32
        %add3A_105 = arith.constant 0 : i32
        %add3A_106 = arith.addi %mul3A_104, %add3A_105 : i32
        %add3A_107 = arith.constant 1024 : i32
        %add3A_108 = arith.addi %add3A_106, %add3A_107 : i32
        %mul3A_109 = arith.constant 16 : i32
        %mul3A_110 = arith.muli %add3A_106, %mul3A_109 : i32
        %get3A = arith.index_cast %mul3A_110 : i32 to index
        %get3A_111 = tpu.vector_load %arg7[%get3A] {strides = array<i32>} : memref<16384xi32, #tpu.memory_space<vmem>>, vector<16xi32>,
        %mul3A_112 = arith.constant 16 : i32
        %mul3A_113 = arith.muli %add3A_108, %mul3A_112 : i32
        %add3A_114 = vector.broadcast %mul3A_113 : i32 to vector<16xi32>
        %add3A_115 = arith.addi %iota3A, %add3A_114 : vector<16xi32>
        %broadcast_in_dim3A = arith.constant 2047 : i32
        %broadcast_in_dim3A_116 = vector.broadcast %broadcast_in_dim3A : i32 to vector<16xi32>
        %and3A = arith.andi %get3A_111, %broadcast_in_dim3A_116 : vector<16xi32>
        %broadcast_in_dim3A_117 = arith.constant 11 : i32
        %broadcast_in_dim3A_118 = vector.broadcast %broadcast_in_dim3A_117 : i32 to vector<16xi32>
        %shift_right_logical3A = arith.shrui %get3A_111, %broadcast_in_dim3A_118 : vector<16xi32>
        %broadcast_in_dim3A_119 = arith.constant 31 : i32
        %broadcast_in_dim3A_120 = vector.broadcast %broadcast_in_dim3A_119 : i32 to vector<16xi32>
        %and3A_121 = arith.andi %shift_right_logical3A, %broadcast_in_dim3A_120 : vector<16xi32>
        %broadcast_in_dim3A_122 = arith.constant 16 : i32
        %broadcast_in_dim3A_123 = vector.broadcast %broadcast_in_dim3A_122 : i32 to vector<16xi32>
        %shift_right_logical3A_124 = arith.shrui %get3A_111, %broadcast_in_dim3A_123 : vector<16xi32>
        %broadcast_in_dim3A_125 = arith.constant 0 : i32
        %broadcast_in_dim3A_126 = vector.broadcast %broadcast_in_dim3A_125 : i32 to vector<16xi32>
        %ne3A = arith.cmpi ne, %shift_right_logical3A_124, %broadcast_in_dim3A_126 : vector<16xi32>
        %mul3A_127 = arith.constant 16 : i32
        %mul3A_128 = arith.muli %scan3A_101, %mul3A_127 : i32
        %add3A_129 = arith.constant 1 : i32
        %add3A_130 = arith.addi %mul3A_128, %add3A_129 : i32
        %add3A_131 = arith.constant 1024 : i32
        %add3A_132 = arith.addi %add3A_130, %add3A_131 : i32
        %mul3A_133 = arith.constant 16 : i32
        %mul3A_134 = arith.muli %add3A_130, %mul3A_133 : i32
        %get3A_135 = arith.index_cast %mul3A_134 : i32 to index
        %get3A_136 = tpu.vector_load %arg7[%get3A_135] {strides = array<i32>} : memref<16384xi32, #tpu.memory_space<vmem>>, vector<16xi32>,
        %mul3A_137 = arith.constant 16 : i32
        %mul3A_138 = arith.muli %add3A_132, %mul3A_137 : i32
        %add3A_139 = vector.broadcast %mul3A_138 : i32 to vector<16xi32>
        %add3A_140 = arith.addi %iota3A, %add3A_139 : vector<16xi32>
        %broadcast_in_dim3A_141 = arith.constant 2047 : i32
        %broadcast_in_dim3A_142 = vector.broadcast %broadcast_in_dim3A_141 : i32 to vector<16xi32>
        %and3A_143 = arith.andi %get3A_136, %broadcast_in_dim3A_142 : vector<16xi32>
        %broadcast_in_dim3A_144 = arith.constant 11 : i32
        %broadcast_in_dim3A_145 = vector.broadcast %broadcast_in_dim3A_144 : i32 to vector<16xi32>
        %shift_right_logical3A_146 = arith.shrui %get3A_136, %broadcast_in_dim3A_145 : vector<16xi32>
        %broadcast_in_dim3A_147 = arith.constant 31 : i32
        %broadcast_in_dim3A_148 = vector.broadcast %broadcast_in_dim3A_147 : i32 to vector<16xi32>
        %and3A_149 = arith.andi %shift_right_logical3A_146, %broadcast_in_dim3A_148 : vector<16xi32>
        %broadcast_in_dim3A_150 = arith.constant 16 : i32
        %broadcast_in_dim3A_151 = vector.broadcast %broadcast_in_dim3A_150 : i32 to vector<16xi32>
        %shift_right_logical3A_152 = arith.shrui %get3A_136, %broadcast_in_dim3A_151 : vector<16xi32>
        %broadcast_in_dim3A_153 = arith.constant 0 : i32
        %broadcast_in_dim3A_154 = vector.broadcast %broadcast_in_dim3A_153 : i32 to vector<16xi32>
        %ne3A_155 = arith.cmpi ne, %shift_right_logical3A_152, %broadcast_in_dim3A_154 : vector<16xi32>
        %mul3A_156 = arith.constant 16 : i32
        %mul3A_157 = arith.muli %scan3A_101, %mul3A_156 : i32
        %add3A_158 = arith.constant 2 : i32
        %add3A_159 = arith.addi %mul3A_157, %add3A_158 : i32
        %add3A_160 = arith.constant 1024 : i32
        %add3A_161 = arith.addi %add3A_159, %add3A_160 : i32
        %mul3A_162 = arith.constant 16 : i32
        %mul3A_163 = arith.muli %add3A_159, %mul3A_162 : i32
        %get3A_164 = arith.index_cast %mul3A_163 : i32 to index
        %get3A_165 = tpu.vector_load %arg7[%get3A_164] {strides = array<i32>} : memref<16384xi32, #tpu.memory_space<vmem>>, vector<16xi32>,
        %mul3A_166 = arith.constant 16 : i32
        %mul3A_167 = arith.muli %add3A_161, %mul3A_166 : i32
        %add3A_168 = vector.broadcast %mul3A_167 : i32 to vector<16xi32>
        %add3A_169 = arith.addi %iota3A, %add3A_168 : vector<16xi32>
        %broadcast_in_dim3A_170 = arith.constant 2047 : i32
        %broadcast_in_dim3A_171 = vector.broadcast %broadcast_in_dim3A_170 : i32 to vector<16xi32>
        %and3A_172 = arith.andi %get3A_165, %broadcast_in_dim3A_171 : vector<16xi32>
        %broadcast_in_dim3A_173 = arith.constant 11 : i32
        %broadcast_in_dim3A_174 = vector.broadcast %broadcast_in_dim3A_173 : i32 to vector<16xi32>
        %shift_right_logical3A_175 = arith.shrui %get3A_165, %broadcast_in_dim3A_174 : vector<16xi32>
        %broadcast_in_dim3A_176 = arith.constant 31 : i32
        %broadcast_in_dim3A_177 = vector.broadcast %broadcast_in_dim3A_176 : i32 to vector<16xi32>
        %and3A_178 = arith.andi %shift_right_logical3A_175, %broadcast_in_dim3A_177 : vector<16xi32>
        %broadcast_in_dim3A_179 = arith.constant 16 : i32
        %broadcast_in_dim3A_180 = vector.broadcast %broadcast_in_dim3A_179 : i32 to vector<16xi32>
        %shift_right_logical3A_181 = arith.shrui %get3A_165, %broadcast_in_dim3A_180 : vector<16xi32>
        %broadcast_in_dim3A_182 = arith.constant 0 : i32
        %broadcast_in_dim3A_183 = vector.broadcast %broadcast_in_dim3A_182 : i32 to vector<16xi32>
        %ne3A_184 = arith.cmpi ne, %shift_right_logical3A_181, %broadcast_in_dim3A_183 : vector<16xi32>
        %mul3A_185 = arith.constant 16 : i32
        %mul3A_186 = arith.muli %scan3A_101, %mul3A_185 : i32
        %add3A_187 = arith.constant 3 : i32
        %add3A_188 = arith.addi %mul3A_186, %add3A_187 : i32
        %add3A_189 = arith.constant 1024 : i32
        %add3A_190 = arith.addi %add3A_188, %add3A_189 : i32
        %mul3A_191 = arith.constant 16 : i32
        %mul3A_192 = arith.muli %add3A_188, %mul3A_191 : i32
        %get3A_193 = arith.index_cast %mul3A_192 : i32 to index
        %get3A_194 = tpu.vector_load %arg7[%get3A_193] {strides = array<i32>} : memref<16384xi32, #tpu.memory_space<vmem>>, vector<16xi32>,
        %mul3A_195 = arith.constant 16 : i32
        %mul3A_196 = arith.muli %add3A_190, %mul3A_195 : i32
        %add3A_197 = vector.broadcast %mul3A_196 : i32 to vector<16xi32>
        %add3A_198 = arith.addi %iota3A, %add3A_197 : vector<16xi32>
        %broadcast_in_dim3A_199 = arith.constant 2047 : i32
        %broadcast_in_dim3A_200 = vector.broadcast %broadcast_in_dim3A_199 : i32 to vector<16xi32>
        %and3A_201 = arith.andi %get3A_194, %broadcast_in_dim3A_200 : vector<16xi32>
        %broadcast_in_dim3A_202 = arith.constant 11 : i32
        %broadcast_in_dim3A_203 = vector.broadcast %broadcast_in_dim3A_202 : i32 to vector<16xi32>
        %shift_right_logical3A_204 = arith.shrui %get3A_194, %broadcast_in_dim3A_203 : vector<16xi32>
        %broadcast_in_dim3A_205 = arith.constant 31 : i32
        %broadcast_in_dim3A_206 = vector.broadcast %broadcast_in_dim3A_205 : i32 to vector<16xi32>
        %and3A_207 = arith.andi %shift_right_logical3A_204, %broadcast_in_dim3A_206 : vector<16xi32>
        %broadcast_in_dim3A_208 = arith.constant 16 : i32
        %broadcast_in_dim3A_209 = vector.broadcast %broadcast_in_dim3A_208 : i32 to vector<16xi32>
        %shift_right_logical3A_210 = arith.shrui %get3A_194, %broadcast_in_dim3A_209 : vector<16xi32>
        %broadcast_in_dim3A_211 = arith.constant 0 : i32
        %broadcast_in_dim3A_212 = vector.broadcast %broadcast_in_dim3A_211 : i32 to vector<16xi32>
        %ne3A_213 = arith.cmpi ne, %shift_right_logical3A_210, %broadcast_in_dim3A_212 : vector<16xi32>
        %mul3A_214 = arith.constant 16 : i32
        %mul3A_215 = arith.muli %scan3A_101, %mul3A_214 : i32
        %add3A_216 = arith.constant 4 : i32
        %add3A_217 = arith.addi %mul3A_215, %add3A_216 : i32
        %add3A_218 = arith.constant 1024 : i32
        %add3A_219 = arith.addi %add3A_217, %add3A_218 : i32
        %mul3A_220 = arith.constant 16 : i32
        %mul3A_221 = arith.muli %add3A_217, %mul3A_220 : i32
        %get3A_222 = arith.index_cast %mul3A_221 : i32 to index
        %get3A_223 = tpu.vector_load %arg7[%get3A_222] {strides = array<i32>} : memref<16384xi32, #tpu.memory_space<vmem>>, vector<16xi32>,
        %mul3A_224 = arith.constant 16 : i32
        %mul3A_225 = arith.muli %add3A_219, %mul3A_224 : i32
        %add3A_226 = vector.broadcast %mul3A_225 : i32 to vector<16xi32>
        %add3A_227 = arith.addi %iota3A, %add3A_226 : vector<16xi32>
        %broadcast_in_dim3A_228 = arith.constant 2047 : i32
        %broadcast_in_dim3A_229 = vector.broadcast %broadcast_in_dim3A_228 : i32 to vector<16xi32>
        %and3A_230 = arith.andi %get3A_223, %broadcast_in_dim3A_229 : vector<16xi32>
        %broadcast_in_dim3A_231 = arith.constant 11 : i32
        %broadcast_in_dim3A_232 = vector.broadcast %broadcast_in_dim3A_231 : i32 to vector<16xi32>
        %shift_right_logical3A_233 = arith.shrui %get3A_223, %broadcast_in_dim3A_232 : vector<16xi32>
        %broadcast_in_dim3A_234 = arith.constant 31 : i32
        %broadcast_in_dim3A_235 = vector.broadcast %broadcast_in_dim3A_234 : i32 to vector<16xi32>
        %and3A_236 = arith.andi %shift_right_logical3A_233, %broadcast_in_dim3A_235 : vector<16xi32>
        %broadcast_in_dim3A_237 = arith.constant 16 : i32
        %broadcast_in_dim3A_238 = vector.broadcast %broadcast_in_dim3A_237 : i32 to vector<16xi32>
        %shift_right_logical3A_239 = arith.shrui %get3A_223, %broadcast_in_dim3A_238 : vector<16xi32>
        %broadcast_in_dim3A_240 = arith.constant 0 : i32
        %broadcast_in_dim3A_241 = vector.broadcast %broadcast_in_dim3A_240 : i32 to vector<16xi32>
        %ne3A_242 = arith.cmpi ne, %shift_right_logical3A_239, %broadcast_in_dim3A_241 : vector<16xi32>
        %mul3A_243 = arith.constant 16 : i32
        %mul3A_244 = arith.muli %scan3A_101, %mul3A_243 : i32
        %add3A_245 = arith.constant 5 : i32
        %add3A_246 = arith.addi %mul3A_244, %add3A_245 : i32
        %add3A_247 = arith.constant 1024 : i32
        %add3A_248 = arith.addi %add3A_246, %add3A_247 : i32
        %mul3A_249 = arith.constant 16 : i32
        %mul3A_250 = arith.muli %add3A_246, %mul3A_249 : i32
        %get3A_251 = arith.index_cast %mul3A_250 : i32 to index
        %get3A_252 = tpu.vector_load %arg7[%get3A_251] {strides = array<i32>} : memref<16384xi32, #tpu.memory_space<vmem>>, vector<16xi32>,
        %mul3A_253 = arith.constant 16 : i32
        %mul3A_254 = arith.muli %add3A_248, %mul3A_253 : i32
        %add3A_255 = vector.broadcast %mul3A_254 : i32 to vector<16xi32>
        %add3A_256 = arith.addi %iota3A, %add3A_255 : vector<16xi32>
        %broadcast_in_dim3A_257 = arith.constant 2047 : i32
        %broadcast_in_dim3A_258 = vector.broadcast %broadcast_in_dim3A_257 : i32 to vector<16xi32>
        %and3A_259 = arith.andi %get3A_252, %broadcast_in_dim3A_258 : vector<16xi32>
        %broadcast_in_dim3A_260 = arith.constant 11 : i32
        %broadcast_in_dim3A_261 = vector.broadcast %broadcast_in_dim3A_260 : i32 to vector<16xi32>
        %shift_right_logical3A_262 = arith.shrui %get3A_252, %broadcast_in_dim3A_261 : vector<16xi32>
        %broadcast_in_dim3A_263 = arith.constant 31 : i32
        %broadcast_in_dim3A_264 = vector.broadcast %broadcast_in_dim3A_263 : i32 to vector<16xi32>
        %and3A_265 = arith.andi %shift_right_logical3A_262, %broadcast_in_dim3A_264 : vector<16xi32>
        %broadcast_in_dim3A_266 = arith.constant 16 : i32
        %broadcast_in_dim3A_267 = vector.broadcast %broadcast_in_dim3A_266 : i32 to vector<16xi32>
        %shift_right_logical3A_268 = arith.shrui %get3A_252, %broadcast_in_dim3A_267 : vector<16xi32>
        %broadcast_in_dim3A_269 = arith.constant 0 : i32
        %broadcast_in_dim3A_270 = vector.broadcast %broadcast_in_dim3A_269 : i32 to vector<16xi32>
        %ne3A_271 = arith.cmpi ne, %shift_right_logical3A_268, %broadcast_in_dim3A_270 : vector<16xi32>
        %mul3A_272 = arith.constant 16 : i32
        %mul3A_273 = arith.muli %scan3A_101, %mul3A_272 : i32
        %add3A_274 = arith.constant 6 : i32
        %add3A_275 = arith.addi %mul3A_273, %add3A_274 : i32
        %add3A_276 = arith.constant 1024 : i32
        %add3A_277 = arith.addi %add3A_275, %add3A_276 : i32
        %mul3A_278 = arith.constant 16 : i32
        %mul3A_279 = arith.muli %add3A_275, %mul3A_278 : i32
        %get3A_280 = arith.index_cast %mul3A_279 : i32 to index
        %get3A_281 = tpu.vector_load %arg7[%get3A_280] {strides = array<i32>} : memref<16384xi32, #tpu.memory_space<vmem>>, vector<16xi32>,
        %mul3A_282 = arith.constant 16 : i32
        %mul3A_283 = arith.muli %add3A_277, %mul3A_282 : i32
        %add3A_284 = vector.broadcast %mul3A_283 : i32 to vector<16xi32>
        %add3A_285 = arith.addi %iota3A, %add3A_284 : vector<16xi32>
        %broadcast_in_dim3A_286 = arith.constant 2047 : i32
        %broadcast_in_dim3A_287 = vector.broadcast %broadcast_in_dim3A_286 : i32 to vector<16xi32>
        %and3A_288 = arith.andi %get3A_281, %broadcast_in_dim3A_287 : vector<16xi32>
        %broadcast_in_dim3A_289 = arith.constant 11 : i32
        %broadcast_in_dim3A_290 = vector.broadcast %broadcast_in_dim3A_289 : i32 to vector<16xi32>
        %shift_right_logical3A_291 = arith.shrui %get3A_281, %broadcast_in_dim3A_290 : vector<16xi32>
        %broadcast_in_dim3A_292 = arith.constant 31 : i32
        %broadcast_in_dim3A_293 = vector.broadcast %broadcast_in_dim3A_292 : i32 to vector<16xi32>
        %and3A_294 = arith.andi %shift_right_logical3A_291, %broadcast_in_dim3A_293 : vector<16xi32>
        %broadcast_in_dim3A_295 = arith.constant 16 : i32
        %broadcast_in_dim3A_296 = vector.broadcast %broadcast_in_dim3A_295 : i32 to vector<16xi32>
        %shift_right_logical3A_297 = arith.shrui %get3A_281, %broadcast_in_dim3A_296 : vector<16xi32>
        %broadcast_in_dim3A_298 = arith.constant 0 : i32
        %broadcast_in_dim3A_299 = vector.broadcast %broadcast_in_dim3A_298 : i32 to vector<16xi32>
        %ne3A_300 = arith.cmpi ne, %shift_right_logical3A_297, %broadcast_in_dim3A_299 : vector<16xi32>
        %mul3A_301 = arith.constant 16 : i32
        %mul3A_302 = arith.muli %scan3A_101, %mul3A_301 : i32
        %add3A_303 = arith.constant 7 : i32
        %add3A_304 = arith.addi %mul3A_302, %add3A_303 : i32
        %add3A_305 = arith.constant 1024 : i32
        %add3A_306 = arith.addi %add3A_304, %add3A_305 : i32
        %mul3A_307 = arith.constant 16 : i32
        %mul3A_308 = arith.muli %add3A_304, %mul3A_307 : i32
        %get3A_309 = arith.index_cast %mul3A_308 : i32 to index
        %get3A_310 = tpu.vector_load %arg7[%get3A_309] {strides = array<i32>} : memref<16384xi32, #tpu.memory_space<vmem>>, vector<16xi32>,
        %mul3A_311 = arith.constant 16 : i32
        %mul3A_312 = arith.muli %add3A_306, %mul3A_311 : i32
        %add3A_313 = vector.broadcast %mul3A_312 : i32 to vector<16xi32>
        %add3A_314 = arith.addi %iota3A, %add3A_313 : vector<16xi32>
        %broadcast_in_dim3A_315 = arith.constant 2047 : i32
        %broadcast_in_dim3A_316 = vector.broadcast %broadcast_in_dim3A_315 : i32 to vector<16xi32>
        %and3A_317 = arith.andi %get3A_310, %broadcast_in_dim3A_316 : vector<16xi32>
        %broadcast_in_dim3A_318 = arith.constant 11 : i32
        %broadcast_in_dim3A_319 = vector.broadcast %broadcast_in_dim3A_318 : i32 to vector<16xi32>
        %shift_right_logical3A_320 = arith.shrui %get3A_310, %broadcast_in_dim3A_319 : vector<16xi32>
        %broadcast_in_dim3A_321 = arith.constant 31 : i32
        %broadcast_in_dim3A_322 = vector.broadcast %broadcast_in_dim3A_321 : i32 to vector<16xi32>
        %and3A_323 = arith.andi %shift_right_logical3A_320, %broadcast_in_dim3A_322 : vector<16xi32>
        %broadcast_in_dim3A_324 = arith.constant 16 : i32
        %broadcast_in_dim3A_325 = vector.broadcast %broadcast_in_dim3A_324 : i32 to vector<16xi32>
        %shift_right_logical3A_326 = arith.shrui %get3A_310, %broadcast_in_dim3A_325 : vector<16xi32>
        %broadcast_in_dim3A_327 = arith.constant 0 : i32
        %broadcast_in_dim3A_328 = vector.broadcast %broadcast_in_dim3A_327 : i32 to vector<16xi32>
        %ne3A_329 = arith.cmpi ne, %shift_right_logical3A_326, %broadcast_in_dim3A_328 : vector<16xi32>
        %mul3A_330 = arith.constant 16 : i32
        %mul3A_331 = arith.muli %scan3A_101, %mul3A_330 : i32
        %add3A_332 = arith.constant 8 : i32
        %add3A_333 = arith.addi %mul3A_331, %add3A_332 : i32
        %add3A_334 = arith.constant 1024 : i32
        %add3A_335 = arith.addi %add3A_333, %add3A_334 : i32
        %mul3A_336 = arith.constant 16 : i32
        %mul3A_337 = arith.muli %add3A_333, %mul3A_336 : i32
        %get3A_338 = arith.index_cast %mul3A_337 : i32 to index
        %get3A_339 = tpu.vector_load %arg7[%get3A_338] {strides = array<i32>} : memref<16384xi32, #tpu.memory_space<vmem>>, vector<16xi32>,
        %mul3A_340 = arith.constant 16 : i32
        %mul3A_341 = arith.muli %add3A_335, %mul3A_340 : i32
        %add3A_342 = vector.broadcast %mul3A_341 : i32 to vector<16xi32>
        %add3A_343 = arith.addi %iota3A, %add3A_342 : vector<16xi32>
        %broadcast_in_dim3A_344 = arith.constant 2047 : i32
        %broadcast_in_dim3A_345 = vector.broadcast %broadcast_in_dim3A_344 : i32 to vector<16xi32>
        %and3A_346 = arith.andi %get3A_339, %broadcast_in_dim3A_345 : vector<16xi32>
        %broadcast_in_dim3A_347 = arith.constant 11 : i32
        %broadcast_in_dim3A_348 = vector.broadcast %broadcast_in_dim3A_347 : i32 to vector<16xi32>
        %shift_right_logical3A_349 = arith.shrui %get3A_339, %broadcast_in_dim3A_348 : vector<16xi32>
        %broadcast_in_dim3A_350 = arith.constant 31 : i32
        %broadcast_in_dim3A_351 = vector.broadcast %broadcast_in_dim3A_350 : i32 to vector<16xi32>
        %and3A_352 = arith.andi %shift_right_logical3A_349, %broadcast_in_dim3A_351 : vector<16xi32>
        %broadcast_in_dim3A_353 = arith.constant 16 : i32
        %broadcast_in_dim3A_354 = vector.broadcast %broadcast_in_dim3A_353 : i32 to vector<16xi32>
        %shift_right_logical3A_355 = arith.shrui %get3A_339, %broadcast_in_dim3A_354 : vector<16xi32>
        %broadcast_in_dim3A_356 = arith.constant 0 : i32
        %broadcast_in_dim3A_357 = vector.broadcast %broadcast_in_dim3A_356 : i32 to vector<16xi32>
        %ne3A_358 = arith.cmpi ne, %shift_right_logical3A_355, %broadcast_in_dim3A_357 : vector<16xi32>
        %mul3A_359 = arith.constant 16 : i32
        %mul3A_360 = arith.muli %scan3A_101, %mul3A_359 : i32
        %add3A_361 = arith.constant 9 : i32
        %add3A_362 = arith.addi %mul3A_360, %add3A_361 : i32
        %add3A_363 = arith.constant 1024 : i32
        %add3A_364 = arith.addi %add3A_362, %add3A_363 : i32
        %mul3A_365 = arith.constant 16 : i32
        %mul3A_366 = arith.muli %add3A_362, %mul3A_365 : i32
        %get3A_367 = arith.index_cast %mul3A_366 : i32 to index
        %get3A_368 = tpu.vector_load %arg7[%get3A_367] {strides = array<i32>} : memref<16384xi32, #tpu.memory_space<vmem>>, vector<16xi32>,
        %mul3A_369 = arith.constant 16 : i32
        %mul3A_370 = arith.muli %add3A_364, %mul3A_369 : i32
        %add3A_371 = vector.broadcast %mul3A_370 : i32 to vector<16xi32>
        %add3A_372 = arith.addi %iota3A, %add3A_371 : vector<16xi32>
        %broadcast_in_dim3A_373 = arith.constant 2047 : i32
        %broadcast_in_dim3A_374 = vector.broadcast %broadcast_in_dim3A_373 : i32 to vector<16xi32>
        %and3A_375 = arith.andi %get3A_368, %broadcast_in_dim3A_374 : vector<16xi32>
        %broadcast_in_dim3A_376 = arith.constant 11 : i32
        %broadcast_in_dim3A_377 = vector.broadcast %broadcast_in_dim3A_376 : i32 to vector<16xi32>
        %shift_right_logical3A_378 = arith.shrui %get3A_368, %broadcast_in_dim3A_377 : vector<16xi32>
        %broadcast_in_dim3A_379 = arith.constant 31 : i32
        %broadcast_in_dim3A_380 = vector.broadcast %broadcast_in_dim3A_379 : i32 to vector<16xi32>
        %and3A_381 = arith.andi %shift_right_logical3A_378, %broadcast_in_dim3A_380 : vector<16xi32>
        %broadcast_in_dim3A_382 = arith.constant 16 : i32
        %broadcast_in_dim3A_383 = vector.broadcast %broadcast_in_dim3A_382 : i32 to vector<16xi32>
        %shift_right_logical3A_384 = arith.shrui %get3A_368, %broadcast_in_dim3A_383 : vector<16xi32>
        %broadcast_in_dim3A_385 = arith.constant 0 : i32
        %broadcast_in_dim3A_386 = vector.broadcast %broadcast_in_dim3A_385 : i32 to vector<16xi32>
        %ne3A_387 = arith.cmpi ne, %shift_right_logical3A_384, %broadcast_in_dim3A_386 : vector<16xi32>
        %mul3A_388 = arith.constant 16 : i32
        %mul3A_389 = arith.muli %scan3A_101, %mul3A_388 : i32
        %add3A_390 = arith.constant 10 : i32
        %add3A_391 = arith.addi %mul3A_389, %add3A_390 : i32
        %add3A_392 = arith.constant 1024 : i32
        %add3A_393 = arith.addi %add3A_391, %add3A_392 : i32
        %mul3A_394 = arith.constant 16 : i32
        %mul3A_395 = arith.muli %add3A_391, %mul3A_394 : i32
        %get3A_396 = arith.index_cast %mul3A_395 : i32 to index
        %get3A_397 = tpu.vector_load %arg7[%get3A_396] {strides = array<i32>} : memref<16384xi32, #tpu.memory_space<vmem>>, vector<16xi32>,
        %mul3A_398 = arith.constant 16 : i32
        %mul3A_399 = arith.muli %add3A_393, %mul3A_398 : i32
        %add3A_400 = vector.broadcast %mul3A_399 : i32 to vector<16xi32>
        %add3A_401 = arith.addi %iota3A, %add3A_400 : vector<16xi32>
        %broadcast_in_dim3A_402 = arith.constant 2047 : i32
        %broadcast_in_dim3A_403 = vector.broadcast %broadcast_in_dim3A_402 : i32 to vector<16xi32>
        %and3A_404 = arith.andi %get3A_397, %broadcast_in_dim3A_403 : vector<16xi32>
        %broadcast_in_dim3A_405 = arith.constant 11 : i32
        %broadcast_in_dim3A_406 = vector.broadcast %broadcast_in_dim3A_405 : i32 to vector<16xi32>
        %shift_right_logical3A_407 = arith.shrui %get3A_397, %broadcast_in_dim3A_406 : vector<16xi32>
        %broadcast_in_dim3A_408 = arith.constant 31 : i32
        %broadcast_in_dim3A_409 = vector.broadcast %broadcast_in_dim3A_408 : i32 to vector<16xi32>
        %and3A_410 = arith.andi %shift_right_logical3A_407, %broadcast_in_dim3A_409 : vector<16xi32>
        %broadcast_in_dim3A_411 = arith.constant 16 : i32
        %broadcast_in_dim3A_412 = vector.broadcast %broadcast_in_dim3A_411 : i32 to vector<16xi32>
        %shift_right_logical3A_413 = arith.shrui %get3A_397, %broadcast_in_dim3A_412 : vector<16xi32>
        %broadcast_in_dim3A_414 = arith.constant 0 : i32
        %broadcast_in_dim3A_415 = vector.broadcast %broadcast_in_dim3A_414 : i32 to vector<16xi32>
        %ne3A_416 = arith.cmpi ne, %shift_right_logical3A_413, %broadcast_in_dim3A_415 : vector<16xi32>
        %mul3A_417 = arith.constant 16 : i32
        %mul3A_418 = arith.muli %scan3A_101, %mul3A_417 : i32
        %add3A_419 = arith.constant 11 : i32
        %add3A_420 = arith.addi %mul3A_418, %add3A_419 : i32
        %add3A_421 = arith.constant 1024 : i32
        %add3A_422 = arith.addi %add3A_420, %add3A_421 : i32
        %mul3A_423 = arith.constant 16 : i32
        %mul3A_424 = arith.muli %add3A_420, %mul3A_423 : i32
        %get3A_425 = arith.index_cast %mul3A_424 : i32 to index
        %get3A_426 = tpu.vector_load %arg7[%get3A_425] {strides = array<i32>} : memref<16384xi32, #tpu.memory_space<vmem>>, vector<16xi32>,
        %mul3A_427 = arith.constant 16 : i32
        %mul3A_428 = arith.muli %add3A_422, %mul3A_427 : i32
        %add3A_429 = vector.broadcast %mul3A_428 : i32 to vector<16xi32>
        %add3A_430 = arith.addi %iota3A, %add3A_429 : vector<16xi32>
        %broadcast_in_dim3A_431 = arith.constant 2047 : i32
        %broadcast_in_dim3A_432 = vector.broadcast %broadcast_in_dim3A_431 : i32 to vector<16xi32>
        %and3A_433 = arith.andi %get3A_426, %broadcast_in_dim3A_432 : vector<16xi32>
        %broadcast_in_dim3A_434 = arith.constant 11 : i32
        %broadcast_in_dim3A_435 = vector.broadcast %broadcast_in_dim3A_434 : i32 to vector<16xi32>
        %shift_right_logical3A_436 = arith.shrui %get3A_426, %broadcast_in_dim3A_435 : vector<16xi32>
        %broadcast_in_dim3A_437 = arith.constant 31 : i32
        %broadcast_in_dim3A_438 = vector.broadcast %broadcast_in_dim3A_437 : i32 to vector<16xi32>
        %and3A_439 = arith.andi %shift_right_logical3A_436, %broadcast_in_dim3A_438 : vector<16xi32>
        %broadcast_in_dim3A_440 = arith.constant 16 : i32
        %broadcast_in_dim3A_441 = vector.broadcast %broadcast_in_dim3A_440 : i32 to vector<16xi32>
        %shift_right_logical3A_442 = arith.shrui %get3A_426, %broadcast_in_dim3A_441 : vector<16xi32>
        %broadcast_in_dim3A_443 = arith.constant 0 : i32
        %broadcast_in_dim3A_444 = vector.broadcast %broadcast_in_dim3A_443 : i32 to vector<16xi32>
        %ne3A_445 = arith.cmpi ne, %shift_right_logical3A_442, %broadcast_in_dim3A_444 : vector<16xi32>
        %mul3A_446 = arith.constant 16 : i32
        %mul3A_447 = arith.muli %scan3A_101, %mul3A_446 : i32
        %add3A_448 = arith.constant 12 : i32
        %add3A_449 = arith.addi %mul3A_447, %add3A_448 : i32
        %add3A_450 = arith.constant 1024 : i32
        %add3A_451 = arith.addi %add3A_449, %add3A_450 : i32
        %mul3A_452 = arith.constant 16 : i32
        %mul3A_453 = arith.muli %add3A_449, %mul3A_452 : i32
        %get3A_454 = arith.index_cast %mul3A_453 : i32 to index
        %get3A_455 = tpu.vector_load %arg7[%get3A_454] {strides = array<i32>} : memref<16384xi32, #tpu.memory_space<vmem>>, vector<16xi32>,
        %mul3A_456 = arith.constant 16 : i32
        %mul3A_457 = arith.muli %add3A_451, %mul3A_456 : i32
        %add3A_458 = vector.broadcast %mul3A_457 : i32 to vector<16xi32>
        %add3A_459 = arith.addi %iota3A, %add3A_458 : vector<16xi32>
        %broadcast_in_dim3A_460 = arith.constant 2047 : i32
        %broadcast_in_dim3A_461 = vector.broadcast %broadcast_in_dim3A_460 : i32 to vector<16xi32>
        %and3A_462 = arith.andi %get3A_455, %broadcast_in_dim3A_461 : vector<16xi32>
        %broadcast_in_dim3A_463 = arith.constant 11 : i32
        %broadcast_in_dim3A_464 = vector.broadcast %broadcast_in_dim3A_463 : i32 to vector<16xi32>
        %shift_right_logical3A_465 = arith.shrui %get3A_455, %broadcast_in_dim3A_464 : vector<16xi32>
        %broadcast_in_dim3A_466 = arith.constant 31 : i32
        %broadcast_in_dim3A_467 = vector.broadcast %broadcast_in_dim3A_466 : i32 to vector<16xi32>
        %and3A_468 = arith.andi %shift_right_logical3A_465, %broadcast_in_dim3A_467 : vector<16xi32>
        %broadcast_in_dim3A_469 = arith.constant 16 : i32
        %broadcast_in_dim3A_470 = vector.broadcast %broadcast_in_dim3A_469 : i32 to vector<16xi32>
        %shift_right_logical3A_471 = arith.shrui %get3A_455, %broadcast_in_dim3A_470 : vector<16xi32>
        %broadcast_in_dim3A_472 = arith.constant 0 : i32
        %broadcast_in_dim3A_473 = vector.broadcast %broadcast_in_dim3A_472 : i32 to vector<16xi32>
        %ne3A_474 = arith.cmpi ne, %shift_right_logical3A_471, %broadcast_in_dim3A_473 : vector<16xi32>
        %mul3A_475 = arith.constant 16 : i32
        %mul3A_476 = arith.muli %scan3A_101, %mul3A_475 : i32
        %add3A_477 = arith.constant 13 : i32
        %add3A_478 = arith.addi %mul3A_476, %add3A_477 : i32
        %add3A_479 = arith.constant 1024 : i32
        %add3A_480 = arith.addi %add3A_478, %add3A_479 : i32
        %mul3A_481 = arith.constant 16 : i32
        %mul3A_482 = arith.muli %add3A_478, %mul3A_481 : i32
        %get3A_483 = arith.index_cast %mul3A_482 : i32 to index
        %get3A_484 = tpu.vector_load %arg7[%get3A_483] {strides = array<i32>} : memref<16384xi32, #tpu.memory_space<vmem>>, vector<16xi32>,
        %mul3A_485 = arith.constant 16 : i32
        %mul3A_486 = arith.muli %add3A_480, %mul3A_485 : i32
        %add3A_487 = vector.broadcast %mul3A_486 : i32 to vector<16xi32>
        %add3A_488 = arith.addi %iota3A, %add3A_487 : vector<16xi32>
        %broadcast_in_dim3A_489 = arith.constant 2047 : i32
        %broadcast_in_dim3A_490 = vector.broadcast %broadcast_in_dim3A_489 : i32 to vector<16xi32>
        %and3A_491 = arith.andi %get3A_484, %broadcast_in_dim3A_490 : vector<16xi32>
        %broadcast_in_dim3A_492 = arith.constant 11 : i32
        %broadcast_in_dim3A_493 = vector.broadcast %broadcast_in_dim3A_492 : i32 to vector<16xi32>
        %shift_right_logical3A_494 = arith.shrui %get3A_484, %broadcast_in_dim3A_493 : vector<16xi32>
        %broadcast_in_dim3A_495 = arith.constant 31 : i32
        %broadcast_in_dim3A_496 = vector.broadcast %broadcast_in_dim3A_495 : i32 to vector<16xi32>
        %and3A_497 = arith.andi %shift_right_logical3A_494, %broadcast_in_dim3A_496 : vector<16xi32>
        %broadcast_in_dim3A_498 = arith.constant 16 : i32
        %broadcast_in_dim3A_499 = vector.broadcast %broadcast_in_dim3A_498 : i32 to vector<16xi32>
        %shift_right_logical3A_500 = arith.shrui %get3A_484, %broadcast_in_dim3A_499 : vector<16xi32>
        %broadcast_in_dim3A_501 = arith.constant 0 : i32
        %broadcast_in_dim3A_502 = vector.broadcast %broadcast_in_dim3A_501 : i32 to vector<16xi32>
        %ne3A_503 = arith.cmpi ne, %shift_right_logical3A_500, %broadcast_in_dim3A_502 : vector<16xi32>
        %mul3A_504 = arith.constant 16 : i32
        %mul3A_505 = arith.muli %scan3A_101, %mul3A_504 : i32
        %add3A_506 = arith.constant 14 : i32
        %add3A_507 = arith.addi %mul3A_505, %add3A_506 : i32
        %add3A_508 = arith.constant 1024 : i32
        %add3A_509 = arith.addi %add3A_507, %add3A_508 : i32
        %mul3A_510 = arith.constant 16 : i32
        %mul3A_511 = arith.muli %add3A_507, %mul3A_510 : i32
        %get3A_512 = arith.index_cast %mul3A_511 : i32 to index
        %get3A_513 = tpu.vector_load %arg7[%get3A_512] {strides = array<i32>} : memref<16384xi32, #tpu.memory_space<vmem>>, vector<16xi32>,
        %mul3A_514 = arith.constant 16 : i32
        %mul3A_515 = arith.muli %add3A_509, %mul3A_514 : i32
        %add3A_516 = vector.broadcast %mul3A_515 : i32 to vector<16xi32>
        %add3A_517 = arith.addi %iota3A, %add3A_516 : vector<16xi32>
        %broadcast_in_dim3A_518 = arith.constant 2047 : i32
        %broadcast_in_dim3A_519 = vector.broadcast %broadcast_in_dim3A_518 : i32 to vector<16xi32>
        %and3A_520 = arith.andi %get3A_513, %broadcast_in_dim3A_519 : vector<16xi32>
        %broadcast_in_dim3A_521 = arith.constant 11 : i32
        %broadcast_in_dim3A_522 = vector.broadcast %broadcast_in_dim3A_521 : i32 to vector<16xi32>
        %shift_right_logical3A_523 = arith.shrui %get3A_513, %broadcast_in_dim3A_522 : vector<16xi32>
        %broadcast_in_dim3A_524 = arith.constant 31 : i32
        %broadcast_in_dim3A_525 = vector.broadcast %broadcast_in_dim3A_524 : i32 to vector<16xi32>
        %and3A_526 = arith.andi %shift_right_logical3A_523, %broadcast_in_dim3A_525 : vector<16xi32>
        %broadcast_in_dim3A_527 = arith.constant 16 : i32
        %broadcast_in_dim3A_528 = vector.broadcast %broadcast_in_dim3A_527 : i32 to vector<16xi32>
        %shift_right_logical3A_529 = arith.shrui %get3A_513, %broadcast_in_dim3A_528 : vector<16xi32>
        %broadcast_in_dim3A_530 = arith.constant 0 : i32
        %broadcast_in_dim3A_531 = vector.broadcast %broadcast_in_dim3A_530 : i32 to vector<16xi32>
        %ne3A_532 = arith.cmpi ne, %shift_right_logical3A_529, %broadcast_in_dim3A_531 : vector<16xi32>
        %mul3A_533 = arith.constant 16 : i32
        %mul3A_534 = arith.muli %scan3A_101, %mul3A_533 : i32
        %add3A_535 = arith.constant 15 : i32
        %add3A_536 = arith.addi %mul3A_534, %add3A_535 : i32
        %add3A_537 = arith.constant 1024 : i32
        %add3A_538 = arith.addi %add3A_536, %add3A_537 : i32
        %mul3A_539 = arith.constant 16 : i32
        %mul3A_540 = arith.muli %add3A_536, %mul3A_539 : i32
        %get3A_541 = arith.index_cast %mul3A_540 : i32 to index
        %get3A_542 = tpu.vector_load %arg7[%get3A_541] {strides = array<i32>} : memref<16384xi32, #tpu.memory_space<vmem>>, vector<16xi32>,
        %mul3A_543 = arith.constant 16 : i32
        %mul3A_544 = arith.muli %add3A_538, %mul3A_543 : i32
        %add3A_545 = vector.broadcast %mul3A_544 : i32 to vector<16xi32>
        %add3A_546 = arith.addi %iota3A, %add3A_545 : vector<16xi32>
        %broadcast_in_dim3A_547 = arith.constant 2047 : i32
        %broadcast_in_dim3A_548 = vector.broadcast %broadcast_in_dim3A_547 : i32 to vector<16xi32>
        %and3A_549 = arith.andi %get3A_542, %broadcast_in_dim3A_548 : vector<16xi32>
        %broadcast_in_dim3A_550 = arith.constant 11 : i32
        %broadcast_in_dim3A_551 = vector.broadcast %broadcast_in_dim3A_550 : i32 to vector<16xi32>
        %shift_right_logical3A_552 = arith.shrui %get3A_542, %broadcast_in_dim3A_551 : vector<16xi32>
        %broadcast_in_dim3A_553 = arith.constant 31 : i32
        %broadcast_in_dim3A_554 = vector.broadcast %broadcast_in_dim3A_553 : i32 to vector<16xi32>
        %and3A_555 = arith.andi %shift_right_logical3A_552, %broadcast_in_dim3A_554 : vector<16xi32>
        %broadcast_in_dim3A_556 = arith.constant 16 : i32
        %broadcast_in_dim3A_557 = vector.broadcast %broadcast_in_dim3A_556 : i32 to vector<16xi32>
        %shift_right_logical3A_558 = arith.shrui %get3A_542, %broadcast_in_dim3A_557 : vector<16xi32>
        %broadcast_in_dim3A_559 = arith.constant 0 : i32
        %broadcast_in_dim3A_560 = vector.broadcast %broadcast_in_dim3A_559 : i32 to vector<16xi32>
        %ne3A_561 = arith.cmpi ne, %shift_right_logical3A_558, %broadcast_in_dim3A_560 : vector<16xi32>
        %gather3A = tpu.vector_load_idx %arg8[%and3A] : memref<2048xi32, #tpu.memory_space<vmem>>[vector<16xi32>], vector<16xi32>,
        %add3A_562 = arith.addi %gather3A, %and3A_121 : vector<16xi32>
        tpu.vector_store_idx %arg8[%and3A], %add3A_562 masked %ne3A : memref<2048xi32, #tpu.memory_space<vmem>>[vector<16xi32>], vector<16xi32>, vector<16xi1>
        tpu.vector_store_idx %arg5[%add3A_562], %add3A_115 : memref<32768xi32, #tpu.memory_space<vmem>>[vector<16xi32>], vector<16xi32>,
        %gather3A_563 = tpu.vector_load_idx %arg8[%and3A_143] : memref<2048xi32, #tpu.memory_space<vmem>>[vector<16xi32>], vector<16xi32>,
        %add3A_564 = arith.addi %gather3A_563, %and3A_149 : vector<16xi32>
        tpu.vector_store_idx %arg8[%and3A_143], %add3A_564 masked %ne3A_155 : memref<2048xi32, #tpu.memory_space<vmem>>[vector<16xi32>], vector<16xi32>, vector<16xi1>
        tpu.vector_store_idx %arg5[%add3A_564], %add3A_140 : memref<32768xi32, #tpu.memory_space<vmem>>[vector<16xi32>], vector<16xi32>,
        %gather3A_565 = tpu.vector_load_idx %arg8[%and3A_172] : memref<2048xi32, #tpu.memory_space<vmem>>[vector<16xi32>], vector<16xi32>,
        %add3A_566 = arith.addi %gather3A_565, %and3A_178 : vector<16xi32>
        tpu.vector_store_idx %arg8[%and3A_172], %add3A_566 masked %ne3A_184 : memref<2048xi32, #tpu.memory_space<vmem>>[vector<16xi32>], vector<16xi32>, vector<16xi1>
        tpu.vector_store_idx %arg5[%add3A_566], %add3A_169 : memref<32768xi32, #tpu.memory_space<vmem>>[vector<16xi32>], vector<16xi32>,
        %gather3A_567 = tpu.vector_load_idx %arg8[%and3A_201] : memref<2048xi32, #tpu.memory_space<vmem>>[vector<16xi32>], vector<16xi32>,
        %add3A_568 = arith.addi %gather3A_567, %and3A_207 : vector<16xi32>
        tpu.vector_store_idx %arg8[%and3A_201], %add3A_568 masked %ne3A_213 : memref<2048xi32, #tpu.memory_space<vmem>>[vector<16xi32>], vector<16xi32>, vector<16xi1>
        tpu.vector_store_idx %arg5[%add3A_568], %add3A_198 : memref<32768xi32, #tpu.memory_space<vmem>>[vector<16xi32>], vector<16xi32>,
        %gather3A_569 = tpu.vector_load_idx %arg8[%and3A_230] : memref<2048xi32, #tpu.memory_space<vmem>>[vector<16xi32>], vector<16xi32>,
        %add3A_570 = arith.addi %gather3A_569, %and3A_236 : vector<16xi32>
        tpu.vector_store_idx %arg8[%and3A_230], %add3A_570 masked %ne3A_242 : memref<2048xi32, #tpu.memory_space<vmem>>[vector<16xi32>], vector<16xi32>, vector<16xi1>
        tpu.vector_store_idx %arg5[%add3A_570], %add3A_227 : memref<32768xi32, #tpu.memory_space<vmem>>[vector<16xi32>], vector<16xi32>,
        %gather3A_571 = tpu.vector_load_idx %arg8[%and3A_259] : memref<2048xi32, #tpu.memory_space<vmem>>[vector<16xi32>], vector<16xi32>,
        %add3A_572 = arith.addi %gather3A_571, %and3A_265 : vector<16xi32>
        tpu.vector_store_idx %arg8[%and3A_259], %add3A_572 masked %ne3A_271 : memref<2048xi32, #tpu.memory_space<vmem>>[vector<16xi32>], vector<16xi32>, vector<16xi1>
        tpu.vector_store_idx %arg5[%add3A_572], %add3A_256 : memref<32768xi32, #tpu.memory_space<vmem>>[vector<16xi32>], vector<16xi32>,
        %gather3A_573 = tpu.vector_load_idx %arg8[%and3A_288] : memref<2048xi32, #tpu.memory_space<vmem>>[vector<16xi32>], vector<16xi32>,
        %add3A_574 = arith.addi %gather3A_573, %and3A_294 : vector<16xi32>
        tpu.vector_store_idx %arg8[%and3A_288], %add3A_574 masked %ne3A_300 : memref<2048xi32, #tpu.memory_space<vmem>>[vector<16xi32>], vector<16xi32>, vector<16xi1>
        tpu.vector_store_idx %arg5[%add3A_574], %add3A_285 : memref<32768xi32, #tpu.memory_space<vmem>>[vector<16xi32>], vector<16xi32>,
        %gather3A_575 = tpu.vector_load_idx %arg8[%and3A_317] : memref<2048xi32, #tpu.memory_space<vmem>>[vector<16xi32>], vector<16xi32>,
        %add3A_576 = arith.addi %gather3A_575, %and3A_323 : vector<16xi32>
        tpu.vector_store_idx %arg8[%and3A_317], %add3A_576 masked %ne3A_329 : memref<2048xi32, #tpu.memory_space<vmem>>[vector<16xi32>], vector<16xi32>, vector<16xi1>
        tpu.vector_store_idx %arg5[%add3A_576], %add3A_314 : memref<32768xi32, #tpu.memory_space<vmem>>[vector<16xi32>], vector<16xi32>,
        %gather3A_577 = tpu.vector_load_idx %arg8[%and3A_346] : memref<2048xi32, #tpu.memory_space<vmem>>[vector<16xi32>], vector<16xi32>,
        %add3A_578 = arith.addi %gather3A_577, %and3A_352 : vector<16xi32>
        tpu.vector_store_idx %arg8[%and3A_346], %add3A_578 masked %ne3A_358 : memref<2048xi32, #tpu.memory_space<vmem>>[vector<16xi32>], vector<16xi32>, vector<16xi1>
        tpu.vector_store_idx %arg5[%add3A_578], %add3A_343 : memref<32768xi32, #tpu.memory_space<vmem>>[vector<16xi32>], vector<16xi32>,
        %gather3A_579 = tpu.vector_load_idx %arg8[%and3A_375] : memref<2048xi32, #tpu.memory_space<vmem>>[vector<16xi32>], vector<16xi32>,
        %add3A_580 = arith.addi %gather3A_579, %and3A_381 : vector<16xi32>
        tpu.vector_store_idx %arg8[%and3A_375], %add3A_580 masked %ne3A_387 : memref<2048xi32, #tpu.memory_space<vmem>>[vector<16xi32>], vector<16xi32>, vector<16xi1>
        tpu.vector_store_idx %arg5[%add3A_580], %add3A_372 : memref<32768xi32, #tpu.memory_space<vmem>>[vector<16xi32>], vector<16xi32>,
        %gather3A_581 = tpu.vector_load_idx %arg8[%and3A_404] : memref<2048xi32, #tpu.memory_space<vmem>>[vector<16xi32>], vector<16xi32>,
        %add3A_582 = arith.addi %gather3A_581, %and3A_410 : vector<16xi32>
        tpu.vector_store_idx %arg8[%and3A_404], %add3A_582 masked %ne3A_416 : memref<2048xi32, #tpu.memory_space<vmem>>[vector<16xi32>], vector<16xi32>, vector<16xi1>
        tpu.vector_store_idx %arg5[%add3A_582], %add3A_401 : memref<32768xi32, #tpu.memory_space<vmem>>[vector<16xi32>], vector<16xi32>,
        %gather3A_583 = tpu.vector_load_idx %arg8[%and3A_433] : memref<2048xi32, #tpu.memory_space<vmem>>[vector<16xi32>], vector<16xi32>,
        %add3A_584 = arith.addi %gather3A_583, %and3A_439 : vector<16xi32>
        tpu.vector_store_idx %arg8[%and3A_433], %add3A_584 masked %ne3A_445 : memref<2048xi32, #tpu.memory_space<vmem>>[vector<16xi32>], vector<16xi32>, vector<16xi1>
        tpu.vector_store_idx %arg5[%add3A_584], %add3A_430 : memref<32768xi32, #tpu.memory_space<vmem>>[vector<16xi32>], vector<16xi32>,
        %gather3A_585 = tpu.vector_load_idx %arg8[%and3A_462] : memref<2048xi32, #tpu.memory_space<vmem>>[vector<16xi32>], vector<16xi32>,
        %add3A_586 = arith.addi %gather3A_585, %and3A_468 : vector<16xi32>
        tpu.vector_store_idx %arg8[%and3A_462], %add3A_586 masked %ne3A_474 : memref<2048xi32, #tpu.memory_space<vmem>>[vector<16xi32>], vector<16xi32>, vector<16xi1>
        tpu.vector_store_idx %arg5[%add3A_586], %add3A_459 : memref<32768xi32, #tpu.memory_space<vmem>>[vector<16xi32>], vector<16xi32>,
        %gather3A_587 = tpu.vector_load_idx %arg8[%and3A_491] : memref<2048xi32, #tpu.memory_space<vmem>>[vector<16xi32>], vector<16xi32>,
        %add3A_588 = arith.addi %gather3A_587, %and3A_497 : vector<16xi32>
        tpu.vector_store_idx %arg8[%and3A_491], %add3A_588 masked %ne3A_503 : memref<2048xi32, #tpu.memory_space<vmem>>[vector<16xi32>], vector<16xi32>, vector<16xi1>
        tpu.vector_store_idx %arg5[%add3A_588], %add3A_488 : memref<32768xi32, #tpu.memory_space<vmem>>[vector<16xi32>], vector<16xi32>,
        %gather3A_589 = tpu.vector_load_idx %arg8[%and3A_520] : memref<2048xi32, #tpu.memory_space<vmem>>[vector<16xi32>], vector<16xi32>,
        %add3A_590 = arith.addi %gather3A_589, %and3A_526 : vector<16xi32>
        tpu.vector_store_idx %arg8[%and3A_520], %add3A_590 masked %ne3A_532 : memref<2048xi32, #tpu.memory_space<vmem>>[vector<16xi32>], vector<16xi32>, vector<16xi1>
        tpu.vector_store_idx %arg5[%add3A_590], %add3A_517 : memref<32768xi32, #tpu.memory_space<vmem>>[vector<16xi32>], vector<16xi32>,
        %gather3A_591 = tpu.vector_load_idx %arg8[%and3A_549] : memref<2048xi32, #tpu.memory_space<vmem>>[vector<16xi32>], vector<16xi32>,
        %add3A_592 = arith.addi %gather3A_591, %and3A_555 : vector<16xi32>
        tpu.vector_store_idx %arg8[%and3A_549], %add3A_592 masked %ne3A_561 : memref<2048xi32, #tpu.memory_space<vmem>>[vector<16xi32>], vector<16xi32>, vector<16xi1>
        tpu.vector_store_idx %arg5[%add3A_592], %add3A_546 : memref<32768xi32, #tpu.memory_space<vmem>>[vector<16xi32>], vector<16xi32>,
        %scan3A_593 = arith.constant 0 : i32
        scf.yield %scan3A_593 : i32
      }
      %scan3A_43 = arith.constant 64 : i32
      %scan3A_44 = arith.constant -1 : i32
      %scan3A_45 = arith.constant 0 : i32
      %scan3A_46 = arith.constant 128 : i32
      %scan3A_47 = arith.addi %scan3A_45, %scan3A_46 : i32
      %scan3A_48 = arith.constant 1 : i32
      %scan3A_49 = scf.for %scan3A_101 = %scan3A_45 to %scan3A_47 step %scan3A_48 iter_args(%scan3A_102 = %scan3A_44) -> (i32)  : i32 {
        %mul3A_103 = arith.constant 16 : i32
        %mul3A_104 = arith.muli %scan3A_101, %mul3A_103 : i32
        %get3A = arith.index_cast %mul3A_104 : i32 to index
        %get3A_105 = tpu.vector_load %arg9[%get3A] {strides = array<i32>} : memref<2048xi32, #tpu.memory_space<vmem>>, vector<16xi32>,
        %broadcast_in_dim3A = arith.constant true
        %broadcast_in_dim3A_106 = vector.broadcast %broadcast_in_dim3A : i1 to vector<16xi1>
        %masked_cumsum3A = tpu.scan <sum>, %get3A_105 masked %broadcast_in_dim3A_106 : vector<16xi32>, vector<16xi1> -> vector<16xi32>
        %sub3A = arith.subi %masked_cumsum3A, %get3A_105 : vector<16xi32>
        %add3A_107 = vector.broadcast %scan3A_102 : i32 to vector<16xi32>
        %add3A_108 = arith.addi %sub3A, %add3A_107 : vector<16xi32>
        %mul3A_109 = arith.constant 16 : i32
        %mul3A_110 = arith.muli %scan3A_101, %mul3A_109 : i32
        %swap3A = arith.index_cast %mul3A_110 : i32 to index
        %swap3A_111 = tpu.vector_load %arg9[%swap3A] {strides = array<i32>} : memref<2048xi32, #tpu.memory_space<vmem>>, vector<16xi32>,
        tpu.vector_store %arg9[%swap3A], %add3A_108 {strides = array<i32>} : memref<2048xi32, #tpu.memory_space<vmem>>, vector<16xi32>,
        %reduce_sum3A = arith.constant true
        %reduce_sum3A_112 = vector.broadcast %reduce_sum3A : i1 to vector<16xi1>
        %reduce_sum3A_113 = tpu.scan <sum>, %get3A_105 masked %reduce_sum3A_112 : vector<16xi32>, vector<16xi1> -> vector<16xi32>
        %reduce_sum3A_114 = vector.extract %reduce_sum3A_113[15] : i32 from vector<16xi32>
        %add3A_115 = arith.addi %scan3A_102, %reduce_sum3A_114 : i32
        scf.yield %add3A_115 : i32
      }
      %scan3A_50 = arith.constant 128 : i32
      %iota3A_51 = tpu.iota {dimensions = array<i32: 0>} : vector<16xi32>
      %parallel_loop3A_52 = arith.constant 0 : i32
      %parallel_loop3A_53 = arith.constant 1024 : i32
      %parallel_loop3A_54 = arith.constant 1 : i32
      scf.for %parallel_loop3A_101 = %parallel_loop3A_52 to %parallel_loop3A_53 step %parallel_loop3A_54  : i32 {
        %parallel_loop3A_102 = arith.constant 0 : i32
        %parallel_loop3A_103 = arith.addi %parallel_loop3A_101, %parallel_loop3A_102 : i32
        %parallel_loop3A_104 = arith.constant 16 : i32
        %parallel_loop3A_105 = arith.muli %parallel_loop3A_103, %parallel_loop3A_104 : i32
        %parallel_loop3A_106 = arith.index_cast %parallel_loop3A_105 : i32 to index
        %parallel_loop3A_107 = tpu.vector_load %arg5[%parallel_loop3A_106] {strides = array<i32>} : memref<32768xi32, #tpu.memory_space<vmem>>, vector<16xi32>,
        %parallel_loop3A_108 = tpu.vector_load_idx %arg4[%parallel_loop3A_107] : memref<32768xf32, #tpu.memory_space<vmem>>[vector<16xi32>], vector<16xf32>,
        %parallel_loop3A_109 = vector.bitcast %parallel_loop3A_108 : vector<16xf32> to vector<16xi32>
        %parallel_loop3A_110 = arith.constant 11 : i32
        %parallel_loop3A_111 = vector.broadcast %parallel_loop3A_110 : i32 to vector<16xi32>
        %parallel_loop3A_112 = arith.shrui %parallel_loop3A_109, %parallel_loop3A_111 : vector<16xi32>
        %parallel_loop3A_113 = arith.constant 2047 : i32
        %parallel_loop3A_114 = vector.broadcast %parallel_loop3A_113 : i32 to vector<16xi32>
        %parallel_loop3A_115 = arith.andi %parallel_loop3A_112, %parallel_loop3A_114 : vector<16xi32>
        %parallel_loop3A_116 = arith.constant true
        %parallel_loop3A_117 = vector.broadcast %parallel_loop3A_116 : i1 to vector<16xi1>
        %parallel_loop3A_118, %parallel_loop3A_119 = tpu.scan_count mask(%parallel_loop3A_117 : vector<16xi1>) value(%parallel_loop3A_115 : vector<16xi32>) : vector<16xi1>, vector<16xi32>
        %parallel_loop3A_120 = arith.extui %parallel_loop3A_118 : vector<16xi1> to vector<16xi32>
        %parallel_loop3A_121 = arith.constant 11 : i32
        %parallel_loop3A_122 = vector.broadcast %parallel_loop3A_121 : i32 to vector<16xi32>
        %parallel_loop3A_123 = arith.shli %parallel_loop3A_119, %parallel_loop3A_122 : vector<16xi32>
        %parallel_loop3A_124 = arith.constant 16 : i32
        %parallel_loop3A_125 = vector.broadcast %parallel_loop3A_124 : i32 to vector<16xi32>
        %parallel_loop3A_126 = arith.shli %parallel_loop3A_120, %parallel_loop3A_125 : vector<16xi32>
        %parallel_loop3A_127 = arith.ori %parallel_loop3A_123, %parallel_loop3A_126 : vector<16xi32>
        %parallel_loop3A_128 = arith.ori %parallel_loop3A_115, %parallel_loop3A_127 : vector<16xi32>
        %parallel_loop3A_129 = arith.constant 16 : i32
        %parallel_loop3A_130 = arith.muli %parallel_loop3A_101, %parallel_loop3A_129 : i32
        %parallel_loop3A_131 = arith.index_cast %parallel_loop3A_130 : i32 to index
        %parallel_loop3A_132 = tpu.vector_load %arg7[%parallel_loop3A_131] {strides = array<i32>} : memref<16384xi32, #tpu.memory_space<vmem>>, vector<16xi32>,
        tpu.vector_store %arg7[%parallel_loop3A_131], %parallel_loop3A_128 {strides = array<i32>} : memref<16384xi32, #tpu.memory_space<vmem>>, vector<16xi32>,
      } {sc.loop_unroll_factor = 8 : i64, sc.parallel_access}
      %scan3A_55 = arith.constant 0 : i32
      %scan3A_56 = arith.constant 0 : i32
      %scan3A_57 = arith.constant 64 : i32
      %scan3A_58 = arith.addi %scan3A_56, %scan3A_57 : i32
      %scan3A_59 = arith.constant 1 : i32
      %scan3A_60 = scf.for %scan3A_101 = %scan3A_56 to %scan3A_58 step %scan3A_59 iter_args(%scan3A_102 = %scan3A_55) -> (i32)  : i32 {
        %mul3A_103 = arith.constant 16 : i32
        %mul3A_104 = arith.muli %scan3A_101, %mul3A_103 : i32
        %add3A_105 = arith.constant 0 : i32
        %add3A_106 = arith.addi %mul3A_104, %add3A_105 : i32
        %add3A_107 = arith.constant 0 : i32
        %add3A_108 = arith.addi %add3A_106, %add3A_107 : i32
        %mul3A_109 = arith.constant 16 : i32
        %mul3A_110 = arith.muli %add3A_106, %mul3A_109 : i32
        %get3A = arith.index_cast %mul3A_110 : i32 to index
        %get3A_111 = tpu.vector_load %arg7[%get3A] {strides = array<i32>} : memref<16384xi32, #tpu.memory_space<vmem>>, vector<16xi32>,
        %mul3A_112 = arith.constant 16 : i32
        %mul3A_113 = arith.muli %add3A_108, %mul3A_112 : i32
        %get3A_114 = arith.index_cast %mul3A_113 : i32 to index
        %get3A_115 = tpu.vector_load %arg5[%get3A_114] {strides = array<i32>} : memref<32768xi32, #tpu.memory_space<vmem>>, vector<16xi32>,
        %broadcast_in_dim3A = arith.constant 2047 : i32
        %broadcast_in_dim3A_116 = vector.broadcast %broadcast_in_dim3A : i32 to vector<16xi32>
        %and3A = arith.andi %get3A_111, %broadcast_in_dim3A_116 : vector<16xi32>
        %broadcast_in_dim3A_117 = arith.constant 11 : i32
        %broadcast_in_dim3A_118 = vector.broadcast %broadcast_in_dim3A_117 : i32 to vector<16xi32>
        %shift_right_logical3A = arith.shrui %get3A_111, %broadcast_in_dim3A_118 : vector<16xi32>
        %broadcast_in_dim3A_119 = arith.constant 31 : i32
        %broadcast_in_dim3A_120 = vector.broadcast %broadcast_in_dim3A_119 : i32 to vector<16xi32>
        %and3A_121 = arith.andi %shift_right_logical3A, %broadcast_in_dim3A_120 : vector<16xi32>
        %broadcast_in_dim3A_122 = arith.constant 16 : i32
        %broadcast_in_dim3A_123 = vector.broadcast %broadcast_in_dim3A_122 : i32 to vector<16xi32>
        %shift_right_logical3A_124 = arith.shrui %get3A_111, %broadcast_in_dim3A_123 : vector<16xi32>
        %broadcast_in_dim3A_125 = arith.constant 0 : i32
        %broadcast_in_dim3A_126 = vector.broadcast %broadcast_in_dim3A_125 : i32 to vector<16xi32>
        %ne3A = arith.cmpi ne, %shift_right_logical3A_124, %broadcast_in_dim3A_126 : vector<16xi32>
        %mul3A_127 = arith.constant 16 : i32
        %mul3A_128 = arith.muli %scan3A_101, %mul3A_127 : i32
        %add3A_129 = arith.constant 1 : i32
        %add3A_130 = arith.addi %mul3A_128, %add3A_129 : i32
        %add3A_131 = arith.constant 0 : i32
        %add3A_132 = arith.addi %add3A_130, %add3A_131 : i32
        %mul3A_133 = arith.constant 16 : i32
        %mul3A_134 = arith.muli %add3A_130, %mul3A_133 : i32
        %get3A_135 = arith.index_cast %mul3A_134 : i32 to index
        %get3A_136 = tpu.vector_load %arg7[%get3A_135] {strides = array<i32>} : memref<16384xi32, #tpu.memory_space<vmem>>, vector<16xi32>,
        %mul3A_137 = arith.constant 16 : i32
        %mul3A_138 = arith.muli %add3A_132, %mul3A_137 : i32
        %get3A_139 = arith.index_cast %mul3A_138 : i32 to index
        %get3A_140 = tpu.vector_load %arg5[%get3A_139] {strides = array<i32>} : memref<32768xi32, #tpu.memory_space<vmem>>, vector<16xi32>,
        %broadcast_in_dim3A_141 = arith.constant 2047 : i32
        %broadcast_in_dim3A_142 = vector.broadcast %broadcast_in_dim3A_141 : i32 to vector<16xi32>
        %and3A_143 = arith.andi %get3A_136, %broadcast_in_dim3A_142 : vector<16xi32>
        %broadcast_in_dim3A_144 = arith.constant 11 : i32
        %broadcast_in_dim3A_145 = vector.broadcast %broadcast_in_dim3A_144 : i32 to vector<16xi32>
        %shift_right_logical3A_146 = arith.shrui %get3A_136, %broadcast_in_dim3A_145 : vector<16xi32>
        %broadcast_in_dim3A_147 = arith.constant 31 : i32
        %broadcast_in_dim3A_148 = vector.broadcast %broadcast_in_dim3A_147 : i32 to vector<16xi32>
        %and3A_149 = arith.andi %shift_right_logical3A_146, %broadcast_in_dim3A_148 : vector<16xi32>
        %broadcast_in_dim3A_150 = arith.constant 16 : i32
        %broadcast_in_dim3A_151 = vector.broadcast %broadcast_in_dim3A_150 : i32 to vector<16xi32>
        %shift_right_logical3A_152 = arith.shrui %get3A_136, %broadcast_in_dim3A_151 : vector<16xi32>
        %broadcast_in_dim3A_153 = arith.constant 0 : i32
        %broadcast_in_dim3A_154 = vector.broadcast %broadcast_in_dim3A_153 : i32 to vector<16xi32>
        %ne3A_155 = arith.cmpi ne, %shift_right_logical3A_152, %broadcast_in_dim3A_154 : vector<16xi32>
        %mul3A_156 = arith.constant 16 : i32
        %mul3A_157 = arith.muli %scan3A_101, %mul3A_156 : i32
        %add3A_158 = arith.constant 2 : i32
        %add3A_159 = arith.addi %mul3A_157, %add3A_158 : i32
        %add3A_160 = arith.constant 0 : i32
        %add3A_161 = arith.addi %add3A_159, %add3A_160 : i32
        %mul3A_162 = arith.constant 16 : i32
        %mul3A_163 = arith.muli %add3A_159, %mul3A_162 : i32
        %get3A_164 = arith.index_cast %mul3A_163 : i32 to index
        %get3A_165 = tpu.vector_load %arg7[%get3A_164] {strides = array<i32>} : memref<16384xi32, #tpu.memory_space<vmem>>, vector<16xi32>,
        %mul3A_166 = arith.constant 16 : i32
        %mul3A_167 = arith.muli %add3A_161, %mul3A_166 : i32
        %get3A_168 = arith.index_cast %mul3A_167 : i32 to index
        %get3A_169 = tpu.vector_load %arg5[%get3A_168] {strides = array<i32>} : memref<32768xi32, #tpu.memory_space<vmem>>, vector<16xi32>,
        %broadcast_in_dim3A_170 = arith.constant 2047 : i32
        %broadcast_in_dim3A_171 = vector.broadcast %broadcast_in_dim3A_170 : i32 to vector<16xi32>
        %and3A_172 = arith.andi %get3A_165, %broadcast_in_dim3A_171 : vector<16xi32>
        %broadcast_in_dim3A_173 = arith.constant 11 : i32
        %broadcast_in_dim3A_174 = vector.broadcast %broadcast_in_dim3A_173 : i32 to vector<16xi32>
        %shift_right_logical3A_175 = arith.shrui %get3A_165, %broadcast_in_dim3A_174 : vector<16xi32>
        %broadcast_in_dim3A_176 = arith.constant 31 : i32
        %broadcast_in_dim3A_177 = vector.broadcast %broadcast_in_dim3A_176 : i32 to vector<16xi32>
        %and3A_178 = arith.andi %shift_right_logical3A_175, %broadcast_in_dim3A_177 : vector<16xi32>
        %broadcast_in_dim3A_179 = arith.constant 16 : i32
        %broadcast_in_dim3A_180 = vector.broadcast %broadcast_in_dim3A_179 : i32 to vector<16xi32>
        %shift_right_logical3A_181 = arith.shrui %get3A_165, %broadcast_in_dim3A_180 : vector<16xi32>
        %broadcast_in_dim3A_182 = arith.constant 0 : i32
        %broadcast_in_dim3A_183 = vector.broadcast %broadcast_in_dim3A_182 : i32 to vector<16xi32>
        %ne3A_184 = arith.cmpi ne, %shift_right_logical3A_181, %broadcast_in_dim3A_183 : vector<16xi32>
        %mul3A_185 = arith.constant 16 : i32
        %mul3A_186 = arith.muli %scan3A_101, %mul3A_185 : i32
        %add3A_187 = arith.constant 3 : i32
        %add3A_188 = arith.addi %mul3A_186, %add3A_187 : i32
        %add3A_189 = arith.constant 0 : i32
        %add3A_190 = arith.addi %add3A_188, %add3A_189 : i32
        %mul3A_191 = arith.constant 16 : i32
        %mul3A_192 = arith.muli %add3A_188, %mul3A_191 : i32
        %get3A_193 = arith.index_cast %mul3A_192 : i32 to index
        %get3A_194 = tpu.vector_load %arg7[%get3A_193] {strides = array<i32>} : memref<16384xi32, #tpu.memory_space<vmem>>, vector<16xi32>,
        %mul3A_195 = arith.constant 16 : i32
        %mul3A_196 = arith.muli %add3A_190, %mul3A_195 : i32
        %get3A_197 = arith.index_cast %mul3A_196 : i32 to index
        %get3A_198 = tpu.vector_load %arg5[%get3A_197] {strides = array<i32>} : memref<32768xi32, #tpu.memory_space<vmem>>, vector<16xi32>,
        %broadcast_in_dim3A_199 = arith.constant 2047 : i32
        %broadcast_in_dim3A_200 = vector.broadcast %broadcast_in_dim3A_199 : i32 to vector<16xi32>
        %and3A_201 = arith.andi %get3A_194, %broadcast_in_dim3A_200 : vector<16xi32>
        %broadcast_in_dim3A_202 = arith.constant 11 : i32
        %broadcast_in_dim3A_203 = vector.broadcast %broadcast_in_dim3A_202 : i32 to vector<16xi32>
        %shift_right_logical3A_204 = arith.shrui %get3A_194, %broadcast_in_dim3A_203 : vector<16xi32>
        %broadcast_in_dim3A_205 = arith.constant 31 : i32
        %broadcast_in_dim3A_206 = vector.broadcast %broadcast_in_dim3A_205 : i32 to vector<16xi32>
        %and3A_207 = arith.andi %shift_right_logical3A_204, %broadcast_in_dim3A_206 : vector<16xi32>
        %broadcast_in_dim3A_208 = arith.constant 16 : i32
        %broadcast_in_dim3A_209 = vector.broadcast %broadcast_in_dim3A_208 : i32 to vector<16xi32>
        %shift_right_logical3A_210 = arith.shrui %get3A_194, %broadcast_in_dim3A_209 : vector<16xi32>
        %broadcast_in_dim3A_211 = arith.constant 0 : i32
        %broadcast_in_dim3A_212 = vector.broadcast %broadcast_in_dim3A_211 : i32 to vector<16xi32>
        %ne3A_213 = arith.cmpi ne, %shift_right_logical3A_210, %broadcast_in_dim3A_212 : vector<16xi32>
        %mul3A_214 = arith.constant 16 : i32
        %mul3A_215 = arith.muli %scan3A_101, %mul3A_214 : i32
        %add3A_216 = arith.constant 4 : i32
        %add3A_217 = arith.addi %mul3A_215, %add3A_216 : i32
        %add3A_218 = arith.constant 0 : i32
        %add3A_219 = arith.addi %add3A_217, %add3A_218 : i32
        %mul3A_220 = arith.constant 16 : i32
        %mul3A_221 = arith.muli %add3A_217, %mul3A_220 : i32
        %get3A_222 = arith.index_cast %mul3A_221 : i32 to index
        %get3A_223 = tpu.vector_load %arg7[%get3A_222] {strides = array<i32>} : memref<16384xi32, #tpu.memory_space<vmem>>, vector<16xi32>,
        %mul3A_224 = arith.constant 16 : i32
        %mul3A_225 = arith.muli %add3A_219, %mul3A_224 : i32
        %get3A_226 = arith.index_cast %mul3A_225 : i32 to index
        %get3A_227 = tpu.vector_load %arg5[%get3A_226] {strides = array<i32>} : memref<32768xi32, #tpu.memory_space<vmem>>, vector<16xi32>,
        %broadcast_in_dim3A_228 = arith.constant 2047 : i32
        %broadcast_in_dim3A_229 = vector.broadcast %broadcast_in_dim3A_228 : i32 to vector<16xi32>
        %and3A_230 = arith.andi %get3A_223, %broadcast_in_dim3A_229 : vector<16xi32>
        %broadcast_in_dim3A_231 = arith.constant 11 : i32
        %broadcast_in_dim3A_232 = vector.broadcast %broadcast_in_dim3A_231 : i32 to vector<16xi32>
        %shift_right_logical3A_233 = arith.shrui %get3A_223, %broadcast_in_dim3A_232 : vector<16xi32>
        %broadcast_in_dim3A_234 = arith.constant 31 : i32
        %broadcast_in_dim3A_235 = vector.broadcast %broadcast_in_dim3A_234 : i32 to vector<16xi32>
        %and3A_236 = arith.andi %shift_right_logical3A_233, %broadcast_in_dim3A_235 : vector<16xi32>
        %broadcast_in_dim3A_237 = arith.constant 16 : i32
        %broadcast_in_dim3A_238 = vector.broadcast %broadcast_in_dim3A_237 : i32 to vector<16xi32>
        %shift_right_logical3A_239 = arith.shrui %get3A_223, %broadcast_in_dim3A_238 : vector<16xi32>
        %broadcast_in_dim3A_240 = arith.constant 0 : i32
        %broadcast_in_dim3A_241 = vector.broadcast %broadcast_in_dim3A_240 : i32 to vector<16xi32>
        %ne3A_242 = arith.cmpi ne, %shift_right_logical3A_239, %broadcast_in_dim3A_241 : vector<16xi32>
        %mul3A_243 = arith.constant 16 : i32
        %mul3A_244 = arith.muli %scan3A_101, %mul3A_243 : i32
        %add3A_245 = arith.constant 5 : i32
        %add3A_246 = arith.addi %mul3A_244, %add3A_245 : i32
        %add3A_247 = arith.constant 0 : i32
        %add3A_248 = arith.addi %add3A_246, %add3A_247 : i32
        %mul3A_249 = arith.constant 16 : i32
        %mul3A_250 = arith.muli %add3A_246, %mul3A_249 : i32
        %get3A_251 = arith.index_cast %mul3A_250 : i32 to index
        %get3A_252 = tpu.vector_load %arg7[%get3A_251] {strides = array<i32>} : memref<16384xi32, #tpu.memory_space<vmem>>, vector<16xi32>,
        %mul3A_253 = arith.constant 16 : i32
        %mul3A_254 = arith.muli %add3A_248, %mul3A_253 : i32
        %get3A_255 = arith.index_cast %mul3A_254 : i32 to index
        %get3A_256 = tpu.vector_load %arg5[%get3A_255] {strides = array<i32>} : memref<32768xi32, #tpu.memory_space<vmem>>, vector<16xi32>,
        %broadcast_in_dim3A_257 = arith.constant 2047 : i32
        %broadcast_in_dim3A_258 = vector.broadcast %broadcast_in_dim3A_257 : i32 to vector<16xi32>
        %and3A_259 = arith.andi %get3A_252, %broadcast_in_dim3A_258 : vector<16xi32>
        %broadcast_in_dim3A_260 = arith.constant 11 : i32
        %broadcast_in_dim3A_261 = vector.broadcast %broadcast_in_dim3A_260 : i32 to vector<16xi32>
        %shift_right_logical3A_262 = arith.shrui %get3A_252, %broadcast_in_dim3A_261 : vector<16xi32>
        %broadcast_in_dim3A_263 = arith.constant 31 : i32
        %broadcast_in_dim3A_264 = vector.broadcast %broadcast_in_dim3A_263 : i32 to vector<16xi32>
        %and3A_265 = arith.andi %shift_right_logical3A_262, %broadcast_in_dim3A_264 : vector<16xi32>
        %broadcast_in_dim3A_266 = arith.constant 16 : i32
        %broadcast_in_dim3A_267 = vector.broadcast %broadcast_in_dim3A_266 : i32 to vector<16xi32>
        %shift_right_logical3A_268 = arith.shrui %get3A_252, %broadcast_in_dim3A_267 : vector<16xi32>
        %broadcast_in_dim3A_269 = arith.constant 0 : i32
        %broadcast_in_dim3A_270 = vector.broadcast %broadcast_in_dim3A_269 : i32 to vector<16xi32>
        %ne3A_271 = arith.cmpi ne, %shift_right_logical3A_268, %broadcast_in_dim3A_270 : vector<16xi32>
        %mul3A_272 = arith.constant 16 : i32
        %mul3A_273 = arith.muli %scan3A_101, %mul3A_272 : i32
        %add3A_274 = arith.constant 6 : i32
        %add3A_275 = arith.addi %mul3A_273, %add3A_274 : i32
        %add3A_276 = arith.constant 0 : i32
        %add3A_277 = arith.addi %add3A_275, %add3A_276 : i32
        %mul3A_278 = arith.constant 16 : i32
        %mul3A_279 = arith.muli %add3A_275, %mul3A_278 : i32
        %get3A_280 = arith.index_cast %mul3A_279 : i32 to index
        %get3A_281 = tpu.vector_load %arg7[%get3A_280] {strides = array<i32>} : memref<16384xi32, #tpu.memory_space<vmem>>, vector<16xi32>,
        %mul3A_282 = arith.constant 16 : i32
        %mul3A_283 = arith.muli %add3A_277, %mul3A_282 : i32
        %get3A_284 = arith.index_cast %mul3A_283 : i32 to index
        %get3A_285 = tpu.vector_load %arg5[%get3A_284] {strides = array<i32>} : memref<32768xi32, #tpu.memory_space<vmem>>, vector<16xi32>,
        %broadcast_in_dim3A_286 = arith.constant 2047 : i32
        %broadcast_in_dim3A_287 = vector.broadcast %broadcast_in_dim3A_286 : i32 to vector<16xi32>
        %and3A_288 = arith.andi %get3A_281, %broadcast_in_dim3A_287 : vector<16xi32>
        %broadcast_in_dim3A_289 = arith.constant 11 : i32
        %broadcast_in_dim3A_290 = vector.broadcast %broadcast_in_dim3A_289 : i32 to vector<16xi32>
        %shift_right_logical3A_291 = arith.shrui %get3A_281, %broadcast_in_dim3A_290 : vector<16xi32>
        %broadcast_in_dim3A_292 = arith.constant 31 : i32
        %broadcast_in_dim3A_293 = vector.broadcast %broadcast_in_dim3A_292 : i32 to vector<16xi32>
        %and3A_294 = arith.andi %shift_right_logical3A_291, %broadcast_in_dim3A_293 : vector<16xi32>
        %broadcast_in_dim3A_295 = arith.constant 16 : i32
        %broadcast_in_dim3A_296 = vector.broadcast %broadcast_in_dim3A_295 : i32 to vector<16xi32>
        %shift_right_logical3A_297 = arith.shrui %get3A_281, %broadcast_in_dim3A_296 : vector<16xi32>
        %broadcast_in_dim3A_298 = arith.constant 0 : i32
        %broadcast_in_dim3A_299 = vector.broadcast %broadcast_in_dim3A_298 : i32 to vector<16xi32>
        %ne3A_300 = arith.cmpi ne, %shift_right_logical3A_297, %broadcast_in_dim3A_299 : vector<16xi32>
        %mul3A_301 = arith.constant 16 : i32
        %mul3A_302 = arith.muli %scan3A_101, %mul3A_301 : i32
        %add3A_303 = arith.constant 7 : i32
        %add3A_304 = arith.addi %mul3A_302, %add3A_303 : i32
        %add3A_305 = arith.constant 0 : i32
        %add3A_306 = arith.addi %add3A_304, %add3A_305 : i32
        %mul3A_307 = arith.constant 16 : i32
        %mul3A_308 = arith.muli %add3A_304, %mul3A_307 : i32
        %get3A_309 = arith.index_cast %mul3A_308 : i32 to index
        %get3A_310 = tpu.vector_load %arg7[%get3A_309] {strides = array<i32>} : memref<16384xi32, #tpu.memory_space<vmem>>, vector<16xi32>,
        %mul3A_311 = arith.constant 16 : i32
        %mul3A_312 = arith.muli %add3A_306, %mul3A_311 : i32
        %get3A_313 = arith.index_cast %mul3A_312 : i32 to index
        %get3A_314 = tpu.vector_load %arg5[%get3A_313] {strides = array<i32>} : memref<32768xi32, #tpu.memory_space<vmem>>, vector<16xi32>,
        %broadcast_in_dim3A_315 = arith.constant 2047 : i32
        %broadcast_in_dim3A_316 = vector.broadcast %broadcast_in_dim3A_315 : i32 to vector<16xi32>
        %and3A_317 = arith.andi %get3A_310, %broadcast_in_dim3A_316 : vector<16xi32>
        %broadcast_in_dim3A_318 = arith.constant 11 : i32
        %broadcast_in_dim3A_319 = vector.broadcast %broadcast_in_dim3A_318 : i32 to vector<16xi32>
        %shift_right_logical3A_320 = arith.shrui %get3A_310, %broadcast_in_dim3A_319 : vector<16xi32>
        %broadcast_in_dim3A_321 = arith.constant 31 : i32
        %broadcast_in_dim3A_322 = vector.broadcast %broadcast_in_dim3A_321 : i32 to vector<16xi32>
        %and3A_323 = arith.andi %shift_right_logical3A_320, %broadcast_in_dim3A_322 : vector<16xi32>
        %broadcast_in_dim3A_324 = arith.constant 16 : i32
        %broadcast_in_dim3A_325 = vector.broadcast %broadcast_in_dim3A_324 : i32 to vector<16xi32>
        %shift_right_logical3A_326 = arith.shrui %get3A_310, %broadcast_in_dim3A_325 : vector<16xi32>
        %broadcast_in_dim3A_327 = arith.constant 0 : i32
        %broadcast_in_dim3A_328 = vector.broadcast %broadcast_in_dim3A_327 : i32 to vector<16xi32>
        %ne3A_329 = arith.cmpi ne, %shift_right_logical3A_326, %broadcast_in_dim3A_328 : vector<16xi32>
        %mul3A_330 = arith.constant 16 : i32
        %mul3A_331 = arith.muli %scan3A_101, %mul3A_330 : i32
        %add3A_332 = arith.constant 8 : i32
        %add3A_333 = arith.addi %mul3A_331, %add3A_332 : i32
        %add3A_334 = arith.constant 0 : i32
        %add3A_335 = arith.addi %add3A_333, %add3A_334 : i32
        %mul3A_336 = arith.constant 16 : i32
        %mul3A_337 = arith.muli %add3A_333, %mul3A_336 : i32
        %get3A_338 = arith.index_cast %mul3A_337 : i32 to index
        %get3A_339 = tpu.vector_load %arg7[%get3A_338] {strides = array<i32>} : memref<16384xi32, #tpu.memory_space<vmem>>, vector<16xi32>,
        %mul3A_340 = arith.constant 16 : i32
        %mul3A_341 = arith.muli %add3A_335, %mul3A_340 : i32
        %get3A_342 = arith.index_cast %mul3A_341 : i32 to index
        %get3A_343 = tpu.vector_load %arg5[%get3A_342] {strides = array<i32>} : memref<32768xi32, #tpu.memory_space<vmem>>, vector<16xi32>,
        %broadcast_in_dim3A_344 = arith.constant 2047 : i32
        %broadcast_in_dim3A_345 = vector.broadcast %broadcast_in_dim3A_344 : i32 to vector<16xi32>
        %and3A_346 = arith.andi %get3A_339, %broadcast_in_dim3A_345 : vector<16xi32>
        %broadcast_in_dim3A_347 = arith.constant 11 : i32
        %broadcast_in_dim3A_348 = vector.broadcast %broadcast_in_dim3A_347 : i32 to vector<16xi32>
        %shift_right_logical3A_349 = arith.shrui %get3A_339, %broadcast_in_dim3A_348 : vector<16xi32>
        %broadcast_in_dim3A_350 = arith.constant 31 : i32
        %broadcast_in_dim3A_351 = vector.broadcast %broadcast_in_dim3A_350 : i32 to vector<16xi32>
        %and3A_352 = arith.andi %shift_right_logical3A_349, %broadcast_in_dim3A_351 : vector<16xi32>
        %broadcast_in_dim3A_353 = arith.constant 16 : i32
        %broadcast_in_dim3A_354 = vector.broadcast %broadcast_in_dim3A_353 : i32 to vector<16xi32>
        %shift_right_logical3A_355 = arith.shrui %get3A_339, %broadcast_in_dim3A_354 : vector<16xi32>
        %broadcast_in_dim3A_356 = arith.constant 0 : i32
        %broadcast_in_dim3A_357 = vector.broadcast %broadcast_in_dim3A_356 : i32 to vector<16xi32>
        %ne3A_358 = arith.cmpi ne, %shift_right_logical3A_355, %broadcast_in_dim3A_357 : vector<16xi32>
        %mul3A_359 = arith.constant 16 : i32
        %mul3A_360 = arith.muli %scan3A_101, %mul3A_359 : i32
        %add3A_361 = arith.constant 9 : i32
        %add3A_362 = arith.addi %mul3A_360, %add3A_361 : i32
        %add3A_363 = arith.constant 0 : i32
        %add3A_364 = arith.addi %add3A_362, %add3A_363 : i32
        %mul3A_365 = arith.constant 16 : i32
        %mul3A_366 = arith.muli %add3A_362, %mul3A_365 : i32
        %get3A_367 = arith.index_cast %mul3A_366 : i32 to index
        %get3A_368 = tpu.vector_load %arg7[%get3A_367] {strides = array<i32>} : memref<16384xi32, #tpu.memory_space<vmem>>, vector<16xi32>,
        %mul3A_369 = arith.constant 16 : i32
        %mul3A_370 = arith.muli %add3A_364, %mul3A_369 : i32
        %get3A_371 = arith.index_cast %mul3A_370 : i32 to index
        %get3A_372 = tpu.vector_load %arg5[%get3A_371] {strides = array<i32>} : memref<32768xi32, #tpu.memory_space<vmem>>, vector<16xi32>,
        %broadcast_in_dim3A_373 = arith.constant 2047 : i32
        %broadcast_in_dim3A_374 = vector.broadcast %broadcast_in_dim3A_373 : i32 to vector<16xi32>
        %and3A_375 = arith.andi %get3A_368, %broadcast_in_dim3A_374 : vector<16xi32>
        %broadcast_in_dim3A_376 = arith.constant 11 : i32
        %broadcast_in_dim3A_377 = vector.broadcast %broadcast_in_dim3A_376 : i32 to vector<16xi32>
        %shift_right_logical3A_378 = arith.shrui %get3A_368, %broadcast_in_dim3A_377 : vector<16xi32>
        %broadcast_in_dim3A_379 = arith.constant 31 : i32
        %broadcast_in_dim3A_380 = vector.broadcast %broadcast_in_dim3A_379 : i32 to vector<16xi32>
        %and3A_381 = arith.andi %shift_right_logical3A_378, %broadcast_in_dim3A_380 : vector<16xi32>
        %broadcast_in_dim3A_382 = arith.constant 16 : i32
        %broadcast_in_dim3A_383 = vector.broadcast %broadcast_in_dim3A_382 : i32 to vector<16xi32>
        %shift_right_logical3A_384 = arith.shrui %get3A_368, %broadcast_in_dim3A_383 : vector<16xi32>
        %broadcast_in_dim3A_385 = arith.constant 0 : i32
        %broadcast_in_dim3A_386 = vector.broadcast %broadcast_in_dim3A_385 : i32 to vector<16xi32>
        %ne3A_387 = arith.cmpi ne, %shift_right_logical3A_384, %broadcast_in_dim3A_386 : vector<16xi32>
        %mul3A_388 = arith.constant 16 : i32
        %mul3A_389 = arith.muli %scan3A_101, %mul3A_388 : i32
        %add3A_390 = arith.constant 10 : i32
        %add3A_391 = arith.addi %mul3A_389, %add3A_390 : i32
        %add3A_392 = arith.constant 0 : i32
        %add3A_393 = arith.addi %add3A_391, %add3A_392 : i32
        %mul3A_394 = arith.constant 16 : i32
        %mul3A_395 = arith.muli %add3A_391, %mul3A_394 : i32
        %get3A_396 = arith.index_cast %mul3A_395 : i32 to index
        %get3A_397 = tpu.vector_load %arg7[%get3A_396] {strides = array<i32>} : memref<16384xi32, #tpu.memory_space<vmem>>, vector<16xi32>,
        %mul3A_398 = arith.constant 16 : i32
        %mul3A_399 = arith.muli %add3A_393, %mul3A_398 : i32
        %get3A_400 = arith.index_cast %mul3A_399 : i32 to index
        %get3A_401 = tpu.vector_load %arg5[%get3A_400] {strides = array<i32>} : memref<32768xi32, #tpu.memory_space<vmem>>, vector<16xi32>,
        %broadcast_in_dim3A_402 = arith.constant 2047 : i32
        %broadcast_in_dim3A_403 = vector.broadcast %broadcast_in_dim3A_402 : i32 to vector<16xi32>
        %and3A_404 = arith.andi %get3A_397, %broadcast_in_dim3A_403 : vector<16xi32>
        %broadcast_in_dim3A_405 = arith.constant 11 : i32
        %broadcast_in_dim3A_406 = vector.broadcast %broadcast_in_dim3A_405 : i32 to vector<16xi32>
        %shift_right_logical3A_407 = arith.shrui %get3A_397, %broadcast_in_dim3A_406 : vector<16xi32>
        %broadcast_in_dim3A_408 = arith.constant 31 : i32
        %broadcast_in_dim3A_409 = vector.broadcast %broadcast_in_dim3A_408 : i32 to vector<16xi32>
        %and3A_410 = arith.andi %shift_right_logical3A_407, %broadcast_in_dim3A_409 : vector<16xi32>
        %broadcast_in_dim3A_411 = arith.constant 16 : i32
        %broadcast_in_dim3A_412 = vector.broadcast %broadcast_in_dim3A_411 : i32 to vector<16xi32>
        %shift_right_logical3A_413 = arith.shrui %get3A_397, %broadcast_in_dim3A_412 : vector<16xi32>
        %broadcast_in_dim3A_414 = arith.constant 0 : i32
        %broadcast_in_dim3A_415 = vector.broadcast %broadcast_in_dim3A_414 : i32 to vector<16xi32>
        %ne3A_416 = arith.cmpi ne, %shift_right_logical3A_413, %broadcast_in_dim3A_415 : vector<16xi32>
        %mul3A_417 = arith.constant 16 : i32
        %mul3A_418 = arith.muli %scan3A_101, %mul3A_417 : i32
        %add3A_419 = arith.constant 11 : i32
        %add3A_420 = arith.addi %mul3A_418, %add3A_419 : i32
        %add3A_421 = arith.constant 0 : i32
        %add3A_422 = arith.addi %add3A_420, %add3A_421 : i32
        %mul3A_423 = arith.constant 16 : i32
        %mul3A_424 = arith.muli %add3A_420, %mul3A_423 : i32
        %get3A_425 = arith.index_cast %mul3A_424 : i32 to index
        %get3A_426 = tpu.vector_load %arg7[%get3A_425] {strides = array<i32>} : memref<16384xi32, #tpu.memory_space<vmem>>, vector<16xi32>,
        %mul3A_427 = arith.constant 16 : i32
        %mul3A_428 = arith.muli %add3A_422, %mul3A_427 : i32
        %get3A_429 = arith.index_cast %mul3A_428 : i32 to index
        %get3A_430 = tpu.vector_load %arg5[%get3A_429] {strides = array<i32>} : memref<32768xi32, #tpu.memory_space<vmem>>, vector<16xi32>,
        %broadcast_in_dim3A_431 = arith.constant 2047 : i32
        %broadcast_in_dim3A_432 = vector.broadcast %broadcast_in_dim3A_431 : i32 to vector<16xi32>
        %and3A_433 = arith.andi %get3A_426, %broadcast_in_dim3A_432 : vector<16xi32>
        %broadcast_in_dim3A_434 = arith.constant 11 : i32
        %broadcast_in_dim3A_435 = vector.broadcast %broadcast_in_dim3A_434 : i32 to vector<16xi32>
        %shift_right_logical3A_436 = arith.shrui %get3A_426, %broadcast_in_dim3A_435 : vector<16xi32>
        %broadcast_in_dim3A_437 = arith.constant 31 : i32
        %broadcast_in_dim3A_438 = vector.broadcast %broadcast_in_dim3A_437 : i32 to vector<16xi32>
        %and3A_439 = arith.andi %shift_right_logical3A_436, %broadcast_in_dim3A_438 : vector<16xi32>
        %broadcast_in_dim3A_440 = arith.constant 16 : i32
        %broadcast_in_dim3A_441 = vector.broadcast %broadcast_in_dim3A_440 : i32 to vector<16xi32>
        %shift_right_logical3A_442 = arith.shrui %get3A_426, %broadcast_in_dim3A_441 : vector<16xi32>
        %broadcast_in_dim3A_443 = arith.constant 0 : i32
        %broadcast_in_dim3A_444 = vector.broadcast %broadcast_in_dim3A_443 : i32 to vector<16xi32>
        %ne3A_445 = arith.cmpi ne, %shift_right_logical3A_442, %broadcast_in_dim3A_444 : vector<16xi32>
        %mul3A_446 = arith.constant 16 : i32
        %mul3A_447 = arith.muli %scan3A_101, %mul3A_446 : i32
        %add3A_448 = arith.constant 12 : i32
        %add3A_449 = arith.addi %mul3A_447, %add3A_448 : i32
        %add3A_450 = arith.constant 0 : i32
        %add3A_451 = arith.addi %add3A_449, %add3A_450 : i32
        %mul3A_452 = arith.constant 16 : i32
        %mul3A_453 = arith.muli %add3A_449, %mul3A_452 : i32
        %get3A_454 = arith.index_cast %mul3A_453 : i32 to index
        %get3A_455 = tpu.vector_load %arg7[%get3A_454] {strides = array<i32>} : memref<16384xi32, #tpu.memory_space<vmem>>, vector<16xi32>,
        %mul3A_456 = arith.constant 16 : i32
        %mul3A_457 = arith.muli %add3A_451, %mul3A_456 : i32
        %get3A_458 = arith.index_cast %mul3A_457 : i32 to index
        %get3A_459 = tpu.vector_load %arg5[%get3A_458] {strides = array<i32>} : memref<32768xi32, #tpu.memory_space<vmem>>, vector<16xi32>,
        %broadcast_in_dim3A_460 = arith.constant 2047 : i32
        %broadcast_in_dim3A_461 = vector.broadcast %broadcast_in_dim3A_460 : i32 to vector<16xi32>
        %and3A_462 = arith.andi %get3A_455, %broadcast_in_dim3A_461 : vector<16xi32>
        %broadcast_in_dim3A_463 = arith.constant 11 : i32
        %broadcast_in_dim3A_464 = vector.broadcast %broadcast_in_dim3A_463 : i32 to vector<16xi32>
        %shift_right_logical3A_465 = arith.shrui %get3A_455, %broadcast_in_dim3A_464 : vector<16xi32>
        %broadcast_in_dim3A_466 = arith.constant 31 : i32
        %broadcast_in_dim3A_467 = vector.broadcast %broadcast_in_dim3A_466 : i32 to vector<16xi32>
        %and3A_468 = arith.andi %shift_right_logical3A_465, %broadcast_in_dim3A_467 : vector<16xi32>
        %broadcast_in_dim3A_469 = arith.constant 16 : i32
        %broadcast_in_dim3A_470 = vector.broadcast %broadcast_in_dim3A_469 : i32 to vector<16xi32>
        %shift_right_logical3A_471 = arith.shrui %get3A_455, %broadcast_in_dim3A_470 : vector<16xi32>
        %broadcast_in_dim3A_472 = arith.constant 0 : i32
        %broadcast_in_dim3A_473 = vector.broadcast %broadcast_in_dim3A_472 : i32 to vector<16xi32>
        %ne3A_474 = arith.cmpi ne, %shift_right_logical3A_471, %broadcast_in_dim3A_473 : vector<16xi32>
        %mul3A_475 = arith.constant 16 : i32
        %mul3A_476 = arith.muli %scan3A_101, %mul3A_475 : i32
        %add3A_477 = arith.constant 13 : i32
        %add3A_478 = arith.addi %mul3A_476, %add3A_477 : i32
        %add3A_479 = arith.constant 0 : i32
        %add3A_480 = arith.addi %add3A_478, %add3A_479 : i32
        %mul3A_481 = arith.constant 16 : i32
        %mul3A_482 = arith.muli %add3A_478, %mul3A_481 : i32
        %get3A_483 = arith.index_cast %mul3A_482 : i32 to index
        %get3A_484 = tpu.vector_load %arg7[%get3A_483] {strides = array<i32>} : memref<16384xi32, #tpu.memory_space<vmem>>, vector<16xi32>,
        %mul3A_485 = arith.constant 16 : i32
        %mul3A_486 = arith.muli %add3A_480, %mul3A_485 : i32
        %get3A_487 = arith.index_cast %mul3A_486 : i32 to index
        %get3A_488 = tpu.vector_load %arg5[%get3A_487] {strides = array<i32>} : memref<32768xi32, #tpu.memory_space<vmem>>, vector<16xi32>,
        %broadcast_in_dim3A_489 = arith.constant 2047 : i32
        %broadcast_in_dim3A_490 = vector.broadcast %broadcast_in_dim3A_489 : i32 to vector<16xi32>
        %and3A_491 = arith.andi %get3A_484, %broadcast_in_dim3A_490 : vector<16xi32>
        %broadcast_in_dim3A_492 = arith.constant 11 : i32
        %broadcast_in_dim3A_493 = vector.broadcast %broadcast_in_dim3A_492 : i32 to vector<16xi32>
        %shift_right_logical3A_494 = arith.shrui %get3A_484, %broadcast_in_dim3A_493 : vector<16xi32>
        %broadcast_in_dim3A_495 = arith.constant 31 : i32
        %broadcast_in_dim3A_496 = vector.broadcast %broadcast_in_dim3A_495 : i32 to vector<16xi32>
        %and3A_497 = arith.andi %shift_right_logical3A_494, %broadcast_in_dim3A_496 : vector<16xi32>
        %broadcast_in_dim3A_498 = arith.constant 16 : i32
        %broadcast_in_dim3A_499 = vector.broadcast %broadcast_in_dim3A_498 : i32 to vector<16xi32>
        %shift_right_logical3A_500 = arith.shrui %get3A_484, %broadcast_in_dim3A_499 : vector<16xi32>
        %broadcast_in_dim3A_501 = arith.constant 0 : i32
        %broadcast_in_dim3A_502 = vector.broadcast %broadcast_in_dim3A_501 : i32 to vector<16xi32>
        %ne3A_503 = arith.cmpi ne, %shift_right_logical3A_500, %broadcast_in_dim3A_502 : vector<16xi32>
        %mul3A_504 = arith.constant 16 : i32
        %mul3A_505 = arith.muli %scan3A_101, %mul3A_504 : i32
        %add3A_506 = arith.constant 14 : i32
        %add3A_507 = arith.addi %mul3A_505, %add3A_506 : i32
        %add3A_508 = arith.constant 0 : i32
        %add3A_509 = arith.addi %add3A_507, %add3A_508 : i32
        %mul3A_510 = arith.constant 16 : i32
        %mul3A_511 = arith.muli %add3A_507, %mul3A_510 : i32
        %get3A_512 = arith.index_cast %mul3A_511 : i32 to index
        %get3A_513 = tpu.vector_load %arg7[%get3A_512] {strides = array<i32>} : memref<16384xi32, #tpu.memory_space<vmem>>, vector<16xi32>,
        %mul3A_514 = arith.constant 16 : i32
        %mul3A_515 = arith.muli %add3A_509, %mul3A_514 : i32
        %get3A_516 = arith.index_cast %mul3A_515 : i32 to index
        %get3A_517 = tpu.vector_load %arg5[%get3A_516] {strides = array<i32>} : memref<32768xi32, #tpu.memory_space<vmem>>, vector<16xi32>,
        %broadcast_in_dim3A_518 = arith.constant 2047 : i32
        %broadcast_in_dim3A_519 = vector.broadcast %broadcast_in_dim3A_518 : i32 to vector<16xi32>
        %and3A_520 = arith.andi %get3A_513, %broadcast_in_dim3A_519 : vector<16xi32>
        %broadcast_in_dim3A_521 = arith.constant 11 : i32
        %broadcast_in_dim3A_522 = vector.broadcast %broadcast_in_dim3A_521 : i32 to vector<16xi32>
        %shift_right_logical3A_523 = arith.shrui %get3A_513, %broadcast_in_dim3A_522 : vector<16xi32>
        %broadcast_in_dim3A_524 = arith.constant 31 : i32
        %broadcast_in_dim3A_525 = vector.broadcast %broadcast_in_dim3A_524 : i32 to vector<16xi32>
        %and3A_526 = arith.andi %shift_right_logical3A_523, %broadcast_in_dim3A_525 : vector<16xi32>
        %broadcast_in_dim3A_527 = arith.constant 16 : i32
        %broadcast_in_dim3A_528 = vector.broadcast %broadcast_in_dim3A_527 : i32 to vector<16xi32>
        %shift_right_logical3A_529 = arith.shrui %get3A_513, %broadcast_in_dim3A_528 : vector<16xi32>
        %broadcast_in_dim3A_530 = arith.constant 0 : i32
        %broadcast_in_dim3A_531 = vector.broadcast %broadcast_in_dim3A_530 : i32 to vector<16xi32>
        %ne3A_532 = arith.cmpi ne, %shift_right_logical3A_529, %broadcast_in_dim3A_531 : vector<16xi32>
        %mul3A_533 = arith.constant 16 : i32
        %mul3A_534 = arith.muli %scan3A_101, %mul3A_533 : i32
        %add3A_535 = arith.constant 15 : i32
        %add3A_536 = arith.addi %mul3A_534, %add3A_535 : i32
        %add3A_537 = arith.constant 0 : i32
        %add3A_538 = arith.addi %add3A_536, %add3A_537 : i32
        %mul3A_539 = arith.constant 16 : i32
        %mul3A_540 = arith.muli %add3A_536, %mul3A_539 : i32
        %get3A_541 = arith.index_cast %mul3A_540 : i32 to index
        %get3A_542 = tpu.vector_load %arg7[%get3A_541] {strides = array<i32>} : memref<16384xi32, #tpu.memory_space<vmem>>, vector<16xi32>,
        %mul3A_543 = arith.constant 16 : i32
        %mul3A_544 = arith.muli %add3A_538, %mul3A_543 : i32
        %get3A_545 = arith.index_cast %mul3A_544 : i32 to index
        %get3A_546 = tpu.vector_load %arg5[%get3A_545] {strides = array<i32>} : memref<32768xi32, #tpu.memory_space<vmem>>, vector<16xi32>,
        %broadcast_in_dim3A_547 = arith.constant 2047 : i32
        %broadcast_in_dim3A_548 = vector.broadcast %broadcast_in_dim3A_547 : i32 to vector<16xi32>
        %and3A_549 = arith.andi %get3A_542, %broadcast_in_dim3A_548 : vector<16xi32>
        %broadcast_in_dim3A_550 = arith.constant 11 : i32
        %broadcast_in_dim3A_551 = vector.broadcast %broadcast_in_dim3A_550 : i32 to vector<16xi32>
        %shift_right_logical3A_552 = arith.shrui %get3A_542, %broadcast_in_dim3A_551 : vector<16xi32>
        %broadcast_in_dim3A_553 = arith.constant 31 : i32
        %broadcast_in_dim3A_554 = vector.broadcast %broadcast_in_dim3A_553 : i32 to vector<16xi32>
        %and3A_555 = arith.andi %shift_right_logical3A_552, %broadcast_in_dim3A_554 : vector<16xi32>
        %broadcast_in_dim3A_556 = arith.constant 16 : i32
        %broadcast_in_dim3A_557 = vector.broadcast %broadcast_in_dim3A_556 : i32 to vector<16xi32>
        %shift_right_logical3A_558 = arith.shrui %get3A_542, %broadcast_in_dim3A_557 : vector<16xi32>
        %broadcast_in_dim3A_559 = arith.constant 0 : i32
        %broadcast_in_dim3A_560 = vector.broadcast %broadcast_in_dim3A_559 : i32 to vector<16xi32>
        %ne3A_561 = arith.cmpi ne, %shift_right_logical3A_558, %broadcast_in_dim3A_560 : vector<16xi32>
        %gather3A = tpu.vector_load_idx %arg9[%and3A] : memref<2048xi32, #tpu.memory_space<vmem>>[vector<16xi32>], vector<16xi32>,
        %add3A_562 = arith.addi %gather3A, %and3A_121 : vector<16xi32>
        tpu.vector_store_idx %arg9[%and3A], %add3A_562 masked %ne3A : memref<2048xi32, #tpu.memory_space<vmem>>[vector<16xi32>], vector<16xi32>, vector<16xi1>
        tpu.vector_store_idx %arg6[%add3A_562], %get3A_115 : memref<32768xi32, #tpu.memory_space<vmem>>[vector<16xi32>], vector<16xi32>,
        %gather3A_563 = tpu.vector_load_idx %arg9[%and3A_143] : memref<2048xi32, #tpu.memory_space<vmem>>[vector<16xi32>], vector<16xi32>,
        %add3A_564 = arith.addi %gather3A_563, %and3A_149 : vector<16xi32>
        tpu.vector_store_idx %arg9[%and3A_143], %add3A_564 masked %ne3A_155 : memref<2048xi32, #tpu.memory_space<vmem>>[vector<16xi32>], vector<16xi32>, vector<16xi1>
        tpu.vector_store_idx %arg6[%add3A_564], %get3A_140 : memref<32768xi32, #tpu.memory_space<vmem>>[vector<16xi32>], vector<16xi32>,
        %gather3A_565 = tpu.vector_load_idx %arg9[%and3A_172] : memref<2048xi32, #tpu.memory_space<vmem>>[vector<16xi32>], vector<16xi32>,
        %add3A_566 = arith.addi %gather3A_565, %and3A_178 : vector<16xi32>
        tpu.vector_store_idx %arg9[%and3A_172], %add3A_566 masked %ne3A_184 : memref<2048xi32, #tpu.memory_space<vmem>>[vector<16xi32>], vector<16xi32>, vector<16xi1>
        tpu.vector_store_idx %arg6[%add3A_566], %get3A_169 : memref<32768xi32, #tpu.memory_space<vmem>>[vector<16xi32>], vector<16xi32>,
        %gather3A_567 = tpu.vector_load_idx %arg9[%and3A_201] : memref<2048xi32, #tpu.memory_space<vmem>>[vector<16xi32>], vector<16xi32>,
        %add3A_568 = arith.addi %gather3A_567, %and3A_207 : vector<16xi32>
        tpu.vector_store_idx %arg9[%and3A_201], %add3A_568 masked %ne3A_213 : memref<2048xi32, #tpu.memory_space<vmem>>[vector<16xi32>], vector<16xi32>, vector<16xi1>
        tpu.vector_store_idx %arg6[%add3A_568], %get3A_198 : memref<32768xi32, #tpu.memory_space<vmem>>[vector<16xi32>], vector<16xi32>,
        %gather3A_569 = tpu.vector_load_idx %arg9[%and3A_230] : memref<2048xi32, #tpu.memory_space<vmem>>[vector<16xi32>], vector<16xi32>,
        %add3A_570 = arith.addi %gather3A_569, %and3A_236 : vector<16xi32>
        tpu.vector_store_idx %arg9[%and3A_230], %add3A_570 masked %ne3A_242 : memref<2048xi32, #tpu.memory_space<vmem>>[vector<16xi32>], vector<16xi32>, vector<16xi1>
        tpu.vector_store_idx %arg6[%add3A_570], %get3A_227 : memref<32768xi32, #tpu.memory_space<vmem>>[vector<16xi32>], vector<16xi32>,
        %gather3A_571 = tpu.vector_load_idx %arg9[%and3A_259] : memref<2048xi32, #tpu.memory_space<vmem>>[vector<16xi32>], vector<16xi32>,
        %add3A_572 = arith.addi %gather3A_571, %and3A_265 : vector<16xi32>
        tpu.vector_store_idx %arg9[%and3A_259], %add3A_572 masked %ne3A_271 : memref<2048xi32, #tpu.memory_space<vmem>>[vector<16xi32>], vector<16xi32>, vector<16xi1>
        tpu.vector_store_idx %arg6[%add3A_572], %get3A_256 : memref<32768xi32, #tpu.memory_space<vmem>>[vector<16xi32>], vector<16xi32>,
        %gather3A_573 = tpu.vector_load_idx %arg9[%and3A_288] : memref<2048xi32, #tpu.memory_space<vmem>>[vector<16xi32>], vector<16xi32>,
        %add3A_574 = arith.addi %gather3A_573, %and3A_294 : vector<16xi32>
        tpu.vector_store_idx %arg9[%and3A_288], %add3A_574 masked %ne3A_300 : memref<2048xi32, #tpu.memory_space<vmem>>[vector<16xi32>], vector<16xi32>, vector<16xi1>
        tpu.vector_store_idx %arg6[%add3A_574], %get3A_285 : memref<32768xi32, #tpu.memory_space<vmem>>[vector<16xi32>], vector<16xi32>,
        %gather3A_575 = tpu.vector_load_idx %arg9[%and3A_317] : memref<2048xi32, #tpu.memory_space<vmem>>[vector<16xi32>], vector<16xi32>,
        %add3A_576 = arith.addi %gather3A_575, %and3A_323 : vector<16xi32>
        tpu.vector_store_idx %arg9[%and3A_317], %add3A_576 masked %ne3A_329 : memref<2048xi32, #tpu.memory_space<vmem>>[vector<16xi32>], vector<16xi32>, vector<16xi1>
        tpu.vector_store_idx %arg6[%add3A_576], %get3A_314 : memref<32768xi32, #tpu.memory_space<vmem>>[vector<16xi32>], vector<16xi32>,
        %gather3A_577 = tpu.vector_load_idx %arg9[%and3A_346] : memref<2048xi32, #tpu.memory_space<vmem>>[vector<16xi32>], vector<16xi32>,
        %add3A_578 = arith.addi %gather3A_577, %and3A_352 : vector<16xi32>
        tpu.vector_store_idx %arg9[%and3A_346], %add3A_578 masked %ne3A_358 : memref<2048xi32, #tpu.memory_space<vmem>>[vector<16xi32>], vector<16xi32>, vector<16xi1>
        tpu.vector_store_idx %arg6[%add3A_578], %get3A_343 : memref<32768xi32, #tpu.memory_space<vmem>>[vector<16xi32>], vector<16xi32>,
        %gather3A_579 = tpu.vector_load_idx %arg9[%and3A_375] : memref<2048xi32, #tpu.memory_space<vmem>>[vector<16xi32>], vector<16xi32>,
        %add3A_580 = arith.addi %gather3A_579, %and3A_381 : vector<16xi32>
        tpu.vector_store_idx %arg9[%and3A_375], %add3A_580 masked %ne3A_387 : memref<2048xi32, #tpu.memory_space<vmem>>[vector<16xi32>], vector<16xi32>, vector<16xi1>
        tpu.vector_store_idx %arg6[%add3A_580], %get3A_372 : memref<32768xi32, #tpu.memory_space<vmem>>[vector<16xi32>], vector<16xi32>,
        %gather3A_581 = tpu.vector_load_idx %arg9[%and3A_404] : memref<2048xi32, #tpu.memory_space<vmem>>[vector<16xi32>], vector<16xi32>,
        %add3A_582 = arith.addi %gather3A_581, %and3A_410 : vector<16xi32>
        tpu.vector_store_idx %arg9[%and3A_404], %add3A_582 masked %ne3A_416 : memref<2048xi32, #tpu.memory_space<vmem>>[vector<16xi32>], vector<16xi32>, vector<16xi1>
        tpu.vector_store_idx %arg6[%add3A_582], %get3A_401 : memref<32768xi32, #tpu.memory_space<vmem>>[vector<16xi32>], vector<16xi32>,
        %gather3A_583 = tpu.vector_load_idx %arg9[%and3A_433] : memref<2048xi32, #tpu.memory_space<vmem>>[vector<16xi32>], vector<16xi32>,
        %add3A_584 = arith.addi %gather3A_583, %and3A_439 : vector<16xi32>
        tpu.vector_store_idx %arg9[%and3A_433], %add3A_584 masked %ne3A_445 : memref<2048xi32, #tpu.memory_space<vmem>>[vector<16xi32>], vector<16xi32>, vector<16xi1>
        tpu.vector_store_idx %arg6[%add3A_584], %get3A_430 : memref<32768xi32, #tpu.memory_space<vmem>>[vector<16xi32>], vector<16xi32>,
        %gather3A_585 = tpu.vector_load_idx %arg9[%and3A_462] : memref<2048xi32, #tpu.memory_space<vmem>>[vector<16xi32>], vector<16xi32>,
        %add3A_586 = arith.addi %gather3A_585, %and3A_468 : vector<16xi32>
        tpu.vector_store_idx %arg9[%and3A_462], %add3A_586 masked %ne3A_474 : memref<2048xi32, #tpu.memory_space<vmem>>[vector<16xi32>], vector<16xi32>, vector<16xi1>
        tpu.vector_store_idx %arg6[%add3A_586], %get3A_459 : memref<32768xi32, #tpu.memory_space<vmem>>[vector<16xi32>], vector<16xi32>,
        %gather3A_587 = tpu.vector_load_idx %arg9[%and3A_491] : memref<2048xi32, #tpu.memory_space<vmem>>[vector<16xi32>], vector<16xi32>,
        %add3A_588 = arith.addi %gather3A_587, %and3A_497 : vector<16xi32>
        tpu.vector_store_idx %arg9[%and3A_491], %add3A_588 masked %ne3A_503 : memref<2048xi32, #tpu.memory_space<vmem>>[vector<16xi32>], vector<16xi32>, vector<16xi1>
        tpu.vector_store_idx %arg6[%add3A_588], %get3A_488 : memref<32768xi32, #tpu.memory_space<vmem>>[vector<16xi32>], vector<16xi32>,
        %gather3A_589 = tpu.vector_load_idx %arg9[%and3A_520] : memref<2048xi32, #tpu.memory_space<vmem>>[vector<16xi32>], vector<16xi32>,
        %add3A_590 = arith.addi %gather3A_589, %and3A_526 : vector<16xi32>
        tpu.vector_store_idx %arg9[%and3A_520], %add3A_590 masked %ne3A_532 : memref<2048xi32, #tpu.memory_space<vmem>>[vector<16xi32>], vector<16xi32>, vector<16xi1>
        tpu.vector_store_idx %arg6[%add3A_590], %get3A_517 : memref<32768xi32, #tpu.memory_space<vmem>>[vector<16xi32>], vector<16xi32>,
        %gather3A_591 = tpu.vector_load_idx %arg9[%and3A_549] : memref<2048xi32, #tpu.memory_space<vmem>>[vector<16xi32>], vector<16xi32>,
        %add3A_592 = arith.addi %gather3A_591, %and3A_555 : vector<16xi32>
        tpu.vector_store_idx %arg9[%and3A_549], %add3A_592 masked %ne3A_561 : memref<2048xi32, #tpu.memory_space<vmem>>[vector<16xi32>], vector<16xi32>, vector<16xi1>
        tpu.vector_store_idx %arg6[%add3A_592], %get3A_546 : memref<32768xi32, #tpu.memory_space<vmem>>[vector<16xi32>], vector<16xi32>,
        %scan3A_593 = arith.constant 0 : i32
        scf.yield %scan3A_593 : i32
      }
      %scan3A_61 = arith.constant 64 : i32
      %parallel_loop3A_62 = arith.constant 0 : i32
      %parallel_loop3A_63 = arith.constant 1024 : i32
      %parallel_loop3A_64 = arith.constant 1 : i32
      scf.for %parallel_loop3A_101 = %parallel_loop3A_62 to %parallel_loop3A_63 step %parallel_loop3A_64  : i32 {
        %parallel_loop3A_102 = arith.constant 1024 : i32
        %parallel_loop3A_103 = arith.addi %parallel_loop3A_101, %parallel_loop3A_102 : i32
        %parallel_loop3A_104 = arith.constant 16 : i32
        %parallel_loop3A_105 = arith.muli %parallel_loop3A_103, %parallel_loop3A_104 : i32
        %parallel_loop3A_106 = arith.index_cast %parallel_loop3A_105 : i32 to index
        %parallel_loop3A_107 = tpu.vector_load %arg5[%parallel_loop3A_106] {strides = array<i32>} : memref<32768xi32, #tpu.memory_space<vmem>>, vector<16xi32>,
        %parallel_loop3A_108 = tpu.vector_load_idx %arg4[%parallel_loop3A_107] : memref<32768xf32, #tpu.memory_space<vmem>>[vector<16xi32>], vector<16xf32>,
        %parallel_loop3A_109 = vector.bitcast %parallel_loop3A_108 : vector<16xf32> to vector<16xi32>
        %parallel_loop3A_110 = arith.constant 11 : i32
        %parallel_loop3A_111 = vector.broadcast %parallel_loop3A_110 : i32 to vector<16xi32>
        %parallel_loop3A_112 = arith.shrui %parallel_loop3A_109, %parallel_loop3A_111 : vector<16xi32>
        %parallel_loop3A_113 = arith.constant 2047 : i32
        %parallel_loop3A_114 = vector.broadcast %parallel_loop3A_113 : i32 to vector<16xi32>
        %parallel_loop3A_115 = arith.andi %parallel_loop3A_112, %parallel_loop3A_114 : vector<16xi32>
        %parallel_loop3A_116 = arith.constant true
        %parallel_loop3A_117 = vector.broadcast %parallel_loop3A_116 : i1 to vector<16xi1>
        %parallel_loop3A_118, %parallel_loop3A_119 = tpu.scan_count mask(%parallel_loop3A_117 : vector<16xi1>) value(%parallel_loop3A_115 : vector<16xi32>) : vector<16xi1>, vector<16xi32>
        %parallel_loop3A_120 = arith.extui %parallel_loop3A_118 : vector<16xi1> to vector<16xi32>
        %parallel_loop3A_121 = arith.constant 11 : i32
        %parallel_loop3A_122 = vector.broadcast %parallel_loop3A_121 : i32 to vector<16xi32>
        %parallel_loop3A_123 = arith.shli %parallel_loop3A_119, %parallel_loop3A_122 : vector<16xi32>
        %parallel_loop3A_124 = arith.constant 16 : i32
        %parallel_loop3A_125 = vector.broadcast %parallel_loop3A_124 : i32 to vector<16xi32>
        %parallel_loop3A_126 = arith.shli %parallel_loop3A_120, %parallel_loop3A_125 : vector<16xi32>
        %parallel_loop3A_127 = arith.ori %parallel_loop3A_123, %parallel_loop3A_126 : vector<16xi32>
        %parallel_loop3A_128 = arith.ori %parallel_loop3A_115, %parallel_loop3A_127 : vector<16xi32>
        %parallel_loop3A_129 = arith.constant 16 : i32
        %parallel_loop3A_130 = arith.muli %parallel_loop3A_101, %parallel_loop3A_129 : i32
        %parallel_loop3A_131 = arith.index_cast %parallel_loop3A_130 : i32 to index
        %parallel_loop3A_132 = tpu.vector_load %arg7[%parallel_loop3A_131] {strides = array<i32>} : memref<16384xi32, #tpu.memory_space<vmem>>, vector<16xi32>,
        tpu.vector_store %arg7[%parallel_loop3A_131], %parallel_loop3A_128 {strides = array<i32>} : memref<16384xi32, #tpu.memory_space<vmem>>, vector<16xi32>,
      } {sc.loop_unroll_factor = 8 : i64, sc.parallel_access}
      %scan3A_65 = arith.constant 0 : i32
      %scan3A_66 = arith.constant 0 : i32
      %scan3A_67 = arith.constant 64 : i32
      %scan3A_68 = arith.addi %scan3A_66, %scan3A_67 : i32
      %scan3A_69 = arith.constant 1 : i32
      %scan3A_70 = scf.for %scan3A_101 = %scan3A_66 to %scan3A_68 step %scan3A_69 iter_args(%scan3A_102 = %scan3A_65) -> (i32)  : i32 {
        %mul3A_103 = arith.constant 16 : i32
        %mul3A_104 = arith.muli %scan3A_101, %mul3A_103 : i32
        %add3A_105 = arith.constant 0 : i32
        %add3A_106 = arith.addi %mul3A_104, %add3A_105 : i32
        %add3A_107 = arith.constant 1024 : i32
        %add3A_108 = arith.addi %add3A_106, %add3A_107 : i32
        %mul3A_109 = arith.constant 16 : i32
        %mul3A_110 = arith.muli %add3A_106, %mul3A_109 : i32
        %get3A = arith.index_cast %mul3A_110 : i32 to index
        %get3A_111 = tpu.vector_load %arg7[%get3A] {strides = array<i32>} : memref<16384xi32, #tpu.memory_space<vmem>>, vector<16xi32>,
        %mul3A_112 = arith.constant 16 : i32
        %mul3A_113 = arith.muli %add3A_108, %mul3A_112 : i32
        %get3A_114 = arith.index_cast %mul3A_113 : i32 to index
        %get3A_115 = tpu.vector_load %arg5[%get3A_114] {strides = array<i32>} : memref<32768xi32, #tpu.memory_space<vmem>>, vector<16xi32>,
        %broadcast_in_dim3A = arith.constant 2047 : i32
        %broadcast_in_dim3A_116 = vector.broadcast %broadcast_in_dim3A : i32 to vector<16xi32>
        %and3A = arith.andi %get3A_111, %broadcast_in_dim3A_116 : vector<16xi32>
        %broadcast_in_dim3A_117 = arith.constant 11 : i32
        %broadcast_in_dim3A_118 = vector.broadcast %broadcast_in_dim3A_117 : i32 to vector<16xi32>
        %shift_right_logical3A = arith.shrui %get3A_111, %broadcast_in_dim3A_118 : vector<16xi32>
        %broadcast_in_dim3A_119 = arith.constant 31 : i32
        %broadcast_in_dim3A_120 = vector.broadcast %broadcast_in_dim3A_119 : i32 to vector<16xi32>
        %and3A_121 = arith.andi %shift_right_logical3A, %broadcast_in_dim3A_120 : vector<16xi32>
        %broadcast_in_dim3A_122 = arith.constant 16 : i32
        %broadcast_in_dim3A_123 = vector.broadcast %broadcast_in_dim3A_122 : i32 to vector<16xi32>
        %shift_right_logical3A_124 = arith.shrui %get3A_111, %broadcast_in_dim3A_123 : vector<16xi32>
        %broadcast_in_dim3A_125 = arith.constant 0 : i32
        %broadcast_in_dim3A_126 = vector.broadcast %broadcast_in_dim3A_125 : i32 to vector<16xi32>
        %ne3A = arith.cmpi ne, %shift_right_logical3A_124, %broadcast_in_dim3A_126 : vector<16xi32>
        %mul3A_127 = arith.constant 16 : i32
        %mul3A_128 = arith.muli %scan3A_101, %mul3A_127 : i32
        %add3A_129 = arith.constant 1 : i32
        %add3A_130 = arith.addi %mul3A_128, %add3A_129 : i32
        %add3A_131 = arith.constant 1024 : i32
        %add3A_132 = arith.addi %add3A_130, %add3A_131 : i32
        %mul3A_133 = arith.constant 16 : i32
        %mul3A_134 = arith.muli %add3A_130, %mul3A_133 : i32
        %get3A_135 = arith.index_cast %mul3A_134 : i32 to index
        %get3A_136 = tpu.vector_load %arg7[%get3A_135] {strides = array<i32>} : memref<16384xi32, #tpu.memory_space<vmem>>, vector<16xi32>,
        %mul3A_137 = arith.constant 16 : i32
        %mul3A_138 = arith.muli %add3A_132, %mul3A_137 : i32
        %get3A_139 = arith.index_cast %mul3A_138 : i32 to index
        %get3A_140 = tpu.vector_load %arg5[%get3A_139] {strides = array<i32>} : memref<32768xi32, #tpu.memory_space<vmem>>, vector<16xi32>,
        %broadcast_in_dim3A_141 = arith.constant 2047 : i32
        %broadcast_in_dim3A_142 = vector.broadcast %broadcast_in_dim3A_141 : i32 to vector<16xi32>
        %and3A_143 = arith.andi %get3A_136, %broadcast_in_dim3A_142 : vector<16xi32>
        %broadcast_in_dim3A_144 = arith.constant 11 : i32
        %broadcast_in_dim3A_145 = vector.broadcast %broadcast_in_dim3A_144 : i32 to vector<16xi32>
        %shift_right_logical3A_146 = arith.shrui %get3A_136, %broadcast_in_dim3A_145 : vector<16xi32>
        %broadcast_in_dim3A_147 = arith.constant 31 : i32
        %broadcast_in_dim3A_148 = vector.broadcast %broadcast_in_dim3A_147 : i32 to vector<16xi32>
        %and3A_149 = arith.andi %shift_right_logical3A_146, %broadcast_in_dim3A_148 : vector<16xi32>
        %broadcast_in_dim3A_150 = arith.constant 16 : i32
        %broadcast_in_dim3A_151 = vector.broadcast %broadcast_in_dim3A_150 : i32 to vector<16xi32>
        %shift_right_logical3A_152 = arith.shrui %get3A_136, %broadcast_in_dim3A_151 : vector<16xi32>
        %broadcast_in_dim3A_153 = arith.constant 0 : i32
        %broadcast_in_dim3A_154 = vector.broadcast %broadcast_in_dim3A_153 : i32 to vector<16xi32>
        %ne3A_155 = arith.cmpi ne, %shift_right_logical3A_152, %broadcast_in_dim3A_154 : vector<16xi32>
        %mul3A_156 = arith.constant 16 : i32
        %mul3A_157 = arith.muli %scan3A_101, %mul3A_156 : i32
        %add3A_158 = arith.constant 2 : i32
        %add3A_159 = arith.addi %mul3A_157, %add3A_158 : i32
        %add3A_160 = arith.constant 1024 : i32
        %add3A_161 = arith.addi %add3A_159, %add3A_160 : i32
        %mul3A_162 = arith.constant 16 : i32
        %mul3A_163 = arith.muli %add3A_159, %mul3A_162 : i32
        %get3A_164 = arith.index_cast %mul3A_163 : i32 to index
        %get3A_165 = tpu.vector_load %arg7[%get3A_164] {strides = array<i32>} : memref<16384xi32, #tpu.memory_space<vmem>>, vector<16xi32>,
        %mul3A_166 = arith.constant 16 : i32
        %mul3A_167 = arith.muli %add3A_161, %mul3A_166 : i32
        %get3A_168 = arith.index_cast %mul3A_167 : i32 to index
        %get3A_169 = tpu.vector_load %arg5[%get3A_168] {strides = array<i32>} : memref<32768xi32, #tpu.memory_space<vmem>>, vector<16xi32>,
        %broadcast_in_dim3A_170 = arith.constant 2047 : i32
        %broadcast_in_dim3A_171 = vector.broadcast %broadcast_in_dim3A_170 : i32 to vector<16xi32>
        %and3A_172 = arith.andi %get3A_165, %broadcast_in_dim3A_171 : vector<16xi32>
        %broadcast_in_dim3A_173 = arith.constant 11 : i32
        %broadcast_in_dim3A_174 = vector.broadcast %broadcast_in_dim3A_173 : i32 to vector<16xi32>
        %shift_right_logical3A_175 = arith.shrui %get3A_165, %broadcast_in_dim3A_174 : vector<16xi32>
        %broadcast_in_dim3A_176 = arith.constant 31 : i32
        %broadcast_in_dim3A_177 = vector.broadcast %broadcast_in_dim3A_176 : i32 to vector<16xi32>
        %and3A_178 = arith.andi %shift_right_logical3A_175, %broadcast_in_dim3A_177 : vector<16xi32>
        %broadcast_in_dim3A_179 = arith.constant 16 : i32
        %broadcast_in_dim3A_180 = vector.broadcast %broadcast_in_dim3A_179 : i32 to vector<16xi32>
        %shift_right_logical3A_181 = arith.shrui %get3A_165, %broadcast_in_dim3A_180 : vector<16xi32>
        %broadcast_in_dim3A_182 = arith.constant 0 : i32
        %broadcast_in_dim3A_183 = vector.broadcast %broadcast_in_dim3A_182 : i32 to vector<16xi32>
        %ne3A_184 = arith.cmpi ne, %shift_right_logical3A_181, %broadcast_in_dim3A_183 : vector<16xi32>
        %mul3A_185 = arith.constant 16 : i32
        %mul3A_186 = arith.muli %scan3A_101, %mul3A_185 : i32
        %add3A_187 = arith.constant 3 : i32
        %add3A_188 = arith.addi %mul3A_186, %add3A_187 : i32
        %add3A_189 = arith.constant 1024 : i32
        %add3A_190 = arith.addi %add3A_188, %add3A_189 : i32
        %mul3A_191 = arith.constant 16 : i32
        %mul3A_192 = arith.muli %add3A_188, %mul3A_191 : i32
        %get3A_193 = arith.index_cast %mul3A_192 : i32 to index
        %get3A_194 = tpu.vector_load %arg7[%get3A_193] {strides = array<i32>} : memref<16384xi32, #tpu.memory_space<vmem>>, vector<16xi32>,
        %mul3A_195 = arith.constant 16 : i32
        %mul3A_196 = arith.muli %add3A_190, %mul3A_195 : i32
        %get3A_197 = arith.index_cast %mul3A_196 : i32 to index
        %get3A_198 = tpu.vector_load %arg5[%get3A_197] {strides = array<i32>} : memref<32768xi32, #tpu.memory_space<vmem>>, vector<16xi32>,
        %broadcast_in_dim3A_199 = arith.constant 2047 : i32
        %broadcast_in_dim3A_200 = vector.broadcast %broadcast_in_dim3A_199 : i32 to vector<16xi32>
        %and3A_201 = arith.andi %get3A_194, %broadcast_in_dim3A_200 : vector<16xi32>
        %broadcast_in_dim3A_202 = arith.constant 11 : i32
        %broadcast_in_dim3A_203 = vector.broadcast %broadcast_in_dim3A_202 : i32 to vector<16xi32>
        %shift_right_logical3A_204 = arith.shrui %get3A_194, %broadcast_in_dim3A_203 : vector<16xi32>
        %broadcast_in_dim3A_205 = arith.constant 31 : i32
        %broadcast_in_dim3A_206 = vector.broadcast %broadcast_in_dim3A_205 : i32 to vector<16xi32>
        %and3A_207 = arith.andi %shift_right_logical3A_204, %broadcast_in_dim3A_206 : vector<16xi32>
        %broadcast_in_dim3A_208 = arith.constant 16 : i32
        %broadcast_in_dim3A_209 = vector.broadcast %broadcast_in_dim3A_208 : i32 to vector<16xi32>
        %shift_right_logical3A_210 = arith.shrui %get3A_194, %broadcast_in_dim3A_209 : vector<16xi32>
        %broadcast_in_dim3A_211 = arith.constant 0 : i32
        %broadcast_in_dim3A_212 = vector.broadcast %broadcast_in_dim3A_211 : i32 to vector<16xi32>
        %ne3A_213 = arith.cmpi ne, %shift_right_logical3A_210, %broadcast_in_dim3A_212 : vector<16xi32>
        %mul3A_214 = arith.constant 16 : i32
        %mul3A_215 = arith.muli %scan3A_101, %mul3A_214 : i32
        %add3A_216 = arith.constant 4 : i32
        %add3A_217 = arith.addi %mul3A_215, %add3A_216 : i32
        %add3A_218 = arith.constant 1024 : i32
        %add3A_219 = arith.addi %add3A_217, %add3A_218 : i32
        %mul3A_220 = arith.constant 16 : i32
        %mul3A_221 = arith.muli %add3A_217, %mul3A_220 : i32
        %get3A_222 = arith.index_cast %mul3A_221 : i32 to index
        %get3A_223 = tpu.vector_load %arg7[%get3A_222] {strides = array<i32>} : memref<16384xi32, #tpu.memory_space<vmem>>, vector<16xi32>,
        %mul3A_224 = arith.constant 16 : i32
        %mul3A_225 = arith.muli %add3A_219, %mul3A_224 : i32
        %get3A_226 = arith.index_cast %mul3A_225 : i32 to index
        %get3A_227 = tpu.vector_load %arg5[%get3A_226] {strides = array<i32>} : memref<32768xi32, #tpu.memory_space<vmem>>, vector<16xi32>,
        %broadcast_in_dim3A_228 = arith.constant 2047 : i32
        %broadcast_in_dim3A_229 = vector.broadcast %broadcast_in_dim3A_228 : i32 to vector<16xi32>
        %and3A_230 = arith.andi %get3A_223, %broadcast_in_dim3A_229 : vector<16xi32>
        %broadcast_in_dim3A_231 = arith.constant 11 : i32
        %broadcast_in_dim3A_232 = vector.broadcast %broadcast_in_dim3A_231 : i32 to vector<16xi32>
        %shift_right_logical3A_233 = arith.shrui %get3A_223, %broadcast_in_dim3A_232 : vector<16xi32>
        %broadcast_in_dim3A_234 = arith.constant 31 : i32
        %broadcast_in_dim3A_235 = vector.broadcast %broadcast_in_dim3A_234 : i32 to vector<16xi32>
        %and3A_236 = arith.andi %shift_right_logical3A_233, %broadcast_in_dim3A_235 : vector<16xi32>
        %broadcast_in_dim3A_237 = arith.constant 16 : i32
        %broadcast_in_dim3A_238 = vector.broadcast %broadcast_in_dim3A_237 : i32 to vector<16xi32>
        %shift_right_logical3A_239 = arith.shrui %get3A_223, %broadcast_in_dim3A_238 : vector<16xi32>
        %broadcast_in_dim3A_240 = arith.constant 0 : i32
        %broadcast_in_dim3A_241 = vector.broadcast %broadcast_in_dim3A_240 : i32 to vector<16xi32>
        %ne3A_242 = arith.cmpi ne, %shift_right_logical3A_239, %broadcast_in_dim3A_241 : vector<16xi32>
        %mul3A_243 = arith.constant 16 : i32
        %mul3A_244 = arith.muli %scan3A_101, %mul3A_243 : i32
        %add3A_245 = arith.constant 5 : i32
        %add3A_246 = arith.addi %mul3A_244, %add3A_245 : i32
        %add3A_247 = arith.constant 1024 : i32
        %add3A_248 = arith.addi %add3A_246, %add3A_247 : i32
        %mul3A_249 = arith.constant 16 : i32
        %mul3A_250 = arith.muli %add3A_246, %mul3A_249 : i32
        %get3A_251 = arith.index_cast %mul3A_250 : i32 to index
        %get3A_252 = tpu.vector_load %arg7[%get3A_251] {strides = array<i32>} : memref<16384xi32, #tpu.memory_space<vmem>>, vector<16xi32>,
        %mul3A_253 = arith.constant 16 : i32
        %mul3A_254 = arith.muli %add3A_248, %mul3A_253 : i32
        %get3A_255 = arith.index_cast %mul3A_254 : i32 to index
        %get3A_256 = tpu.vector_load %arg5[%get3A_255] {strides = array<i32>} : memref<32768xi32, #tpu.memory_space<vmem>>, vector<16xi32>,
        %broadcast_in_dim3A_257 = arith.constant 2047 : i32
        %broadcast_in_dim3A_258 = vector.broadcast %broadcast_in_dim3A_257 : i32 to vector<16xi32>
        %and3A_259 = arith.andi %get3A_252, %broadcast_in_dim3A_258 : vector<16xi32>
        %broadcast_in_dim3A_260 = arith.constant 11 : i32
        %broadcast_in_dim3A_261 = vector.broadcast %broadcast_in_dim3A_260 : i32 to vector<16xi32>
        %shift_right_logical3A_262 = arith.shrui %get3A_252, %broadcast_in_dim3A_261 : vector<16xi32>
        %broadcast_in_dim3A_263 = arith.constant 31 : i32
        %broadcast_in_dim3A_264 = vector.broadcast %broadcast_in_dim3A_263 : i32 to vector<16xi32>
        %and3A_265 = arith.andi %shift_right_logical3A_262, %broadcast_in_dim3A_264 : vector<16xi32>
        %broadcast_in_dim3A_266 = arith.constant 16 : i32
        %broadcast_in_dim3A_267 = vector.broadcast %broadcast_in_dim3A_266 : i32 to vector<16xi32>
        %shift_right_logical3A_268 = arith.shrui %get3A_252, %broadcast_in_dim3A_267 : vector<16xi32>
        %broadcast_in_dim3A_269 = arith.constant 0 : i32
        %broadcast_in_dim3A_270 = vector.broadcast %broadcast_in_dim3A_269 : i32 to vector<16xi32>
        %ne3A_271 = arith.cmpi ne, %shift_right_logical3A_268, %broadcast_in_dim3A_270 : vector<16xi32>
        %mul3A_272 = arith.constant 16 : i32
        %mul3A_273 = arith.muli %scan3A_101, %mul3A_272 : i32
        %add3A_274 = arith.constant 6 : i32
        %add3A_275 = arith.addi %mul3A_273, %add3A_274 : i32
        %add3A_276 = arith.constant 1024 : i32
        %add3A_277 = arith.addi %add3A_275, %add3A_276 : i32
        %mul3A_278 = arith.constant 16 : i32
        %mul3A_279 = arith.muli %add3A_275, %mul3A_278 : i32
        %get3A_280 = arith.index_cast %mul3A_279 : i32 to index
        %get3A_281 = tpu.vector_load %arg7[%get3A_280] {strides = array<i32>} : memref<16384xi32, #tpu.memory_space<vmem>>, vector<16xi32>,
        %mul3A_282 = arith.constant 16 : i32
        %mul3A_283 = arith.muli %add3A_277, %mul3A_282 : i32
        %get3A_284 = arith.index_cast %mul3A_283 : i32 to index
        %get3A_285 = tpu.vector_load %arg5[%get3A_284] {strides = array<i32>} : memref<32768xi32, #tpu.memory_space<vmem>>, vector<16xi32>,
        %broadcast_in_dim3A_286 = arith.constant 2047 : i32
        %broadcast_in_dim3A_287 = vector.broadcast %broadcast_in_dim3A_286 : i32 to vector<16xi32>
        %and3A_288 = arith.andi %get3A_281, %broadcast_in_dim3A_287 : vector<16xi32>
        %broadcast_in_dim3A_289 = arith.constant 11 : i32
        %broadcast_in_dim3A_290 = vector.broadcast %broadcast_in_dim3A_289 : i32 to vector<16xi32>
        %shift_right_logical3A_291 = arith.shrui %get3A_281, %broadcast_in_dim3A_290 : vector<16xi32>
        %broadcast_in_dim3A_292 = arith.constant 31 : i32
        %broadcast_in_dim3A_293 = vector.broadcast %broadcast_in_dim3A_292 : i32 to vector<16xi32>
        %and3A_294 = arith.andi %shift_right_logical3A_291, %broadcast_in_dim3A_293 : vector<16xi32>
        %broadcast_in_dim3A_295 = arith.constant 16 : i32
        %broadcast_in_dim3A_296 = vector.broadcast %broadcast_in_dim3A_295 : i32 to vector<16xi32>
        %shift_right_logical3A_297 = arith.shrui %get3A_281, %broadcast_in_dim3A_296 : vector<16xi32>
        %broadcast_in_dim3A_298 = arith.constant 0 : i32
        %broadcast_in_dim3A_299 = vector.broadcast %broadcast_in_dim3A_298 : i32 to vector<16xi32>
        %ne3A_300 = arith.cmpi ne, %shift_right_logical3A_297, %broadcast_in_dim3A_299 : vector<16xi32>
        %mul3A_301 = arith.constant 16 : i32
        %mul3A_302 = arith.muli %scan3A_101, %mul3A_301 : i32
        %add3A_303 = arith.constant 7 : i32
        %add3A_304 = arith.addi %mul3A_302, %add3A_303 : i32
        %add3A_305 = arith.constant 1024 : i32
        %add3A_306 = arith.addi %add3A_304, %add3A_305 : i32
        %mul3A_307 = arith.constant 16 : i32
        %mul3A_308 = arith.muli %add3A_304, %mul3A_307 : i32
        %get3A_309 = arith.index_cast %mul3A_308 : i32 to index
        %get3A_310 = tpu.vector_load %arg7[%get3A_309] {strides = array<i32>} : memref<16384xi32, #tpu.memory_space<vmem>>, vector<16xi32>,
        %mul3A_311 = arith.constant 16 : i32
        %mul3A_312 = arith.muli %add3A_306, %mul3A_311 : i32
        %get3A_313 = arith.index_cast %mul3A_312 : i32 to index
        %get3A_314 = tpu.vector_load %arg5[%get3A_313] {strides = array<i32>} : memref<32768xi32, #tpu.memory_space<vmem>>, vector<16xi32>,
        %broadcast_in_dim3A_315 = arith.constant 2047 : i32
        %broadcast_in_dim3A_316 = vector.broadcast %broadcast_in_dim3A_315 : i32 to vector<16xi32>
        %and3A_317 = arith.andi %get3A_310, %broadcast_in_dim3A_316 : vector<16xi32>
        %broadcast_in_dim3A_318 = arith.constant 11 : i32
        %broadcast_in_dim3A_319 = vector.broadcast %broadcast_in_dim3A_318 : i32 to vector<16xi32>
        %shift_right_logical3A_320 = arith.shrui %get3A_310, %broadcast_in_dim3A_319 : vector<16xi32>
        %broadcast_in_dim3A_321 = arith.constant 31 : i32
        %broadcast_in_dim3A_322 = vector.broadcast %broadcast_in_dim3A_321 : i32 to vector<16xi32>
        %and3A_323 = arith.andi %shift_right_logical3A_320, %broadcast_in_dim3A_322 : vector<16xi32>
        %broadcast_in_dim3A_324 = arith.constant 16 : i32
        %broadcast_in_dim3A_325 = vector.broadcast %broadcast_in_dim3A_324 : i32 to vector<16xi32>
        %shift_right_logical3A_326 = arith.shrui %get3A_310, %broadcast_in_dim3A_325 : vector<16xi32>
        %broadcast_in_dim3A_327 = arith.constant 0 : i32
        %broadcast_in_dim3A_328 = vector.broadcast %broadcast_in_dim3A_327 : i32 to vector<16xi32>
        %ne3A_329 = arith.cmpi ne, %shift_right_logical3A_326, %broadcast_in_dim3A_328 : vector<16xi32>
        %mul3A_330 = arith.constant 16 : i32
        %mul3A_331 = arith.muli %scan3A_101, %mul3A_330 : i32
        %add3A_332 = arith.constant 8 : i32
        %add3A_333 = arith.addi %mul3A_331, %add3A_332 : i32
        %add3A_334 = arith.constant 1024 : i32
        %add3A_335 = arith.addi %add3A_333, %add3A_334 : i32
        %mul3A_336 = arith.constant 16 : i32
        %mul3A_337 = arith.muli %add3A_333, %mul3A_336 : i32
        %get3A_338 = arith.index_cast %mul3A_337 : i32 to index
        %get3A_339 = tpu.vector_load %arg7[%get3A_338] {strides = array<i32>} : memref<16384xi32, #tpu.memory_space<vmem>>, vector<16xi32>,
        %mul3A_340 = arith.constant 16 : i32
        %mul3A_341 = arith.muli %add3A_335, %mul3A_340 : i32
        %get3A_342 = arith.index_cast %mul3A_341 : i32 to index
        %get3A_343 = tpu.vector_load %arg5[%get3A_342] {strides = array<i32>} : memref<32768xi32, #tpu.memory_space<vmem>>, vector<16xi32>,
        %broadcast_in_dim3A_344 = arith.constant 2047 : i32
        %broadcast_in_dim3A_345 = vector.broadcast %broadcast_in_dim3A_344 : i32 to vector<16xi32>
        %and3A_346 = arith.andi %get3A_339, %broadcast_in_dim3A_345 : vector<16xi32>
        %broadcast_in_dim3A_347 = arith.constant 11 : i32
        %broadcast_in_dim3A_348 = vector.broadcast %broadcast_in_dim3A_347 : i32 to vector<16xi32>
        %shift_right_logical3A_349 = arith.shrui %get3A_339, %broadcast_in_dim3A_348 : vector<16xi32>
        %broadcast_in_dim3A_350 = arith.constant 31 : i32
        %broadcast_in_dim3A_351 = vector.broadcast %broadcast_in_dim3A_350 : i32 to vector<16xi32>
        %and3A_352 = arith.andi %shift_right_logical3A_349, %broadcast_in_dim3A_351 : vector<16xi32>
        %broadcast_in_dim3A_353 = arith.constant 16 : i32
        %broadcast_in_dim3A_354 = vector.broadcast %broadcast_in_dim3A_353 : i32 to vector<16xi32>
        %shift_right_logical3A_355 = arith.shrui %get3A_339, %broadcast_in_dim3A_354 : vector<16xi32>
        %broadcast_in_dim3A_356 = arith.constant 0 : i32
        %broadcast_in_dim3A_357 = vector.broadcast %broadcast_in_dim3A_356 : i32 to vector<16xi32>
        %ne3A_358 = arith.cmpi ne, %shift_right_logical3A_355, %broadcast_in_dim3A_357 : vector<16xi32>
        %mul3A_359 = arith.constant 16 : i32
        %mul3A_360 = arith.muli %scan3A_101, %mul3A_359 : i32
        %add3A_361 = arith.constant 9 : i32
        %add3A_362 = arith.addi %mul3A_360, %add3A_361 : i32
        %add3A_363 = arith.constant 1024 : i32
        %add3A_364 = arith.addi %add3A_362, %add3A_363 : i32
        %mul3A_365 = arith.constant 16 : i32
        %mul3A_366 = arith.muli %add3A_362, %mul3A_365 : i32
        %get3A_367 = arith.index_cast %mul3A_366 : i32 to index
        %get3A_368 = tpu.vector_load %arg7[%get3A_367] {strides = array<i32>} : memref<16384xi32, #tpu.memory_space<vmem>>, vector<16xi32>,
        %mul3A_369 = arith.constant 16 : i32
        %mul3A_370 = arith.muli %add3A_364, %mul3A_369 : i32
        %get3A_371 = arith.index_cast %mul3A_370 : i32 to index
        %get3A_372 = tpu.vector_load %arg5[%get3A_371] {strides = array<i32>} : memref<32768xi32, #tpu.memory_space<vmem>>, vector<16xi32>,
        %broadcast_in_dim3A_373 = arith.constant 2047 : i32
        %broadcast_in_dim3A_374 = vector.broadcast %broadcast_in_dim3A_373 : i32 to vector<16xi32>
        %and3A_375 = arith.andi %get3A_368, %broadcast_in_dim3A_374 : vector<16xi32>
        %broadcast_in_dim3A_376 = arith.constant 11 : i32
        %broadcast_in_dim3A_377 = vector.broadcast %broadcast_in_dim3A_376 : i32 to vector<16xi32>
        %shift_right_logical3A_378 = arith.shrui %get3A_368, %broadcast_in_dim3A_377 : vector<16xi32>
        %broadcast_in_dim3A_379 = arith.constant 31 : i32
        %broadcast_in_dim3A_380 = vector.broadcast %broadcast_in_dim3A_379 : i32 to vector<16xi32>
        %and3A_381 = arith.andi %shift_right_logical3A_378, %broadcast_in_dim3A_380 : vector<16xi32>
        %broadcast_in_dim3A_382 = arith.constant 16 : i32
        %broadcast_in_dim3A_383 = vector.broadcast %broadcast_in_dim3A_382 : i32 to vector<16xi32>
        %shift_right_logical3A_384 = arith.shrui %get3A_368, %broadcast_in_dim3A_383 : vector<16xi32>
        %broadcast_in_dim3A_385 = arith.constant 0 : i32
        %broadcast_in_dim3A_386 = vector.broadcast %broadcast_in_dim3A_385 : i32 to vector<16xi32>
        %ne3A_387 = arith.cmpi ne, %shift_right_logical3A_384, %broadcast_in_dim3A_386 : vector<16xi32>
        %mul3A_388 = arith.constant 16 : i32
        %mul3A_389 = arith.muli %scan3A_101, %mul3A_388 : i32
        %add3A_390 = arith.constant 10 : i32
        %add3A_391 = arith.addi %mul3A_389, %add3A_390 : i32
        %add3A_392 = arith.constant 1024 : i32
        %add3A_393 = arith.addi %add3A_391, %add3A_392 : i32
        %mul3A_394 = arith.constant 16 : i32
        %mul3A_395 = arith.muli %add3A_391, %mul3A_394 : i32
        %get3A_396 = arith.index_cast %mul3A_395 : i32 to index
        %get3A_397 = tpu.vector_load %arg7[%get3A_396] {strides = array<i32>} : memref<16384xi32, #tpu.memory_space<vmem>>, vector<16xi32>,
        %mul3A_398 = arith.constant 16 : i32
        %mul3A_399 = arith.muli %add3A_393, %mul3A_398 : i32
        %get3A_400 = arith.index_cast %mul3A_399 : i32 to index
        %get3A_401 = tpu.vector_load %arg5[%get3A_400] {strides = array<i32>} : memref<32768xi32, #tpu.memory_space<vmem>>, vector<16xi32>,
        %broadcast_in_dim3A_402 = arith.constant 2047 : i32
        %broadcast_in_dim3A_403 = vector.broadcast %broadcast_in_dim3A_402 : i32 to vector<16xi32>
        %and3A_404 = arith.andi %get3A_397, %broadcast_in_dim3A_403 : vector<16xi32>
        %broadcast_in_dim3A_405 = arith.constant 11 : i32
        %broadcast_in_dim3A_406 = vector.broadcast %broadcast_in_dim3A_405 : i32 to vector<16xi32>
        %shift_right_logical3A_407 = arith.shrui %get3A_397, %broadcast_in_dim3A_406 : vector<16xi32>
        %broadcast_in_dim3A_408 = arith.constant 31 : i32
        %broadcast_in_dim3A_409 = vector.broadcast %broadcast_in_dim3A_408 : i32 to vector<16xi32>
        %and3A_410 = arith.andi %shift_right_logical3A_407, %broadcast_in_dim3A_409 : vector<16xi32>
        %broadcast_in_dim3A_411 = arith.constant 16 : i32
        %broadcast_in_dim3A_412 = vector.broadcast %broadcast_in_dim3A_411 : i32 to vector<16xi32>
        %shift_right_logical3A_413 = arith.shrui %get3A_397, %broadcast_in_dim3A_412 : vector<16xi32>
        %broadcast_in_dim3A_414 = arith.constant 0 : i32
        %broadcast_in_dim3A_415 = vector.broadcast %broadcast_in_dim3A_414 : i32 to vector<16xi32>
        %ne3A_416 = arith.cmpi ne, %shift_right_logical3A_413, %broadcast_in_dim3A_415 : vector<16xi32>
        %mul3A_417 = arith.constant 16 : i32
        %mul3A_418 = arith.muli %scan3A_101, %mul3A_417 : i32
        %add3A_419 = arith.constant 11 : i32
        %add3A_420 = arith.addi %mul3A_418, %add3A_419 : i32
        %add3A_421 = arith.constant 1024 : i32
        %add3A_422 = arith.addi %add3A_420, %add3A_421 : i32
        %mul3A_423 = arith.constant 16 : i32
        %mul3A_424 = arith.muli %add3A_420, %mul3A_423 : i32
        %get3A_425 = arith.index_cast %mul3A_424 : i32 to index
        %get3A_426 = tpu.vector_load %arg7[%get3A_425] {strides = array<i32>} : memref<16384xi32, #tpu.memory_space<vmem>>, vector<16xi32>,
        %mul3A_427 = arith.constant 16 : i32
        %mul3A_428 = arith.muli %add3A_422, %mul3A_427 : i32
        %get3A_429 = arith.index_cast %mul3A_428 : i32 to index
        %get3A_430 = tpu.vector_load %arg5[%get3A_429] {strides = array<i32>} : memref<32768xi32, #tpu.memory_space<vmem>>, vector<16xi32>,
        %broadcast_in_dim3A_431 = arith.constant 2047 : i32
        %broadcast_in_dim3A_432 = vector.broadcast %broadcast_in_dim3A_431 : i32 to vector<16xi32>
        %and3A_433 = arith.andi %get3A_426, %broadcast_in_dim3A_432 : vector<16xi32>
        %broadcast_in_dim3A_434 = arith.constant 11 : i32
        %broadcast_in_dim3A_435 = vector.broadcast %broadcast_in_dim3A_434 : i32 to vector<16xi32>
        %shift_right_logical3A_436 = arith.shrui %get3A_426, %broadcast_in_dim3A_435 : vector<16xi32>
        %broadcast_in_dim3A_437 = arith.constant 31 : i32
        %broadcast_in_dim3A_438 = vector.broadcast %broadcast_in_dim3A_437 : i32 to vector<16xi32>
        %and3A_439 = arith.andi %shift_right_logical3A_436, %broadcast_in_dim3A_438 : vector<16xi32>
        %broadcast_in_dim3A_440 = arith.constant 16 : i32
        %broadcast_in_dim3A_441 = vector.broadcast %broadcast_in_dim3A_440 : i32 to vector<16xi32>
        %shift_right_logical3A_442 = arith.shrui %get3A_426, %broadcast_in_dim3A_441 : vector<16xi32>
        %broadcast_in_dim3A_443 = arith.constant 0 : i32
        %broadcast_in_dim3A_444 = vector.broadcast %broadcast_in_dim3A_443 : i32 to vector<16xi32>
        %ne3A_445 = arith.cmpi ne, %shift_right_logical3A_442, %broadcast_in_dim3A_444 : vector<16xi32>
        %mul3A_446 = arith.constant 16 : i32
        %mul3A_447 = arith.muli %scan3A_101, %mul3A_446 : i32
        %add3A_448 = arith.constant 12 : i32
        %add3A_449 = arith.addi %mul3A_447, %add3A_448 : i32
        %add3A_450 = arith.constant 1024 : i32
        %add3A_451 = arith.addi %add3A_449, %add3A_450 : i32
        %mul3A_452 = arith.constant 16 : i32
        %mul3A_453 = arith.muli %add3A_449, %mul3A_452 : i32
        %get3A_454 = arith.index_cast %mul3A_453 : i32 to index
        %get3A_455 = tpu.vector_load %arg7[%get3A_454] {strides = array<i32>} : memref<16384xi32, #tpu.memory_space<vmem>>, vector<16xi32>,
        %mul3A_456 = arith.constant 16 : i32
        %mul3A_457 = arith.muli %add3A_451, %mul3A_456 : i32
        %get3A_458 = arith.index_cast %mul3A_457 : i32 to index
        %get3A_459 = tpu.vector_load %arg5[%get3A_458] {strides = array<i32>} : memref<32768xi32, #tpu.memory_space<vmem>>, vector<16xi32>,
        %broadcast_in_dim3A_460 = arith.constant 2047 : i32
        %broadcast_in_dim3A_461 = vector.broadcast %broadcast_in_dim3A_460 : i32 to vector<16xi32>
        %and3A_462 = arith.andi %get3A_455, %broadcast_in_dim3A_461 : vector<16xi32>
        %broadcast_in_dim3A_463 = arith.constant 11 : i32
        %broadcast_in_dim3A_464 = vector.broadcast %broadcast_in_dim3A_463 : i32 to vector<16xi32>
        %shift_right_logical3A_465 = arith.shrui %get3A_455, %broadcast_in_dim3A_464 : vector<16xi32>
        %broadcast_in_dim3A_466 = arith.constant 31 : i32
        %broadcast_in_dim3A_467 = vector.broadcast %broadcast_in_dim3A_466 : i32 to vector<16xi32>
        %and3A_468 = arith.andi %shift_right_logical3A_465, %broadcast_in_dim3A_467 : vector<16xi32>
        %broadcast_in_dim3A_469 = arith.constant 16 : i32
        %broadcast_in_dim3A_470 = vector.broadcast %broadcast_in_dim3A_469 : i32 to vector<16xi32>
        %shift_right_logical3A_471 = arith.shrui %get3A_455, %broadcast_in_dim3A_470 : vector<16xi32>
        %broadcast_in_dim3A_472 = arith.constant 0 : i32
        %broadcast_in_dim3A_473 = vector.broadcast %broadcast_in_dim3A_472 : i32 to vector<16xi32>
        %ne3A_474 = arith.cmpi ne, %shift_right_logical3A_471, %broadcast_in_dim3A_473 : vector<16xi32>
        %mul3A_475 = arith.constant 16 : i32
        %mul3A_476 = arith.muli %scan3A_101, %mul3A_475 : i32
        %add3A_477 = arith.constant 13 : i32
        %add3A_478 = arith.addi %mul3A_476, %add3A_477 : i32
        %add3A_479 = arith.constant 1024 : i32
        %add3A_480 = arith.addi %add3A_478, %add3A_479 : i32
        %mul3A_481 = arith.constant 16 : i32
        %mul3A_482 = arith.muli %add3A_478, %mul3A_481 : i32
        %get3A_483 = arith.index_cast %mul3A_482 : i32 to index
        %get3A_484 = tpu.vector_load %arg7[%get3A_483] {strides = array<i32>} : memref<16384xi32, #tpu.memory_space<vmem>>, vector<16xi32>,
        %mul3A_485 = arith.constant 16 : i32
        %mul3A_486 = arith.muli %add3A_480, %mul3A_485 : i32
        %get3A_487 = arith.index_cast %mul3A_486 : i32 to index
        %get3A_488 = tpu.vector_load %arg5[%get3A_487] {strides = array<i32>} : memref<32768xi32, #tpu.memory_space<vmem>>, vector<16xi32>,
        %broadcast_in_dim3A_489 = arith.constant 2047 : i32
        %broadcast_in_dim3A_490 = vector.broadcast %broadcast_in_dim3A_489 : i32 to vector<16xi32>
        %and3A_491 = arith.andi %get3A_484, %broadcast_in_dim3A_490 : vector<16xi32>
        %broadcast_in_dim3A_492 = arith.constant 11 : i32
        %broadcast_in_dim3A_493 = vector.broadcast %broadcast_in_dim3A_492 : i32 to vector<16xi32>
        %shift_right_logical3A_494 = arith.shrui %get3A_484, %broadcast_in_dim3A_493 : vector<16xi32>
        %broadcast_in_dim3A_495 = arith.constant 31 : i32
        %broadcast_in_dim3A_496 = vector.broadcast %broadcast_in_dim3A_495 : i32 to vector<16xi32>
        %and3A_497 = arith.andi %shift_right_logical3A_494, %broadcast_in_dim3A_496 : vector<16xi32>
        %broadcast_in_dim3A_498 = arith.constant 16 : i32
        %broadcast_in_dim3A_499 = vector.broadcast %broadcast_in_dim3A_498 : i32 to vector<16xi32>
        %shift_right_logical3A_500 = arith.shrui %get3A_484, %broadcast_in_dim3A_499 : vector<16xi32>
        %broadcast_in_dim3A_501 = arith.constant 0 : i32
        %broadcast_in_dim3A_502 = vector.broadcast %broadcast_in_dim3A_501 : i32 to vector<16xi32>
        %ne3A_503 = arith.cmpi ne, %shift_right_logical3A_500, %broadcast_in_dim3A_502 : vector<16xi32>
        %mul3A_504 = arith.constant 16 : i32
        %mul3A_505 = arith.muli %scan3A_101, %mul3A_504 : i32
        %add3A_506 = arith.constant 14 : i32
        %add3A_507 = arith.addi %mul3A_505, %add3A_506 : i32
        %add3A_508 = arith.constant 1024 : i32
        %add3A_509 = arith.addi %add3A_507, %add3A_508 : i32
        %mul3A_510 = arith.constant 16 : i32
        %mul3A_511 = arith.muli %add3A_507, %mul3A_510 : i32
        %get3A_512 = arith.index_cast %mul3A_511 : i32 to index
        %get3A_513 = tpu.vector_load %arg7[%get3A_512] {strides = array<i32>} : memref<16384xi32, #tpu.memory_space<vmem>>, vector<16xi32>,
        %mul3A_514 = arith.constant 16 : i32
        %mul3A_515 = arith.muli %add3A_509, %mul3A_514 : i32
        %get3A_516 = arith.index_cast %mul3A_515 : i32 to index
        %get3A_517 = tpu.vector_load %arg5[%get3A_516] {strides = array<i32>} : memref<32768xi32, #tpu.memory_space<vmem>>, vector<16xi32>,
        %broadcast_in_dim3A_518 = arith.constant 2047 : i32
        %broadcast_in_dim3A_519 = vector.broadcast %broadcast_in_dim3A_518 : i32 to vector<16xi32>
        %and3A_520 = arith.andi %get3A_513, %broadcast_in_dim3A_519 : vector<16xi32>
        %broadcast_in_dim3A_521 = arith.constant 11 : i32
        %broadcast_in_dim3A_522 = vector.broadcast %broadcast_in_dim3A_521 : i32 to vector<16xi32>
        %shift_right_logical3A_523 = arith.shrui %get3A_513, %broadcast_in_dim3A_522 : vector<16xi32>
        %broadcast_in_dim3A_524 = arith.constant 31 : i32
        %broadcast_in_dim3A_525 = vector.broadcast %broadcast_in_dim3A_524 : i32 to vector<16xi32>
        %and3A_526 = arith.andi %shift_right_logical3A_523, %broadcast_in_dim3A_525 : vector<16xi32>
        %broadcast_in_dim3A_527 = arith.constant 16 : i32
        %broadcast_in_dim3A_528 = vector.broadcast %broadcast_in_dim3A_527 : i32 to vector<16xi32>
        %shift_right_logical3A_529 = arith.shrui %get3A_513, %broadcast_in_dim3A_528 : vector<16xi32>
        %broadcast_in_dim3A_530 = arith.constant 0 : i32
        %broadcast_in_dim3A_531 = vector.broadcast %broadcast_in_dim3A_530 : i32 to vector<16xi32>
        %ne3A_532 = arith.cmpi ne, %shift_right_logical3A_529, %broadcast_in_dim3A_531 : vector<16xi32>
        %mul3A_533 = arith.constant 16 : i32
        %mul3A_534 = arith.muli %scan3A_101, %mul3A_533 : i32
        %add3A_535 = arith.constant 15 : i32
        %add3A_536 = arith.addi %mul3A_534, %add3A_535 : i32
        %add3A_537 = arith.constant 1024 : i32
        %add3A_538 = arith.addi %add3A_536, %add3A_537 : i32
        %mul3A_539 = arith.constant 16 : i32
        %mul3A_540 = arith.muli %add3A_536, %mul3A_539 : i32
        %get3A_541 = arith.index_cast %mul3A_540 : i32 to index
        %get3A_542 = tpu.vector_load %arg7[%get3A_541] {strides = array<i32>} : memref<16384xi32, #tpu.memory_space<vmem>>, vector<16xi32>,
        %mul3A_543 = arith.constant 16 : i32
        %mul3A_544 = arith.muli %add3A_538, %mul3A_543 : i32
        %get3A_545 = arith.index_cast %mul3A_544 : i32 to index
        %get3A_546 = tpu.vector_load %arg5[%get3A_545] {strides = array<i32>} : memref<32768xi32, #tpu.memory_space<vmem>>, vector<16xi32>,
        %broadcast_in_dim3A_547 = arith.constant 2047 : i32
        %broadcast_in_dim3A_548 = vector.broadcast %broadcast_in_dim3A_547 : i32 to vector<16xi32>
        %and3A_549 = arith.andi %get3A_542, %broadcast_in_dim3A_548 : vector<16xi32>
        %broadcast_in_dim3A_550 = arith.constant 11 : i32
        %broadcast_in_dim3A_551 = vector.broadcast %broadcast_in_dim3A_550 : i32 to vector<16xi32>
        %shift_right_logical3A_552 = arith.shrui %get3A_542, %broadcast_in_dim3A_551 : vector<16xi32>
        %broadcast_in_dim3A_553 = arith.constant 31 : i32
        %broadcast_in_dim3A_554 = vector.broadcast %broadcast_in_dim3A_553 : i32 to vector<16xi32>
        %and3A_555 = arith.andi %shift_right_logical3A_552, %broadcast_in_dim3A_554 : vector<16xi32>
        %broadcast_in_dim3A_556 = arith.constant 16 : i32
        %broadcast_in_dim3A_557 = vector.broadcast %broadcast_in_dim3A_556 : i32 to vector<16xi32>
        %shift_right_logical3A_558 = arith.shrui %get3A_542, %broadcast_in_dim3A_557 : vector<16xi32>
        %broadcast_in_dim3A_559 = arith.constant 0 : i32
        %broadcast_in_dim3A_560 = vector.broadcast %broadcast_in_dim3A_559 : i32 to vector<16xi32>
        %ne3A_561 = arith.cmpi ne, %shift_right_logical3A_558, %broadcast_in_dim3A_560 : vector<16xi32>
        %gather3A = tpu.vector_load_idx %arg9[%and3A] : memref<2048xi32, #tpu.memory_space<vmem>>[vector<16xi32>], vector<16xi32>,
        %add3A_562 = arith.addi %gather3A, %and3A_121 : vector<16xi32>
        tpu.vector_store_idx %arg9[%and3A], %add3A_562 masked %ne3A : memref<2048xi32, #tpu.memory_space<vmem>>[vector<16xi32>], vector<16xi32>, vector<16xi1>
        tpu.vector_store_idx %arg6[%add3A_562], %get3A_115 : memref<32768xi32, #tpu.memory_space<vmem>>[vector<16xi32>], vector<16xi32>,
        %gather3A_563 = tpu.vector_load_idx %arg9[%and3A_143] : memref<2048xi32, #tpu.memory_space<vmem>>[vector<16xi32>], vector<16xi32>,
        %add3A_564 = arith.addi %gather3A_563, %and3A_149 : vector<16xi32>
        tpu.vector_store_idx %arg9[%and3A_143], %add3A_564 masked %ne3A_155 : memref<2048xi32, #tpu.memory_space<vmem>>[vector<16xi32>], vector<16xi32>, vector<16xi1>
        tpu.vector_store_idx %arg6[%add3A_564], %get3A_140 : memref<32768xi32, #tpu.memory_space<vmem>>[vector<16xi32>], vector<16xi32>,
        %gather3A_565 = tpu.vector_load_idx %arg9[%and3A_172] : memref<2048xi32, #tpu.memory_space<vmem>>[vector<16xi32>], vector<16xi32>,
        %add3A_566 = arith.addi %gather3A_565, %and3A_178 : vector<16xi32>
        tpu.vector_store_idx %arg9[%and3A_172], %add3A_566 masked %ne3A_184 : memref<2048xi32, #tpu.memory_space<vmem>>[vector<16xi32>], vector<16xi32>, vector<16xi1>
        tpu.vector_store_idx %arg6[%add3A_566], %get3A_169 : memref<32768xi32, #tpu.memory_space<vmem>>[vector<16xi32>], vector<16xi32>,
        %gather3A_567 = tpu.vector_load_idx %arg9[%and3A_201] : memref<2048xi32, #tpu.memory_space<vmem>>[vector<16xi32>], vector<16xi32>,
        %add3A_568 = arith.addi %gather3A_567, %and3A_207 : vector<16xi32>
        tpu.vector_store_idx %arg9[%and3A_201], %add3A_568 masked %ne3A_213 : memref<2048xi32, #tpu.memory_space<vmem>>[vector<16xi32>], vector<16xi32>, vector<16xi1>
        tpu.vector_store_idx %arg6[%add3A_568], %get3A_198 : memref<32768xi32, #tpu.memory_space<vmem>>[vector<16xi32>], vector<16xi32>,
        %gather3A_569 = tpu.vector_load_idx %arg9[%and3A_230] : memref<2048xi32, #tpu.memory_space<vmem>>[vector<16xi32>], vector<16xi32>,
        %add3A_570 = arith.addi %gather3A_569, %and3A_236 : vector<16xi32>
        tpu.vector_store_idx %arg9[%and3A_230], %add3A_570 masked %ne3A_242 : memref<2048xi32, #tpu.memory_space<vmem>>[vector<16xi32>], vector<16xi32>, vector<16xi1>
        tpu.vector_store_idx %arg6[%add3A_570], %get3A_227 : memref<32768xi32, #tpu.memory_space<vmem>>[vector<16xi32>], vector<16xi32>,
        %gather3A_571 = tpu.vector_load_idx %arg9[%and3A_259] : memref<2048xi32, #tpu.memory_space<vmem>>[vector<16xi32>], vector<16xi32>,
        %add3A_572 = arith.addi %gather3A_571, %and3A_265 : vector<16xi32>
        tpu.vector_store_idx %arg9[%and3A_259], %add3A_572 masked %ne3A_271 : memref<2048xi32, #tpu.memory_space<vmem>>[vector<16xi32>], vector<16xi32>, vector<16xi1>
        tpu.vector_store_idx %arg6[%add3A_572], %get3A_256 : memref<32768xi32, #tpu.memory_space<vmem>>[vector<16xi32>], vector<16xi32>,
        %gather3A_573 = tpu.vector_load_idx %arg9[%and3A_288] : memref<2048xi32, #tpu.memory_space<vmem>>[vector<16xi32>], vector<16xi32>,
        %add3A_574 = arith.addi %gather3A_573, %and3A_294 : vector<16xi32>
        tpu.vector_store_idx %arg9[%and3A_288], %add3A_574 masked %ne3A_300 : memref<2048xi32, #tpu.memory_space<vmem>>[vector<16xi32>], vector<16xi32>, vector<16xi1>
        tpu.vector_store_idx %arg6[%add3A_574], %get3A_285 : memref<32768xi32, #tpu.memory_space<vmem>>[vector<16xi32>], vector<16xi32>,
        %gather3A_575 = tpu.vector_load_idx %arg9[%and3A_317] : memref<2048xi32, #tpu.memory_space<vmem>>[vector<16xi32>], vector<16xi32>,
        %add3A_576 = arith.addi %gather3A_575, %and3A_323 : vector<16xi32>
        tpu.vector_store_idx %arg9[%and3A_317], %add3A_576 masked %ne3A_329 : memref<2048xi32, #tpu.memory_space<vmem>>[vector<16xi32>], vector<16xi32>, vector<16xi1>
        tpu.vector_store_idx %arg6[%add3A_576], %get3A_314 : memref<32768xi32, #tpu.memory_space<vmem>>[vector<16xi32>], vector<16xi32>,
        %gather3A_577 = tpu.vector_load_idx %arg9[%and3A_346] : memref<2048xi32, #tpu.memory_space<vmem>>[vector<16xi32>], vector<16xi32>,
        %add3A_578 = arith.addi %gather3A_577, %and3A_352 : vector<16xi32>
        tpu.vector_store_idx %arg9[%and3A_346], %add3A_578 masked %ne3A_358 : memref<2048xi32, #tpu.memory_space<vmem>>[vector<16xi32>], vector<16xi32>, vector<16xi1>
        tpu.vector_store_idx %arg6[%add3A_578], %get3A_343 : memref<32768xi32, #tpu.memory_space<vmem>>[vector<16xi32>], vector<16xi32>,
        %gather3A_579 = tpu.vector_load_idx %arg9[%and3A_375] : memref<2048xi32, #tpu.memory_space<vmem>>[vector<16xi32>], vector<16xi32>,
        %add3A_580 = arith.addi %gather3A_579, %and3A_381 : vector<16xi32>
        tpu.vector_store_idx %arg9[%and3A_375], %add3A_580 masked %ne3A_387 : memref<2048xi32, #tpu.memory_space<vmem>>[vector<16xi32>], vector<16xi32>, vector<16xi1>
        tpu.vector_store_idx %arg6[%add3A_580], %get3A_372 : memref<32768xi32, #tpu.memory_space<vmem>>[vector<16xi32>], vector<16xi32>,
        %gather3A_581 = tpu.vector_load_idx %arg9[%and3A_404] : memref<2048xi32, #tpu.memory_space<vmem>>[vector<16xi32>], vector<16xi32>,
        %add3A_582 = arith.addi %gather3A_581, %and3A_410 : vector<16xi32>
        tpu.vector_store_idx %arg9[%and3A_404], %add3A_582 masked %ne3A_416 : memref<2048xi32, #tpu.memory_space<vmem>>[vector<16xi32>], vector<16xi32>, vector<16xi1>
        tpu.vector_store_idx %arg6[%add3A_582], %get3A_401 : memref<32768xi32, #tpu.memory_space<vmem>>[vector<16xi32>], vector<16xi32>,
        %gather3A_583 = tpu.vector_load_idx %arg9[%and3A_433] : memref<2048xi32, #tpu.memory_space<vmem>>[vector<16xi32>], vector<16xi32>,
        %add3A_584 = arith.addi %gather3A_583, %and3A_439 : vector<16xi32>
        tpu.vector_store_idx %arg9[%and3A_433], %add3A_584 masked %ne3A_445 : memref<2048xi32, #tpu.memory_space<vmem>>[vector<16xi32>], vector<16xi32>, vector<16xi1>
        tpu.vector_store_idx %arg6[%add3A_584], %get3A_430 : memref<32768xi32, #tpu.memory_space<vmem>>[vector<16xi32>], vector<16xi32>,
        %gather3A_585 = tpu.vector_load_idx %arg9[%and3A_462] : memref<2048xi32, #tpu.memory_space<vmem>>[vector<16xi32>], vector<16xi32>,
        %add3A_586 = arith.addi %gather3A_585, %and3A_468 : vector<16xi32>
        tpu.vector_store_idx %arg9[%and3A_462], %add3A_586 masked %ne3A_474 : memref<2048xi32, #tpu.memory_space<vmem>>[vector<16xi32>], vector<16xi32>, vector<16xi1>
        tpu.vector_store_idx %arg6[%add3A_586], %get3A_459 : memref<32768xi32, #tpu.memory_space<vmem>>[vector<16xi32>], vector<16xi32>,
        %gather3A_587 = tpu.vector_load_idx %arg9[%and3A_491] : memref<2048xi32, #tpu.memory_space<vmem>>[vector<16xi32>], vector<16xi32>,
        %add3A_588 = arith.addi %gather3A_587, %and3A_497 : vector<16xi32>
        tpu.vector_store_idx %arg9[%and3A_491], %add3A_588 masked %ne3A_503 : memref<2048xi32, #tpu.memory_space<vmem>>[vector<16xi32>], vector<16xi32>, vector<16xi1>
        tpu.vector_store_idx %arg6[%add3A_588], %get3A_488 : memref<32768xi32, #tpu.memory_space<vmem>>[vector<16xi32>], vector<16xi32>,
        %gather3A_589 = tpu.vector_load_idx %arg9[%and3A_520] : memref<2048xi32, #tpu.memory_space<vmem>>[vector<16xi32>], vector<16xi32>,
        %add3A_590 = arith.addi %gather3A_589, %and3A_526 : vector<16xi32>
        tpu.vector_store_idx %arg9[%and3A_520], %add3A_590 masked %ne3A_532 : memref<2048xi32, #tpu.memory_space<vmem>>[vector<16xi32>], vector<16xi32>, vector<16xi1>
        tpu.vector_store_idx %arg6[%add3A_590], %get3A_517 : memref<32768xi32, #tpu.memory_space<vmem>>[vector<16xi32>], vector<16xi32>,
        %gather3A_591 = tpu.vector_load_idx %arg9[%and3A_549] : memref<2048xi32, #tpu.memory_space<vmem>>[vector<16xi32>], vector<16xi32>,
        %add3A_592 = arith.addi %gather3A_591, %and3A_555 : vector<16xi32>
        tpu.vector_store_idx %arg9[%and3A_549], %add3A_592 masked %ne3A_561 : memref<2048xi32, #tpu.memory_space<vmem>>[vector<16xi32>], vector<16xi32>, vector<16xi1>
        tpu.vector_store_idx %arg6[%add3A_592], %get3A_546 : memref<32768xi32, #tpu.memory_space<vmem>>[vector<16xi32>], vector<16xi32>,
        %scan3A_593 = arith.constant 0 : i32
        scf.yield %scan3A_593 : i32
      }
      %scan3A_71 = arith.constant 64 : i32
      %scan3A_72 = arith.constant -1 : i32
      %scan3A_73 = arith.constant 0 : i32
      %scan3A_74 = arith.constant 128 : i32
      %scan3A_75 = arith.addi %scan3A_73, %scan3A_74 : i32
      %scan3A_76 = arith.constant 1 : i32
      %scan3A_77 = scf.for %scan3A_101 = %scan3A_73 to %scan3A_75 step %scan3A_76 iter_args(%scan3A_102 = %scan3A_72) -> (i32)  : i32 {
        %mul3A_103 = arith.constant 16 : i32
        %mul3A_104 = arith.muli %scan3A_101, %mul3A_103 : i32
        %get3A = arith.index_cast %mul3A_104 : i32 to index
        %get3A_105 = tpu.vector_load %arg10[%get3A] {strides = array<i32>} : memref<2048xi32, #tpu.memory_space<vmem>>, vector<16xi32>,
        %broadcast_in_dim3A = arith.constant true
        %broadcast_in_dim3A_106 = vector.broadcast %broadcast_in_dim3A : i1 to vector<16xi1>
        %masked_cumsum3A = tpu.scan <sum>, %get3A_105 masked %broadcast_in_dim3A_106 : vector<16xi32>, vector<16xi1> -> vector<16xi32>
        %sub3A = arith.subi %masked_cumsum3A, %get3A_105 : vector<16xi32>
        %add3A_107 = vector.broadcast %scan3A_102 : i32 to vector<16xi32>
        %add3A_108 = arith.addi %sub3A, %add3A_107 : vector<16xi32>
        %mul3A_109 = arith.constant 16 : i32
        %mul3A_110 = arith.muli %scan3A_101, %mul3A_109 : i32
        %swap3A = arith.index_cast %mul3A_110 : i32 to index
        %swap3A_111 = tpu.vector_load %arg10[%swap3A] {strides = array<i32>} : memref<2048xi32, #tpu.memory_space<vmem>>, vector<16xi32>,
        tpu.vector_store %arg10[%swap3A], %add3A_108 {strides = array<i32>} : memref<2048xi32, #tpu.memory_space<vmem>>, vector<16xi32>,
        %reduce_sum3A = arith.constant true
        %reduce_sum3A_112 = vector.broadcast %reduce_sum3A : i1 to vector<16xi1>
        %reduce_sum3A_113 = tpu.scan <sum>, %get3A_105 masked %reduce_sum3A_112 : vector<16xi32>, vector<16xi1> -> vector<16xi32>
        %reduce_sum3A_114 = vector.extract %reduce_sum3A_113[15] : i32 from vector<16xi32>
        %add3A_115 = arith.addi %scan3A_102, %reduce_sum3A_114 : i32
        scf.yield %add3A_115 : i32
      }
      %scan3A_78 = arith.constant 128 : i32
      %iota3A_79 = tpu.iota {dimensions = array<i32: 0>} : vector<16xi32>
      %parallel_loop3A_80 = arith.constant 0 : i32
      %parallel_loop3A_81 = arith.constant 1024 : i32
      %parallel_loop3A_82 = arith.constant 1 : i32
      scf.for %parallel_loop3A_101 = %parallel_loop3A_80 to %parallel_loop3A_81 step %parallel_loop3A_82  : i32 {
        %parallel_loop3A_102 = arith.constant 0 : i32
        %parallel_loop3A_103 = arith.addi %parallel_loop3A_101, %parallel_loop3A_102 : i32
        %parallel_loop3A_104 = arith.constant 16 : i32
        %parallel_loop3A_105 = arith.muli %parallel_loop3A_103, %parallel_loop3A_104 : i32
        %parallel_loop3A_106 = arith.index_cast %parallel_loop3A_105 : i32 to index
        %parallel_loop3A_107 = tpu.vector_load %arg6[%parallel_loop3A_106] {strides = array<i32>} : memref<32768xi32, #tpu.memory_space<vmem>>, vector<16xi32>,
        %parallel_loop3A_108 = tpu.vector_load_idx %arg4[%parallel_loop3A_107] : memref<32768xf32, #tpu.memory_space<vmem>>[vector<16xi32>], vector<16xf32>,
        %parallel_loop3A_109 = vector.bitcast %parallel_loop3A_108 : vector<16xf32> to vector<16xi32>
        %parallel_loop3A_110 = arith.constant 22 : i32
        %parallel_loop3A_111 = vector.broadcast %parallel_loop3A_110 : i32 to vector<16xi32>
        %parallel_loop3A_112 = arith.shrui %parallel_loop3A_109, %parallel_loop3A_111 : vector<16xi32>
        %parallel_loop3A_113 = arith.constant 2047 : i32
        %parallel_loop3A_114 = vector.broadcast %parallel_loop3A_113 : i32 to vector<16xi32>
        %parallel_loop3A_115 = arith.andi %parallel_loop3A_112, %parallel_loop3A_114 : vector<16xi32>
        %parallel_loop3A_116 = arith.constant true
        %parallel_loop3A_117 = vector.broadcast %parallel_loop3A_116 : i1 to vector<16xi1>
        %parallel_loop3A_118, %parallel_loop3A_119 = tpu.scan_count mask(%parallel_loop3A_117 : vector<16xi1>) value(%parallel_loop3A_115 : vector<16xi32>) : vector<16xi1>, vector<16xi32>
        %parallel_loop3A_120 = arith.extui %parallel_loop3A_118 : vector<16xi1> to vector<16xi32>
        %parallel_loop3A_121 = arith.constant 11 : i32
        %parallel_loop3A_122 = vector.broadcast %parallel_loop3A_121 : i32 to vector<16xi32>
        %parallel_loop3A_123 = arith.shli %parallel_loop3A_119, %parallel_loop3A_122 : vector<16xi32>
        %parallel_loop3A_124 = arith.constant 16 : i32
        %parallel_loop3A_125 = vector.broadcast %parallel_loop3A_124 : i32 to vector<16xi32>
        %parallel_loop3A_126 = arith.shli %parallel_loop3A_120, %parallel_loop3A_125 : vector<16xi32>
        %parallel_loop3A_127 = arith.ori %parallel_loop3A_123, %parallel_loop3A_126 : vector<16xi32>
        %parallel_loop3A_128 = arith.ori %parallel_loop3A_115, %parallel_loop3A_127 : vector<16xi32>
        %parallel_loop3A_129 = arith.constant 16 : i32
        %parallel_loop3A_130 = arith.muli %parallel_loop3A_101, %parallel_loop3A_129 : i32
        %parallel_loop3A_131 = arith.index_cast %parallel_loop3A_130 : i32 to index
        %parallel_loop3A_132 = tpu.vector_load %arg7[%parallel_loop3A_131] {strides = array<i32>} : memref<16384xi32, #tpu.memory_space<vmem>>, vector<16xi32>,
        tpu.vector_store %arg7[%parallel_loop3A_131], %parallel_loop3A_128 {strides = array<i32>} : memref<16384xi32, #tpu.memory_space<vmem>>, vector<16xi32>,
      } {sc.loop_unroll_factor = 8 : i64, sc.parallel_access}
      %scan3A_83 = arith.constant 0 : i32
      %scan3A_84 = arith.constant 0 : i32
      %scan3A_85 = arith.constant 64 : i32
      %scan3A_86 = arith.addi %scan3A_84, %scan3A_85 : i32
      %scan3A_87 = arith.constant 1 : i32
      %scan3A_88 = scf.for %scan3A_101 = %scan3A_84 to %scan3A_86 step %scan3A_87 iter_args(%scan3A_102 = %scan3A_83) -> (i32)  : i32 {
        %mul3A_103 = arith.constant 16 : i32
        %mul3A_104 = arith.muli %scan3A_101, %mul3A_103 : i32
        %add3A_105 = arith.constant 0 : i32
        %add3A_106 = arith.addi %mul3A_104, %add3A_105 : i32
        %add3A_107 = arith.constant 0 : i32
        %add3A_108 = arith.addi %add3A_106, %add3A_107 : i32
        %mul3A_109 = arith.constant 16 : i32
        %mul3A_110 = arith.muli %add3A_106, %mul3A_109 : i32
        %get3A = arith.index_cast %mul3A_110 : i32 to index
        %get3A_111 = tpu.vector_load %arg7[%get3A] {strides = array<i32>} : memref<16384xi32, #tpu.memory_space<vmem>>, vector<16xi32>,
        %mul3A_112 = arith.constant 16 : i32
        %mul3A_113 = arith.muli %add3A_108, %mul3A_112 : i32
        %get3A_114 = arith.index_cast %mul3A_113 : i32 to index
        %get3A_115 = tpu.vector_load %arg6[%get3A_114] {strides = array<i32>} : memref<32768xi32, #tpu.memory_space<vmem>>, vector<16xi32>,
        %broadcast_in_dim3A = arith.constant 2047 : i32
        %broadcast_in_dim3A_116 = vector.broadcast %broadcast_in_dim3A : i32 to vector<16xi32>
        %and3A = arith.andi %get3A_111, %broadcast_in_dim3A_116 : vector<16xi32>
        %broadcast_in_dim3A_117 = arith.constant 11 : i32
        %broadcast_in_dim3A_118 = vector.broadcast %broadcast_in_dim3A_117 : i32 to vector<16xi32>
        %shift_right_logical3A = arith.shrui %get3A_111, %broadcast_in_dim3A_118 : vector<16xi32>
        %broadcast_in_dim3A_119 = arith.constant 31 : i32
        %broadcast_in_dim3A_120 = vector.broadcast %broadcast_in_dim3A_119 : i32 to vector<16xi32>
        %and3A_121 = arith.andi %shift_right_logical3A, %broadcast_in_dim3A_120 : vector<16xi32>
        %broadcast_in_dim3A_122 = arith.constant 16 : i32
        %broadcast_in_dim3A_123 = vector.broadcast %broadcast_in_dim3A_122 : i32 to vector<16xi32>
        %shift_right_logical3A_124 = arith.shrui %get3A_111, %broadcast_in_dim3A_123 : vector<16xi32>
        %broadcast_in_dim3A_125 = arith.constant 0 : i32
        %broadcast_in_dim3A_126 = vector.broadcast %broadcast_in_dim3A_125 : i32 to vector<16xi32>
        %ne3A = arith.cmpi ne, %shift_right_logical3A_124, %broadcast_in_dim3A_126 : vector<16xi32>
        %mul3A_127 = arith.constant 16 : i32
        %mul3A_128 = arith.muli %scan3A_101, %mul3A_127 : i32
        %add3A_129 = arith.constant 1 : i32
        %add3A_130 = arith.addi %mul3A_128, %add3A_129 : i32
        %add3A_131 = arith.constant 0 : i32
        %add3A_132 = arith.addi %add3A_130, %add3A_131 : i32
        %mul3A_133 = arith.constant 16 : i32
        %mul3A_134 = arith.muli %add3A_130, %mul3A_133 : i32
        %get3A_135 = arith.index_cast %mul3A_134 : i32 to index
        %get3A_136 = tpu.vector_load %arg7[%get3A_135] {strides = array<i32>} : memref<16384xi32, #tpu.memory_space<vmem>>, vector<16xi32>,
        %mul3A_137 = arith.constant 16 : i32
        %mul3A_138 = arith.muli %add3A_132, %mul3A_137 : i32
        %get3A_139 = arith.index_cast %mul3A_138 : i32 to index
        %get3A_140 = tpu.vector_load %arg6[%get3A_139] {strides = array<i32>} : memref<32768xi32, #tpu.memory_space<vmem>>, vector<16xi32>,
        %broadcast_in_dim3A_141 = arith.constant 2047 : i32
        %broadcast_in_dim3A_142 = vector.broadcast %broadcast_in_dim3A_141 : i32 to vector<16xi32>
        %and3A_143 = arith.andi %get3A_136, %broadcast_in_dim3A_142 : vector<16xi32>
        %broadcast_in_dim3A_144 = arith.constant 11 : i32
        %broadcast_in_dim3A_145 = vector.broadcast %broadcast_in_dim3A_144 : i32 to vector<16xi32>
        %shift_right_logical3A_146 = arith.shrui %get3A_136, %broadcast_in_dim3A_145 : vector<16xi32>
        %broadcast_in_dim3A_147 = arith.constant 31 : i32
        %broadcast_in_dim3A_148 = vector.broadcast %broadcast_in_dim3A_147 : i32 to vector<16xi32>
        %and3A_149 = arith.andi %shift_right_logical3A_146, %broadcast_in_dim3A_148 : vector<16xi32>
        %broadcast_in_dim3A_150 = arith.constant 16 : i32
        %broadcast_in_dim3A_151 = vector.broadcast %broadcast_in_dim3A_150 : i32 to vector<16xi32>
        %shift_right_logical3A_152 = arith.shrui %get3A_136, %broadcast_in_dim3A_151 : vector<16xi32>
        %broadcast_in_dim3A_153 = arith.constant 0 : i32
        %broadcast_in_dim3A_154 = vector.broadcast %broadcast_in_dim3A_153 : i32 to vector<16xi32>
        %ne3A_155 = arith.cmpi ne, %shift_right_logical3A_152, %broadcast_in_dim3A_154 : vector<16xi32>
        %mul3A_156 = arith.constant 16 : i32
        %mul3A_157 = arith.muli %scan3A_101, %mul3A_156 : i32
        %add3A_158 = arith.constant 2 : i32
        %add3A_159 = arith.addi %mul3A_157, %add3A_158 : i32
        %add3A_160 = arith.constant 0 : i32
        %add3A_161 = arith.addi %add3A_159, %add3A_160 : i32
        %mul3A_162 = arith.constant 16 : i32
        %mul3A_163 = arith.muli %add3A_159, %mul3A_162 : i32
        %get3A_164 = arith.index_cast %mul3A_163 : i32 to index
        %get3A_165 = tpu.vector_load %arg7[%get3A_164] {strides = array<i32>} : memref<16384xi32, #tpu.memory_space<vmem>>, vector<16xi32>,
        %mul3A_166 = arith.constant 16 : i32
        %mul3A_167 = arith.muli %add3A_161, %mul3A_166 : i32
        %get3A_168 = arith.index_cast %mul3A_167 : i32 to index
        %get3A_169 = tpu.vector_load %arg6[%get3A_168] {strides = array<i32>} : memref<32768xi32, #tpu.memory_space<vmem>>, vector<16xi32>,
        %broadcast_in_dim3A_170 = arith.constant 2047 : i32
        %broadcast_in_dim3A_171 = vector.broadcast %broadcast_in_dim3A_170 : i32 to vector<16xi32>
        %and3A_172 = arith.andi %get3A_165, %broadcast_in_dim3A_171 : vector<16xi32>
        %broadcast_in_dim3A_173 = arith.constant 11 : i32
        %broadcast_in_dim3A_174 = vector.broadcast %broadcast_in_dim3A_173 : i32 to vector<16xi32>
        %shift_right_logical3A_175 = arith.shrui %get3A_165, %broadcast_in_dim3A_174 : vector<16xi32>
        %broadcast_in_dim3A_176 = arith.constant 31 : i32
        %broadcast_in_dim3A_177 = vector.broadcast %broadcast_in_dim3A_176 : i32 to vector<16xi32>
        %and3A_178 = arith.andi %shift_right_logical3A_175, %broadcast_in_dim3A_177 : vector<16xi32>
        %broadcast_in_dim3A_179 = arith.constant 16 : i32
        %broadcast_in_dim3A_180 = vector.broadcast %broadcast_in_dim3A_179 : i32 to vector<16xi32>
        %shift_right_logical3A_181 = arith.shrui %get3A_165, %broadcast_in_dim3A_180 : vector<16xi32>
        %broadcast_in_dim3A_182 = arith.constant 0 : i32
        %broadcast_in_dim3A_183 = vector.broadcast %broadcast_in_dim3A_182 : i32 to vector<16xi32>
        %ne3A_184 = arith.cmpi ne, %shift_right_logical3A_181, %broadcast_in_dim3A_183 : vector<16xi32>
        %mul3A_185 = arith.constant 16 : i32
        %mul3A_186 = arith.muli %scan3A_101, %mul3A_185 : i32
        %add3A_187 = arith.constant 3 : i32
        %add3A_188 = arith.addi %mul3A_186, %add3A_187 : i32
        %add3A_189 = arith.constant 0 : i32
        %add3A_190 = arith.addi %add3A_188, %add3A_189 : i32
        %mul3A_191 = arith.constant 16 : i32
        %mul3A_192 = arith.muli %add3A_188, %mul3A_191 : i32
        %get3A_193 = arith.index_cast %mul3A_192 : i32 to index
        %get3A_194 = tpu.vector_load %arg7[%get3A_193] {strides = array<i32>} : memref<16384xi32, #tpu.memory_space<vmem>>, vector<16xi32>,
        %mul3A_195 = arith.constant 16 : i32
        %mul3A_196 = arith.muli %add3A_190, %mul3A_195 : i32
        %get3A_197 = arith.index_cast %mul3A_196 : i32 to index
        %get3A_198 = tpu.vector_load %arg6[%get3A_197] {strides = array<i32>} : memref<32768xi32, #tpu.memory_space<vmem>>, vector<16xi32>,
        %broadcast_in_dim3A_199 = arith.constant 2047 : i32
        %broadcast_in_dim3A_200 = vector.broadcast %broadcast_in_dim3A_199 : i32 to vector<16xi32>
        %and3A_201 = arith.andi %get3A_194, %broadcast_in_dim3A_200 : vector<16xi32>
        %broadcast_in_dim3A_202 = arith.constant 11 : i32
        %broadcast_in_dim3A_203 = vector.broadcast %broadcast_in_dim3A_202 : i32 to vector<16xi32>
        %shift_right_logical3A_204 = arith.shrui %get3A_194, %broadcast_in_dim3A_203 : vector<16xi32>
        %broadcast_in_dim3A_205 = arith.constant 31 : i32
        %broadcast_in_dim3A_206 = vector.broadcast %broadcast_in_dim3A_205 : i32 to vector<16xi32>
        %and3A_207 = arith.andi %shift_right_logical3A_204, %broadcast_in_dim3A_206 : vector<16xi32>
        %broadcast_in_dim3A_208 = arith.constant 16 : i32
        %broadcast_in_dim3A_209 = vector.broadcast %broadcast_in_dim3A_208 : i32 to vector<16xi32>
        %shift_right_logical3A_210 = arith.shrui %get3A_194, %broadcast_in_dim3A_209 : vector<16xi32>
        %broadcast_in_dim3A_211 = arith.constant 0 : i32
        %broadcast_in_dim3A_212 = vector.broadcast %broadcast_in_dim3A_211 : i32 to vector<16xi32>
        %ne3A_213 = arith.cmpi ne, %shift_right_logical3A_210, %broadcast_in_dim3A_212 : vector<16xi32>
        %mul3A_214 = arith.constant 16 : i32
        %mul3A_215 = arith.muli %scan3A_101, %mul3A_214 : i32
        %add3A_216 = arith.constant 4 : i32
        %add3A_217 = arith.addi %mul3A_215, %add3A_216 : i32
        %add3A_218 = arith.constant 0 : i32
        %add3A_219 = arith.addi %add3A_217, %add3A_218 : i32
        %mul3A_220 = arith.constant 16 : i32
        %mul3A_221 = arith.muli %add3A_217, %mul3A_220 : i32
        %get3A_222 = arith.index_cast %mul3A_221 : i32 to index
        %get3A_223 = tpu.vector_load %arg7[%get3A_222] {strides = array<i32>} : memref<16384xi32, #tpu.memory_space<vmem>>, vector<16xi32>,
        %mul3A_224 = arith.constant 16 : i32
        %mul3A_225 = arith.muli %add3A_219, %mul3A_224 : i32
        %get3A_226 = arith.index_cast %mul3A_225 : i32 to index
        %get3A_227 = tpu.vector_load %arg6[%get3A_226] {strides = array<i32>} : memref<32768xi32, #tpu.memory_space<vmem>>, vector<16xi32>,
        %broadcast_in_dim3A_228 = arith.constant 2047 : i32
        %broadcast_in_dim3A_229 = vector.broadcast %broadcast_in_dim3A_228 : i32 to vector<16xi32>
        %and3A_230 = arith.andi %get3A_223, %broadcast_in_dim3A_229 : vector<16xi32>
        %broadcast_in_dim3A_231 = arith.constant 11 : i32
        %broadcast_in_dim3A_232 = vector.broadcast %broadcast_in_dim3A_231 : i32 to vector<16xi32>
        %shift_right_logical3A_233 = arith.shrui %get3A_223, %broadcast_in_dim3A_232 : vector<16xi32>
        %broadcast_in_dim3A_234 = arith.constant 31 : i32
        %broadcast_in_dim3A_235 = vector.broadcast %broadcast_in_dim3A_234 : i32 to vector<16xi32>
        %and3A_236 = arith.andi %shift_right_logical3A_233, %broadcast_in_dim3A_235 : vector<16xi32>
        %broadcast_in_dim3A_237 = arith.constant 16 : i32
        %broadcast_in_dim3A_238 = vector.broadcast %broadcast_in_dim3A_237 : i32 to vector<16xi32>
        %shift_right_logical3A_239 = arith.shrui %get3A_223, %broadcast_in_dim3A_238 : vector<16xi32>
        %broadcast_in_dim3A_240 = arith.constant 0 : i32
        %broadcast_in_dim3A_241 = vector.broadcast %broadcast_in_dim3A_240 : i32 to vector<16xi32>
        %ne3A_242 = arith.cmpi ne, %shift_right_logical3A_239, %broadcast_in_dim3A_241 : vector<16xi32>
        %mul3A_243 = arith.constant 16 : i32
        %mul3A_244 = arith.muli %scan3A_101, %mul3A_243 : i32
        %add3A_245 = arith.constant 5 : i32
        %add3A_246 = arith.addi %mul3A_244, %add3A_245 : i32
        %add3A_247 = arith.constant 0 : i32
        %add3A_248 = arith.addi %add3A_246, %add3A_247 : i32
        %mul3A_249 = arith.constant 16 : i32
        %mul3A_250 = arith.muli %add3A_246, %mul3A_249 : i32
        %get3A_251 = arith.index_cast %mul3A_250 : i32 to index
        %get3A_252 = tpu.vector_load %arg7[%get3A_251] {strides = array<i32>} : memref<16384xi32, #tpu.memory_space<vmem>>, vector<16xi32>,
        %mul3A_253 = arith.constant 16 : i32
        %mul3A_254 = arith.muli %add3A_248, %mul3A_253 : i32
        %get3A_255 = arith.index_cast %mul3A_254 : i32 to index
        %get3A_256 = tpu.vector_load %arg6[%get3A_255] {strides = array<i32>} : memref<32768xi32, #tpu.memory_space<vmem>>, vector<16xi32>,
        %broadcast_in_dim3A_257 = arith.constant 2047 : i32
        %broadcast_in_dim3A_258 = vector.broadcast %broadcast_in_dim3A_257 : i32 to vector<16xi32>
        %and3A_259 = arith.andi %get3A_252, %broadcast_in_dim3A_258 : vector<16xi32>
        %broadcast_in_dim3A_260 = arith.constant 11 : i32
        %broadcast_in_dim3A_261 = vector.broadcast %broadcast_in_dim3A_260 : i32 to vector<16xi32>
        %shift_right_logical3A_262 = arith.shrui %get3A_252, %broadcast_in_dim3A_261 : vector<16xi32>
        %broadcast_in_dim3A_263 = arith.constant 31 : i32
        %broadcast_in_dim3A_264 = vector.broadcast %broadcast_in_dim3A_263 : i32 to vector<16xi32>
        %and3A_265 = arith.andi %shift_right_logical3A_262, %broadcast_in_dim3A_264 : vector<16xi32>
        %broadcast_in_dim3A_266 = arith.constant 16 : i32
        %broadcast_in_dim3A_267 = vector.broadcast %broadcast_in_dim3A_266 : i32 to vector<16xi32>
        %shift_right_logical3A_268 = arith.shrui %get3A_252, %broadcast_in_dim3A_267 : vector<16xi32>
        %broadcast_in_dim3A_269 = arith.constant 0 : i32
        %broadcast_in_dim3A_270 = vector.broadcast %broadcast_in_dim3A_269 : i32 to vector<16xi32>
        %ne3A_271 = arith.cmpi ne, %shift_right_logical3A_268, %broadcast_in_dim3A_270 : vector<16xi32>
        %mul3A_272 = arith.constant 16 : i32
        %mul3A_273 = arith.muli %scan3A_101, %mul3A_272 : i32
        %add3A_274 = arith.constant 6 : i32
        %add3A_275 = arith.addi %mul3A_273, %add3A_274 : i32
        %add3A_276 = arith.constant 0 : i32
        %add3A_277 = arith.addi %add3A_275, %add3A_276 : i32
        %mul3A_278 = arith.constant 16 : i32
        %mul3A_279 = arith.muli %add3A_275, %mul3A_278 : i32
        %get3A_280 = arith.index_cast %mul3A_279 : i32 to index
        %get3A_281 = tpu.vector_load %arg7[%get3A_280] {strides = array<i32>} : memref<16384xi32, #tpu.memory_space<vmem>>, vector<16xi32>,
        %mul3A_282 = arith.constant 16 : i32
        %mul3A_283 = arith.muli %add3A_277, %mul3A_282 : i32
        %get3A_284 = arith.index_cast %mul3A_283 : i32 to index
        %get3A_285 = tpu.vector_load %arg6[%get3A_284] {strides = array<i32>} : memref<32768xi32, #tpu.memory_space<vmem>>, vector<16xi32>,
        %broadcast_in_dim3A_286 = arith.constant 2047 : i32
        %broadcast_in_dim3A_287 = vector.broadcast %broadcast_in_dim3A_286 : i32 to vector<16xi32>
        %and3A_288 = arith.andi %get3A_281, %broadcast_in_dim3A_287 : vector<16xi32>
        %broadcast_in_dim3A_289 = arith.constant 11 : i32
        %broadcast_in_dim3A_290 = vector.broadcast %broadcast_in_dim3A_289 : i32 to vector<16xi32>
        %shift_right_logical3A_291 = arith.shrui %get3A_281, %broadcast_in_dim3A_290 : vector<16xi32>
        %broadcast_in_dim3A_292 = arith.constant 31 : i32
        %broadcast_in_dim3A_293 = vector.broadcast %broadcast_in_dim3A_292 : i32 to vector<16xi32>
        %and3A_294 = arith.andi %shift_right_logical3A_291, %broadcast_in_dim3A_293 : vector<16xi32>
        %broadcast_in_dim3A_295 = arith.constant 16 : i32
        %broadcast_in_dim3A_296 = vector.broadcast %broadcast_in_dim3A_295 : i32 to vector<16xi32>
        %shift_right_logical3A_297 = arith.shrui %get3A_281, %broadcast_in_dim3A_296 : vector<16xi32>
        %broadcast_in_dim3A_298 = arith.constant 0 : i32
        %broadcast_in_dim3A_299 = vector.broadcast %broadcast_in_dim3A_298 : i32 to vector<16xi32>
        %ne3A_300 = arith.cmpi ne, %shift_right_logical3A_297, %broadcast_in_dim3A_299 : vector<16xi32>
        %mul3A_301 = arith.constant 16 : i32
        %mul3A_302 = arith.muli %scan3A_101, %mul3A_301 : i32
        %add3A_303 = arith.constant 7 : i32
        %add3A_304 = arith.addi %mul3A_302, %add3A_303 : i32
        %add3A_305 = arith.constant 0 : i32
        %add3A_306 = arith.addi %add3A_304, %add3A_305 : i32
        %mul3A_307 = arith.constant 16 : i32
        %mul3A_308 = arith.muli %add3A_304, %mul3A_307 : i32
        %get3A_309 = arith.index_cast %mul3A_308 : i32 to index
        %get3A_310 = tpu.vector_load %arg7[%get3A_309] {strides = array<i32>} : memref<16384xi32, #tpu.memory_space<vmem>>, vector<16xi32>,
        %mul3A_311 = arith.constant 16 : i32
        %mul3A_312 = arith.muli %add3A_306, %mul3A_311 : i32
        %get3A_313 = arith.index_cast %mul3A_312 : i32 to index
        %get3A_314 = tpu.vector_load %arg6[%get3A_313] {strides = array<i32>} : memref<32768xi32, #tpu.memory_space<vmem>>, vector<16xi32>,
        %broadcast_in_dim3A_315 = arith.constant 2047 : i32
        %broadcast_in_dim3A_316 = vector.broadcast %broadcast_in_dim3A_315 : i32 to vector<16xi32>
        %and3A_317 = arith.andi %get3A_310, %broadcast_in_dim3A_316 : vector<16xi32>
        %broadcast_in_dim3A_318 = arith.constant 11 : i32
        %broadcast_in_dim3A_319 = vector.broadcast %broadcast_in_dim3A_318 : i32 to vector<16xi32>
        %shift_right_logical3A_320 = arith.shrui %get3A_310, %broadcast_in_dim3A_319 : vector<16xi32>
        %broadcast_in_dim3A_321 = arith.constant 31 : i32
        %broadcast_in_dim3A_322 = vector.broadcast %broadcast_in_dim3A_321 : i32 to vector<16xi32>
        %and3A_323 = arith.andi %shift_right_logical3A_320, %broadcast_in_dim3A_322 : vector<16xi32>
        %broadcast_in_dim3A_324 = arith.constant 16 : i32
        %broadcast_in_dim3A_325 = vector.broadcast %broadcast_in_dim3A_324 : i32 to vector<16xi32>
        %shift_right_logical3A_326 = arith.shrui %get3A_310, %broadcast_in_dim3A_325 : vector<16xi32>
        %broadcast_in_dim3A_327 = arith.constant 0 : i32
        %broadcast_in_dim3A_328 = vector.broadcast %broadcast_in_dim3A_327 : i32 to vector<16xi32>
        %ne3A_329 = arith.cmpi ne, %shift_right_logical3A_326, %broadcast_in_dim3A_328 : vector<16xi32>
        %mul3A_330 = arith.constant 16 : i32
        %mul3A_331 = arith.muli %scan3A_101, %mul3A_330 : i32
        %add3A_332 = arith.constant 8 : i32
        %add3A_333 = arith.addi %mul3A_331, %add3A_332 : i32
        %add3A_334 = arith.constant 0 : i32
        %add3A_335 = arith.addi %add3A_333, %add3A_334 : i32
        %mul3A_336 = arith.constant 16 : i32
        %mul3A_337 = arith.muli %add3A_333, %mul3A_336 : i32
        %get3A_338 = arith.index_cast %mul3A_337 : i32 to index
        %get3A_339 = tpu.vector_load %arg7[%get3A_338] {strides = array<i32>} : memref<16384xi32, #tpu.memory_space<vmem>>, vector<16xi32>,
        %mul3A_340 = arith.constant 16 : i32
        %mul3A_341 = arith.muli %add3A_335, %mul3A_340 : i32
        %get3A_342 = arith.index_cast %mul3A_341 : i32 to index
        %get3A_343 = tpu.vector_load %arg6[%get3A_342] {strides = array<i32>} : memref<32768xi32, #tpu.memory_space<vmem>>, vector<16xi32>,
        %broadcast_in_dim3A_344 = arith.constant 2047 : i32
        %broadcast_in_dim3A_345 = vector.broadcast %broadcast_in_dim3A_344 : i32 to vector<16xi32>
        %and3A_346 = arith.andi %get3A_339, %broadcast_in_dim3A_345 : vector<16xi32>
        %broadcast_in_dim3A_347 = arith.constant 11 : i32
        %broadcast_in_dim3A_348 = vector.broadcast %broadcast_in_dim3A_347 : i32 to vector<16xi32>
        %shift_right_logical3A_349 = arith.shrui %get3A_339, %broadcast_in_dim3A_348 : vector<16xi32>
        %broadcast_in_dim3A_350 = arith.constant 31 : i32
        %broadcast_in_dim3A_351 = vector.broadcast %broadcast_in_dim3A_350 : i32 to vector<16xi32>
        %and3A_352 = arith.andi %shift_right_logical3A_349, %broadcast_in_dim3A_351 : vector<16xi32>
        %broadcast_in_dim3A_353 = arith.constant 16 : i32
        %broadcast_in_dim3A_354 = vector.broadcast %broadcast_in_dim3A_353 : i32 to vector<16xi32>
        %shift_right_logical3A_355 = arith.shrui %get3A_339, %broadcast_in_dim3A_354 : vector<16xi32>
        %broadcast_in_dim3A_356 = arith.constant 0 : i32
        %broadcast_in_dim3A_357 = vector.broadcast %broadcast_in_dim3A_356 : i32 to vector<16xi32>
        %ne3A_358 = arith.cmpi ne, %shift_right_logical3A_355, %broadcast_in_dim3A_357 : vector<16xi32>
        %mul3A_359 = arith.constant 16 : i32
        %mul3A_360 = arith.muli %scan3A_101, %mul3A_359 : i32
        %add3A_361 = arith.constant 9 : i32
        %add3A_362 = arith.addi %mul3A_360, %add3A_361 : i32
        %add3A_363 = arith.constant 0 : i32
        %add3A_364 = arith.addi %add3A_362, %add3A_363 : i32
        %mul3A_365 = arith.constant 16 : i32
        %mul3A_366 = arith.muli %add3A_362, %mul3A_365 : i32
        %get3A_367 = arith.index_cast %mul3A_366 : i32 to index
        %get3A_368 = tpu.vector_load %arg7[%get3A_367] {strides = array<i32>} : memref<16384xi32, #tpu.memory_space<vmem>>, vector<16xi32>,
        %mul3A_369 = arith.constant 16 : i32
        %mul3A_370 = arith.muli %add3A_364, %mul3A_369 : i32
        %get3A_371 = arith.index_cast %mul3A_370 : i32 to index
        %get3A_372 = tpu.vector_load %arg6[%get3A_371] {strides = array<i32>} : memref<32768xi32, #tpu.memory_space<vmem>>, vector<16xi32>,
        %broadcast_in_dim3A_373 = arith.constant 2047 : i32
        %broadcast_in_dim3A_374 = vector.broadcast %broadcast_in_dim3A_373 : i32 to vector<16xi32>
        %and3A_375 = arith.andi %get3A_368, %broadcast_in_dim3A_374 : vector<16xi32>
        %broadcast_in_dim3A_376 = arith.constant 11 : i32
        %broadcast_in_dim3A_377 = vector.broadcast %broadcast_in_dim3A_376 : i32 to vector<16xi32>
        %shift_right_logical3A_378 = arith.shrui %get3A_368, %broadcast_in_dim3A_377 : vector<16xi32>
        %broadcast_in_dim3A_379 = arith.constant 31 : i32
        %broadcast_in_dim3A_380 = vector.broadcast %broadcast_in_dim3A_379 : i32 to vector<16xi32>
        %and3A_381 = arith.andi %shift_right_logical3A_378, %broadcast_in_dim3A_380 : vector<16xi32>
        %broadcast_in_dim3A_382 = arith.constant 16 : i32
        %broadcast_in_dim3A_383 = vector.broadcast %broadcast_in_dim3A_382 : i32 to vector<16xi32>
        %shift_right_logical3A_384 = arith.shrui %get3A_368, %broadcast_in_dim3A_383 : vector<16xi32>
        %broadcast_in_dim3A_385 = arith.constant 0 : i32
        %broadcast_in_dim3A_386 = vector.broadcast %broadcast_in_dim3A_385 : i32 to vector<16xi32>
        %ne3A_387 = arith.cmpi ne, %shift_right_logical3A_384, %broadcast_in_dim3A_386 : vector<16xi32>
        %mul3A_388 = arith.constant 16 : i32
        %mul3A_389 = arith.muli %scan3A_101, %mul3A_388 : i32
        %add3A_390 = arith.constant 10 : i32
        %add3A_391 = arith.addi %mul3A_389, %add3A_390 : i32
        %add3A_392 = arith.constant 0 : i32
        %add3A_393 = arith.addi %add3A_391, %add3A_392 : i32
        %mul3A_394 = arith.constant 16 : i32
        %mul3A_395 = arith.muli %add3A_391, %mul3A_394 : i32
        %get3A_396 = arith.index_cast %mul3A_395 : i32 to index
        %get3A_397 = tpu.vector_load %arg7[%get3A_396] {strides = array<i32>} : memref<16384xi32, #tpu.memory_space<vmem>>, vector<16xi32>,
        %mul3A_398 = arith.constant 16 : i32
        %mul3A_399 = arith.muli %add3A_393, %mul3A_398 : i32
        %get3A_400 = arith.index_cast %mul3A_399 : i32 to index
        %get3A_401 = tpu.vector_load %arg6[%get3A_400] {strides = array<i32>} : memref<32768xi32, #tpu.memory_space<vmem>>, vector<16xi32>,
        %broadcast_in_dim3A_402 = arith.constant 2047 : i32
        %broadcast_in_dim3A_403 = vector.broadcast %broadcast_in_dim3A_402 : i32 to vector<16xi32>
        %and3A_404 = arith.andi %get3A_397, %broadcast_in_dim3A_403 : vector<16xi32>
        %broadcast_in_dim3A_405 = arith.constant 11 : i32
        %broadcast_in_dim3A_406 = vector.broadcast %broadcast_in_dim3A_405 : i32 to vector<16xi32>
        %shift_right_logical3A_407 = arith.shrui %get3A_397, %broadcast_in_dim3A_406 : vector<16xi32>
        %broadcast_in_dim3A_408 = arith.constant 31 : i32
        %broadcast_in_dim3A_409 = vector.broadcast %broadcast_in_dim3A_408 : i32 to vector<16xi32>
        %and3A_410 = arith.andi %shift_right_logical3A_407, %broadcast_in_dim3A_409 : vector<16xi32>
        %broadcast_in_dim3A_411 = arith.constant 16 : i32
        %broadcast_in_dim3A_412 = vector.broadcast %broadcast_in_dim3A_411 : i32 to vector<16xi32>
        %shift_right_logical3A_413 = arith.shrui %get3A_397, %broadcast_in_dim3A_412 : vector<16xi32>
        %broadcast_in_dim3A_414 = arith.constant 0 : i32
        %broadcast_in_dim3A_415 = vector.broadcast %broadcast_in_dim3A_414 : i32 to vector<16xi32>
        %ne3A_416 = arith.cmpi ne, %shift_right_logical3A_413, %broadcast_in_dim3A_415 : vector<16xi32>
        %mul3A_417 = arith.constant 16 : i32
        %mul3A_418 = arith.muli %scan3A_101, %mul3A_417 : i32
        %add3A_419 = arith.constant 11 : i32
        %add3A_420 = arith.addi %mul3A_418, %add3A_419 : i32
        %add3A_421 = arith.constant 0 : i32
        %add3A_422 = arith.addi %add3A_420, %add3A_421 : i32
        %mul3A_423 = arith.constant 16 : i32
        %mul3A_424 = arith.muli %add3A_420, %mul3A_423 : i32
        %get3A_425 = arith.index_cast %mul3A_424 : i32 to index
        %get3A_426 = tpu.vector_load %arg7[%get3A_425] {strides = array<i32>} : memref<16384xi32, #tpu.memory_space<vmem>>, vector<16xi32>,
        %mul3A_427 = arith.constant 16 : i32
        %mul3A_428 = arith.muli %add3A_422, %mul3A_427 : i32
        %get3A_429 = arith.index_cast %mul3A_428 : i32 to index
        %get3A_430 = tpu.vector_load %arg6[%get3A_429] {strides = array<i32>} : memref<32768xi32, #tpu.memory_space<vmem>>, vector<16xi32>,
        %broadcast_in_dim3A_431 = arith.constant 2047 : i32
        %broadcast_in_dim3A_432 = vector.broadcast %broadcast_in_dim3A_431 : i32 to vector<16xi32>
        %and3A_433 = arith.andi %get3A_426, %broadcast_in_dim3A_432 : vector<16xi32>
        %broadcast_in_dim3A_434 = arith.constant 11 : i32
        %broadcast_in_dim3A_435 = vector.broadcast %broadcast_in_dim3A_434 : i32 to vector<16xi32>
        %shift_right_logical3A_436 = arith.shrui %get3A_426, %broadcast_in_dim3A_435 : vector<16xi32>
        %broadcast_in_dim3A_437 = arith.constant 31 : i32
        %broadcast_in_dim3A_438 = vector.broadcast %broadcast_in_dim3A_437 : i32 to vector<16xi32>
        %and3A_439 = arith.andi %shift_right_logical3A_436, %broadcast_in_dim3A_438 : vector<16xi32>
        %broadcast_in_dim3A_440 = arith.constant 16 : i32
        %broadcast_in_dim3A_441 = vector.broadcast %broadcast_in_dim3A_440 : i32 to vector<16xi32>
        %shift_right_logical3A_442 = arith.shrui %get3A_426, %broadcast_in_dim3A_441 : vector<16xi32>
        %broadcast_in_dim3A_443 = arith.constant 0 : i32
        %broadcast_in_dim3A_444 = vector.broadcast %broadcast_in_dim3A_443 : i32 to vector<16xi32>
        %ne3A_445 = arith.cmpi ne, %shift_right_logical3A_442, %broadcast_in_dim3A_444 : vector<16xi32>
        %mul3A_446 = arith.constant 16 : i32
        %mul3A_447 = arith.muli %scan3A_101, %mul3A_446 : i32
        %add3A_448 = arith.constant 12 : i32
        %add3A_449 = arith.addi %mul3A_447, %add3A_448 : i32
        %add3A_450 = arith.constant 0 : i32
        %add3A_451 = arith.addi %add3A_449, %add3A_450 : i32
        %mul3A_452 = arith.constant 16 : i32
        %mul3A_453 = arith.muli %add3A_449, %mul3A_452 : i32
        %get3A_454 = arith.index_cast %mul3A_453 : i32 to index
        %get3A_455 = tpu.vector_load %arg7[%get3A_454] {strides = array<i32>} : memref<16384xi32, #tpu.memory_space<vmem>>, vector<16xi32>,
        %mul3A_456 = arith.constant 16 : i32
        %mul3A_457 = arith.muli %add3A_451, %mul3A_456 : i32
        %get3A_458 = arith.index_cast %mul3A_457 : i32 to index
        %get3A_459 = tpu.vector_load %arg6[%get3A_458] {strides = array<i32>} : memref<32768xi32, #tpu.memory_space<vmem>>, vector<16xi32>,
        %broadcast_in_dim3A_460 = arith.constant 2047 : i32
        %broadcast_in_dim3A_461 = vector.broadcast %broadcast_in_dim3A_460 : i32 to vector<16xi32>
        %and3A_462 = arith.andi %get3A_455, %broadcast_in_dim3A_461 : vector<16xi32>
        %broadcast_in_dim3A_463 = arith.constant 11 : i32
        %broadcast_in_dim3A_464 = vector.broadcast %broadcast_in_dim3A_463 : i32 to vector<16xi32>
        %shift_right_logical3A_465 = arith.shrui %get3A_455, %broadcast_in_dim3A_464 : vector<16xi32>
        %broadcast_in_dim3A_466 = arith.constant 31 : i32
        %broadcast_in_dim3A_467 = vector.broadcast %broadcast_in_dim3A_466 : i32 to vector<16xi32>
        %and3A_468 = arith.andi %shift_right_logical3A_465, %broadcast_in_dim3A_467 : vector<16xi32>
        %broadcast_in_dim3A_469 = arith.constant 16 : i32
        %broadcast_in_dim3A_470 = vector.broadcast %broadcast_in_dim3A_469 : i32 to vector<16xi32>
        %shift_right_logical3A_471 = arith.shrui %get3A_455, %broadcast_in_dim3A_470 : vector<16xi32>
        %broadcast_in_dim3A_472 = arith.constant 0 : i32
        %broadcast_in_dim3A_473 = vector.broadcast %broadcast_in_dim3A_472 : i32 to vector<16xi32>
        %ne3A_474 = arith.cmpi ne, %shift_right_logical3A_471, %broadcast_in_dim3A_473 : vector<16xi32>
        %mul3A_475 = arith.constant 16 : i32
        %mul3A_476 = arith.muli %scan3A_101, %mul3A_475 : i32
        %add3A_477 = arith.constant 13 : i32
        %add3A_478 = arith.addi %mul3A_476, %add3A_477 : i32
        %add3A_479 = arith.constant 0 : i32
        %add3A_480 = arith.addi %add3A_478, %add3A_479 : i32
        %mul3A_481 = arith.constant 16 : i32
        %mul3A_482 = arith.muli %add3A_478, %mul3A_481 : i32
        %get3A_483 = arith.index_cast %mul3A_482 : i32 to index
        %get3A_484 = tpu.vector_load %arg7[%get3A_483] {strides = array<i32>} : memref<16384xi32, #tpu.memory_space<vmem>>, vector<16xi32>,
        %mul3A_485 = arith.constant 16 : i32
        %mul3A_486 = arith.muli %add3A_480, %mul3A_485 : i32
        %get3A_487 = arith.index_cast %mul3A_486 : i32 to index
        %get3A_488 = tpu.vector_load %arg6[%get3A_487] {strides = array<i32>} : memref<32768xi32, #tpu.memory_space<vmem>>, vector<16xi32>,
        %broadcast_in_dim3A_489 = arith.constant 2047 : i32
        %broadcast_in_dim3A_490 = vector.broadcast %broadcast_in_dim3A_489 : i32 to vector<16xi32>
        %and3A_491 = arith.andi %get3A_484, %broadcast_in_dim3A_490 : vector<16xi32>
        %broadcast_in_dim3A_492 = arith.constant 11 : i32
        %broadcast_in_dim3A_493 = vector.broadcast %broadcast_in_dim3A_492 : i32 to vector<16xi32>
        %shift_right_logical3A_494 = arith.shrui %get3A_484, %broadcast_in_dim3A_493 : vector<16xi32>
        %broadcast_in_dim3A_495 = arith.constant 31 : i32
        %broadcast_in_dim3A_496 = vector.broadcast %broadcast_in_dim3A_495 : i32 to vector<16xi32>
        %and3A_497 = arith.andi %shift_right_logical3A_494, %broadcast_in_dim3A_496 : vector<16xi32>
        %broadcast_in_dim3A_498 = arith.constant 16 : i32
        %broadcast_in_dim3A_499 = vector.broadcast %broadcast_in_dim3A_498 : i32 to vector<16xi32>
        %shift_right_logical3A_500 = arith.shrui %get3A_484, %broadcast_in_dim3A_499 : vector<16xi32>
        %broadcast_in_dim3A_501 = arith.constant 0 : i32
        %broadcast_in_dim3A_502 = vector.broadcast %broadcast_in_dim3A_501 : i32 to vector<16xi32>
        %ne3A_503 = arith.cmpi ne, %shift_right_logical3A_500, %broadcast_in_dim3A_502 : vector<16xi32>
        %mul3A_504 = arith.constant 16 : i32
        %mul3A_505 = arith.muli %scan3A_101, %mul3A_504 : i32
        %add3A_506 = arith.constant 14 : i32
        %add3A_507 = arith.addi %mul3A_505, %add3A_506 : i32
        %add3A_508 = arith.constant 0 : i32
        %add3A_509 = arith.addi %add3A_507, %add3A_508 : i32
        %mul3A_510 = arith.constant 16 : i32
        %mul3A_511 = arith.muli %add3A_507, %mul3A_510 : i32
        %get3A_512 = arith.index_cast %mul3A_511 : i32 to index
        %get3A_513 = tpu.vector_load %arg7[%get3A_512] {strides = array<i32>} : memref<16384xi32, #tpu.memory_space<vmem>>, vector<16xi32>,
        %mul3A_514 = arith.constant 16 : i32
        %mul3A_515 = arith.muli %add3A_509, %mul3A_514 : i32
        %get3A_516 = arith.index_cast %mul3A_515 : i32 to index
        %get3A_517 = tpu.vector_load %arg6[%get3A_516] {strides = array<i32>} : memref<32768xi32, #tpu.memory_space<vmem>>, vector<16xi32>,
        %broadcast_in_dim3A_518 = arith.constant 2047 : i32
        %broadcast_in_dim3A_519 = vector.broadcast %broadcast_in_dim3A_518 : i32 to vector<16xi32>
        %and3A_520 = arith.andi %get3A_513, %broadcast_in_dim3A_519 : vector<16xi32>
        %broadcast_in_dim3A_521 = arith.constant 11 : i32
        %broadcast_in_dim3A_522 = vector.broadcast %broadcast_in_dim3A_521 : i32 to vector<16xi32>
        %shift_right_logical3A_523 = arith.shrui %get3A_513, %broadcast_in_dim3A_522 : vector<16xi32>
        %broadcast_in_dim3A_524 = arith.constant 31 : i32
        %broadcast_in_dim3A_525 = vector.broadcast %broadcast_in_dim3A_524 : i32 to vector<16xi32>
        %and3A_526 = arith.andi %shift_right_logical3A_523, %broadcast_in_dim3A_525 : vector<16xi32>
        %broadcast_in_dim3A_527 = arith.constant 16 : i32
        %broadcast_in_dim3A_528 = vector.broadcast %broadcast_in_dim3A_527 : i32 to vector<16xi32>
        %shift_right_logical3A_529 = arith.shrui %get3A_513, %broadcast_in_dim3A_528 : vector<16xi32>
        %broadcast_in_dim3A_530 = arith.constant 0 : i32
        %broadcast_in_dim3A_531 = vector.broadcast %broadcast_in_dim3A_530 : i32 to vector<16xi32>
        %ne3A_532 = arith.cmpi ne, %shift_right_logical3A_529, %broadcast_in_dim3A_531 : vector<16xi32>
        %mul3A_533 = arith.constant 16 : i32
        %mul3A_534 = arith.muli %scan3A_101, %mul3A_533 : i32
        %add3A_535 = arith.constant 15 : i32
        %add3A_536 = arith.addi %mul3A_534, %add3A_535 : i32
        %add3A_537 = arith.constant 0 : i32
        %add3A_538 = arith.addi %add3A_536, %add3A_537 : i32
        %mul3A_539 = arith.constant 16 : i32
        %mul3A_540 = arith.muli %add3A_536, %mul3A_539 : i32
        %get3A_541 = arith.index_cast %mul3A_540 : i32 to index
        %get3A_542 = tpu.vector_load %arg7[%get3A_541] {strides = array<i32>} : memref<16384xi32, #tpu.memory_space<vmem>>, vector<16xi32>,
        %mul3A_543 = arith.constant 16 : i32
        %mul3A_544 = arith.muli %add3A_538, %mul3A_543 : i32
        %get3A_545 = arith.index_cast %mul3A_544 : i32 to index
        %get3A_546 = tpu.vector_load %arg6[%get3A_545] {strides = array<i32>} : memref<32768xi32, #tpu.memory_space<vmem>>, vector<16xi32>,
        %broadcast_in_dim3A_547 = arith.constant 2047 : i32
        %broadcast_in_dim3A_548 = vector.broadcast %broadcast_in_dim3A_547 : i32 to vector<16xi32>
        %and3A_549 = arith.andi %get3A_542, %broadcast_in_dim3A_548 : vector<16xi32>
        %broadcast_in_dim3A_550 = arith.constant 11 : i32
        %broadcast_in_dim3A_551 = vector.broadcast %broadcast_in_dim3A_550 : i32 to vector<16xi32>
        %shift_right_logical3A_552 = arith.shrui %get3A_542, %broadcast_in_dim3A_551 : vector<16xi32>
        %broadcast_in_dim3A_553 = arith.constant 31 : i32
        %broadcast_in_dim3A_554 = vector.broadcast %broadcast_in_dim3A_553 : i32 to vector<16xi32>
        %and3A_555 = arith.andi %shift_right_logical3A_552, %broadcast_in_dim3A_554 : vector<16xi32>
        %broadcast_in_dim3A_556 = arith.constant 16 : i32
        %broadcast_in_dim3A_557 = vector.broadcast %broadcast_in_dim3A_556 : i32 to vector<16xi32>
        %shift_right_logical3A_558 = arith.shrui %get3A_542, %broadcast_in_dim3A_557 : vector<16xi32>
        %broadcast_in_dim3A_559 = arith.constant 0 : i32
        %broadcast_in_dim3A_560 = vector.broadcast %broadcast_in_dim3A_559 : i32 to vector<16xi32>
        %ne3A_561 = arith.cmpi ne, %shift_right_logical3A_558, %broadcast_in_dim3A_560 : vector<16xi32>
        %gather3A = tpu.vector_load_idx %arg10[%and3A] : memref<2048xi32, #tpu.memory_space<vmem>>[vector<16xi32>], vector<16xi32>,
        %add3A_562 = arith.addi %gather3A, %and3A_121 : vector<16xi32>
        tpu.vector_store_idx %arg10[%and3A], %add3A_562 masked %ne3A : memref<2048xi32, #tpu.memory_space<vmem>>[vector<16xi32>], vector<16xi32>, vector<16xi1>
        tpu.vector_store_idx %arg5[%add3A_562], %get3A_115 : memref<32768xi32, #tpu.memory_space<vmem>>[vector<16xi32>], vector<16xi32>,
        %gather3A_563 = tpu.vector_load_idx %arg10[%and3A_143] : memref<2048xi32, #tpu.memory_space<vmem>>[vector<16xi32>], vector<16xi32>,
        %add3A_564 = arith.addi %gather3A_563, %and3A_149 : vector<16xi32>
        tpu.vector_store_idx %arg10[%and3A_143], %add3A_564 masked %ne3A_155 : memref<2048xi32, #tpu.memory_space<vmem>>[vector<16xi32>], vector<16xi32>, vector<16xi1>
        tpu.vector_store_idx %arg5[%add3A_564], %get3A_140 : memref<32768xi32, #tpu.memory_space<vmem>>[vector<16xi32>], vector<16xi32>,
        %gather3A_565 = tpu.vector_load_idx %arg10[%and3A_172] : memref<2048xi32, #tpu.memory_space<vmem>>[vector<16xi32>], vector<16xi32>,
        %add3A_566 = arith.addi %gather3A_565, %and3A_178 : vector<16xi32>
        tpu.vector_store_idx %arg10[%and3A_172], %add3A_566 masked %ne3A_184 : memref<2048xi32, #tpu.memory_space<vmem>>[vector<16xi32>], vector<16xi32>, vector<16xi1>
        tpu.vector_store_idx %arg5[%add3A_566], %get3A_169 : memref<32768xi32, #tpu.memory_space<vmem>>[vector<16xi32>], vector<16xi32>,
        %gather3A_567 = tpu.vector_load_idx %arg10[%and3A_201] : memref<2048xi32, #tpu.memory_space<vmem>>[vector<16xi32>], vector<16xi32>,
        %add3A_568 = arith.addi %gather3A_567, %and3A_207 : vector<16xi32>
        tpu.vector_store_idx %arg10[%and3A_201], %add3A_568 masked %ne3A_213 : memref<2048xi32, #tpu.memory_space<vmem>>[vector<16xi32>], vector<16xi32>, vector<16xi1>
        tpu.vector_store_idx %arg5[%add3A_568], %get3A_198 : memref<32768xi32, #tpu.memory_space<vmem>>[vector<16xi32>], vector<16xi32>,
        %gather3A_569 = tpu.vector_load_idx %arg10[%and3A_230] : memref<2048xi32, #tpu.memory_space<vmem>>[vector<16xi32>], vector<16xi32>,
        %add3A_570 = arith.addi %gather3A_569, %and3A_236 : vector<16xi32>
        tpu.vector_store_idx %arg10[%and3A_230], %add3A_570 masked %ne3A_242 : memref<2048xi32, #tpu.memory_space<vmem>>[vector<16xi32>], vector<16xi32>, vector<16xi1>
        tpu.vector_store_idx %arg5[%add3A_570], %get3A_227 : memref<32768xi32, #tpu.memory_space<vmem>>[vector<16xi32>], vector<16xi32>,
        %gather3A_571 = tpu.vector_load_idx %arg10[%and3A_259] : memref<2048xi32, #tpu.memory_space<vmem>>[vector<16xi32>], vector<16xi32>,
        %add3A_572 = arith.addi %gather3A_571, %and3A_265 : vector<16xi32>
        tpu.vector_store_idx %arg10[%and3A_259], %add3A_572 masked %ne3A_271 : memref<2048xi32, #tpu.memory_space<vmem>>[vector<16xi32>], vector<16xi32>, vector<16xi1>
        tpu.vector_store_idx %arg5[%add3A_572], %get3A_256 : memref<32768xi32, #tpu.memory_space<vmem>>[vector<16xi32>], vector<16xi32>,
        %gather3A_573 = tpu.vector_load_idx %arg10[%and3A_288] : memref<2048xi32, #tpu.memory_space<vmem>>[vector<16xi32>], vector<16xi32>,
        %add3A_574 = arith.addi %gather3A_573, %and3A_294 : vector<16xi32>
        tpu.vector_store_idx %arg10[%and3A_288], %add3A_574 masked %ne3A_300 : memref<2048xi32, #tpu.memory_space<vmem>>[vector<16xi32>], vector<16xi32>, vector<16xi1>
        tpu.vector_store_idx %arg5[%add3A_574], %get3A_285 : memref<32768xi32, #tpu.memory_space<vmem>>[vector<16xi32>], vector<16xi32>,
        %gather3A_575 = tpu.vector_load_idx %arg10[%and3A_317] : memref<2048xi32, #tpu.memory_space<vmem>>[vector<16xi32>], vector<16xi32>,
        %add3A_576 = arith.addi %gather3A_575, %and3A_323 : vector<16xi32>
        tpu.vector_store_idx %arg10[%and3A_317], %add3A_576 masked %ne3A_329 : memref<2048xi32, #tpu.memory_space<vmem>>[vector<16xi32>], vector<16xi32>, vector<16xi1>
        tpu.vector_store_idx %arg5[%add3A_576], %get3A_314 : memref<32768xi32, #tpu.memory_space<vmem>>[vector<16xi32>], vector<16xi32>,
        %gather3A_577 = tpu.vector_load_idx %arg10[%and3A_346] : memref<2048xi32, #tpu.memory_space<vmem>>[vector<16xi32>], vector<16xi32>,
        %add3A_578 = arith.addi %gather3A_577, %and3A_352 : vector<16xi32>
        tpu.vector_store_idx %arg10[%and3A_346], %add3A_578 masked %ne3A_358 : memref<2048xi32, #tpu.memory_space<vmem>>[vector<16xi32>], vector<16xi32>, vector<16xi1>
        tpu.vector_store_idx %arg5[%add3A_578], %get3A_343 : memref<32768xi32, #tpu.memory_space<vmem>>[vector<16xi32>], vector<16xi32>,
        %gather3A_579 = tpu.vector_load_idx %arg10[%and3A_375] : memref<2048xi32, #tpu.memory_space<vmem>>[vector<16xi32>], vector<16xi32>,
        %add3A_580 = arith.addi %gather3A_579, %and3A_381 : vector<16xi32>
        tpu.vector_store_idx %arg10[%and3A_375], %add3A_580 masked %ne3A_387 : memref<2048xi32, #tpu.memory_space<vmem>>[vector<16xi32>], vector<16xi32>, vector<16xi1>
        tpu.vector_store_idx %arg5[%add3A_580], %get3A_372 : memref<32768xi32, #tpu.memory_space<vmem>>[vector<16xi32>], vector<16xi32>,
        %gather3A_581 = tpu.vector_load_idx %arg10[%and3A_404] : memref<2048xi32, #tpu.memory_space<vmem>>[vector<16xi32>], vector<16xi32>,
        %add3A_582 = arith.addi %gather3A_581, %and3A_410 : vector<16xi32>
        tpu.vector_store_idx %arg10[%and3A_404], %add3A_582 masked %ne3A_416 : memref<2048xi32, #tpu.memory_space<vmem>>[vector<16xi32>], vector<16xi32>, vector<16xi1>
        tpu.vector_store_idx %arg5[%add3A_582], %get3A_401 : memref<32768xi32, #tpu.memory_space<vmem>>[vector<16xi32>], vector<16xi32>,
        %gather3A_583 = tpu.vector_load_idx %arg10[%and3A_433] : memref<2048xi32, #tpu.memory_space<vmem>>[vector<16xi32>], vector<16xi32>,
        %add3A_584 = arith.addi %gather3A_583, %and3A_439 : vector<16xi32>
        tpu.vector_store_idx %arg10[%and3A_433], %add3A_584 masked %ne3A_445 : memref<2048xi32, #tpu.memory_space<vmem>>[vector<16xi32>], vector<16xi32>, vector<16xi1>
        tpu.vector_store_idx %arg5[%add3A_584], %get3A_430 : memref<32768xi32, #tpu.memory_space<vmem>>[vector<16xi32>], vector<16xi32>,
        %gather3A_585 = tpu.vector_load_idx %arg10[%and3A_462] : memref<2048xi32, #tpu.memory_space<vmem>>[vector<16xi32>], vector<16xi32>,
        %add3A_586 = arith.addi %gather3A_585, %and3A_468 : vector<16xi32>
        tpu.vector_store_idx %arg10[%and3A_462], %add3A_586 masked %ne3A_474 : memref<2048xi32, #tpu.memory_space<vmem>>[vector<16xi32>], vector<16xi32>, vector<16xi1>
        tpu.vector_store_idx %arg5[%add3A_586], %get3A_459 : memref<32768xi32, #tpu.memory_space<vmem>>[vector<16xi32>], vector<16xi32>,
        %gather3A_587 = tpu.vector_load_idx %arg10[%and3A_491] : memref<2048xi32, #tpu.memory_space<vmem>>[vector<16xi32>], vector<16xi32>,
        %add3A_588 = arith.addi %gather3A_587, %and3A_497 : vector<16xi32>
        tpu.vector_store_idx %arg10[%and3A_491], %add3A_588 masked %ne3A_503 : memref<2048xi32, #tpu.memory_space<vmem>>[vector<16xi32>], vector<16xi32>, vector<16xi1>
        tpu.vector_store_idx %arg5[%add3A_588], %get3A_488 : memref<32768xi32, #tpu.memory_space<vmem>>[vector<16xi32>], vector<16xi32>,
        %gather3A_589 = tpu.vector_load_idx %arg10[%and3A_520] : memref<2048xi32, #tpu.memory_space<vmem>>[vector<16xi32>], vector<16xi32>,
        %add3A_590 = arith.addi %gather3A_589, %and3A_526 : vector<16xi32>
        tpu.vector_store_idx %arg10[%and3A_520], %add3A_590 masked %ne3A_532 : memref<2048xi32, #tpu.memory_space<vmem>>[vector<16xi32>], vector<16xi32>, vector<16xi1>
        tpu.vector_store_idx %arg5[%add3A_590], %get3A_517 : memref<32768xi32, #tpu.memory_space<vmem>>[vector<16xi32>], vector<16xi32>,
        %gather3A_591 = tpu.vector_load_idx %arg10[%and3A_549] : memref<2048xi32, #tpu.memory_space<vmem>>[vector<16xi32>], vector<16xi32>,
        %add3A_592 = arith.addi %gather3A_591, %and3A_555 : vector<16xi32>
        tpu.vector_store_idx %arg10[%and3A_549], %add3A_592 masked %ne3A_561 : memref<2048xi32, #tpu.memory_space<vmem>>[vector<16xi32>], vector<16xi32>, vector<16xi1>
        tpu.vector_store_idx %arg5[%add3A_592], %get3A_546 : memref<32768xi32, #tpu.memory_space<vmem>>[vector<16xi32>], vector<16xi32>,
        %scan3A_593 = arith.constant 0 : i32
        scf.yield %scan3A_593 : i32
      }
      %scan3A_89 = arith.constant 64 : i32
      %parallel_loop3A_90 = arith.constant 0 : i32
      %parallel_loop3A_91 = arith.constant 1024 : i32
      %parallel_loop3A_92 = arith.constant 1 : i32
      scf.for %parallel_loop3A_101 = %parallel_loop3A_90 to %parallel_loop3A_91 step %parallel_loop3A_92  : i32 {
        %parallel_loop3A_102 = arith.constant 1024 : i32
        %parallel_loop3A_103 = arith.addi %parallel_loop3A_101, %parallel_loop3A_102 : i32
        %parallel_loop3A_104 = arith.constant 16 : i32
        %parallel_loop3A_105 = arith.muli %parallel_loop3A_103, %parallel_loop3A_104 : i32
        %parallel_loop3A_106 = arith.index_cast %parallel_loop3A_105 : i32 to index
        %parallel_loop3A_107 = tpu.vector_load %arg6[%parallel_loop3A_106] {strides = array<i32>} : memref<32768xi32, #tpu.memory_space<vmem>>, vector<16xi32>,
        %parallel_loop3A_108 = tpu.vector_load_idx %arg4[%parallel_loop3A_107] : memref<32768xf32, #tpu.memory_space<vmem>>[vector<16xi32>], vector<16xf32>,
        %parallel_loop3A_109 = vector.bitcast %parallel_loop3A_108 : vector<16xf32> to vector<16xi32>
        %parallel_loop3A_110 = arith.constant 22 : i32
        %parallel_loop3A_111 = vector.broadcast %parallel_loop3A_110 : i32 to vector<16xi32>
        %parallel_loop3A_112 = arith.shrui %parallel_loop3A_109, %parallel_loop3A_111 : vector<16xi32>
        %parallel_loop3A_113 = arith.constant 2047 : i32
        %parallel_loop3A_114 = vector.broadcast %parallel_loop3A_113 : i32 to vector<16xi32>
        %parallel_loop3A_115 = arith.andi %parallel_loop3A_112, %parallel_loop3A_114 : vector<16xi32>
        %parallel_loop3A_116 = arith.constant true
        %parallel_loop3A_117 = vector.broadcast %parallel_loop3A_116 : i1 to vector<16xi1>
        %parallel_loop3A_118, %parallel_loop3A_119 = tpu.scan_count mask(%parallel_loop3A_117 : vector<16xi1>) value(%parallel_loop3A_115 : vector<16xi32>) : vector<16xi1>, vector<16xi32>
        %parallel_loop3A_120 = arith.extui %parallel_loop3A_118 : vector<16xi1> to vector<16xi32>
        %parallel_loop3A_121 = arith.constant 11 : i32
        %parallel_loop3A_122 = vector.broadcast %parallel_loop3A_121 : i32 to vector<16xi32>
        %parallel_loop3A_123 = arith.shli %parallel_loop3A_119, %parallel_loop3A_122 : vector<16xi32>
        %parallel_loop3A_124 = arith.constant 16 : i32
        %parallel_loop3A_125 = vector.broadcast %parallel_loop3A_124 : i32 to vector<16xi32>
        %parallel_loop3A_126 = arith.shli %parallel_loop3A_120, %parallel_loop3A_125 : vector<16xi32>
        %parallel_loop3A_127 = arith.ori %parallel_loop3A_123, %parallel_loop3A_126 : vector<16xi32>
        %parallel_loop3A_128 = arith.ori %parallel_loop3A_115, %parallel_loop3A_127 : vector<16xi32>
        %parallel_loop3A_129 = arith.constant 16 : i32
        %parallel_loop3A_130 = arith.muli %parallel_loop3A_101, %parallel_loop3A_129 : i32
        %parallel_loop3A_131 = arith.index_cast %parallel_loop3A_130 : i32 to index
        %parallel_loop3A_132 = tpu.vector_load %arg7[%parallel_loop3A_131] {strides = array<i32>} : memref<16384xi32, #tpu.memory_space<vmem>>, vector<16xi32>,
        tpu.vector_store %arg7[%parallel_loop3A_131], %parallel_loop3A_128 {strides = array<i32>} : memref<16384xi32, #tpu.memory_space<vmem>>, vector<16xi32>,
      } {sc.loop_unroll_factor = 8 : i64, sc.parallel_access}
      %scan3A_93 = arith.constant 0 : i32
      %scan3A_94 = arith.constant 0 : i32
      %scan3A_95 = arith.constant 64 : i32
      %scan3A_96 = arith.addi %scan3A_94, %scan3A_95 : i32
      %scan3A_97 = arith.constant 1 : i32
      %scan3A_98 = scf.for %scan3A_101 = %scan3A_94 to %scan3A_96 step %scan3A_97 iter_args(%scan3A_102 = %scan3A_93) -> (i32)  : i32 {
        %mul3A_103 = arith.constant 16 : i32
        %mul3A_104 = arith.muli %scan3A_101, %mul3A_103 : i32
        %add3A_105 = arith.constant 0 : i32
        %add3A_106 = arith.addi %mul3A_104, %add3A_105 : i32
        %add3A_107 = arith.constant 1024 : i32
        %add3A_108 = arith.addi %add3A_106, %add3A_107 : i32
        %mul3A_109 = arith.constant 16 : i32
        %mul3A_110 = arith.muli %add3A_106, %mul3A_109 : i32
        %get3A = arith.index_cast %mul3A_110 : i32 to index
        %get3A_111 = tpu.vector_load %arg7[%get3A] {strides = array<i32>} : memref<16384xi32, #tpu.memory_space<vmem>>, vector<16xi32>,
        %mul3A_112 = arith.constant 16 : i32
        %mul3A_113 = arith.muli %add3A_108, %mul3A_112 : i32
        %get3A_114 = arith.index_cast %mul3A_113 : i32 to index
        %get3A_115 = tpu.vector_load %arg6[%get3A_114] {strides = array<i32>} : memref<32768xi32, #tpu.memory_space<vmem>>, vector<16xi32>,
        %broadcast_in_dim3A = arith.constant 2047 : i32
        %broadcast_in_dim3A_116 = vector.broadcast %broadcast_in_dim3A : i32 to vector<16xi32>
        %and3A = arith.andi %get3A_111, %broadcast_in_dim3A_116 : vector<16xi32>
        %broadcast_in_dim3A_117 = arith.constant 11 : i32
        %broadcast_in_dim3A_118 = vector.broadcast %broadcast_in_dim3A_117 : i32 to vector<16xi32>
        %shift_right_logical3A = arith.shrui %get3A_111, %broadcast_in_dim3A_118 : vector<16xi32>
        %broadcast_in_dim3A_119 = arith.constant 31 : i32
        %broadcast_in_dim3A_120 = vector.broadcast %broadcast_in_dim3A_119 : i32 to vector<16xi32>
        %and3A_121 = arith.andi %shift_right_logical3A, %broadcast_in_dim3A_120 : vector<16xi32>
        %broadcast_in_dim3A_122 = arith.constant 16 : i32
        %broadcast_in_dim3A_123 = vector.broadcast %broadcast_in_dim3A_122 : i32 to vector<16xi32>
        %shift_right_logical3A_124 = arith.shrui %get3A_111, %broadcast_in_dim3A_123 : vector<16xi32>
        %broadcast_in_dim3A_125 = arith.constant 0 : i32
        %broadcast_in_dim3A_126 = vector.broadcast %broadcast_in_dim3A_125 : i32 to vector<16xi32>
        %ne3A = arith.cmpi ne, %shift_right_logical3A_124, %broadcast_in_dim3A_126 : vector<16xi32>
        %mul3A_127 = arith.constant 16 : i32
        %mul3A_128 = arith.muli %scan3A_101, %mul3A_127 : i32
        %add3A_129 = arith.constant 1 : i32
        %add3A_130 = arith.addi %mul3A_128, %add3A_129 : i32
        %add3A_131 = arith.constant 1024 : i32
        %add3A_132 = arith.addi %add3A_130, %add3A_131 : i32
        %mul3A_133 = arith.constant 16 : i32
        %mul3A_134 = arith.muli %add3A_130, %mul3A_133 : i32
        %get3A_135 = arith.index_cast %mul3A_134 : i32 to index
        %get3A_136 = tpu.vector_load %arg7[%get3A_135] {strides = array<i32>} : memref<16384xi32, #tpu.memory_space<vmem>>, vector<16xi32>,
        %mul3A_137 = arith.constant 16 : i32
        %mul3A_138 = arith.muli %add3A_132, %mul3A_137 : i32
        %get3A_139 = arith.index_cast %mul3A_138 : i32 to index
        %get3A_140 = tpu.vector_load %arg6[%get3A_139] {strides = array<i32>} : memref<32768xi32, #tpu.memory_space<vmem>>, vector<16xi32>,
        %broadcast_in_dim3A_141 = arith.constant 2047 : i32
        %broadcast_in_dim3A_142 = vector.broadcast %broadcast_in_dim3A_141 : i32 to vector<16xi32>
        %and3A_143 = arith.andi %get3A_136, %broadcast_in_dim3A_142 : vector<16xi32>
        %broadcast_in_dim3A_144 = arith.constant 11 : i32
        %broadcast_in_dim3A_145 = vector.broadcast %broadcast_in_dim3A_144 : i32 to vector<16xi32>
        %shift_right_logical3A_146 = arith.shrui %get3A_136, %broadcast_in_dim3A_145 : vector<16xi32>
        %broadcast_in_dim3A_147 = arith.constant 31 : i32
        %broadcast_in_dim3A_148 = vector.broadcast %broadcast_in_dim3A_147 : i32 to vector<16xi32>
        %and3A_149 = arith.andi %shift_right_logical3A_146, %broadcast_in_dim3A_148 : vector<16xi32>
        %broadcast_in_dim3A_150 = arith.constant 16 : i32
        %broadcast_in_dim3A_151 = vector.broadcast %broadcast_in_dim3A_150 : i32 to vector<16xi32>
        %shift_right_logical3A_152 = arith.shrui %get3A_136, %broadcast_in_dim3A_151 : vector<16xi32>
        %broadcast_in_dim3A_153 = arith.constant 0 : i32
        %broadcast_in_dim3A_154 = vector.broadcast %broadcast_in_dim3A_153 : i32 to vector<16xi32>
        %ne3A_155 = arith.cmpi ne, %shift_right_logical3A_152, %broadcast_in_dim3A_154 : vector<16xi32>
        %mul3A_156 = arith.constant 16 : i32
        %mul3A_157 = arith.muli %scan3A_101, %mul3A_156 : i32
        %add3A_158 = arith.constant 2 : i32
        %add3A_159 = arith.addi %mul3A_157, %add3A_158 : i32
        %add3A_160 = arith.constant 1024 : i32
        %add3A_161 = arith.addi %add3A_159, %add3A_160 : i32
        %mul3A_162 = arith.constant 16 : i32
        %mul3A_163 = arith.muli %add3A_159, %mul3A_162 : i32
        %get3A_164 = arith.index_cast %mul3A_163 : i32 to index
        %get3A_165 = tpu.vector_load %arg7[%get3A_164] {strides = array<i32>} : memref<16384xi32, #tpu.memory_space<vmem>>, vector<16xi32>,
        %mul3A_166 = arith.constant 16 : i32
        %mul3A_167 = arith.muli %add3A_161, %mul3A_166 : i32
        %get3A_168 = arith.index_cast %mul3A_167 : i32 to index
        %get3A_169 = tpu.vector_load %arg6[%get3A_168] {strides = array<i32>} : memref<32768xi32, #tpu.memory_space<vmem>>, vector<16xi32>,
        %broadcast_in_dim3A_170 = arith.constant 2047 : i32
        %broadcast_in_dim3A_171 = vector.broadcast %broadcast_in_dim3A_170 : i32 to vector<16xi32>
        %and3A_172 = arith.andi %get3A_165, %broadcast_in_dim3A_171 : vector<16xi32>
        %broadcast_in_dim3A_173 = arith.constant 11 : i32
        %broadcast_in_dim3A_174 = vector.broadcast %broadcast_in_dim3A_173 : i32 to vector<16xi32>
        %shift_right_logical3A_175 = arith.shrui %get3A_165, %broadcast_in_dim3A_174 : vector<16xi32>
        %broadcast_in_dim3A_176 = arith.constant 31 : i32
        %broadcast_in_dim3A_177 = vector.broadcast %broadcast_in_dim3A_176 : i32 to vector<16xi32>
        %and3A_178 = arith.andi %shift_right_logical3A_175, %broadcast_in_dim3A_177 : vector<16xi32>
        %broadcast_in_dim3A_179 = arith.constant 16 : i32
        %broadcast_in_dim3A_180 = vector.broadcast %broadcast_in_dim3A_179 : i32 to vector<16xi32>
        %shift_right_logical3A_181 = arith.shrui %get3A_165, %broadcast_in_dim3A_180 : vector<16xi32>
        %broadcast_in_dim3A_182 = arith.constant 0 : i32
        %broadcast_in_dim3A_183 = vector.broadcast %broadcast_in_dim3A_182 : i32 to vector<16xi32>
        %ne3A_184 = arith.cmpi ne, %shift_right_logical3A_181, %broadcast_in_dim3A_183 : vector<16xi32>
        %mul3A_185 = arith.constant 16 : i32
        %mul3A_186 = arith.muli %scan3A_101, %mul3A_185 : i32
        %add3A_187 = arith.constant 3 : i32
        %add3A_188 = arith.addi %mul3A_186, %add3A_187 : i32
        %add3A_189 = arith.constant 1024 : i32
        %add3A_190 = arith.addi %add3A_188, %add3A_189 : i32
        %mul3A_191 = arith.constant 16 : i32
        %mul3A_192 = arith.muli %add3A_188, %mul3A_191 : i32
        %get3A_193 = arith.index_cast %mul3A_192 : i32 to index
        %get3A_194 = tpu.vector_load %arg7[%get3A_193] {strides = array<i32>} : memref<16384xi32, #tpu.memory_space<vmem>>, vector<16xi32>,
        %mul3A_195 = arith.constant 16 : i32
        %mul3A_196 = arith.muli %add3A_190, %mul3A_195 : i32
        %get3A_197 = arith.index_cast %mul3A_196 : i32 to index
        %get3A_198 = tpu.vector_load %arg6[%get3A_197] {strides = array<i32>} : memref<32768xi32, #tpu.memory_space<vmem>>, vector<16xi32>,
        %broadcast_in_dim3A_199 = arith.constant 2047 : i32
        %broadcast_in_dim3A_200 = vector.broadcast %broadcast_in_dim3A_199 : i32 to vector<16xi32>
        %and3A_201 = arith.andi %get3A_194, %broadcast_in_dim3A_200 : vector<16xi32>
        %broadcast_in_dim3A_202 = arith.constant 11 : i32
        %broadcast_in_dim3A_203 = vector.broadcast %broadcast_in_dim3A_202 : i32 to vector<16xi32>
        %shift_right_logical3A_204 = arith.shrui %get3A_194, %broadcast_in_dim3A_203 : vector<16xi32>
        %broadcast_in_dim3A_205 = arith.constant 31 : i32
        %broadcast_in_dim3A_206 = vector.broadcast %broadcast_in_dim3A_205 : i32 to vector<16xi32>
        %and3A_207 = arith.andi %shift_right_logical3A_204, %broadcast_in_dim3A_206 : vector<16xi32>
        %broadcast_in_dim3A_208 = arith.constant 16 : i32
        %broadcast_in_dim3A_209 = vector.broadcast %broadcast_in_dim3A_208 : i32 to vector<16xi32>
        %shift_right_logical3A_210 = arith.shrui %get3A_194, %broadcast_in_dim3A_209 : vector<16xi32>
        %broadcast_in_dim3A_211 = arith.constant 0 : i32
        %broadcast_in_dim3A_212 = vector.broadcast %broadcast_in_dim3A_211 : i32 to vector<16xi32>
        %ne3A_213 = arith.cmpi ne, %shift_right_logical3A_210, %broadcast_in_dim3A_212 : vector<16xi32>
        %mul3A_214 = arith.constant 16 : i32
        %mul3A_215 = arith.muli %scan3A_101, %mul3A_214 : i32
        %add3A_216 = arith.constant 4 : i32
        %add3A_217 = arith.addi %mul3A_215, %add3A_216 : i32
        %add3A_218 = arith.constant 1024 : i32
        %add3A_219 = arith.addi %add3A_217, %add3A_218 : i32
        %mul3A_220 = arith.constant 16 : i32
        %mul3A_221 = arith.muli %add3A_217, %mul3A_220 : i32
        %get3A_222 = arith.index_cast %mul3A_221 : i32 to index
        %get3A_223 = tpu.vector_load %arg7[%get3A_222] {strides = array<i32>} : memref<16384xi32, #tpu.memory_space<vmem>>, vector<16xi32>,
        %mul3A_224 = arith.constant 16 : i32
        %mul3A_225 = arith.muli %add3A_219, %mul3A_224 : i32
        %get3A_226 = arith.index_cast %mul3A_225 : i32 to index
        %get3A_227 = tpu.vector_load %arg6[%get3A_226] {strides = array<i32>} : memref<32768xi32, #tpu.memory_space<vmem>>, vector<16xi32>,
        %broadcast_in_dim3A_228 = arith.constant 2047 : i32
        %broadcast_in_dim3A_229 = vector.broadcast %broadcast_in_dim3A_228 : i32 to vector<16xi32>
        %and3A_230 = arith.andi %get3A_223, %broadcast_in_dim3A_229 : vector<16xi32>
        %broadcast_in_dim3A_231 = arith.constant 11 : i32
        %broadcast_in_dim3A_232 = vector.broadcast %broadcast_in_dim3A_231 : i32 to vector<16xi32>
        %shift_right_logical3A_233 = arith.shrui %get3A_223, %broadcast_in_dim3A_232 : vector<16xi32>
        %broadcast_in_dim3A_234 = arith.constant 31 : i32
        %broadcast_in_dim3A_235 = vector.broadcast %broadcast_in_dim3A_234 : i32 to vector<16xi32>
        %and3A_236 = arith.andi %shift_right_logical3A_233, %broadcast_in_dim3A_235 : vector<16xi32>
        %broadcast_in_dim3A_237 = arith.constant 16 : i32
        %broadcast_in_dim3A_238 = vector.broadcast %broadcast_in_dim3A_237 : i32 to vector<16xi32>
        %shift_right_logical3A_239 = arith.shrui %get3A_223, %broadcast_in_dim3A_238 : vector<16xi32>
        %broadcast_in_dim3A_240 = arith.constant 0 : i32
        %broadcast_in_dim3A_241 = vector.broadcast %broadcast_in_dim3A_240 : i32 to vector<16xi32>
        %ne3A_242 = arith.cmpi ne, %shift_right_logical3A_239, %broadcast_in_dim3A_241 : vector<16xi32>
        %mul3A_243 = arith.constant 16 : i32
        %mul3A_244 = arith.muli %scan3A_101, %mul3A_243 : i32
        %add3A_245 = arith.constant 5 : i32
        %add3A_246 = arith.addi %mul3A_244, %add3A_245 : i32
        %add3A_247 = arith.constant 1024 : i32
        %add3A_248 = arith.addi %add3A_246, %add3A_247 : i32
        %mul3A_249 = arith.constant 16 : i32
        %mul3A_250 = arith.muli %add3A_246, %mul3A_249 : i32
        %get3A_251 = arith.index_cast %mul3A_250 : i32 to index
        %get3A_252 = tpu.vector_load %arg7[%get3A_251] {strides = array<i32>} : memref<16384xi32, #tpu.memory_space<vmem>>, vector<16xi32>,
        %mul3A_253 = arith.constant 16 : i32
        %mul3A_254 = arith.muli %add3A_248, %mul3A_253 : i32
        %get3A_255 = arith.index_cast %mul3A_254 : i32 to index
        %get3A_256 = tpu.vector_load %arg6[%get3A_255] {strides = array<i32>} : memref<32768xi32, #tpu.memory_space<vmem>>, vector<16xi32>,
        %broadcast_in_dim3A_257 = arith.constant 2047 : i32
        %broadcast_in_dim3A_258 = vector.broadcast %broadcast_in_dim3A_257 : i32 to vector<16xi32>
        %and3A_259 = arith.andi %get3A_252, %broadcast_in_dim3A_258 : vector<16xi32>
        %broadcast_in_dim3A_260 = arith.constant 11 : i32
        %broadcast_in_dim3A_261 = vector.broadcast %broadcast_in_dim3A_260 : i32 to vector<16xi32>
        %shift_right_logical3A_262 = arith.shrui %get3A_252, %broadcast_in_dim3A_261 : vector<16xi32>
        %broadcast_in_dim3A_263 = arith.constant 31 : i32
        %broadcast_in_dim3A_264 = vector.broadcast %broadcast_in_dim3A_263 : i32 to vector<16xi32>
        %and3A_265 = arith.andi %shift_right_logical3A_262, %broadcast_in_dim3A_264 : vector<16xi32>
        %broadcast_in_dim3A_266 = arith.constant 16 : i32
        %broadcast_in_dim3A_267 = vector.broadcast %broadcast_in_dim3A_266 : i32 to vector<16xi32>
        %shift_right_logical3A_268 = arith.shrui %get3A_252, %broadcast_in_dim3A_267 : vector<16xi32>
        %broadcast_in_dim3A_269 = arith.constant 0 : i32
        %broadcast_in_dim3A_270 = vector.broadcast %broadcast_in_dim3A_269 : i32 to vector<16xi32>
        %ne3A_271 = arith.cmpi ne, %shift_right_logical3A_268, %broadcast_in_dim3A_270 : vector<16xi32>
        %mul3A_272 = arith.constant 16 : i32
        %mul3A_273 = arith.muli %scan3A_101, %mul3A_272 : i32
        %add3A_274 = arith.constant 6 : i32
        %add3A_275 = arith.addi %mul3A_273, %add3A_274 : i32
        %add3A_276 = arith.constant 1024 : i32
        %add3A_277 = arith.addi %add3A_275, %add3A_276 : i32
        %mul3A_278 = arith.constant 16 : i32
        %mul3A_279 = arith.muli %add3A_275, %mul3A_278 : i32
        %get3A_280 = arith.index_cast %mul3A_279 : i32 to index
        %get3A_281 = tpu.vector_load %arg7[%get3A_280] {strides = array<i32>} : memref<16384xi32, #tpu.memory_space<vmem>>, vector<16xi32>,
        %mul3A_282 = arith.constant 16 : i32
        %mul3A_283 = arith.muli %add3A_277, %mul3A_282 : i32
        %get3A_284 = arith.index_cast %mul3A_283 : i32 to index
        %get3A_285 = tpu.vector_load %arg6[%get3A_284] {strides = array<i32>} : memref<32768xi32, #tpu.memory_space<vmem>>, vector<16xi32>,
        %broadcast_in_dim3A_286 = arith.constant 2047 : i32
        %broadcast_in_dim3A_287 = vector.broadcast %broadcast_in_dim3A_286 : i32 to vector<16xi32>
        %and3A_288 = arith.andi %get3A_281, %broadcast_in_dim3A_287 : vector<16xi32>
        %broadcast_in_dim3A_289 = arith.constant 11 : i32
        %broadcast_in_dim3A_290 = vector.broadcast %broadcast_in_dim3A_289 : i32 to vector<16xi32>
        %shift_right_logical3A_291 = arith.shrui %get3A_281, %broadcast_in_dim3A_290 : vector<16xi32>
        %broadcast_in_dim3A_292 = arith.constant 31 : i32
        %broadcast_in_dim3A_293 = vector.broadcast %broadcast_in_dim3A_292 : i32 to vector<16xi32>
        %and3A_294 = arith.andi %shift_right_logical3A_291, %broadcast_in_dim3A_293 : vector<16xi32>
        %broadcast_in_dim3A_295 = arith.constant 16 : i32
        %broadcast_in_dim3A_296 = vector.broadcast %broadcast_in_dim3A_295 : i32 to vector<16xi32>
        %shift_right_logical3A_297 = arith.shrui %get3A_281, %broadcast_in_dim3A_296 : vector<16xi32>
        %broadcast_in_dim3A_298 = arith.constant 0 : i32
        %broadcast_in_dim3A_299 = vector.broadcast %broadcast_in_dim3A_298 : i32 to vector<16xi32>
        %ne3A_300 = arith.cmpi ne, %shift_right_logical3A_297, %broadcast_in_dim3A_299 : vector<16xi32>
        %mul3A_301 = arith.constant 16 : i32
        %mul3A_302 = arith.muli %scan3A_101, %mul3A_301 : i32
        %add3A_303 = arith.constant 7 : i32
        %add3A_304 = arith.addi %mul3A_302, %add3A_303 : i32
        %add3A_305 = arith.constant 1024 : i32
        %add3A_306 = arith.addi %add3A_304, %add3A_305 : i32
        %mul3A_307 = arith.constant 16 : i32
        %mul3A_308 = arith.muli %add3A_304, %mul3A_307 : i32
        %get3A_309 = arith.index_cast %mul3A_308 : i32 to index
        %get3A_310 = tpu.vector_load %arg7[%get3A_309] {strides = array<i32>} : memref<16384xi32, #tpu.memory_space<vmem>>, vector<16xi32>,
        %mul3A_311 = arith.constant 16 : i32
        %mul3A_312 = arith.muli %add3A_306, %mul3A_311 : i32
        %get3A_313 = arith.index_cast %mul3A_312 : i32 to index
        %get3A_314 = tpu.vector_load %arg6[%get3A_313] {strides = array<i32>} : memref<32768xi32, #tpu.memory_space<vmem>>, vector<16xi32>,
        %broadcast_in_dim3A_315 = arith.constant 2047 : i32
        %broadcast_in_dim3A_316 = vector.broadcast %broadcast_in_dim3A_315 : i32 to vector<16xi32>
        %and3A_317 = arith.andi %get3A_310, %broadcast_in_dim3A_316 : vector<16xi32>
        %broadcast_in_dim3A_318 = arith.constant 11 : i32
        %broadcast_in_dim3A_319 = vector.broadcast %broadcast_in_dim3A_318 : i32 to vector<16xi32>
        %shift_right_logical3A_320 = arith.shrui %get3A_310, %broadcast_in_dim3A_319 : vector<16xi32>
        %broadcast_in_dim3A_321 = arith.constant 31 : i32
        %broadcast_in_dim3A_322 = vector.broadcast %broadcast_in_dim3A_321 : i32 to vector<16xi32>
        %and3A_323 = arith.andi %shift_right_logical3A_320, %broadcast_in_dim3A_322 : vector<16xi32>
        %broadcast_in_dim3A_324 = arith.constant 16 : i32
        %broadcast_in_dim3A_325 = vector.broadcast %broadcast_in_dim3A_324 : i32 to vector<16xi32>
        %shift_right_logical3A_326 = arith.shrui %get3A_310, %broadcast_in_dim3A_325 : vector<16xi32>
        %broadcast_in_dim3A_327 = arith.constant 0 : i32
        %broadcast_in_dim3A_328 = vector.broadcast %broadcast_in_dim3A_327 : i32 to vector<16xi32>
        %ne3A_329 = arith.cmpi ne, %shift_right_logical3A_326, %broadcast_in_dim3A_328 : vector<16xi32>
        %mul3A_330 = arith.constant 16 : i32
        %mul3A_331 = arith.muli %scan3A_101, %mul3A_330 : i32
        %add3A_332 = arith.constant 8 : i32
        %add3A_333 = arith.addi %mul3A_331, %add3A_332 : i32
        %add3A_334 = arith.constant 1024 : i32
        %add3A_335 = arith.addi %add3A_333, %add3A_334 : i32
        %mul3A_336 = arith.constant 16 : i32
        %mul3A_337 = arith.muli %add3A_333, %mul3A_336 : i32
        %get3A_338 = arith.index_cast %mul3A_337 : i32 to index
        %get3A_339 = tpu.vector_load %arg7[%get3A_338] {strides = array<i32>} : memref<16384xi32, #tpu.memory_space<vmem>>, vector<16xi32>,
        %mul3A_340 = arith.constant 16 : i32
        %mul3A_341 = arith.muli %add3A_335, %mul3A_340 : i32
        %get3A_342 = arith.index_cast %mul3A_341 : i32 to index
        %get3A_343 = tpu.vector_load %arg6[%get3A_342] {strides = array<i32>} : memref<32768xi32, #tpu.memory_space<vmem>>, vector<16xi32>,
        %broadcast_in_dim3A_344 = arith.constant 2047 : i32
        %broadcast_in_dim3A_345 = vector.broadcast %broadcast_in_dim3A_344 : i32 to vector<16xi32>
        %and3A_346 = arith.andi %get3A_339, %broadcast_in_dim3A_345 : vector<16xi32>
        %broadcast_in_dim3A_347 = arith.constant 11 : i32
        %broadcast_in_dim3A_348 = vector.broadcast %broadcast_in_dim3A_347 : i32 to vector<16xi32>
        %shift_right_logical3A_349 = arith.shrui %get3A_339, %broadcast_in_dim3A_348 : vector<16xi32>
        %broadcast_in_dim3A_350 = arith.constant 31 : i32
        %broadcast_in_dim3A_351 = vector.broadcast %broadcast_in_dim3A_350 : i32 to vector<16xi32>
        %and3A_352 = arith.andi %shift_right_logical3A_349, %broadcast_in_dim3A_351 : vector<16xi32>
        %broadcast_in_dim3A_353 = arith.constant 16 : i32
        %broadcast_in_dim3A_354 = vector.broadcast %broadcast_in_dim3A_353 : i32 to vector<16xi32>
        %shift_right_logical3A_355 = arith.shrui %get3A_339, %broadcast_in_dim3A_354 : vector<16xi32>
        %broadcast_in_dim3A_356 = arith.constant 0 : i32
        %broadcast_in_dim3A_357 = vector.broadcast %broadcast_in_dim3A_356 : i32 to vector<16xi32>
        %ne3A_358 = arith.cmpi ne, %shift_right_logical3A_355, %broadcast_in_dim3A_357 : vector<16xi32>
        %mul3A_359 = arith.constant 16 : i32
        %mul3A_360 = arith.muli %scan3A_101, %mul3A_359 : i32
        %add3A_361 = arith.constant 9 : i32
        %add3A_362 = arith.addi %mul3A_360, %add3A_361 : i32
        %add3A_363 = arith.constant 1024 : i32
        %add3A_364 = arith.addi %add3A_362, %add3A_363 : i32
        %mul3A_365 = arith.constant 16 : i32
        %mul3A_366 = arith.muli %add3A_362, %mul3A_365 : i32
        %get3A_367 = arith.index_cast %mul3A_366 : i32 to index
        %get3A_368 = tpu.vector_load %arg7[%get3A_367] {strides = array<i32>} : memref<16384xi32, #tpu.memory_space<vmem>>, vector<16xi32>,
        %mul3A_369 = arith.constant 16 : i32
        %mul3A_370 = arith.muli %add3A_364, %mul3A_369 : i32
        %get3A_371 = arith.index_cast %mul3A_370 : i32 to index
        %get3A_372 = tpu.vector_load %arg6[%get3A_371] {strides = array<i32>} : memref<32768xi32, #tpu.memory_space<vmem>>, vector<16xi32>,
        %broadcast_in_dim3A_373 = arith.constant 2047 : i32
        %broadcast_in_dim3A_374 = vector.broadcast %broadcast_in_dim3A_373 : i32 to vector<16xi32>
        %and3A_375 = arith.andi %get3A_368, %broadcast_in_dim3A_374 : vector<16xi32>
        %broadcast_in_dim3A_376 = arith.constant 11 : i32
        %broadcast_in_dim3A_377 = vector.broadcast %broadcast_in_dim3A_376 : i32 to vector<16xi32>
        %shift_right_logical3A_378 = arith.shrui %get3A_368, %broadcast_in_dim3A_377 : vector<16xi32>
        %broadcast_in_dim3A_379 = arith.constant 31 : i32
        %broadcast_in_dim3A_380 = vector.broadcast %broadcast_in_dim3A_379 : i32 to vector<16xi32>
        %and3A_381 = arith.andi %shift_right_logical3A_378, %broadcast_in_dim3A_380 : vector<16xi32>
        %broadcast_in_dim3A_382 = arith.constant 16 : i32
        %broadcast_in_dim3A_383 = vector.broadcast %broadcast_in_dim3A_382 : i32 to vector<16xi32>
        %shift_right_logical3A_384 = arith.shrui %get3A_368, %broadcast_in_dim3A_383 : vector<16xi32>
        %broadcast_in_dim3A_385 = arith.constant 0 : i32
        %broadcast_in_dim3A_386 = vector.broadcast %broadcast_in_dim3A_385 : i32 to vector<16xi32>
        %ne3A_387 = arith.cmpi ne, %shift_right_logical3A_384, %broadcast_in_dim3A_386 : vector<16xi32>
        %mul3A_388 = arith.constant 16 : i32
        %mul3A_389 = arith.muli %scan3A_101, %mul3A_388 : i32
        %add3A_390 = arith.constant 10 : i32
        %add3A_391 = arith.addi %mul3A_389, %add3A_390 : i32
        %add3A_392 = arith.constant 1024 : i32
        %add3A_393 = arith.addi %add3A_391, %add3A_392 : i32
        %mul3A_394 = arith.constant 16 : i32
        %mul3A_395 = arith.muli %add3A_391, %mul3A_394 : i32
        %get3A_396 = arith.index_cast %mul3A_395 : i32 to index
        %get3A_397 = tpu.vector_load %arg7[%get3A_396] {strides = array<i32>} : memref<16384xi32, #tpu.memory_space<vmem>>, vector<16xi32>,
        %mul3A_398 = arith.constant 16 : i32
        %mul3A_399 = arith.muli %add3A_393, %mul3A_398 : i32
        %get3A_400 = arith.index_cast %mul3A_399 : i32 to index
        %get3A_401 = tpu.vector_load %arg6[%get3A_400] {strides = array<i32>} : memref<32768xi32, #tpu.memory_space<vmem>>, vector<16xi32>,
        %broadcast_in_dim3A_402 = arith.constant 2047 : i32
        %broadcast_in_dim3A_403 = vector.broadcast %broadcast_in_dim3A_402 : i32 to vector<16xi32>
        %and3A_404 = arith.andi %get3A_397, %broadcast_in_dim3A_403 : vector<16xi32>
        %broadcast_in_dim3A_405 = arith.constant 11 : i32
        %broadcast_in_dim3A_406 = vector.broadcast %broadcast_in_dim3A_405 : i32 to vector<16xi32>
        %shift_right_logical3A_407 = arith.shrui %get3A_397, %broadcast_in_dim3A_406 : vector<16xi32>
        %broadcast_in_dim3A_408 = arith.constant 31 : i32
        %broadcast_in_dim3A_409 = vector.broadcast %broadcast_in_dim3A_408 : i32 to vector<16xi32>
        %and3A_410 = arith.andi %shift_right_logical3A_407, %broadcast_in_dim3A_409 : vector<16xi32>
        %broadcast_in_dim3A_411 = arith.constant 16 : i32
        %broadcast_in_dim3A_412 = vector.broadcast %broadcast_in_dim3A_411 : i32 to vector<16xi32>
        %shift_right_logical3A_413 = arith.shrui %get3A_397, %broadcast_in_dim3A_412 : vector<16xi32>
        %broadcast_in_dim3A_414 = arith.constant 0 : i32
        %broadcast_in_dim3A_415 = vector.broadcast %broadcast_in_dim3A_414 : i32 to vector<16xi32>
        %ne3A_416 = arith.cmpi ne, %shift_right_logical3A_413, %broadcast_in_dim3A_415 : vector<16xi32>
        %mul3A_417 = arith.constant 16 : i32
        %mul3A_418 = arith.muli %scan3A_101, %mul3A_417 : i32
        %add3A_419 = arith.constant 11 : i32
        %add3A_420 = arith.addi %mul3A_418, %add3A_419 : i32
        %add3A_421 = arith.constant 1024 : i32
        %add3A_422 = arith.addi %add3A_420, %add3A_421 : i32
        %mul3A_423 = arith.constant 16 : i32
        %mul3A_424 = arith.muli %add3A_420, %mul3A_423 : i32
        %get3A_425 = arith.index_cast %mul3A_424 : i32 to index
        %get3A_426 = tpu.vector_load %arg7[%get3A_425] {strides = array<i32>} : memref<16384xi32, #tpu.memory_space<vmem>>, vector<16xi32>,
        %mul3A_427 = arith.constant 16 : i32
        %mul3A_428 = arith.muli %add3A_422, %mul3A_427 : i32
        %get3A_429 = arith.index_cast %mul3A_428 : i32 to index
        %get3A_430 = tpu.vector_load %arg6[%get3A_429] {strides = array<i32>} : memref<32768xi32, #tpu.memory_space<vmem>>, vector<16xi32>,
        %broadcast_in_dim3A_431 = arith.constant 2047 : i32
        %broadcast_in_dim3A_432 = vector.broadcast %broadcast_in_dim3A_431 : i32 to vector<16xi32>
        %and3A_433 = arith.andi %get3A_426, %broadcast_in_dim3A_432 : vector<16xi32>
        %broadcast_in_dim3A_434 = arith.constant 11 : i32
        %broadcast_in_dim3A_435 = vector.broadcast %broadcast_in_dim3A_434 : i32 to vector<16xi32>
        %shift_right_logical3A_436 = arith.shrui %get3A_426, %broadcast_in_dim3A_435 : vector<16xi32>
        %broadcast_in_dim3A_437 = arith.constant 31 : i32
        %broadcast_in_dim3A_438 = vector.broadcast %broadcast_in_dim3A_437 : i32 to vector<16xi32>
        %and3A_439 = arith.andi %shift_right_logical3A_436, %broadcast_in_dim3A_438 : vector<16xi32>
        %broadcast_in_dim3A_440 = arith.constant 16 : i32
        %broadcast_in_dim3A_441 = vector.broadcast %broadcast_in_dim3A_440 : i32 to vector<16xi32>
        %shift_right_logical3A_442 = arith.shrui %get3A_426, %broadcast_in_dim3A_441 : vector<16xi32>
        %broadcast_in_dim3A_443 = arith.constant 0 : i32
        %broadcast_in_dim3A_444 = vector.broadcast %broadcast_in_dim3A_443 : i32 to vector<16xi32>
        %ne3A_445 = arith.cmpi ne, %shift_right_logical3A_442, %broadcast_in_dim3A_444 : vector<16xi32>
        %mul3A_446 = arith.constant 16 : i32
        %mul3A_447 = arith.muli %scan3A_101, %mul3A_446 : i32
        %add3A_448 = arith.constant 12 : i32
        %add3A_449 = arith.addi %mul3A_447, %add3A_448 : i32
        %add3A_450 = arith.constant 1024 : i32
        %add3A_451 = arith.addi %add3A_449, %add3A_450 : i32
        %mul3A_452 = arith.constant 16 : i32
        %mul3A_453 = arith.muli %add3A_449, %mul3A_452 : i32
        %get3A_454 = arith.index_cast %mul3A_453 : i32 to index
        %get3A_455 = tpu.vector_load %arg7[%get3A_454] {strides = array<i32>} : memref<16384xi32, #tpu.memory_space<vmem>>, vector<16xi32>,
        %mul3A_456 = arith.constant 16 : i32
        %mul3A_457 = arith.muli %add3A_451, %mul3A_456 : i32
        %get3A_458 = arith.index_cast %mul3A_457 : i32 to index
        %get3A_459 = tpu.vector_load %arg6[%get3A_458] {strides = array<i32>} : memref<32768xi32, #tpu.memory_space<vmem>>, vector<16xi32>,
        %broadcast_in_dim3A_460 = arith.constant 2047 : i32
        %broadcast_in_dim3A_461 = vector.broadcast %broadcast_in_dim3A_460 : i32 to vector<16xi32>
        %and3A_462 = arith.andi %get3A_455, %broadcast_in_dim3A_461 : vector<16xi32>
        %broadcast_in_dim3A_463 = arith.constant 11 : i32
        %broadcast_in_dim3A_464 = vector.broadcast %broadcast_in_dim3A_463 : i32 to vector<16xi32>
        %shift_right_logical3A_465 = arith.shrui %get3A_455, %broadcast_in_dim3A_464 : vector<16xi32>
        %broadcast_in_dim3A_466 = arith.constant 31 : i32
        %broadcast_in_dim3A_467 = vector.broadcast %broadcast_in_dim3A_466 : i32 to vector<16xi32>
        %and3A_468 = arith.andi %shift_right_logical3A_465, %broadcast_in_dim3A_467 : vector<16xi32>
        %broadcast_in_dim3A_469 = arith.constant 16 : i32
        %broadcast_in_dim3A_470 = vector.broadcast %broadcast_in_dim3A_469 : i32 to vector<16xi32>
        %shift_right_logical3A_471 = arith.shrui %get3A_455, %broadcast_in_dim3A_470 : vector<16xi32>
        %broadcast_in_dim3A_472 = arith.constant 0 : i32
        %broadcast_in_dim3A_473 = vector.broadcast %broadcast_in_dim3A_472 : i32 to vector<16xi32>
        %ne3A_474 = arith.cmpi ne, %shift_right_logical3A_471, %broadcast_in_dim3A_473 : vector<16xi32>
        %mul3A_475 = arith.constant 16 : i32
        %mul3A_476 = arith.muli %scan3A_101, %mul3A_475 : i32
        %add3A_477 = arith.constant 13 : i32
        %add3A_478 = arith.addi %mul3A_476, %add3A_477 : i32
        %add3A_479 = arith.constant 1024 : i32
        %add3A_480 = arith.addi %add3A_478, %add3A_479 : i32
        %mul3A_481 = arith.constant 16 : i32
        %mul3A_482 = arith.muli %add3A_478, %mul3A_481 : i32
        %get3A_483 = arith.index_cast %mul3A_482 : i32 to index
        %get3A_484 = tpu.vector_load %arg7[%get3A_483] {strides = array<i32>} : memref<16384xi32, #tpu.memory_space<vmem>>, vector<16xi32>,
        %mul3A_485 = arith.constant 16 : i32
        %mul3A_486 = arith.muli %add3A_480, %mul3A_485 : i32
        %get3A_487 = arith.index_cast %mul3A_486 : i32 to index
        %get3A_488 = tpu.vector_load %arg6[%get3A_487] {strides = array<i32>} : memref<32768xi32, #tpu.memory_space<vmem>>, vector<16xi32>,
        %broadcast_in_dim3A_489 = arith.constant 2047 : i32
        %broadcast_in_dim3A_490 = vector.broadcast %broadcast_in_dim3A_489 : i32 to vector<16xi32>
        %and3A_491 = arith.andi %get3A_484, %broadcast_in_dim3A_490 : vector<16xi32>
        %broadcast_in_dim3A_492 = arith.constant 11 : i32
        %broadcast_in_dim3A_493 = vector.broadcast %broadcast_in_dim3A_492 : i32 to vector<16xi32>
        %shift_right_logical3A_494 = arith.shrui %get3A_484, %broadcast_in_dim3A_493 : vector<16xi32>
        %broadcast_in_dim3A_495 = arith.constant 31 : i32
        %broadcast_in_dim3A_496 = vector.broadcast %broadcast_in_dim3A_495 : i32 to vector<16xi32>
        %and3A_497 = arith.andi %shift_right_logical3A_494, %broadcast_in_dim3A_496 : vector<16xi32>
        %broadcast_in_dim3A_498 = arith.constant 16 : i32
        %broadcast_in_dim3A_499 = vector.broadcast %broadcast_in_dim3A_498 : i32 to vector<16xi32>
        %shift_right_logical3A_500 = arith.shrui %get3A_484, %broadcast_in_dim3A_499 : vector<16xi32>
        %broadcast_in_dim3A_501 = arith.constant 0 : i32
        %broadcast_in_dim3A_502 = vector.broadcast %broadcast_in_dim3A_501 : i32 to vector<16xi32>
        %ne3A_503 = arith.cmpi ne, %shift_right_logical3A_500, %broadcast_in_dim3A_502 : vector<16xi32>
        %mul3A_504 = arith.constant 16 : i32
        %mul3A_505 = arith.muli %scan3A_101, %mul3A_504 : i32
        %add3A_506 = arith.constant 14 : i32
        %add3A_507 = arith.addi %mul3A_505, %add3A_506 : i32
        %add3A_508 = arith.constant 1024 : i32
        %add3A_509 = arith.addi %add3A_507, %add3A_508 : i32
        %mul3A_510 = arith.constant 16 : i32
        %mul3A_511 = arith.muli %add3A_507, %mul3A_510 : i32
        %get3A_512 = arith.index_cast %mul3A_511 : i32 to index
        %get3A_513 = tpu.vector_load %arg7[%get3A_512] {strides = array<i32>} : memref<16384xi32, #tpu.memory_space<vmem>>, vector<16xi32>,
        %mul3A_514 = arith.constant 16 : i32
        %mul3A_515 = arith.muli %add3A_509, %mul3A_514 : i32
        %get3A_516 = arith.index_cast %mul3A_515 : i32 to index
        %get3A_517 = tpu.vector_load %arg6[%get3A_516] {strides = array<i32>} : memref<32768xi32, #tpu.memory_space<vmem>>, vector<16xi32>,
        %broadcast_in_dim3A_518 = arith.constant 2047 : i32
        %broadcast_in_dim3A_519 = vector.broadcast %broadcast_in_dim3A_518 : i32 to vector<16xi32>
        %and3A_520 = arith.andi %get3A_513, %broadcast_in_dim3A_519 : vector<16xi32>
        %broadcast_in_dim3A_521 = arith.constant 11 : i32
        %broadcast_in_dim3A_522 = vector.broadcast %broadcast_in_dim3A_521 : i32 to vector<16xi32>
        %shift_right_logical3A_523 = arith.shrui %get3A_513, %broadcast_in_dim3A_522 : vector<16xi32>
        %broadcast_in_dim3A_524 = arith.constant 31 : i32
        %broadcast_in_dim3A_525 = vector.broadcast %broadcast_in_dim3A_524 : i32 to vector<16xi32>
        %and3A_526 = arith.andi %shift_right_logical3A_523, %broadcast_in_dim3A_525 : vector<16xi32>
        %broadcast_in_dim3A_527 = arith.constant 16 : i32
        %broadcast_in_dim3A_528 = vector.broadcast %broadcast_in_dim3A_527 : i32 to vector<16xi32>
        %shift_right_logical3A_529 = arith.shrui %get3A_513, %broadcast_in_dim3A_528 : vector<16xi32>
        %broadcast_in_dim3A_530 = arith.constant 0 : i32
        %broadcast_in_dim3A_531 = vector.broadcast %broadcast_in_dim3A_530 : i32 to vector<16xi32>
        %ne3A_532 = arith.cmpi ne, %shift_right_logical3A_529, %broadcast_in_dim3A_531 : vector<16xi32>
        %mul3A_533 = arith.constant 16 : i32
        %mul3A_534 = arith.muli %scan3A_101, %mul3A_533 : i32
        %add3A_535 = arith.constant 15 : i32
        %add3A_536 = arith.addi %mul3A_534, %add3A_535 : i32
        %add3A_537 = arith.constant 1024 : i32
        %add3A_538 = arith.addi %add3A_536, %add3A_537 : i32
        %mul3A_539 = arith.constant 16 : i32
        %mul3A_540 = arith.muli %add3A_536, %mul3A_539 : i32
        %get3A_541 = arith.index_cast %mul3A_540 : i32 to index
        %get3A_542 = tpu.vector_load %arg7[%get3A_541] {strides = array<i32>} : memref<16384xi32, #tpu.memory_space<vmem>>, vector<16xi32>,
        %mul3A_543 = arith.constant 16 : i32
        %mul3A_544 = arith.muli %add3A_538, %mul3A_543 : i32
        %get3A_545 = arith.index_cast %mul3A_544 : i32 to index
        %get3A_546 = tpu.vector_load %arg6[%get3A_545] {strides = array<i32>} : memref<32768xi32, #tpu.memory_space<vmem>>, vector<16xi32>,
        %broadcast_in_dim3A_547 = arith.constant 2047 : i32
        %broadcast_in_dim3A_548 = vector.broadcast %broadcast_in_dim3A_547 : i32 to vector<16xi32>
        %and3A_549 = arith.andi %get3A_542, %broadcast_in_dim3A_548 : vector<16xi32>
        %broadcast_in_dim3A_550 = arith.constant 11 : i32
        %broadcast_in_dim3A_551 = vector.broadcast %broadcast_in_dim3A_550 : i32 to vector<16xi32>
        %shift_right_logical3A_552 = arith.shrui %get3A_542, %broadcast_in_dim3A_551 : vector<16xi32>
        %broadcast_in_dim3A_553 = arith.constant 31 : i32
        %broadcast_in_dim3A_554 = vector.broadcast %broadcast_in_dim3A_553 : i32 to vector<16xi32>
        %and3A_555 = arith.andi %shift_right_logical3A_552, %broadcast_in_dim3A_554 : vector<16xi32>
        %broadcast_in_dim3A_556 = arith.constant 16 : i32
        %broadcast_in_dim3A_557 = vector.broadcast %broadcast_in_dim3A_556 : i32 to vector<16xi32>
        %shift_right_logical3A_558 = arith.shrui %get3A_542, %broadcast_in_dim3A_557 : vector<16xi32>
        %broadcast_in_dim3A_559 = arith.constant 0 : i32
        %broadcast_in_dim3A_560 = vector.broadcast %broadcast_in_dim3A_559 : i32 to vector<16xi32>
        %ne3A_561 = arith.cmpi ne, %shift_right_logical3A_558, %broadcast_in_dim3A_560 : vector<16xi32>
        %gather3A = tpu.vector_load_idx %arg10[%and3A] : memref<2048xi32, #tpu.memory_space<vmem>>[vector<16xi32>], vector<16xi32>,
        %add3A_562 = arith.addi %gather3A, %and3A_121 : vector<16xi32>
        tpu.vector_store_idx %arg10[%and3A], %add3A_562 masked %ne3A : memref<2048xi32, #tpu.memory_space<vmem>>[vector<16xi32>], vector<16xi32>, vector<16xi1>
        tpu.vector_store_idx %arg5[%add3A_562], %get3A_115 : memref<32768xi32, #tpu.memory_space<vmem>>[vector<16xi32>], vector<16xi32>,
        %gather3A_563 = tpu.vector_load_idx %arg10[%and3A_143] : memref<2048xi32, #tpu.memory_space<vmem>>[vector<16xi32>], vector<16xi32>,
        %add3A_564 = arith.addi %gather3A_563, %and3A_149 : vector<16xi32>
        tpu.vector_store_idx %arg10[%and3A_143], %add3A_564 masked %ne3A_155 : memref<2048xi32, #tpu.memory_space<vmem>>[vector<16xi32>], vector<16xi32>, vector<16xi1>
        tpu.vector_store_idx %arg5[%add3A_564], %get3A_140 : memref<32768xi32, #tpu.memory_space<vmem>>[vector<16xi32>], vector<16xi32>,
        %gather3A_565 = tpu.vector_load_idx %arg10[%and3A_172] : memref<2048xi32, #tpu.memory_space<vmem>>[vector<16xi32>], vector<16xi32>,
        %add3A_566 = arith.addi %gather3A_565, %and3A_178 : vector<16xi32>
        tpu.vector_store_idx %arg10[%and3A_172], %add3A_566 masked %ne3A_184 : memref<2048xi32, #tpu.memory_space<vmem>>[vector<16xi32>], vector<16xi32>, vector<16xi1>
        tpu.vector_store_idx %arg5[%add3A_566], %get3A_169 : memref<32768xi32, #tpu.memory_space<vmem>>[vector<16xi32>], vector<16xi32>,
        %gather3A_567 = tpu.vector_load_idx %arg10[%and3A_201] : memref<2048xi32, #tpu.memory_space<vmem>>[vector<16xi32>], vector<16xi32>,
        %add3A_568 = arith.addi %gather3A_567, %and3A_207 : vector<16xi32>
        tpu.vector_store_idx %arg10[%and3A_201], %add3A_568 masked %ne3A_213 : memref<2048xi32, #tpu.memory_space<vmem>>[vector<16xi32>], vector<16xi32>, vector<16xi1>
        tpu.vector_store_idx %arg5[%add3A_568], %get3A_198 : memref<32768xi32, #tpu.memory_space<vmem>>[vector<16xi32>], vector<16xi32>,
        %gather3A_569 = tpu.vector_load_idx %arg10[%and3A_230] : memref<2048xi32, #tpu.memory_space<vmem>>[vector<16xi32>], vector<16xi32>,
        %add3A_570 = arith.addi %gather3A_569, %and3A_236 : vector<16xi32>
        tpu.vector_store_idx %arg10[%and3A_230], %add3A_570 masked %ne3A_242 : memref<2048xi32, #tpu.memory_space<vmem>>[vector<16xi32>], vector<16xi32>, vector<16xi1>
        tpu.vector_store_idx %arg5[%add3A_570], %get3A_227 : memref<32768xi32, #tpu.memory_space<vmem>>[vector<16xi32>], vector<16xi32>,
        %gather3A_571 = tpu.vector_load_idx %arg10[%and3A_259] : memref<2048xi32, #tpu.memory_space<vmem>>[vector<16xi32>], vector<16xi32>,
        %add3A_572 = arith.addi %gather3A_571, %and3A_265 : vector<16xi32>
        tpu.vector_store_idx %arg10[%and3A_259], %add3A_572 masked %ne3A_271 : memref<2048xi32, #tpu.memory_space<vmem>>[vector<16xi32>], vector<16xi32>, vector<16xi1>
        tpu.vector_store_idx %arg5[%add3A_572], %get3A_256 : memref<32768xi32, #tpu.memory_space<vmem>>[vector<16xi32>], vector<16xi32>,
        %gather3A_573 = tpu.vector_load_idx %arg10[%and3A_288] : memref<2048xi32, #tpu.memory_space<vmem>>[vector<16xi32>], vector<16xi32>,
        %add3A_574 = arith.addi %gather3A_573, %and3A_294 : vector<16xi32>
        tpu.vector_store_idx %arg10[%and3A_288], %add3A_574 masked %ne3A_300 : memref<2048xi32, #tpu.memory_space<vmem>>[vector<16xi32>], vector<16xi32>, vector<16xi1>
        tpu.vector_store_idx %arg5[%add3A_574], %get3A_285 : memref<32768xi32, #tpu.memory_space<vmem>>[vector<16xi32>], vector<16xi32>,
        %gather3A_575 = tpu.vector_load_idx %arg10[%and3A_317] : memref<2048xi32, #tpu.memory_space<vmem>>[vector<16xi32>], vector<16xi32>,
        %add3A_576 = arith.addi %gather3A_575, %and3A_323 : vector<16xi32>
        tpu.vector_store_idx %arg10[%and3A_317], %add3A_576 masked %ne3A_329 : memref<2048xi32, #tpu.memory_space<vmem>>[vector<16xi32>], vector<16xi32>, vector<16xi1>
        tpu.vector_store_idx %arg5[%add3A_576], %get3A_314 : memref<32768xi32, #tpu.memory_space<vmem>>[vector<16xi32>], vector<16xi32>,
        %gather3A_577 = tpu.vector_load_idx %arg10[%and3A_346] : memref<2048xi32, #tpu.memory_space<vmem>>[vector<16xi32>], vector<16xi32>,
        %add3A_578 = arith.addi %gather3A_577, %and3A_352 : vector<16xi32>
        tpu.vector_store_idx %arg10[%and3A_346], %add3A_578 masked %ne3A_358 : memref<2048xi32, #tpu.memory_space<vmem>>[vector<16xi32>], vector<16xi32>, vector<16xi1>
        tpu.vector_store_idx %arg5[%add3A_578], %get3A_343 : memref<32768xi32, #tpu.memory_space<vmem>>[vector<16xi32>], vector<16xi32>,
        %gather3A_579 = tpu.vector_load_idx %arg10[%and3A_375] : memref<2048xi32, #tpu.memory_space<vmem>>[vector<16xi32>], vector<16xi32>,
        %add3A_580 = arith.addi %gather3A_579, %and3A_381 : vector<16xi32>
        tpu.vector_store_idx %arg10[%and3A_375], %add3A_580 masked %ne3A_387 : memref<2048xi32, #tpu.memory_space<vmem>>[vector<16xi32>], vector<16xi32>, vector<16xi1>
        tpu.vector_store_idx %arg5[%add3A_580], %get3A_372 : memref<32768xi32, #tpu.memory_space<vmem>>[vector<16xi32>], vector<16xi32>,
        %gather3A_581 = tpu.vector_load_idx %arg10[%and3A_404] : memref<2048xi32, #tpu.memory_space<vmem>>[vector<16xi32>], vector<16xi32>,
        %add3A_582 = arith.addi %gather3A_581, %and3A_410 : vector<16xi32>
        tpu.vector_store_idx %arg10[%and3A_404], %add3A_582 masked %ne3A_416 : memref<2048xi32, #tpu.memory_space<vmem>>[vector<16xi32>], vector<16xi32>, vector<16xi1>
        tpu.vector_store_idx %arg5[%add3A_582], %get3A_401 : memref<32768xi32, #tpu.memory_space<vmem>>[vector<16xi32>], vector<16xi32>,
        %gather3A_583 = tpu.vector_load_idx %arg10[%and3A_433] : memref<2048xi32, #tpu.memory_space<vmem>>[vector<16xi32>], vector<16xi32>,
        %add3A_584 = arith.addi %gather3A_583, %and3A_439 : vector<16xi32>
        tpu.vector_store_idx %arg10[%and3A_433], %add3A_584 masked %ne3A_445 : memref<2048xi32, #tpu.memory_space<vmem>>[vector<16xi32>], vector<16xi32>, vector<16xi1>
        tpu.vector_store_idx %arg5[%add3A_584], %get3A_430 : memref<32768xi32, #tpu.memory_space<vmem>>[vector<16xi32>], vector<16xi32>,
        %gather3A_585 = tpu.vector_load_idx %arg10[%and3A_462] : memref<2048xi32, #tpu.memory_space<vmem>>[vector<16xi32>], vector<16xi32>,
        %add3A_586 = arith.addi %gather3A_585, %and3A_468 : vector<16xi32>
        tpu.vector_store_idx %arg10[%and3A_462], %add3A_586 masked %ne3A_474 : memref<2048xi32, #tpu.memory_space<vmem>>[vector<16xi32>], vector<16xi32>, vector<16xi1>
        tpu.vector_store_idx %arg5[%add3A_586], %get3A_459 : memref<32768xi32, #tpu.memory_space<vmem>>[vector<16xi32>], vector<16xi32>,
        %gather3A_587 = tpu.vector_load_idx %arg10[%and3A_491] : memref<2048xi32, #tpu.memory_space<vmem>>[vector<16xi32>], vector<16xi32>,
        %add3A_588 = arith.addi %gather3A_587, %and3A_497 : vector<16xi32>
        tpu.vector_store_idx %arg10[%and3A_491], %add3A_588 masked %ne3A_503 : memref<2048xi32, #tpu.memory_space<vmem>>[vector<16xi32>], vector<16xi32>, vector<16xi1>
        tpu.vector_store_idx %arg5[%add3A_588], %get3A_488 : memref<32768xi32, #tpu.memory_space<vmem>>[vector<16xi32>], vector<16xi32>,
        %gather3A_589 = tpu.vector_load_idx %arg10[%and3A_520] : memref<2048xi32, #tpu.memory_space<vmem>>[vector<16xi32>], vector<16xi32>,
        %add3A_590 = arith.addi %gather3A_589, %and3A_526 : vector<16xi32>
        tpu.vector_store_idx %arg10[%and3A_520], %add3A_590 masked %ne3A_532 : memref<2048xi32, #tpu.memory_space<vmem>>[vector<16xi32>], vector<16xi32>, vector<16xi1>
        tpu.vector_store_idx %arg5[%add3A_590], %get3A_517 : memref<32768xi32, #tpu.memory_space<vmem>>[vector<16xi32>], vector<16xi32>,
        %gather3A_591 = tpu.vector_load_idx %arg10[%and3A_549] : memref<2048xi32, #tpu.memory_space<vmem>>[vector<16xi32>], vector<16xi32>,
        %add3A_592 = arith.addi %gather3A_591, %and3A_555 : vector<16xi32>
        tpu.vector_store_idx %arg10[%and3A_549], %add3A_592 masked %ne3A_561 : memref<2048xi32, #tpu.memory_space<vmem>>[vector<16xi32>], vector<16xi32>, vector<16xi1>
        tpu.vector_store_idx %arg5[%add3A_592], %get3A_546 : memref<32768xi32, #tpu.memory_space<vmem>>[vector<16xi32>], vector<16xi32>,
        %scan3A_593 = arith.constant 0 : i32
        scf.yield %scan3A_593 : i32
      }
      %scan3A_99 = arith.constant 64 : i32
      "tpu.region"() ({
        %run_scoped3A = tpu.sem_alloc : memref<!tpu.dma_semaphore, #tpu.memory_space<semaphore_mem>>
        %dma_start3A = arith.constant 0 : i32
        %dma_start3A_101 = tpu.memref_slice %arg3[%add3A_11, %dma_start3A] : memref<128x32768xi32, #tpu.memory_space<hbm>> -> memref<1x32768xi32, #tpu.memory_space<hbm>>
        %dma_start3A_102 = tpu.memref_squeeze %dma_start3A_101 : memref<1x32768xi32, #tpu.memory_space<hbm>> -> memref<32768xi32, #tpu.memory_space<hbm>>
        %dma_start3A_103 = arith.constant 0 : i32
        %dma_start3A_104 = tpu.memref_slice %arg3[%add3A_11, %dma_start3A_103] : memref<128x32768xi32, #tpu.memory_space<hbm>> -> memref<1x32768xi32, #tpu.memory_space<hbm>>
        %dma_start3A_105 = tpu.memref_squeeze %dma_start3A_104 : memref<1x32768xi32, #tpu.memory_space<hbm>> -> memref<32768xi32, #tpu.memory_space<hbm>>
        tpu.enqueue_dma source(%arg5 : memref<32768xi32, #tpu.memory_space<vmem>>) target(%dma_start3A_105 : memref<32768xi32, #tpu.memory_space<hbm>>) target_semaphore(%run_scoped3A : memref<!tpu.dma_semaphore, #tpu.memory_space<semaphore_mem>>)
        %dma_wait3A = arith.constant 0 : i32
        %dma_wait3A_106 = tpu.memref_slice %arg3[%add3A_11, %dma_wait3A] : memref<128x32768xi32, #tpu.memory_space<hbm>> -> memref<1x32768xi32, #tpu.memory_space<hbm>>
        %dma_wait3A_107 = tpu.memref_squeeze %dma_wait3A_106 : memref<1x32768xi32, #tpu.memory_space<hbm>> -> memref<32768xi32, #tpu.memory_space<hbm>>
        %dma_wait3A_108 = arith.constant 0 : i32
        %dma_wait3A_109 = tpu.memref_slice %arg3[%add3A_11, %dma_wait3A_108] : memref<128x32768xi32, #tpu.memory_space<hbm>> -> memref<1x32768xi32, #tpu.memory_space<hbm>>
        %dma_wait3A_110 = tpu.memref_squeeze %dma_wait3A_109 : memref<1x32768xi32, #tpu.memory_space<hbm>> -> memref<32768xi32, #tpu.memory_space<hbm>>
        tpu.wait_dma2 semaphore(%run_scoped3A : memref<!tpu.dma_semaphore, #tpu.memory_space<semaphore_mem>>) src(%arg5 : memref<32768xi32, #tpu.memory_space<vmem>>) dst(%dma_wait3A_110 : memref<32768xi32, #tpu.memory_space<hbm>>)
        tpu.yield
      }) : () -> ()
      %scan3A_100 = arith.constant 0 : i32
      scf.yield %scan3A_100 : i32
    }
    %scan3A_6 = arith.constant 4 : i32
    return
  }
}

</mosaic_0001>

<sc_bundles>
// kernel: _argsort_rows.3.cloned.1.call-start
scs
__scs_entry_jumppad:
0x0: {  	(pc) =	sbr.rel $0x88, $3  }
0x1: {  	(tag) =	ssettag $0x0;
	lr =	simm.s32 $0x1  }
0x2: {  	[smem:$0x3FA0] =	sst lr;
	_ =	strace $0xD0000000  }
0x3: {  	_ = 	snop  }
0x4: {  	_ = 	snop  }
0x5: {  	_ = 	snop  }
0x6: {  	_ = 	snop  }
0x7: {  	_ = 	snop  }
__scs_overlays_trampoline_lowered:
0x8: {  	[smem:$0x3FAF] =	sst s0  }
0x9: {  	[smem:$0x3FB0] =	sst s1  }
0xa: {  	[smem:$0x3FB1] =	sst s2  }
0xb: {  	[smem:$0x3FB2] =	sst s3  }
0xc: {  	[smem:$0x3FB3] =	sst s4  }
0xd: {  	[smem:$0x3FB4] =	sst s5  }
0xe: {  	[smem:$0x3FB5] =	sst s6  }
0xf: {  	[smem:$0x3FB6] =	sst s7  }
0x10: {  	[smem:$0x3FB7] =	sst s8  }
0x11: {  	[smem:$0x3FB8] =	sst s9;
	s0 =	simm.s32 @!p0 $0x0  }
0x12: {  	s1 =	sld [smem:$0x3F9E];
	s0 =	simm.s32 @p0 $0x1  }
0x13: {  	[smem:$0x3FB9] =	sst s0;
	s0 =	simm.s32 @!p1 $0x0  }
0x14: {  	s2 =	sld [smem:$0x3F9D];
	s0 =	simm.s32 @p1 $0x1  }
0x15: {  	[smem:$0x3FBA] =	sst s0;
	s0 =	simm.s32 @!p2 $0x0  }
0x16: {  	s3 =	sld [smem:$0x3FDB];
	s0 =	simm.s32 @p2 $0x1  }
0x17: {  	s4 =	simm.s32 $0x1BF5;
	[smem:$0x3FBC] =	sst s0  }
0x18: {  	s0 =	sld [smem:$0x3F9F];
	_ =	swait.ge [sflag:s4], $0x0  }
0x19: {  	s7 =	sld [smem:$0x3FA0]  }
0x1a: {  	s8 =	sadd.s32 $0xFFFFE003, lr  }
0x1b: {  	s9 =	sadd.s32 $0xFFFFFEF7, lr;
	s5 =	simm.s32 $0xFFFFFFFF;
	p2 =	slt.u32 s8, $0xFFFFF086  }
0x1c: {  	p1 =	slt.u32 s9, $0xF7A;
	s5 =	simm.s32 @!p2 $0x0  }
0x1d: {  	s5 =	simm.s32 @p1 $0x1;
	p0 =	seq.s32 s7, s2  }
0x1e: {  	s7 =	smul.u32 @!p0 $0xF7A, s2;
	p2 =	seq.s32 @!p0 s5, $0x0  }
0x1f: {  	s9 =	smul.u32 $0xF7A, s1;
	s8 =	simm.s32 @!p0 $0x1BF5;
	p2 =	por !p2, p0  }
0x20: {  	[sflag:s8] =	ssyncset.s32 @!p0 $0xFFFFF086;
	s6 =	sadd.s32 @!p0 s3, s7;
	s7 =	simm.s32 @!p0 $0x108  }
0x21: {  	s3 =	sadd.s32 s3, s9;
	s6 =	sadd.s32 @!p0 $0x88, s6;
	s7 =	simm.s32 @p2 $0x1082  }
0x22: {  	[simem:s7], [sflag:s8] =	dma.local @!p0 [hbm:s6], $0xF7A  }
0x23: {  	s9 =	sor.u32 $0xD0000000, s2;
	s6 =	simm.s32 $0x108;
	_ =	swait.ge @!p0 [sflag:s8], $0x0  }
0x24: {  	s3 =	sadd.s32 $0x88, s3;
	s6 =	simm.s32 @!p1 $0x1082;
	[sflag:s4] =	ssyncset.s32 $0xFFFFF086  }
0x25: {  	[simem:s6], [sflag:s4] =	dma.local [hbm:s3], $0xF7A  }
0x26: {  	[smem:$0x3FA0] =	sst s1;
	(tag) =	ssettag s2;
	_ =	strace s9  }
0x27: {  	s1 =	sld [smem:$0x3FB0]  }
0x28: {  	s2 =	sld [smem:$0x3FB1]  }
0x29: {  	s4 =	sld [smem:$0x3FB3]  }
0x2a: {  	p0 =	seq.s32 s5, $0x0;
	s5 =	sld [smem:$0x3FB4]  }
0x2b: {  	s6 =	sld [smem:$0x3FB5]  }
0x2c: {  	s7 =	sld [smem:$0x3FB6]  }
0x2d: {  	s3 =	simm.s32 $0x108;
	s8 =	sld [smem:$0x3FB7]  }
0x2e: {  	s3 =	simm.s32 @!p0 $0x1082;
	s9 =	sld [smem:$0x3FB8]  }
0x2f: {  	lr =	sadd.s32 s0, s3;
	s0 =	sld [smem:$0x3FAF]  }
0x30: {  	s3 =	sld [smem:$0x3FB2]  }
0x31: {  	[smem:$0x3FBB] =	sst s10  }
0x32: {  	s10 =	sld [smem:$0x3FB9];
	_ =	sdelay $0x3  }
0x33: {  	p0 =	seq.s32 s10, $0x1;
	s10 =	sld [smem:$0x3FBB];
	_ =	sdelay $0x3  }
0x34: {  	[smem:$0x3FBB] =	sst s10  }
0x35: {  	s10 =	sld [smem:$0x3FBA];
	_ =	sdelay $0x3  }
0x36: {  	p1 =	seq.s32 s10, $0x1;
	s10 =	sld [smem:$0x3FBB];
	_ =	sdelay $0x3  }
0x37: {  	[smem:$0x3FBB] =	sst s10  }
0x38: {  	s10 =	sld [smem:$0x3FBC]  }
0x39: {  	_ = 	snop;
	(pc) =	sbr.ind lr, $3  }
0x3a: {  	_ = 	snop  }
0x3b: {  	_ = 	snop  }
0x3c: {  	p2 =	seq.s32 s10, $0x1;
	s10 =	sld [smem:$0x3FBB]  }
0x3d: {  	_ =	shalt  }
0x3e: {  	_ =	shalt  }
0x3f: {  	_ =	shalt  }
0x40: {  	_ =	shalt  }
0x41: {  	_ =	shalt  }
0x42: {  	_ =	shalt  }
0x43: {  	_ =	shalt  }
0x44: {  	_ =	shalt  }
0x45: {  	_ =	shalt  }
0x46: {  	_ =	shalt  }
0x47: {  	_ =	shalt  }
0x48: {  	_ =	shalt  }
0x49: {  	_ =	shalt  }
0x4a: {  	_ =	shalt  }
0x4b: {  	_ =	shalt  }
0x4c: {  	_ =	shalt  }
0x4d: {  	_ =	shalt  }
0x4e: {  	_ =	shalt  }
0x4f: {  	_ =	shalt  }
0x50: {  	_ =	shalt  }
0x51: {  	_ =	shalt  }
0x52: {  	_ =	shalt  }
0x53: {  	_ =	shalt  }
0x54: {  	_ =	shalt  }
0x55: {  	_ =	shalt  }
0x56: {  	_ =	shalt  }
0x57: {  	_ =	shalt  }
0x58: {  	_ =	shalt  }
0x59: {  	_ =	shalt  }
0x5a: {  	_ =	shalt  }
0x5b: {  	_ =	shalt  }
0x5c: {  	_ =	shalt  }
0x5d: {  	_ =	shalt  }
0x5e: {  	_ =	shalt  }
0x5f: {  	_ =	shalt  }
0x60: {  	_ =	shalt  }
0x61: {  	_ =	shalt  }
0x62: {  	_ =	shalt  }
0x63: {  	_ =	shalt  }
0x64: {  	_ =	shalt  }
0x65: {  	_ =	shalt  }
0x66: {  	_ =	shalt  }
0x67: {  	_ =	shalt  }
0x68: {  	_ =	shalt  }
0x69: {  	_ =	shalt  }
0x6a: {  	_ =	shalt  }
0x6b: {  	_ =	shalt  }
0x6c: {  	_ =	shalt  }
0x6d: {  	_ =	shalt  }
0x6e: {  	_ =	shalt  }
0x6f: {  	_ =	shalt  }
0x70: {  	_ =	shalt  }
0x71: {  	_ =	shalt  }
0x72: {  	_ =	shalt  }
0x73: {  	_ =	shalt  }
0x74: {  	_ =	shalt  }
0x75: {  	_ =	shalt  }
0x76: {  	_ =	shalt  }
0x77: {  	_ =	shalt  }
0x78: {  	_ =	shalt  }
0x79: {  	_ =	shalt  }
0x7a: {  	_ =	shalt  }
0x7b: {  	_ =	shalt  }
0x7c: {  	_ =	shalt  }
0x7d: {  	_ =	shalt  }
0x7e: {  	_ =	shalt  }
0x7f: {  	_ =	shalt  }
0x80: {  	_ =	shalt  }
0x81: {  	_ =	shalt  }
0x82: {  	_ =	shalt  }
0x83: {  	_ =	shalt  }
0x84: {  	_ =	shalt  }
0x85: {  	_ =	shalt  }
0x86: {  	_ =	shalt  }
0x87: {  	_ =	shalt  }
.Lfunc_end0:
.L_simem_size_0:
called_computation_lowered:
.L_overlay_start_0:
0x88: {  	s2 =	sld [smem:$0x3FD9]  }
0x89: {  	s3 =	sld [smem:$0x3FFE];
	_ =	sdelay $0x1  }
0x8a: {  	s1 =	srdreg.scid  }
0x8b: {  	s0 =	sand.u32 $0x1, s1  }
0x8c: {  	s18 =	sshll.u32 s0, $0xA;
	s2 =	sadd.s32 s3, s2  }
0x8d: {  	s2 =	sadd.s32 s2, s18  }
0x8e: {  	[smem:$0x3FC7] =	sst s2  }
0x8f: {  	_ = 	snop  }
0x90: {  	s2 =	sld [smem:$0x3FC9]  }
0x91: {  	s19 =	sld [smem:$0x3FD0];
	(tm) =	ssettm $0x1  }
0x92: {  	s4 =	sld [smem:$0x3FFB];
	_ =	sdelay $0x3  }
0x93: {  	_ =	strace s4  }
0x94: {  	s4 =	sld [smem:$0x3FFC];
	_ =	sdelay $0x3  }
0x95: {  	_ =	strace s4  }
0x96: {  	s4 =	sld [smem:$0x3FFD];
	_ =	sdelay $0x3  }
0x97: {  	_ =	strace s4  }
0x98: {  	_ =	strace $0x8FFFFFFF  }
0x99: {  	s20 =	sld [smem:$0x3FDB];
	_ =	sdelay $0x1  }
0x9a: {  	s5 =	simm.s32 $_scs_section_size  }
0x9b: {  	s6 =	simm.s32 $_size__tile_overlayer_lowered;
	s7 =	simm.s32 $_tile_overlayer_lowered  }
0x9c: {  	s23 =	simm.s32 $0x1BFF;
	s22 =	sshll.u32 s7, $0x1;
	s4 =	sadd.s32 s5, s20  }
0x9d: {  	s8 =	simm.s32 $0x0;
	s21 =	sshll.u32 s6, $0x1;
	s6 =	sadd.s32 s22, s4  }
0x9e: {  	[timem:s8], [sflag:s23] =	dma.local [hbm:s6], s21  }
0x9f: {  	_ =	swait.ge [sflag:s23], s21  }
0xa0: {  	s5 =	ssub.s32 $0x0, s21;
	[sflag:s23] =	ssyncset.done $0x0  }
0xa1: {  	[sflag:s23] =	ssyncadd.s32 s5;
	_ =	sdelay $0x1  }
0xa2: {  	s24 =	simm.s32 $0x1B8B  }
0xa3: {  	_ =	swait.ge [sflag:s24], $0x1  }
0xa4: {  	[sflag:s24] =	ssyncset.done $0x0  }
0xa5: {  	s25 =	simm.s32 $0x1B8E;
	[sflag:s24] =	ssyncadd.s32 $0xFFFFFFFF  }
0xa6: {  	s26 =	simm.s32 $execute0_lowered;
	[smem:$0x3FD2] =	sst s25  }
0xa7: {  	s5 =	sshll.u32 s26, $0x1;
	_ =	strace $0x80000046;
	[dreg:$0x1] =	wrdreg $0xFFFFFFFF  }
0xa8: {  	s28 =	simm.s32 $_size_execute0_lowered;
	s4 =	sadd.s32 s4, s5;
	[dreg:$0x0] =	wrdreg $0x0  }
0xa9: {  	s5 =	sshll.u32 s28, $0x1;
	[dreg:$0x2] =	wrdreg s4  }
0xaa: {  	[dreg:$0x3] =	wrdreg s5  }
0xab: {  	[dreg:$0x4] =	wrdreg $0xC0  }
0xac: {  	_ =	task [dreg:s8], $0x5FFFF  }
0xad: {  	[dreg:$0x1] =	wrdreg $0xFFFFFFFF  }
0xae: {  	[dreg:$0x0] =	wrdreg $0x60  }
0xaf: {  	[dreg:$0x2] =	wrdreg s2  }
0xb0: {  	[dreg:$0x3] =	wrdreg s19  }
0xb1: {  	[dreg:$0x4] =	wrdreg $0x9  }
0xb2: {  	_ =	task.clear_ibuf [dreg:s8], $0x5FFFF;
	_ =	strace $0x90000046  }
0xb3: {  	s29 =	simm.s32 $0x9;
	_ =	strace $0x80000048  }
0xb4: {  	_ =	swait.ge [sflag:s29], $0x1  }
0xb5: {  	[sflag:s29] =	ssyncadd.s32 $0xFFFFFFFF  }
0xb6: {  	_ =	strace $0x90000048  }
0xb7: {  	_ =	sfence  }
0xb8: {  	s30 =	sld [smem:$0x0];
	_ =	sdelay $0x2  }
0xb9: {  	s31 =	sshll.u32 s1, $0xD;
	s1 =	sshrl.u32 s1, $0x2  }
0xba: {  	s3 =	sand.u32 $0x4000, s31;
	s1 =	sadd.s32 s1, s30  }
0xbb: {  	s0 =	sor.u32 s3, s0;
	s1 =	sshll.u32 s1, $0x11  }
0xbc: {  	s0 =	sor.u32 s1, s0  }
0xbd: {  	s0 =	sadd.s32 $0x8F2B, s0  }
0xbe: {  	[sflag:s0] =	ssyncadd.remote.s32 $0x1  }
0xbf: {  	_ =	sfence.sel $0xFFFF  }
0xc0: {  	[dreg:$0x0] =	wrdreg $0xFFFFFFFF;
	(pc) =	sbr.abs _section_cstart, $3  }
0xc1: {  	[dreg:$0x1] =	wrdreg $0xFFFFFFFF  }
0xc2: {  	_ =	task.clear_ibuf [dreg:s8], $0x2FFFF;
	_ =	strace $0x9FFFFFFF  }
0xc3: {  	(tm) =	ssettm $0x7FFFFFFF  }
tec
execute0_lowered:
.L_overlay_start_1:
0x0: {  	(tag) =	ssettag $0x1  }
0x1: {  	s1 =	rddreg [dreg:$0x0];
	s0 =	srdreg.scid  }
0x2: {  	s2 =	rddreg [dreg:$0x1];
	s4 =	simm.s32 $0x0;
	s3 =	stileid.u32  }
0x3: {  	s8 =	simm.s32 $0x400;
	s9 =	simm.s32 $0x1;
	s10 =	simm.s32 $0x1C000  }
0x4: {  	s11 =	simm.s32 $0x1C800;
	s12 =	simm.s32 $0x1D000;
	s13 =	simm.s32 $0x8000  }
.Ltmp0:
0x5: {  	s14 =	simm.s32 $0x10000;
	s5 =	sand.u32 $0x1, s0;
	(pc) =	sbr.rel .LBB2_1-.Ltmp0, $4  }
0x6: {  	s15 =	simm.s32 $0x0;
	s0 =	rddreg [dreg:$0x2];
	s6 =	ssub.s32 $0x2, s5  }
0x7: {  	[smem:$0x7FF] =	sst s4;
	s31 =	sshll.u32 s3, $0xF;
	s7 =	sshrl.u32 s6, $0x1  }
0x8: {  	s5 =	sshll.u32 s5, $0x6;
	_ =	strace $0x80000047;
	s6 =	ssub.s32 s6, s7  }
0x9: {  	v0 =	vimm.s32 $0x0;
	v1 =	vlaneseq.u32;
	s5 =	sor.u32 s31, s5;
	s7 =	simm.s32 $0x80;
	s6 =	smax.u32 s6, $0x1  }
.LBB2_45:
0xa: {  	s15 =	sadd.s32 $0x1, s15  }
0xb: {  	p0 =	sne.s32 s15, s6  }
.Ltmp1:
0xc: {  	_ = 	snop;
	(pc) =	sbr.rel @!p0 .LBB2_46-.Ltmp1, $1  }
0xd: {  	_ =	sdelay $0x3  }
.LBB2_1:
0xe: {  	s16 =	simm.s32 $0x0  }
.LBB2_2:
0xf: {  	s17 =	sshll.u32 s16, $0x4  }
0x10: {  	s17 =	sadd.s32 s5, s17  }
0x11: {  	s18 =	sadd.s32 s1, s17  }
0x12: {  	[tilespmem:s4], [sflag:$0x1] =	stream.strided.gather [hbm4b:s18+s7], $0x8000, s8, s7, $0x38;
	[tilespmem:$0x1D800] =	vst v63  }
0x13: {  	_ =	swait.ge [sflag:s9], $0x8000  }
0x14: {  	[sflag:s9] =	ssyncset.done $0x0  }
0x15: {  	s20 =	simm.s32 $0x1C020;
	[sflag:s9] =	ssyncadd.s32 $0xFFFF8000  }
0x16: {  	[tilespmem:s20+$0xFFFFFFF0] =	vst v0  }
0x17: {  	[tilespmem:s20+$0x0] =	vst v0  }
0x18: {  	[tilespmem:s20+$0x10] =	vst v0  }
0x19: {  	s18 =	simm.s32 $0x1C820;
	[tilespmem:s20+$0xFFFFFFE0] =	vst v0  }
0x1a: {  	[tilespmem:s18+$0xFFFFFFF0] =	vst v0  }
0x1b: {  	[tilespmem:s18+$0x0] =	vst v0  }
0x1c: {  	[tilespmem:s18+$0x10] =	vst v0  }
0x1d: {  	s19 =	simm.s32 $0x1D020;
	[tilespmem:s18+$0xFFFFFFE0] =	vst v0  }
0x1e: {  	[tilespmem:s19+$0xFFFFFFF0] =	vst v0  }
0x1f: {  	[tilespmem:s19+$0x0] =	vst v0  }
0x20: {  	[tilespmem:s19+$0x10] =	vst v0  }
0x21: {  	s21 =	simm.s32 $0x0;
	s22 =	simm.s32 $0x1C060;
	s20 =	simm.s32 $0x20;
	[tilespmem:s19+$0xFFFFFFE0] =	vst v0  }
.LBB2_3:
0x22: {  	[tilespmem:s22+$0xFFFFFFF0] =	vst v0;
	s18 =	sadd.s32 $0x40, s18  }
0x23: {  	s19 =	sadd.s32 $0x40, s19;
	[tilespmem:s18+$0xFFFFFFF0] =	vst v0  }
0x24: {  	[tilespmem:s19+$0xFFFFFFF0] =	vst v0  }
0x25: {  	[tilespmem:s22+$0x0] =	vst v0  }
0x26: {  	[tilespmem:s18+$0x0] =	vst v0  }
0x27: {  	s21 =	sadd.s32 $0x4, s21;
	[tilespmem:s19+$0x0] =	vst v0  }
0x28: {  	p0 =	slt.u32 s21, $0x7C;
	[tilespmem:s22+$0x10] =	vst v0  }
.Ltmp2:
0x29: {  	[tilespmem:s18+$0x10] =	vst v0;
	(pc) =	sbr.rel @p0 .LBB2_3-.Ltmp2, $4  }
0x2a: {  	[tilespmem:s19+$0x10] =	vst v0  }
0x2b: {  	[tilespmem:s22+$0xFFFFFFE0] =	vst v0  }
0x2c: {  	[tilespmem:s18+$0xFFFFFFE0] =	vst v0  }
0x2d: {  	s22 =	sadd.s32 $0x40, s22;
	[tilespmem:s19+$0xFFFFFFE0] =	vst v0  }
0x2e: {  	v2 =	vld [tilespmem:s20+$0x0]  }
0x2f: {  	v3 =	vld [tilespmem:s20+$0xFFFFFFE0];
	_ =	sdelay $0x3  }
0x30: {  	v4 =	vshra.s32 v2, $0x1F  }
0x31: {  	v5 =	vshra.s32 v3, $0x1F;
	v4 =	vor.u32 $0x80000000, v4  }
0x32: {  	v4 =	vxor.u32 v2, v4;
	v2 =	vor.u32 $0x80000000, v5  }
0x33: {  	v13 =	vand.u32 $0x7FF, v4;
	v15 =	vxor.u32 v3, v2  }
0x34: {  	(xrf1) =	vunique.msk.u32 $0xffff, v13;
	v18 =	vshrl.u32 v15, $0x16  }
0x35: {  	v17 =	vand.u32 $0x7FF, v15;
	v2 =	vshrl.u32 v15, $0xB;
	(xrf1) =	vunique.msk.u32 $0xffff, v18  }
0x36: {  	v3 =	vshrl.u32 v4, $0xB;
	v19 =	vand.u32 $0x7FF, v2;
	(xrf1) =	vunique.msk.u32 $0xffff, v17  }
0x37: {  	s18 =	simm.s32 $0x60;
	v21 =	vand.u32 $0x7FF, v3;
	v3 =	vld [tilespmem:s20+$0xFFFFFFF0];
	(xrf1) =	vunique.msk.u32 $0xffff, v19  }
0x38: {  	v2 =	vld [tilespmem:s18+$0x0];
	_ =	sdelay $0x1  }
0x39: {  	v23 =	vshrl.u32 v4, $0x16;
	(xrf1) =	vunique.msk.u32 $0xffff, v21  }
0x3a: {  	v5 =	vld [tilespmem:s20+$0x10];
	(xrf1) =	vunique.msk.u32 $0xffff, v23;
	_ =	sdelay $0x1  }
0x3b: {  	v7 =	vshra.s32 v3, $0x1F;
	v6 =	vshra.s32 v2, $0x1F  }
0x3c: {  	v8 =	vld [tilespmem:s18+$0xFFFFFFE0];
	v7 =	vor.u32 $0x80000000, v7;
	v6 =	vor.u32 $0x80000000, v6  }
0x3d: {  	v9 =	vxor.u32 v3, v7;
	v6 =	vxor.u32 v2, v6  }
0x3e: {  	v22 =	vld [tilespmem:s18+$0x10];
	v7 =	vshra.s32 v5, $0x1F;
	v3 =	vshrl.u32 v9, $0xB;
	v2 =	vand.u32 $0x7FF, v6  }
0x3f: {  	v16 =	vld [tilespmem:s18+$0xFFFFFFF0];
	v14 =	vand.u32 $0x7FF, v9;
	v10 =	vand.u32 $0x7FF, v3;
	v3 =	vor.u32 $0x80000000, v7;
	(xrf1) =	vunique.msk.u32 $0xffff, v2  }
0x40: {  	[tilespmem:s20+$0x0] =	vst v4;
	v26 =	vxor.u32 v5, v3;
	(xrf1) =	vunique.msk.u32 $0xffff, v14;
	_, v24, vm1 =	vpop (xrf1)  }
0x41: {  	v5 =	vshra.s32 v8, $0x1F;
	v11 =	vand.u32 $0x7FF, v26;
	v12 =	vshrl.u32 v26, $0xB;
	(xrf1) =	vunique.msk.u32 $0xffff, v10;
	_, v25, vm0 =	vpop (xrf1)  }
0x42: {  	s19 =	simm.s32 $0xA0;
	[tilespmem:s20+$0xFFFFFFE0] =	vst v15;
	v5 =	vor.u32 $0x80000000, v5;
	v12 =	vand.u32 $0x7FF, v12;
	(xrf1) =	vunique.msk.u32 $0xffff, v11;
	_, v27, vm2 =	vpop (xrf1)  }
0x43: {  	v28 =	vld [tilespmem:s19+$0xFFFFFFE0];
	v7 =	vshra.s32 v22, $0x1F;
	v20 =	vxor.u32 v8, v5;
	v8 =	vshrl.u32 v9, $0x16;
	(xrf1) =	vunique.msk.u32 $0xffff, v12;
	_, v29, vm3 =	vpop (xrf1)  }
0x44: {  	v31 =	vld [tilespmem:s19+$0x0];
	v3 =	vshra.s32 v16, $0x1F;
	v30 =	vor.u32 $0x80000000, v7;
	v7 =	vshrl.u32 v26, $0x16;
	(xrf1) =	vunique.msk.u32 $0xffff, v8  }
0x45: {  	v63 =	vld [tilespmem:s19+$0x10];
	v3 =	vor.u32 $0x80000000, v3;
	v4 =	vxor.u32 v22, v30;
	v5 =	vshrl.u32 v20, $0x16;
	(xrf1) =	vunique.msk.u32 $0xffff, v7  }
0x46: {  	v15 =	vshrl.u32 v20, $0xB;
	_, v32, vm4 =	vpop (xrf1);
	(xrf1) =	vunique.msk.u32 $0xffff, v5;
	[tilespmem:v13+s10+$0x0] =	vst.idx.add.s32.msk vm1, v24;
	v13 =	vand.u32 $0x7FF, v20  }
0x47: {  	v33 =	vld [tilespmem:s19+$0xFFFFFFF0];
	v22 =	vshrl.u32 v6, $0xB;
	v3 =	vxor.u32 v16, v3;
	v16 =	vand.u32 $0x7FF, v15;
	_, v24, vm1 =	vpop (xrf1);
	(xrf1) =	vunique.msk.u32 $0xffff, v13  }
0x48: {  	[tilespmem:v17+s10+$0x0] =	vst.idx.add.s32.msk vm2, v27;
	v17 =	vand.u32 $0x7FF, v22;
	(xrf1) =	vunique.msk.u32 $0xffff, v16  }
0x49: {  	[tilespmem:v19+s11+$0x0] =	vst.idx.add.s32.msk vm3, v29;
	(xrf1) =	vunique.msk.u32 $0xffff, v17  }
0x4a: {  	v15 =	vshrl.u32 v6, $0x16;
	v22 =	vshra.s32 v31, $0x1F;
	[tilespmem:v18+s12+$0x0] =	vst.idx.add.s32.msk vm0, v25;
	v25 =	vshra.s32 v63, $0x1F  }
0x4b: {  	v19 =	vor.u32 $0x80000000, v22;
	(xrf1) =	vunique.msk.u32 $0xffff, v15  }
0x4c: {  	v22 =	vxor.u32 v31, v19;
	v19 =	vshra.s32 v28, $0x1F  }
0x4d: {  	v27 =	vshra.s32 v33, $0x1F;
	[tilespmem:v21+s11+$0x0] =	vst.idx.add.s32.msk vm4, v32;
	_, v21, vm0 =	vpop (xrf1);
	v18 =	vand.u32 $0x7FF, v22;
	v19 =	vor.u32 $0x80000000, v19  }
0x4e: {  	[tilespmem:v23+s12+$0x0] =	vst.idx.add.s32.msk vm1, v24;
	v24 =	vor.u32 $0x80000000, v27;
	v27 =	vor.u32 $0x80000000, v25;
	(xrf1) =	vunique.msk.u32 $0xffff, v18;
	_, v25, vm1 =	vpop (xrf1)  }
0x4f: {  	s21 =	simm.s32 $0x8;
	s22 =	simm.s32 $0xE0;
	[tilespmem:s20+$0x10] =	vst v26;
	v23 =	vxor.u32 v28, v19;
	v24 =	vxor.u32 v33, v24;
	v19 =	vxor.u32 v63, v27;
	_, v26, vm2 =	vpop (xrf1)  }
.LBB2_5:
0x50: {  	v27 =	vld [tilespmem:s22+$0xFFFFFFE0];
	s21 =	sadd.s32 $0x4, s21;
	v28 =	vshrl.u32 v22, $0xB;
	[tilespmem:s20+$0xFFFFFFF0] =	vst v9;
	_, v29, vm4 =	vpop (xrf1);
	v9 =	vmov v3;
	v3 =	vmov v24  }
0x51: {  	s20 =	smov.u32 s18;
	v30 =	vld [tilespmem:s22+$0x10];
	p0 =	slt.u32 s21, $0x7FC;
	v24 =	vand.u32 $0x7FF, v9;
	v31 =	vshrl.u32 v9, $0xB;
	[tilespmem:s18+$0x0] =	vst v6;
	_, v32, vm5 =	vpop (xrf1);
	v6 =	vmov v22;
	s18 =	smov.u32 s19  }
0x52: {  	v22 =	vand.u32 $0x7FF, v28;
	s19 =	smov.u32 s22;
	v33 =	vld [tilespmem:s22+$0xFFFFFFF0];
	v28 =	vand.u32 $0x7FF, v31;
	v31 =	vand.u32 $0x7FF, v4;
	(xrf1) =	vunique.msk.u32 $0xffff, v24;
	_, v34, vm7 =	vpop (xrf1)  }
0x53: {  	v36 =	vshrl.u32 v4, $0xB;
	v35 =	vld [tilespmem:s22+$0x0];
	[tilespmem:s20+$0xFFFFFFE0] =	vst v20;
	(xrf1) =	vunique.msk.u32 $0xffff, v28;
	_, v37, vm6 =	vpop (xrf1);
	v20 =	vmov v23  }
0x54: {  	v36 =	vand.u32 $0x7FF, v36;
	v23 =	vshrl.u32 v9, $0x16;
	_, v38, vm3 =	vpop (xrf1);
	(xrf1) =	vunique.msk.u32 $0xffff, v31;
	[tilespmem:v14+s10+$0x0] =	vst.idx.add.s32.msk vm1, v25  }
0x55: {  	v25 =	vand.u32 $0x7FF, v20;
	v43 =	vshrl.u32 v20, $0xB;
	_, v39, vm1 =	vpop (xrf1);
	(xrf1) =	vunique.msk.u32 $0xffff, v36;
	[tilespmem:v10+s11+$0x0] =	vst.idx.add.s32.msk vm2, v26  }
0x56: {  	v40 =	vshrl.u32 v4, $0x16;
	v26 =	vand.u32 $0x7FF, v43;
	_, v41, vm2 =	vpop (xrf1);
	(xrf1) =	vunique.msk.u32 $0xffff, v23;
	[tilespmem:v11+s10+$0x0] =	vst.idx.add.s32.msk vm4, v29  }
0x57: {  	v14 =	vmov v24;
	v29 =	vshrl.u32 v20, $0x16;
	_, v42, vm4 =	vpop (xrf1);
	(xrf1) =	vunique.msk.u32 $0xffff, v40;
	[tilespmem:v12+s11+$0x0] =	vst.idx.add.s32.msk vm5, v32  }
0x58: {  	v10 =	vmovc v28;
	v11 =	vmov v31;
	(xrf1) =	vunique.msk.u32 $0xffff, v29;
	[tilespmem:v8+s12+$0x0] =	vst.idx.add.s32.msk vm7, v34;
	v8 =	vmov v23  }
0x59: {  	v12 =	vmov v36;
	(xrf1) =	vunique.msk.u32 $0xffff, v25;
	[tilespmem:v2+s10+$0x0] =	vst.idx.add.s32.msk vm0, v21;
	_, v23, vm5 =	vpop (xrf1);
	v2 =	vmov v18  }
0x5a: {  	v28 =	vmovc v4;
	v4 =	vmov v19;
	(xrf1) =	vunique.msk.u32 $0xffff, v26;
	[tilespmem:v7+s12+$0x0] =	vst.idx.add.s32.msk vm6, v37;
	v7 =	vmov v40  }
0x5b: {  	(xrf1) =	vunique.msk.u32 $0xffff, v22;
	[tilespmem:v13+s10+$0x0] =	vst.idx.add.s32.msk vm1, v39;
	v13 =	vmov v25  }
0x5c: {  	v19 =	vshrl.u32 v6, $0x16;
	v18 =	vshra.s32 v35, $0x1F;
	_, v21, vm0 =	vpop (xrf1);
	[tilespmem:v16+s11+$0x0] =	vst.idx.add.s32.msk vm2, v41;
	v16 =	vmov v26  }
.Ltmp3:
0x5d: {  	v18 =	vor.u32 $0x80000000, v18;
	(xrf1) =	vunique.msk.u32 $0xffff, v19;
	[tilespmem:v17+s11+$0x0] =	vst.idx.add.s32.msk vm4, v42;
	v17 =	vmov v22;
	(pc) =	sbr.rel @p0 .LBB2_5-.Ltmp3, $4  }
0x5e: {  	v24 =	vshra.s32 v33, $0x1F;
	v22 =	vxor.u32 v35, v18;
	[tilespmem:v5+s12+$0x0] =	vst.idx.add.s32.msk vm3, v38;
	v5 =	vmov v29  }
0x5f: {  	v31 =	vshra.s32 v30, $0x1F;
	v29 =	vshra.s32 v27, $0x1F;
	v18 =	vand.u32 $0x7FF, v22;
	[tilespmem:v15+s12+$0x0] =	vst.idx.add.s32.msk vm5, v23;
	v15 =	vmovc v19  }
0x60: {  	v24 =	vor.u32 $0x80000000, v24;
	v19 =	vor.u32 $0x80000000, v29;
	v29 =	vor.u32 $0x80000000, v31;
	(xrf1) =	vunique.msk.u32 $0xffff, v18;
	_, v25, vm1 =	vpop (xrf1)  }
0x61: {  	s22 =	sadd.s32 $0x40, s22;
	v24 =	vxor.u32 v33, v24;
	v23 =	vxor.u32 v27, v19;
	v19 =	vxor.u32 v30, v29;
	[tilespmem:s20+$0x10] =	vst v28;
	_, v26, vm2 =	vpop (xrf1)  }
0x62: {  	v27 =	vand.u32 $0x7FF, v3;
	v28 =	vshrl.u32 v3, $0xB  }
0x63: {  	_, v29, vm4 =	vpop (xrf1);
	v28 =	vand.u32 $0x7FF, v28;
	(xrf1) =	vunique.msk.u32 $0xffff, v27  }
0x64: {  	[tilespmem:s20+$0xFFFFFFF0] =	vst v9;
	v30 =	vand.u32 $0x7FF, v4;
	v31 =	vshrl.u32 v4, $0xB;
	_, v37, vm5 =	vpop (xrf1);
	(xrf1) =	vunique.msk.u32 $0xffff, v28  }
0x65: {  	[tilespmem:s18+$0x0] =	vst v6;
	v31 =	vand.u32 $0x7FF, v31;
	_, v38, vm6 =	vpop (xrf1);
	(xrf1) =	vunique.msk.u32 $0xffff, v30  }
0x66: {  	[tilespmem:s18+$0xFFFFFFE0] =	vst v20;
	v32 =	vshrl.u32 v3, $0x16;
	_, v39, vm7 =	vpop (xrf1);
	(xrf1) =	vunique.msk.u32 $0xffff, v31  }
0x67: {  	v40 =	vshrl.u32 v4, $0x16;
	[tilespmem:s18+$0x10] =	vst v4;
	_, v33, vm3 =	vpop (xrf1);
	(xrf1) =	vunique.msk.u32 $0xffff, v32  }
0x68: {  	v41 =	vshrl.u32 v23, $0x16;
	[tilespmem:v14+s10+$0x0] =	vst.idx.add.s32.msk vm1, v25;
	_, v25, vm1 =	vpop (xrf1);
	(xrf1) =	vunique.msk.u32 $0xffff, v40  }
0x69: {  	v42 =	vand.u32 $0x7FF, v23;
	v34 =	vshrl.u32 v23, $0xB;
	[tilespmem:s18+$0xFFFFFFF0] =	vst v3;
	_, v35, vm15 =	vpop (xrf1);
	(xrf1) =	vunique.msk.u32 $0xffff, v41  }
0x6a: {  	[tilespmem:s19+$0x0] =	vst v22;
	v44 =	vand.u32 $0x7FF, v34;
	_, v45, vm8 =	vpop (xrf1);
	(xrf1) =	vunique.msk.u32 $0xffff, v42  }
0x6b: {  	v43 =	vshrl.u32 v22, $0xB;
	[tilespmem:s19+$0xFFFFFFE0] =	vst v23;
	(xrf1) =	vunique.msk.u32 $0xffff, v44  }
0x6c: {  	v46 =	vand.u32 $0x7FF, v43;
	[tilespmem:v2+s10+$0x0] =	vst.idx.add.s32.msk vm0, v21;
	_, v2, vm9 =	vpop (xrf1)  }
0x6d: {  	v47 =	vshrl.u32 v22, $0x16;
	[tilespmem:s19+$0x10] =	vst v19;
	(xrf1) =	vunique.msk.u32 $0xffff, v46  }
0x6e: {  	[tilespmem:s19+$0xFFFFFFF0] =	vst v24;
	(xrf1) =	vunique.msk.u32 $0xffff, v47  }
0x6f: {  	[tilespmem:v10+s11+$0x0] =	vst.idx.add.s32.msk vm2, v26  }
0x70: {  	v49 =	vand.u32 $0x7FF, v24;
	v50 =	vshrl.u32 v24, $0xB;
	[tilespmem:v11+s10+$0x0] =	vst.idx.add.s32.msk vm4, v29;
	_, v48, vm0 =	vpop (xrf1)  }
0x71: {  	v11 =	vand.u32 $0x7FF, v50;
	(xrf1) =	vunique.msk.u32 $0xffff, v49;
	[tilespmem:v17+s11+$0x0] =	vst.idx.add.s32.msk vm8, v45;
	_, v51, vm10 =	vpop (xrf1)  }
0x72: {  	v52 =	vand.u32 $0x7FF, v19;
	v53 =	vshrl.u32 v19, $0xB;
	[tilespmem:v15+s12+$0x0] =	vst.idx.add.s32.msk vm9, v2;
	_, v2, vm11 =	vpop (xrf1);
	(xrf1) =	vunique.msk.u32 $0xffff, v11  }
0x73: {  	[tilespmem:v13+s10+$0x0] =	vst.idx.add.s32.msk vm1, v25;
	v13 =	vand.u32 $0x7FF, v53;
	_, v54, vm12 =	vpop (xrf1);
	(xrf1) =	vunique.msk.u32 $0xffff, v52  }
0x74: {  	v55 =	vshrl.u32 v24, $0x16;
	[tilespmem:v12+s11+$0x0] =	vst.idx.add.s32.msk vm5, v37;
	_, v3, vm13 =	vpop (xrf1);
	(xrf1) =	vunique.msk.u32 $0xffff, v13  }
0x75: {  	v57 =	vshrl.u32 v19, $0x16;
	[tilespmem:v8+s12+$0x0] =	vst.idx.add.s32.msk vm6, v38;
	_, v56, vm14 =	vpop (xrf1);
	(xrf1) =	vunique.msk.u32 $0xffff, v55  }
0x76: {  	[tilespmem:v16+s11+$0x0] =	vst.idx.add.s32.msk vm15, v35;
	_, v58, vm15 =	vpop (xrf1);
	(xrf1) =	vunique.msk.u32 $0xffff, v57  }
0x77: {  	[tilespmem:v5+s12+$0x0] =	vst.idx.add.s32.msk vm3, v33;
	_, v59, vm9 =	vpop (xrf1)  }
0x78: {  	[tilespmem:v27+s10+$0x0] =	vst.idx.add.s32.msk vm10, v51;
	_, v5, vm1 =	vpop (xrf1)  }
0x79: {  	[tilespmem:v28+s11+$0x0] =	vst.idx.add.s32.msk vm11, v2;
	_, v2, vm2 =	vpop (xrf1)  }
0x7a: {  	[tilespmem:v7+s12+$0x0] =	vst.idx.add.s32.msk vm7, v39  }
0x7b: {  	[tilespmem:v30+s10+$0x0] =	vst.idx.add.s32.msk vm12, v54;
	_, v4, vm3 =	vpop (xrf1)  }
0x7c: {  	[tilespmem:v31+s11+$0x0] =	vst.idx.add.s32.msk vm13, v3;
	_, v3, vm10 =	vpop (xrf1)  }
0x7d: {  	[tilespmem:v18+s10+$0x0] =	vst.idx.add.s32.msk vm0, v48  }
0x7e: {  	[tilespmem:v42+s10+$0x0] =	vst.idx.add.s32.msk vm1, v5  }
0x7f: {  	[tilespmem:v44+s11+$0x0] =	vst.idx.add.s32.msk vm2, v2;
	_, v2, vm11 =	vpop (xrf1)  }
0x80: {  	[tilespmem:v32+s12+$0x0] =	vst.idx.add.s32.msk vm14, v56;
	_, v60, vm12 =	vpop (xrf1)  }
0x81: {  	[tilespmem:v46+s11+$0x0] =	vst.idx.add.s32.msk vm3, v4;
	_, v61, vm13 =	vpop (xrf1)  }
0x82: {  	[tilespmem:v47+s12+$0x0] =	vst.idx.add.s32.msk vm10, v3;
	_, v3, vm0 =	vpop (xrf1)  }
0x83: {  	[tilespmem:v40+s12+$0x0] =	vst.idx.add.s32.msk vm15, v58;
	_, v62, vm14 =	vpop (xrf1)  }
0x84: {  	[tilespmem:v41+s12+$0x0] =	vst.idx.add.s32.msk vm9, v59;
	_, v63, vm15 =	vpop (xrf1)  }
0x85: {  	p1 =	por $0x1, $0x1;
	[tilespmem:v49+s10+$0x0] =	vst.idx.add.s32.msk vm11, v2  }
.Ltmp4:
0x86: {  	[tilespmem:v11+s11+$0x0] =	vst.idx.add.s32.msk vm12, v60;
	(pc) =	sbr.rel @!p1 .LBB2_7-.Ltmp4, $4  }
0x87: {  	[tilespmem:v52+s10+$0x0] =	vst.idx.add.s32.msk vm13, v61  }
0x88: {  	[tilespmem:v13+s11+$0x0] =	vst.idx.add.s32.msk vm0, v3  }
0x89: {  	[tilespmem:v55+s12+$0x0] =	vst.idx.add.s32.msk vm14, v62  }
0x8a: {  	s18 =	simm.s32 $0xFFFFFFFF;
	s22 =	simm.s32 $0x0;
	p0 =	por $0x0, $0x0;
	[tilespmem:v57+s12+$0x0] =	vst.idx.add.s32.msk vm15, v63  }
0x8b: {  	v2 =	vld [tilespmem:s22+$0x1C000];
	_ =	sdelay $0x4  }
0x8c: {  	(xrf0) =	vadd.scan.msk.s32 $0xffff, v2;
	_ =	sdelay $0x4  }
0x8d: {  	p1 =	por $0x1, $0x1  }
.Ltmp5:
0x8e: {  	v3, _, _ =	vpop (xrf0);
	(pc) =	sbr.rel @!p1 .LBB2_9-.Ltmp5, $4  }
0x8f: {  	(v2sf) =	vpush v3, $0xF  }
0x90: {  	v2 =	vsub.s32 s18, v2  }
0x91: {  	s20 =	simm.s32 $0x10;
	v2 =	vadd.s32 v3, v2  }
0x92: {  	s21 =	simm.s32 $0x80;
	p0 =	por $0x1, $0x1;
	s19 =	simm.s32 $0xFFFFFFFF;
	[tilespmem:s22+$0x1C000] =	vst v2  }
.LBB2_10:
0x93: {  	p1 =	sne.s32 s21, $0x1FC0;
	v2 =	vld [tilespmem:s20+$0x1C000];
	_ =	sdelay $0x4  }
0x94: {  	(xrf0) =	vadd.scan.msk.s32 $0xffff, v2;
	_ =	sdelay $0x5  }
.Ltmp6:
0x95: {  	v3, _, _ =	vpop (xrf0);
	s22 =	spop (v2sf);
	(pc) =	sbr.rel @p1 .LBB2_10-.Ltmp6, $4  }
0x96: {  	(v2sf) =	vpush v3, $0xF;
	s19 =	sadd.s32 s19, s22  }
0x97: {  	v2 =	vsub.s32 s19, v2  }
0x98: {  	v2 =	vadd.s32 v3, v2  }
0x99: {  	[tilespmem:s20+$0x1C000] =	vst v2;
	s20 =	sshra.s32 s21, $0x2;
	s21 =	sadd.s32 $0x40, s21  }
0x9a: {  	s22 =	smov.u32 s20  }
.LBB2_12:
0x9b: {  	_ =	sdelay $0x1  }
0x9c: {  	v2 =	vld [tilespmem:s22+$0x1C000];
	_ =	sdelay $0x4  }
0x9d: {  	(xrf0) =	vadd.scan.msk.s32 $0xffff, v2;
	_ =	sdelay $0x2  }
0x9e: {  	s20 =	spop @p0 (v2sf)  }
0x9f: {  	s19 =	sadd.s32 @p0 s19, s20  }
0xa0: {  	s18 =	smov.u32 @p0 s19  }
0xa1: {  	v6, _, _ =	vpop (xrf0);
	v2 =	vsub.s32 s18, v2  }
0xa2: {  	v2 =	vadd.s32 v6, v2  }
0xa3: {  	s28 =	simm.s32 $0x40;
	[tilespmem:s22+$0x1C000] =	vst v2  }
0xa4: {  	v2 =	vld [tilespmem:s28+$0xFFFFFFC0]  }
0xa5: {  	v3 =	vld [tilespmem:s28+$0xFFFFFFE0]  }
0xa6: {  	v4 =	vld [tilespmem:s28+$0x30]  }
0xa7: {  	v5 =	vld [tilespmem:s28+$0x10]  }
0xa8: {  	v7 =	vld [tilespmem:s28+$0xFFFFFFD0]  }
0xa9: {  	v8 =	vld [tilespmem:s28+$0x20];
	v11 =	vand.u32 $0x7FF, v2  }
0xaa: {  	v13 =	vand.u32 $0x7FF, v3;
	v2 =	vld [tilespmem:s28+$0xFFFFFFF0];
	(xrf1) =	vunique.msk.u32 $0xffff, v11  }
0xab: {  	v4 =	vand.u32 $0x7FF, v4;
	(xrf1) =	vunique.msk.u32 $0xffff, v13  }
0xac: {  	v14 =	vand.u32 $0x7FF, v5;
	(xrf1) =	vunique.msk.u32 $0xffff, v4  }
0xad: {  	v26 =	vand.u32 $0x7FF, v7;
	(xrf1) =	vunique.msk.u32 $0xffff, v14  }
0xae: {  	v3 =	vld [tilespmem:s28+$0x0];
	v15 =	vand.u32 $0x7FF, v8;
	(xrf1) =	vunique.msk.u32 $0xffff, v26  }
0xaf: {  	s29 =	simm.s32 $0xC0;
	v16 =	vand.u32 $0x7FF, v2;
	(xrf1) =	vunique.msk.u32 $0xffff, v15  }
0xb0: {  	v9 =	vld [tilespmem:s29+$0x10];
	(xrf1) =	vunique.msk.u32 $0xffff, v16  }
0xb1: {  	v10 =	vld [tilespmem:s29+$0xFFFFFFD0]  }
0xb2: {  	v2 =	vld [tilespmem:s29+$0xFFFFFFC0]  }
0xb3: {  	v19 =	vand.u32 $0x7FF, v3;
	v3 =	vld [tilespmem:s29+$0xFFFFFFE0]  }
0xb4: {  	v8 =	vld [tilespmem:s29+$0x30]  }
0xb5: {  	v12 =	vld [tilespmem:s29+$0x20];
	(xrf1) =	vunique.msk.u32 $0xffff, v19  }
0xb6: {  	v17 =	vld [tilespmem:s29+$0xFFFFFFF0]  }
0xb7: {  	v18 =	vld [tilespmem:s29+$0x0];
	v7 =	vand.u32 $0x7FF, v2  }
0xb8: {  	v5 =	vand.u32 $0x7FF, v3;
	(xrf1) =	vunique.msk.u32 $0xffff, v7;
	_, v20, vm3 =	vpop (xrf1)  }
0xb9: {  	v2 =	vand.u32 $0x7FF, v8;
	(xrf1) =	vunique.msk.u32 $0xffff, v5;
	_, v21, vm1 =	vpop (xrf1)  }
0xba: {  	(v2sf) =	vpush v6, $0xF;
	v9 =	vand.u32 $0x7FF, v9;
	(xrf1) =	vunique.msk.u32 $0xffff, v2;
	_, v22, vm2 =	vpop (xrf1)  }
0xbb: {  	v3 =	vand.u32 $0x7FF, v10;
	v8 =	vand.u32 $0x7FF, v12;
	v12 =	vand.u32 $0x7FF, v17;
	(xrf1) =	vunique.msk.u32 $0xffff, v9;
	_, v6, vm4 =	vpop (xrf1)  }
0xbc: {  	v10 =	vand.u32 $0x7FF, v18;
	(xrf1) =	vunique.msk.u32 $0xffff, v3;
	v20 =	vshll.u32 v20, $0xB;
	v23 =	vsel vm3, $0x10000, v0;
	_, v24, vm0 =	vpop (xrf1)  }
0xbd: {  	s30 =	simm.s32 $0x140;
	v21 =	vshll.u32 v21, $0xB;
	(xrf1) =	vunique.msk.u32 $0xffff, v8;
	v6 =	vshll.u32 v6, $0xB;
	v17 =	vsel vm4, $0x10000, v0;
	_, v18, vm4 =	vpop (xrf1)  }
0xbe: {  	v28 =	vld [tilespmem:s30+$0xFFFFFFC0];
	v22 =	vshll.u32 v22, $0xB;
	(xrf1) =	vunique.msk.u32 $0xffff, v12;
	v6 =	vor.u32 v6, v17;
	v25 =	vsel vm4, $0x10000, v0;
	_, v27, vm3 =	vpop (xrf1)  }
0xbf: {  	v31 =	vld [tilespmem:s30+$0x10];
	(xrf1) =	vunique.msk.u32 $0xffff, v10;
	v6 =	vor.u32 v14, v6;
	v17 =	vshll.u32 v27, $0xB;
	v29 =	vsel vm3, $0x10000, v0  }
0xc0: {  	s18 =	simm.s32 $0x18040;
	v14 =	vld [tilespmem:s30+$0xFFFFFFE0];
	v18 =	vshll.u32 v18, $0xB;
	v17 =	vor.u32 v17, v29;
	v29 =	vsel vm2, $0x10000, v0  }
0xc1: {  	v27 =	vld [tilespmem:s30+$0x30];
	[tilespmem:s18+$0x10] =	vst v6;
	v16 =	vor.u32 v16, v17;
	v17 =	vor.u32 v22, v29;
	v22 =	vsel vm1, $0x10000, v0  }
0xc2: {  	v6 =	vor.u32 v18, v25;
	v18 =	vld [tilespmem:s30+$0x20];
	[tilespmem:s18+$0xFFFFFFF0] =	vst v16;
	v16 =	vor.u32 v20, v23;
	v20 =	vor.u32 v21, v22  }
0xc3: {  	_, v30, vm2 =	vpop (xrf1);
	v15 =	vor.u32 v15, v6;
	v6 =	vand.u32 $0x7FF, v28;
	v28 =	vld [tilespmem:s30+$0xFFFFFFD0]  }
0xc4: {  	v25 =	vsel vm2, $0x10000, v0;
	[tilespmem:s18+$0x20] =	vst v15;
	v15 =	vld [tilespmem:s30+$0x0];
	v22 =	vshll.u32 v30, $0xB  }
0xc5: {  	v29 =	vld [tilespmem:s30+$0xFFFFFFF0];
	v30 =	vsel vm0, $0x10000, v0;
	v23 =	vor.u32 v11, v16;
	v13 =	vor.u32 v13, v20  }
0xc6: {  	(xrf1) =	vunique.msk.u32 $0xffff, v6;
	v14 =	vand.u32 $0x7FF, v14;
	v16 =	vand.u32 $0x7FF, v31;
	v22 =	vor.u32 v22, v25;
	_, v20, vm3 =	vpop (xrf1)  }
0xc7: {  	v11 =	vand.u32 $0x7FF, v27;
	v27 =	vshll.u32 v24, $0xB;
	[tilespmem:s18+$0xFFFFFFE0] =	vst v13;
	(xrf1) =	vunique.msk.u32 $0xffff, v14;
	_, v21, vm1 =	vpop (xrf1)  }
0xc8: {  	v13 =	vand.u32 $0x7FF, v18;
	v32 =	vor.u32 v19, v22;
	v18 =	vand.u32 $0x7FF, v28;
	(xrf1) =	vunique.msk.u32 $0xffff, v11;
	_, v24, vm2 =	vpop (xrf1)  }
0xc9: {  	v30 =	vor.u32 v27, v30;
	[tilespmem:s18+$0x0] =	vst v32;
	v15 =	vand.u32 $0x7FF, v15;
	(xrf1) =	vunique.msk.u32 $0xffff, v16;
	_, v28, vm4 =	vpop (xrf1)  }
0xca: {  	v19 =	vand.u32 $0x7FF, v29;
	v20 =	vshll.u32 v20, $0xB;
	v21 =	vshll.u32 v21, $0xB;
	(xrf1) =	vunique.msk.u32 $0xffff, v18;
	_, v22, vm0 =	vpop (xrf1)  }
0xcb: {  	s21 =	simm.s32 $0x10;
	s20 =	simm.s32 $0x180C0;
	v25 =	vshll.u32 v24, $0xB;
	v24 =	vsel vm3, $0x10000, v0;
	(xrf1) =	vunique.msk.u32 $0xffff, v13;
	v29 =	vshll.u32 v28, $0xB;
	_, v27, vm3 =	vpop (xrf1)  }
0xcc: {  	s19 =	simm.s32 $0x180C0;
	s22 =	simm.s32 $0x1C0;
	s31 =	spop (v2sf);
	v28 =	vor.u32 v26, v30;
	v30 =	vsel vm4, $0x10000, v0;
	(xrf1) =	vunique.msk.u32 $0xffff, v19;
	v26 =	vsel vm3, $0x10000, v0;
	_, v31, vm3 =	vpop (xrf1)  }
.LBB2_13:
0xcd: {  	(xrf1) =	vunique.msk.u32 $0xffff, v15;
	v31 =	vshll.u32 v31, $0xB;
	v29 =	vor.u32 v29, v30;
	_, v30, vm4 =	vpop (xrf1)  }
0xce: {  	v32 =	vld [tilespmem:s22+$0xFFFFFFC0];
	s21 =	sadd.s32 $0x8, s21;
	s19 =	sadd.s32 $0x80, s19;
	[tilespmem:s18+$0xFFFFFFC0] =	vst v23;
	v33 =	vmovc v5;
	v5 =	vmovc v14;
	v34 =	vmov v3;
	v3 =	vmov v18;
	v35 =	vmov v10  }
0xcf: {  	v10 =	vsel vm3, $0x10000, v0;
	v18 =	vld [tilespmem:s22+$0x30];
	p0 =	slt.u32 s21, $0x3F8;
	v14 =	vor.u32 v9, v29;
	[tilespmem:s18+$0xFFFFFFD0] =	vst v28;
	v29 =	vor.u32 v4, v17;
	v4 =	vmovc v2  }
0xd0: {  	v23 =	vsel vm2, $0x10000, v0;
	v31 =	vor.u32 v31, v10;
	v17 =	vshll.u32 v27, $0xB;
	v2 =	vmovc v11;
	v9 =	vmovc v16;
	v28 =	vld [tilespmem:s22+$0xFFFFFFE0];
	[tilespmem:s18+$0x30] =	vst v29;
	s18 =	smov.u32 s20;
	s20 =	smov.u32 s19  }
0xd1: {  	v27 =	vor.u32 v12, v31;
	v11 =	vor.u32 v17, v26;
	v17 =	vor.u32 v25, v23;
	v16 =	vld [tilespmem:s22+$0x10];
	[tilespmem:s18+$0x10] =	vst v14  }
0xd2: {  	v23 =	vsel vm1, $0x10000, v0;
	v26 =	vsel vm4, $0x10000, v0;
	v11 =	vor.u32 v8, v11;
	v8 =	vmovc v13;
	v10 =	vmovc v15;
	v25 =	vld [tilespmem:s22+$0x20];
	[tilespmem:s18+$0xFFFFFFF0] =	vst v27  }
0xd3: {  	v12 =	vmovc v19;
	v14 =	vor.u32 v20, v24;
	v20 =	vor.u32 v21, v23;
	v13 =	vand.u32 $0x7FF, v32;
	v15 =	vld [tilespmem:s22+$0xFFFFFFD0];
	[tilespmem:s18+$0x20] =	vst v11  }
0xd4: {  	v24 =	vshll.u32 v30, $0xB;
	v23 =	vor.u32 v7, v14;
	v20 =	vor.u32 v33, v20;
	v19 =	vld [tilespmem:s22+$0x0];
	(xrf1) =	vunique.msk.u32 $0xffff, v13;
	_, v21, vm3 =	vpop (xrf1)  }
0xd5: {  	v7 =	vmovc v6;
	v11 =	vand.u32 $0x7FF, v18;
	v6 =	vmovc v13;
	v14 =	vand.u32 $0x7FF, v28;
	v27 =	vld [tilespmem:s22+$0xFFFFFFF0];
	v28 =	vshll.u32 v22, $0xB;
	[tilespmem:s18+$0xFFFFFFE0] =	vst v20  }
0xd6: {  	v29 =	vsel vm0, $0x10000, v0;
	v20 =	vshll.u32 v21, $0xB;
	v16 =	vand.u32 $0x7FF, v16;
	(xrf1) =	vunique.msk.u32 $0xffff, v14;
	_, v18, vm1 =	vpop (xrf1)  }
.Ltmp7:
0xd7: {  	v24 =	vor.u32 v24, v26;
	v13 =	vand.u32 $0x7FF, v25;
	(xrf1) =	vunique.msk.u32 $0xffff, v11;
	v21 =	vshll.u32 v18, $0xB;
	_, v22, vm2 =	vpop (xrf1);
	(pc) =	sbr.rel @p0 .LBB2_13-.Ltmp7, $4  }
0xd8: {  	v32 =	vor.u32 v35, v24;
	v18 =	vand.u32 $0x7FF, v15;
	(xrf1) =	vunique.msk.u32 $0xffff, v16;
	v25 =	vshll.u32 v22, $0xB;
	_, v26, vm4 =	vpop (xrf1)  }
0xd9: {  	v24 =	vsel vm3, $0x10000, v0;
	v28 =	vor.u32 v28, v29;
	v15 =	vand.u32 $0x7FF, v19;
	(xrf1) =	vunique.msk.u32 $0xffff, v18;
	_, v22, vm0 =	vpop (xrf1)  }
0xda: {  	v28 =	vor.u32 v34, v28;
	v29 =	vshll.u32 v26, $0xB;
	v19 =	vand.u32 $0x7FF, v27;
	(xrf1) =	vunique.msk.u32 $0xffff, v13;
	_, v27, vm3 =	vpop (xrf1)  }
0xdb: {  	s22 =	sadd.s32 $0x80, s22;
	v30 =	vsel vm4, $0x10000, v0;
	(xrf1) =	vunique.msk.u32 $0xffff, v19;
	v26 =	vsel vm3, $0x10000, v0;
	_, v31, vm3 =	vpop (xrf1);
	[tilespmem:s18+$0x0] =	vst v32  }
0xdc: {  	_ =	sdelay $0x1  }
0xdd: {  	v29 =	vor.u32 v29, v30  }
0xde: {  	(xrf1) =	vunique.msk.u32 $0xffff, v15;
	v60 =	vshll.u32 v31, $0xB;
	v61 =	vsel vm3, $0x10000, v0;
	v4 =	vor.u32 v4, v17  }
0xdf: {  	v27 =	vshll.u32 v27, $0xB;
	v31 =	vsel vm2, $0x10000, v0;
	v33 =	vsel vm1, $0x10000, v0  }
0xe0: {  	[tilespmem:s18+$0xFFFFFFC0] =	vst v23;
	v37 =	vor.u32 v20, v24;
	v42 =	vshll.u32 v22, $0xB;
	v44 =	vsel vm0, $0x10000, v0  }
0xe1: {  	_, v63, vm8 =	vpop (xrf1);
	[tilespmem:s18+$0xFFFFFFD0] =	vst v28;
	v9 =	vor.u32 v9, v29;
	v62 =	vor.u32 v60, v61;
	v32 =	vor.u32 v27, v26  }
0xe2: {  	v23 =	vor.u32 v25, v31;
	v34 =	vsel vm8, $0x10000, v0;
	[tilespmem:s18+$0x30] =	vst v4;
	v38 =	vor.u32 v21, v33;
	_, v35, vm9 =	vpop (xrf1)  }
0xe3: {  	v7 =	vor.u32 v7, v37;
	v40 =	vshll.u32 v63, $0xB;
	v50 =	vor.u32 v42, v44;
	[tilespmem:s20+$0x10] =	vst v9;
	_, v39, vm10 =	vpop (xrf1)  }
0xe4: {  	v12 =	vor.u32 v12, v62;
	v36 =	vor.u32 v8, v32;
	v5 =	vor.u32 v5, v38;
	[tilespmem:s20+$0xFFFFFFC0] =	vst v7;
	_, v41, vm11 =	vpop (xrf1)  }
0xe5: {  	v8 =	vor.u32 v40, v34;
	v3 =	vor.u32 v3, v50;
	v2 =	vor.u32 v2, v23;
	[tilespmem:s20+$0xFFFFFFF0] =	vst v12;
	_, v45, vm4 =	vpop (xrf1)  }
0xe6: {  	[tilespmem:s20+$0x20] =	vst v36;
	v48 =	vor.u32 v10, v8;
	v43 =	vshll.u32 v35, $0xB;
	v49 =	vsel vm9, $0x10000, v0;
	_, v47, vm12 =	vpop (xrf1)  }
0xe7: {  	[tilespmem:s20+$0xFFFFFFE0] =	vst v5;
	v61 =	vor.u32 v43, v49;
	v46 =	vshll.u32 v39, $0xB;
	v58 =	vsel vm10, $0x10000, v0;
	_, v51, vm13 =	vpop (xrf1)  }
0xe8: {  	[tilespmem:s20+$0xFFFFFFD0] =	vst v3;
	v5 =	vor.u32 v6, v61;
	v9 =	vshll.u32 v41, $0xB;
	v52 =	vshll.u32 v45, $0xB;
	_, v54, vm14 =	vpop (xrf1)  }
0xe9: {  	[tilespmem:s20+$0x30] =	vst v2;
	v53 =	vsel vm4, $0x10000, v0;
	v22 =	vshll.u32 v54, $0xB;
	v56 =	vsel vm14, $0x10000, v0  }
0xea: {  	s21 =	sadd.s32 $0x80, s19;
	[tilespmem:s20+$0x0] =	vst v48;
	v55 =	vsel vm13, $0x10000, v0;
	v12 =	vshll.u32 v51, $0xB;
	v3 =	vor.u32 v22, v56  }
0xeb: {  	[tilespmem:s21+$0xFFFFFFC0] =	vst v5;
	v10 =	vor.u32 v52, v53;
	v2 =	vor.u32 v19, v3;
	v3 =	vor.u32 v12, v55  }
0xec: {  	v62 =	vshll.u32 v47, $0xB;
	_, v57, vm15 =	vpop (xrf1);
	[tilespmem:s21+$0xFFFFFFF0] =	vst v2;
	v2 =	vor.u32 v13, v3;
	v3 =	vor.u32 v46, v58  }
0xed: {  	v59 =	vsel vm15, $0x10000, v0;
	v60 =	vshll.u32 v57, $0xB;
	[tilespmem:s21+$0x20] =	vst v2;
	v2 =	vor.u32 v14, v3  }
0xee: {  	v10 =	vor.u32 v16, v10;
	v3 =	vor.u32 v60, v59;
	[tilespmem:s21+$0xFFFFFFE0] =	vst v2;
	v2 =	vsel vm12, $0x10000, v0  }
0xef: {  	v63 =	vsel vm11, $0x10000, v0;
	[tilespmem:s21+$0x10] =	vst v10;
	v3 =	vor.u32 v15, v3;
	v2 =	vor.u32 v62, v2  }
0xf0: {  	[tilespmem:s21+$0x0] =	vst v3;
	v3 =	vor.u32 v9, v63;
	v2 =	vor.u32 v18, v2  }
0xf1: {  	[tilespmem:s21+$0xFFFFFFD0] =	vst v2;
	v2 =	vor.u32 v11, v3  }
0xf2: {  	s19 =	simm.s32 $0xF0;
	s18 =	simm.s32 $0x18080;
	[tilespmem:s21+$0x30] =	vst v2  }
.LBB2_15:
0xf3: {  	v2 =	vld [tilespmem:s18+$0xFFFFFF80];
	_ =	sdelay $0x3  }
0xf4: {  	v5 =	vld [tilespmem:s18+$0xFFFFFF90]  }
0xf5: {  	v6 =	vld [tilespmem:s18+$0xFFFFFFA0];
	v8 =	vand.u32 $0x7FF, v2  }
0xf6: {  	v7 =	vld [tilespmem:s18+$0xFFFFFFB0]  }
0xf7: {  	v9 =	vld [tilespmem:s18+$0xFFFFFFC0]  }
0xf8: {  	v10 =	vld [tilespmem:s18+$0xFFFFFFD0]  }
0xf9: {  	v11 =	vld [tilespmem:s18+$0xFFFFFFE0]  }
0xfa: {  	v3 =	vld.idx.msk [tilespmem:v8+s10+$0x0], $0xffff  }
0xfb: {  	v12 =	vld [tilespmem:s18+$0xFFFFFFF0]  }
0xfc: {  	v13 =	vld [tilespmem:s18+$0x0]  }
0xfd: {  	v14 =	vld [tilespmem:s18+$0x10];
	v4 =	vshrl.u32 v2, $0xB;
	vm0 =	vgt.u32 v2, $0xFFFF  }
0xfe: {  	v15 =	vld [tilespmem:s18+$0x20];
	v2 =	vand.u32 $0x1F, v4  }
0xff: {  	v16 =	vld [tilespmem:s18+$0x30];
	v18 =	vadd.s32 v2, v3  }
0x100: {  	v17 =	vld [tilespmem:s18+$0x40];
	v19 =	vand.u32 $0x7FF, v5  }
0x101: {  	v59 =	vld [tilespmem:s18+$0x50]  }
0x102: {  	s20 =	sadd.s32 $0xFFFFFF10, s19;
	v3 =	vld [tilespmem:s18+$0x60]  }
0x103: {  	v20 =	vor.u32 s20, v1;
	v2 =	vld [tilespmem:s18+$0x70];
	[tilespmem:v8+s10+$0x0] =	vst.idx.msk vm0, v18  }
0x104: {  	[tilespmem:v18+s13+$0x0] =	vst.idx.msk $0xffff, v20  }
0x105: {  	v8 =	vld.idx.msk [tilespmem:v19+s10+$0x0], $0xffff;
	_ =	sdelay $0x2  }
0x106: {  	v60 =	vshrl.u32 v5, $0xB;
	vm13 =	vgt.u32 v5, $0xFFFF  }
0x107: {  	v61 =	vand.u32 $0x1F, v60  }
0x108: {  	v5 =	vadd.s32 v61, v8  }
0x109: {  	v62 =	vand.u32 $0x7FF, v6;
	_ =	sdelay $0x1  }
0x10a: {  	s28 =	sadd.s32 $0xFFFFFF20, s19  }
0x10b: {  	v63 =	vor.u32 s28, v1;
	[tilespmem:v19+s10+$0x0] =	vst.idx.msk vm13, v5  }
0x10c: {  	[tilespmem:v5+s13+$0x0] =	vst.idx.msk $0xffff, v63  }
0x10d: {  	v5 =	vld.idx.msk [tilespmem:v62+s10+$0x0], $0xffff;
	_ =	sdelay $0x2  }
0x10e: {  	v21 =	vshrl.u32 v6, $0xB;
	vm14 =	vgt.u32 v6, $0xFFFF  }
0x10f: {  	v22 =	vand.u32 $0x1F, v21  }
0x110: {  	v5 =	vadd.s32 v22, v5  }
0x111: {  	v23 =	vand.u32 $0x7FF, v7;
	_ =	sdelay $0x1  }
0x112: {  	s29 =	sadd.s32 $0xFFFFFF30, s19  }
0x113: {  	v24 =	vor.u32 s29, v1;
	[tilespmem:v62+s10+$0x0] =	vst.idx.msk vm14, v5  }
0x114: {  	[tilespmem:v5+s13+$0x0] =	vst.idx.msk $0xffff, v24  }
0x115: {  	v5 =	vld.idx.msk [tilespmem:v23+s10+$0x0], $0xffff;
	_ =	sdelay $0x2  }
0x116: {  	v25 =	vshrl.u32 v7, $0xB;
	vm15 =	vgt.u32 v7, $0xFFFF  }
0x117: {  	v26 =	vand.u32 $0x1F, v25  }
0x118: {  	v5 =	vadd.s32 v26, v5  }
0x119: {  	v27 =	vand.u32 $0x7FF, v9;
	_ =	sdelay $0x1  }
0x11a: {  	s30 =	sadd.s32 $0xFFFFFF40, s19  }
0x11b: {  	v28 =	vor.u32 s30, v1;
	[tilespmem:v23+s10+$0x0] =	vst.idx.msk vm15, v5  }
0x11c: {  	[tilespmem:v5+s13+$0x0] =	vst.idx.msk $0xffff, v28  }
0x11d: {  	v5 =	vld.idx.msk [tilespmem:v27+s10+$0x0], $0xffff;
	_ =	sdelay $0x2  }
0x11e: {  	v29 =	vshrl.u32 v9, $0xB;
	vm4 =	vgt.u32 v9, $0xFFFF  }
0x11f: {  	v6 =	vand.u32 $0x1F, v29  }
0x120: {  	v5 =	vadd.s32 v6, v5  }
0x121: {  	v30 =	vand.u32 $0x7FF, v10;
	_ =	sdelay $0x1  }
0x122: {  	s31 =	sadd.s32 $0xFFFFFF50, s19  }
0x123: {  	v31 =	vor.u32 s31, v1;
	[tilespmem:v27+s10+$0x0] =	vst.idx.msk vm4, v5  }
0x124: {  	[tilespmem:v5+s13+$0x0] =	vst.idx.msk $0xffff, v31  }
0x125: {  	v5 =	vld.idx.msk [tilespmem:v30+s10+$0x0], $0xffff;
	_ =	sdelay $0x2  }
0x126: {  	v32 =	vshrl.u32 v10, $0xB;
	vm5 =	vgt.u32 v10, $0xFFFF  }
0x127: {  	v7 =	vand.u32 $0x1F, v32  }
0x128: {  	v5 =	vadd.s32 v7, v5  }
0x129: {  	v33 =	vand.u32 $0x7FF, v11;
	_ =	sdelay $0x1  }
0x12a: {  	s21 =	sadd.s32 $0xFFFFFF60, s19  }
0x12b: {  	v34 =	vor.u32 s21, v1;
	[tilespmem:v30+s10+$0x0] =	vst.idx.msk vm5, v5  }
0x12c: {  	[tilespmem:v5+s13+$0x0] =	vst.idx.msk $0xffff, v34  }
0x12d: {  	v5 =	vld.idx.msk [tilespmem:v33+s10+$0x0], $0xffff;
	_ =	sdelay $0x2  }
0x12e: {  	v35 =	vshrl.u32 v11, $0xB;
	vm6 =	vgt.u32 v11, $0xFFFF  }
0x12f: {  	v6 =	vand.u32 $0x1F, v35  }
0x130: {  	v5 =	vadd.s32 v6, v5  }
0x131: {  	v36 =	vand.u32 $0x7FF, v12;
	_ =	sdelay $0x1  }
0x132: {  	s22 =	sadd.s32 $0xFFFFFF70, s19  }
0x133: {  	v37 =	vor.u32 s22, v1;
	[tilespmem:v33+s10+$0x0] =	vst.idx.msk vm6, v5  }
0x134: {  	[tilespmem:v5+s13+$0x0] =	vst.idx.msk $0xffff, v37  }
0x135: {  	v5 =	vld.idx.msk [tilespmem:v36+s10+$0x0], $0xffff;
	_ =	sdelay $0x2  }
0x136: {  	v38 =	vshrl.u32 v12, $0xB;
	vm7 =	vgt.u32 v12, $0xFFFF  }
0x137: {  	v7 =	vand.u32 $0x1F, v38  }
0x138: {  	v5 =	vadd.s32 v7, v5  }
0x139: {  	v39 =	vand.u32 $0x7FF, v13;
	_ =	sdelay $0x1  }
0x13a: {  	s23 =	sadd.s32 $0xFFFFFF80, s19  }
0x13b: {  	v40 =	vor.u32 s23, v1;
	[tilespmem:v36+s10+$0x0] =	vst.idx.msk vm7, v5  }
0x13c: {  	[tilespmem:v5+s13+$0x0] =	vst.idx.msk $0xffff, v40  }
0x13d: {  	v5 =	vld.idx.msk [tilespmem:v39+s10+$0x0], $0xffff;
	_ =	sdelay $0x2  }
0x13e: {  	v41 =	vshrl.u32 v13, $0xB;
	vm8 =	vgt.u32 v13, $0xFFFF  }
0x13f: {  	v6 =	vand.u32 $0x1F, v41  }
0x140: {  	v5 =	vadd.s32 v6, v5  }
0x141: {  	v42 =	vand.u32 $0x7FF, v14;
	_ =	sdelay $0x1  }
0x142: {  	s24 =	sadd.s32 $0xFFFFFF90, s19  }
0x143: {  	v43 =	vor.u32 s24, v1;
	[tilespmem:v39+s10+$0x0] =	vst.idx.msk vm8, v5  }
0x144: {  	[tilespmem:v5+s13+$0x0] =	vst.idx.msk $0xffff, v43  }
0x145: {  	v5 =	vld.idx.msk [tilespmem:v42+s10+$0x0], $0xffff;
	_ =	sdelay $0x2  }
0x146: {  	v44 =	vshrl.u32 v14, $0xB;
	vm9 =	vgt.u32 v14, $0xFFFF  }
0x147: {  	v7 =	vand.u32 $0x1F, v44  }
0x148: {  	v5 =	vadd.s32 v7, v5  }
0x149: {  	v45 =	vand.u32 $0x7FF, v15;
	_ =	sdelay $0x1  }
0x14a: {  	s25 =	sadd.s32 $0xFFFFFFA0, s19  }
0x14b: {  	v46 =	vor.u32 s25, v1;
	[tilespmem:v42+s10+$0x0] =	vst.idx.msk vm9, v5  }
0x14c: {  	[tilespmem:v5+s13+$0x0] =	vst.idx.msk $0xffff, v46  }
0x14d: {  	v5 =	vld.idx.msk [tilespmem:v45+s10+$0x0], $0xffff;
	_ =	sdelay $0x2  }
0x14e: {  	v47 =	vshrl.u32 v15, $0xB;
	vm10 =	vgt.u32 v15, $0xFFFF  }
0x14f: {  	v6 =	vand.u32 $0x1F, v47  }
0x150: {  	v5 =	vadd.s32 v6, v5  }
0x151: {  	v48 =	vand.u32 $0x7FF, v16;
	_ =	sdelay $0x1  }
0x152: {  	s26 =	sadd.s32 $0xFFFFFFB0, s19  }
0x153: {  	v49 =	vor.u32 s26, v1;
	[tilespmem:v45+s10+$0x0] =	vst.idx.msk vm10, v5  }
0x154: {  	[tilespmem:v5+s13+$0x0] =	vst.idx.msk $0xffff, v49  }
0x155: {  	v5 =	vld.idx.msk [tilespmem:v48+s10+$0x0], $0xffff;
	_ =	sdelay $0x2  }
0x156: {  	v50 =	vshrl.u32 v16, $0xB;
	vm11 =	vgt.u32 v16, $0xFFFF  }
0x157: {  	v7 =	vand.u32 $0x1F, v50  }
0x158: {  	v5 =	vadd.s32 v7, v5  }
0x159: {  	v51 =	vand.u32 $0x7FF, v17;
	_ =	sdelay $0x1  }
0x15a: {  	s28 =	sadd.s32 $0xFFFFFFC0, s19  }
0x15b: {  	v52 =	vor.u32 s28, v1;
	[tilespmem:v48+s10+$0x0] =	vst.idx.msk vm11, v5  }
0x15c: {  	[tilespmem:v5+s13+$0x0] =	vst.idx.msk $0xffff, v52  }
0x15d: {  	v5 =	vld.idx.msk [tilespmem:v51+s10+$0x0], $0xffff;
	_ =	sdelay $0x2  }
0x15e: {  	v53 =	vshrl.u32 v17, $0xB;
	vm12 =	vgt.u32 v17, $0xFFFF  }
0x15f: {  	v6 =	vand.u32 $0x1F, v53  }
0x160: {  	v5 =	vadd.s32 v6, v5  }
0x161: {  	v54 =	vand.u32 $0x7FF, v59;
	_ =	sdelay $0x1  }
0x162: {  	s29 =	sadd.s32 $0xFFFFFFD0, s19  }
0x163: {  	v55 =	vor.u32 s29, v1;
	[tilespmem:v51+s10+$0x0] =	vst.idx.msk vm12, v5  }
0x164: {  	[tilespmem:v5+s13+$0x0] =	vst.idx.msk $0xffff, v55  }
0x165: {  	v5 =	vld.idx.msk [tilespmem:v54+s10+$0x0], $0xffff;
	_ =	sdelay $0x2  }
0x166: {  	v56 =	vshrl.u32 v59, $0xB;
	vm13 =	vgt.u32 v59, $0xFFFF  }
0x167: {  	v57 =	vand.u32 $0x1F, v56  }
0x168: {  	v4 =	vadd.s32 v57, v5  }
0x169: {  	v58 =	vand.u32 $0x7FF, v3;
	_ =	sdelay $0x1  }
0x16a: {  	s30 =	sadd.s32 $0xFFFFFFE0, s19  }
0x16b: {  	v59 =	vor.u32 s30, v1;
	[tilespmem:v54+s10+$0x0] =	vst.idx.msk vm13, v4  }
0x16c: {  	[tilespmem:v4+s13+$0x0] =	vst.idx.msk $0xffff, v59  }
0x16d: {  	v4 =	vld.idx.msk [tilespmem:v58+s10+$0x0], $0xffff;
	_ =	sdelay $0x2  }
0x16e: {  	v60 =	vshrl.u32 v3, $0xB;
	vm14 =	vgt.u32 v3, $0xFFFF  }
0x16f: {  	v3 =	vand.u32 $0x1F, v60  }
0x170: {  	v3 =	vadd.s32 v3, v4  }
0x171: {  	v61 =	vand.u32 $0x7FF, v2;
	_ =	sdelay $0x1  }
0x172: {  	s31 =	sadd.s32 $0xFFFFFFF0, s19  }
0x173: {  	v62 =	vor.u32 s31, v1;
	[tilespmem:v58+s10+$0x0] =	vst.idx.msk vm14, v3  }
0x174: {  	[tilespmem:v3+s13+$0x0] =	vst.idx.msk $0xffff, v62  }
0x175: {  	v3 =	vld.idx.msk [tilespmem:v61+s10+$0x0], $0xffff;
	_ =	sdelay $0x2  }
0x176: {  	v63 =	vshrl.u32 v2, $0xB;
	vm15 =	vgt.u32 v2, $0xFFFF  }
0x177: {  	v2 =	vand.u32 $0x1F, v63  }
0x178: {  	p0 =	sne.s32 s19, $0x3FF0;
	v2 =	vadd.s32 v2, v3  }
.Ltmp8:
0x179: {  	_ = 	snop;
	(pc) =	sbr.rel @p0 .LBB2_15-.Ltmp8, $3  }
0x17a: {  	_ =	sdelay $0x1  }
0x17b: {  	v3 =	vor.u32 s19, v1;
	[tilespmem:v61+s10+$0x0] =	vst.idx.msk vm15, v2  }
0x17c: {  	s18 =	sadd.s32 $0x100, s18;
	s19 =	sadd.s32 $0x100, s19;
	[tilespmem:v2+s13+$0x0] =	vst.idx.msk $0xffff, v3  }
0x17d: {  	s20 =	simm.s32 $0x0  }
0x17e: {  	v2 =	vld [tilespmem:s20+$0x4040]  }
0x17f: {  	v3 =	vld [tilespmem:s20+$0x4050]  }
0x180: {  	v4 =	vld [tilespmem:s20+$0x4030]  }
0x181: {  	v6 =	vld [tilespmem:s20+$0x4070];
	_ =	sdelay $0x1  }
0x182: {  	v7 =	vld [tilespmem:s20+$0x4020];
	v9 =	vand.u32 $0x7FF, v2  }
0x183: {  	v8 =	vld [tilespmem:s20+$0x4060];
	v13 =	vand.u32 $0x7FF, v3;
	(xrf1) =	vunique.msk.u32 $0xffff, v9  }
0x184: {  	v2 =	vld [tilespmem:s20+$0x4000];
	v5 =	vand.u32 $0x7FF, v4;
	(xrf1) =	vunique.msk.u32 $0xffff, v13  }
0x185: {  	v14 =	vand.u32 $0x7FF, v6;
	v3 =	vld [tilespmem:s20+$0x4010];
	(xrf1) =	vunique.msk.u32 $0xffff, v5  }
0x186: {  	(xrf1) =	vunique.msk.u32 $0xffff, v14;
	_ =	sdelay $0x1  }
0x187: {  	v18 =	vand.u32 $0x7FF, v7  }
0x188: {  	s18 =	simm.s32 $0x80;
	v15 =	vand.u32 $0x7FF, v8;
	(xrf1) =	vunique.msk.u32 $0xffff, v18  }
0x189: {  	v20 =	vand.u32 $0x7FF, v2;
	v8 =	vand.u32 $0x7FF, v3;
	v3 =	vld [tilespmem:s18+$0x4040];
	(xrf1) =	vunique.msk.u32 $0xffff, v15  }
0x18a: {  	(xrf1) =	vunique.msk.u32 $0xffff, v20  }
0x18b: {  	v4 =	vld [tilespmem:s18+$0x4050]  }
0x18c: {  	v10 =	vld [tilespmem:s18+$0x4020]  }
0x18d: {  	v6 =	vld [tilespmem:s18+$0x4030]  }
0x18e: {  	v2 =	vld [tilespmem:s18+$0x4070];
	(xrf1) =	vunique.msk.u32 $0xffff, v8;
	v11 =	vand.u32 $0x7FF, v3  }
0x18f: {  	v17 =	vld [tilespmem:s18+$0x4000];
	(xrf1) =	vunique.msk.u32 $0xffff, v11  }
0x190: {  	v16 =	vld [tilespmem:s18+$0x4010];
	v3 =	vand.u32 $0x7FF, v4;
	_, v4, vm1 =	vpop (xrf1)  }
0x191: {  	v7 =	vld [tilespmem:s18+$0x4060];
	_, v19, vm2 =	vpop (xrf1)  }
0x192: {  	v6 =	vand.u32 $0x7FF, v6;
	(xrf1) =	vunique.msk.u32 $0xffff, v3;
	v22 =	vshll.u32 v4, $0xB;
	v23 =	vsel vm1, $0x10000, v0;
	_, v21, vm0 =	vpop (xrf1)  }
0x193: {  	v12 =	vand.u32 $0x7FF, v2;
	(xrf1) =	vunique.msk.u32 $0xffff, v6;
	v4 =	vand.u32 $0x7FF, v10;
	v10 =	vor.u32 v22, v23;
	_, v24, vm1 =	vpop (xrf1)  }
0x194: {  	(xrf1) =	vunique.msk.u32 $0xffff, v12;
	v9 =	vor.u32 v9, v10;
	v10 =	vand.u32 $0x7FF, v17;
	v17 =	vshll.u32 v24, $0xB  }
0x195: {  	s19 =	simm.s32 $0x100;
	(xrf1) =	vunique.msk.u32 $0xffff, v4  }
0x196: {  	v29 =	vld [tilespmem:s19+$0x4040];
	v7 =	vand.u32 $0x7FF, v7;
	v2 =	vand.u32 $0x7FF, v16;
	_, v22, vm3 =	vpop (xrf1)  }
0x197: {  	v28 =	vsel vm2, $0x10000, v0;
	v23 =	vshll.u32 v21, $0xB;
	(xrf1) =	vunique.msk.u32 $0xffff, v7;
	v16 =	vsel vm1, $0x10000, v0;
	v24 =	vld [tilespmem:s19+$0x4060];
	_, v25, vm1 =	vpop (xrf1)  }
0x198: {  	v21 =	vld [tilespmem:s19+$0x4070];
	(xrf1) =	vunique.msk.u32 $0xffff, v10;
	v16 =	vor.u32 v17, v16;
	v26 =	vsel vm1, $0x10000, v0;
	v25 =	vshll.u32 v25, $0xB;
	_, v17, vm1 =	vpop (xrf1)  }
0x199: {  	(xrf1) =	vunique.msk.u32 $0xffff, v2;
	v14 =	vor.u32 v14, v16;
	v16 =	vshll.u32 v17, $0xB;
	v17 =	vor.u32 v25, v26;
	v26 =	vld [tilespmem:s19+$0x4020]  }
0x19a: {  	v27 =	vld [tilespmem:s19+$0x4050];
	v19 =	vshll.u32 v19, $0xB;
	v22 =	vshll.u32 v22, $0xB;
	v30 =	vsel vm1, $0x10000, v0  }
0x19b: {  	v31 =	vld [tilespmem:s19+$0x4030];
	[tilespmem:s20+$0x18040] =	vst v9;
	v15 =	vor.u32 v15, v17;
	v17 =	vor.u32 v19, v28;
	v19 =	vand.u32 $0x7FF, v29  }
0x19c: {  	v28 =	vld [tilespmem:s19+$0x4010];
	_, v25, vm2 =	vpop (xrf1);
	[tilespmem:s20+$0x18060] =	vst v15;
	v15 =	vor.u32 v16, v30;
	v9 =	vor.u32 v13, v17;
	v13 =	vand.u32 $0x7FF, v24  }
0x19d: {  	[tilespmem:s20+$0x18070] =	vst v14;
	v16 =	vand.u32 $0x7FF, v21;
	v24 =	vsel vm0, $0x10000, v0;
	v32 =	vshll.u32 v25, $0xB;
	_, v14, vm0 =	vpop (xrf1)  }
0x19e: {  	(xrf1) =	vunique.msk.u32 $0xffff, v19;
	v25 =	vsel vm3, $0x10000, v0;
	v17 =	vand.u32 $0x7FF, v26;
	v26 =	vshll.u32 v14, $0xB  }
0x19f: {  	v63 =	vsel vm2, $0x10000, v0;
	[tilespmem:s20+$0x18050] =	vst v9;
	v9 =	vand.u32 $0x7FF, v27;
	v21 =	vor.u32 v20, v15  }
0x1a0: {  	v15 =	vand.u32 $0x7FF, v31;
	v22 =	vor.u32 v22, v25;
	(xrf1) =	vunique.msk.u32 $0xffff, v9;
	_, v20, vm1 =	vpop (xrf1);
	v25 =	vor.u32 v23, v24;
	v24 =	vld [tilespmem:s19+$0x4000]  }
0x1a1: {  	v27 =	vsel vm0, $0x10000, v0;
	(xrf1) =	vunique.msk.u32 $0xffff, v15;
	v23 =	vor.u32 v18, v22;
	v14 =	vand.u32 $0x7FF, v28;
	_, v28, vm0 =	vpop (xrf1)  }
0x1a2: {  	s21 =	simm.s32 $0x10;
	s22 =	simm.s32 $0x600;
	v22 =	vor.u32 v32, v63;
	(xrf1) =	vunique.msk.u32 $0xffff, v16;
	v27 =	vor.u32 v26, v27;
	v18 =	vshll.u32 v28, $0xB;
	_, v26, vm2 =	vpop (xrf1)  }
.LBB2_17:
0x1a3: {  	(xrf1) =	vunique.msk.u32 $0xffff, v17;
	v27 =	vor.u32 v11, v27;
	v28 =	vsel vm2, $0x10000, v0;
	_, v29, vm2 =	vpop (xrf1);
	v25 =	vor.u32 v5, v25  }
0x1a4: {  	s23 =	sshra.s32 s22, $0x2;
	s21 =	sadd.s32 $0x8, s21;
	v30 =	vmovc v10;
	v11 =	vmovc v19;
	v31 =	vmov v4;
	v4 =	vmov v17;
	v5 =	vmov v6  }
0x1a5: {  	v6 =	vshll.u32 v26, $0xB;
	v17 =	vld [tilespmem:s23+$0x4070];
	p0 =	slt.u32 s21, $0x3F8;
	v10 =	vand.u32 $0x7FF, v24;
	(xrf1) =	vunique.msk.u32 $0xffff, v13;
	_, v19, vm3 =	vpop (xrf1);
	[tilespmem:s20+$0x18020] =	vst v23  }
0x1a6: {  	v6 =	vor.u32 v6, v28;
	v23 =	vld [tilespmem:s23+$0x4060];
	(xrf1) =	vunique.msk.u32 $0xffff, v10;
	v24 =	vsel vm3, $0x10000, v0;
	_, v26, vm3 =	vpop (xrf1);
	[tilespmem:s20+$0x18000] =	vst v21  }
0x1a7: {  	v28 =	vsel vm1, $0x10000, v0;
	v19 =	vshll.u32 v19, $0xB;
	v32 =	vor.u32 v12, v6;
	v21 =	vld [tilespmem:s23+$0x4050];
	(xrf1) =	vunique.msk.u32 $0xffff, v14;
	_, v33, vm1 =	vpop (xrf1)  }
0x1a8: {  	v35 =	vor.u32 v8, v22;
	v12 =	vmovc v16;
	v26 =	vshll.u32 v26, $0xB;
	v24 =	vor.u32 v19, v24;
	v34 =	vld [tilespmem:s23+$0x4040];
	[tilespmem:s20+$0x18030] =	vst v25  }
0x1a9: {  	v16 =	vsel vm3, $0x10000, v0;
	v19 =	vshll.u32 v20, $0xB;
	v20 =	vor.u32 v7, v24;
	v7 =	vmovc v13;
	v6 =	vmovc v15;
	v22 =	vld [tilespmem:s23+$0x4020];
	[tilespmem:s20+$0x18010] =	vst v35;
	s20 =	smov.u32 s18;
	s18 =	smov.u32 s19;
	s19 =	smov.u32 s23  }
0x1aa: {  	v8 =	vmovc v2;
	v2 =	vmovc v14;
	v33 =	vshll.u32 v33, $0xB;
	v25 =	vsel vm2, $0x10000, v0;
	v13 =	vor.u32 v19, v28;
	v15 =	vld [tilespmem:s19+$0x4030];
	[tilespmem:s20+$0x18060] =	vst v20  }
0x1ab: {  	v28 =	vsel vm1, $0x10000, v0;
	v19 =	vor.u32 v3, v13;
	v3 =	vmovc v9;
	v20 =	vor.u32 v26, v16;
	v14 =	vld [tilespmem:s19+$0x4010];
	[tilespmem:s20+$0x18040] =	vst v27  }
0x1ac: {  	v16 =	vand.u32 $0x7FF, v17;
	v13 =	vand.u32 $0x7FF, v23;
	v23 =	vsel vm0, $0x10000, v0;
	[tilespmem:s20+$0x18050] =	vst v19  }
.Ltmp9:
0x1ad: {  	v26 =	vshll.u32 v29, $0xB;
	v9 =	vand.u32 $0x7FF, v21;
	v19 =	vand.u32 $0x7FF, v34;
	[tilespmem:s20+$0x18070] =	vst v32;
	(pc) =	sbr.rel @p0 .LBB2_17-.Ltmp9, $4  }
0x1ae: {  	v29 =	vor.u32 v26, v25;
	v21 =	vor.u32 v30, v20;
	v24 =	vld [tilespmem:s19+$0x4000];
	v17 =	vand.u32 $0x7FF, v22;
	(xrf1) =	vunique.msk.u32 $0xffff, v19;
	_, v22, vm0 =	vpop (xrf1)  }
0x1af: {  	v25 =	vor.u32 v18, v23;
	v15 =	vand.u32 $0x7FF, v15;
	(xrf1) =	vunique.msk.u32 $0xffff, v9;
	v22 =	vshll.u32 v22, $0xB;
	_, v20, vm1 =	vpop (xrf1)  }
0x1b0: {  	v23 =	vor.u32 v31, v29;
	v27 =	vsel vm0, $0x10000, v0;
	v14 =	vand.u32 $0x7FF, v14;
	(xrf1) =	vunique.msk.u32 $0xffff, v15;
	_, v18, vm0 =	vpop (xrf1)  }
0x1b1: {  	s22 =	sadd.s32 $0x200, s22;
	v27 =	vor.u32 v22, v27;
	v22 =	vor.u32 v33, v28;
	(xrf1) =	vunique.msk.u32 $0xffff, v16;
	v18 =	vshll.u32 v18, $0xB;
	_, v26, vm2 =	vpop (xrf1)  }
0x1b2: {  	(xrf1) =	vunique.msk.u32 $0xffff, v17  }
0x1b3: {  	v28 =	vsel vm2, $0x10000, v0;
	v26 =	vshll.u32 v26, $0xB;
	v11 =	vor.u32 v11, v27;
	(xrf1) =	vunique.msk.u32 $0xffff, v13  }
0x1b4: {  	_, v29, vm15 =	vpop (xrf1);
	v5 =	vor.u32 v5, v25;
	[tilespmem:s20+$0x18020] =	vst v23;
	v8 =	vor.u32 v8, v22;
	v24 =	vand.u32 $0x7FF, v24  }
0x1b5: {  	v20 =	vshll.u32 v20, $0xB;
	v40 =	vsel vm0, $0x10000, v0;
	_, v30, vm3 =	vpop (xrf1);
	v60 =	vor.u32 v26, v28;
	(xrf1) =	vunique.msk.u32 $0xffff, v24  }
0x1b6: {  	[tilespmem:s20+$0x18000] =	vst v21;
	v35 =	vsel vm15, $0x10000, v0;
	v41 =	vshll.u32 v29, $0xB;
	v61 =	vsel vm3, $0x10000, v0  }
0x1b7: {  	v12 =	vor.u32 v12, v60;
	_, v62, vm6 =	vpop (xrf1);
	v63 =	vshll.u32 v30, $0xB;
	v30 =	vsel vm1, $0x10000, v0;
	(xrf1) =	vunique.msk.u32 $0xffff, v14  }
0x1b8: {  	[tilespmem:s20+$0x18010] =	vst v8;
	v8 =	vor.u32 v41, v35;
	v25 =	vshll.u32 v62, $0xB;
	v26 =	vor.u32 v63, v61  }
0x1b9: {  	[tilespmem:s20+$0x18030] =	vst v5;
	_, v31, vm7 =	vpop (xrf1);
	v32 =	vsel vm6, $0x10000, v0;
	v36 =	vor.u32 v20, v30;
	v4 =	vor.u32 v4, v8  }
0x1ba: {  	[tilespmem:s18+$0x18040] =	vst v11;
	v33 =	vor.u32 v7, v26;
	v34 =	vshll.u32 v31, $0xB;
	v3 =	vor.u32 v3, v36  }
0x1bb: {  	v37 =	vor.u32 v25, v32;
	v38 =	vsel vm7, $0x10000, v0;
	[tilespmem:s18+$0x18050] =	vst v3;
	v3 =	vor.u32 v18, v40  }
0x1bc: {  	[tilespmem:s18+$0x18070] =	vst v12;
	v10 =	vor.u32 v10, v37;
	v7 =	vor.u32 v34, v38;
	v3 =	vor.u32 v6, v3;
	_, v39, vm8 =	vpop (xrf1)  }
0x1bd: {  	[tilespmem:s18+$0x18020] =	vst v4;
	v2 =	vor.u32 v2, v7;
	_, v42, vm9 =	vpop (xrf1);
	v43 =	vshll.u32 v39, $0xB;
	v45 =	vsel vm8, $0x10000, v0  }
0x1be: {  	[tilespmem:s18+$0x18060] =	vst v33;
	_, v44, vm10 =	vpop (xrf1);
	v5 =	vor.u32 v43, v45;
	v53 =	vsel vm9, $0x10000, v0;
	v54 =	vshll.u32 v42, $0xB  }
0x1bf: {  	[tilespmem:s18+$0x18000] =	vst v10;
	_, v46, vm11 =	vpop (xrf1);
	v47 =	vshll.u32 v44, $0xB;
	v5 =	vor.u32 v19, v5;
	v55 =	vor.u32 v54, v53  }
0x1c0: {  	[tilespmem:s18+$0x18030] =	vst v3;
	v61 =	vsel vm10, $0x10000, v0;
	_, v48, vm12 =	vpop (xrf1);
	v49 =	vsel vm11, $0x10000, v0;
	v51 =	vshll.u32 v46, $0xB  }
0x1c1: {  	[tilespmem:s19+$0x18040] =	vst v5;
	v5 =	vor.u32 v47, v61;
	_, v50, vm13 =	vpop (xrf1);
	v4 =	vor.u32 v51, v49;
	v57 =	vsel vm12, $0x10000, v0  }
0x1c2: {  	[tilespmem:s18+$0x18010] =	vst v2;
	v58 =	vshll.u32 v48, $0xB;
	v63 =	vor.u32 v15, v5;
	v52 =	vsel vm13, $0x10000, v0  }
0x1c3: {  	v6 =	vshll.u32 v50, $0xB;
	_, v3, vm14 =	vpop (xrf1);
	v2 =	vor.u32 v16, v4;
	v4 =	vor.u32 v9, v55;
	[tilespmem:s19+$0x18030] =	vst v63  }
0x1c4: {  	v60 =	vor.u32 v58, v57;
	v6 =	vor.u32 v6, v52;
	v3 =	vshll.u32 v3, $0xB;
	[tilespmem:s19+$0x18050] =	vst v4  }
0x1c5: {  	_, v56, vm15 =	vpop (xrf1);
	v59 =	vsel vm14, $0x10000, v0;
	[tilespmem:s19+$0x18070] =	vst v2;
	v2 =	vor.u32 v17, v60;
	v6 =	vor.u32 v13, v6  }
0x1c6: {  	v3 =	vor.u32 v3, v59;
	v62 =	vsel vm15, $0x10000, v0;
	[tilespmem:s19+$0x18060] =	vst v6;
	v6 =	vshll.u32 v56, $0xB  }
0x1c7: {  	[tilespmem:s19+$0x18020] =	vst v2;
	v3 =	vor.u32 v24, v3;
	v2 =	vor.u32 v6, v62  }
0x1c8: {  	[tilespmem:s19+$0x18000] =	vst v3;
	v2 =	vor.u32 v14, v2  }
0x1c9: {  	s20 =	simm.s32 $0x4000;
	s18 =	simm.s32 $0x18080;
	[tilespmem:s19+$0x18010] =	vst v2  }
.LBB2_19:
0x1ca: {  	v2 =	vld [tilespmem:s18+$0xFFFFFF80];
	_ =	sdelay $0x3  }
0x1cb: {  	v5 =	vld [tilespmem:s18+$0xFFFFFF90]  }
0x1cc: {  	v6 =	vld [tilespmem:s18+$0xFFFFFFA0];
	v8 =	vand.u32 $0x7FF, v2  }
0x1cd: {  	v7 =	vld [tilespmem:s18+$0xFFFFFFB0]  }
0x1ce: {  	v9 =	vld [tilespmem:s18+$0xFFFFFFC0]  }
0x1cf: {  	v10 =	vld [tilespmem:s18+$0xFFFFFFD0]  }
0x1d0: {  	v11 =	vld [tilespmem:s18+$0xFFFFFFE0]  }
0x1d1: {  	v3 =	vld.idx.msk [tilespmem:v8+s10+$0x0], $0xffff  }
0x1d2: {  	v12 =	vld [tilespmem:s18+$0xFFFFFFF0]  }
0x1d3: {  	v13 =	vld [tilespmem:s18+$0x0]  }
0x1d4: {  	v14 =	vld [tilespmem:s18+$0x10];
	v4 =	vshrl.u32 v2, $0xB;
	vm0 =	vgt.u32 v2, $0xFFFF  }
0x1d5: {  	v15 =	vld [tilespmem:s18+$0x20];
	v2 =	vand.u32 $0x1F, v4  }
0x1d6: {  	v16 =	vld [tilespmem:s18+$0x30];
	v18 =	vadd.s32 v2, v3  }
0x1d7: {  	v17 =	vld [tilespmem:s18+$0x40];
	v19 =	vand.u32 $0x7FF, v5  }
0x1d8: {  	v59 =	vld [tilespmem:s18+$0x50]  }
0x1d9: {  	v3 =	vld [tilespmem:s18+$0x60]  }
0x1da: {  	v20 =	vor.u32 s20, v1;
	v2 =	vld [tilespmem:s18+$0x70];
	[tilespmem:v8+s10+$0x0] =	vst.idx.msk vm0, v18  }
0x1db: {  	[tilespmem:v18+s13+$0x0] =	vst.idx.msk $0xffff, v20  }
0x1dc: {  	v8 =	vld.idx.msk [tilespmem:v19+s10+$0x0], $0xffff;
	_ =	sdelay $0x2  }
0x1dd: {  	v60 =	vshrl.u32 v5, $0xB;
	vm13 =	vgt.u32 v5, $0xFFFF  }
0x1de: {  	v61 =	vand.u32 $0x1F, v60  }
0x1df: {  	v5 =	vadd.s32 v61, v8  }
0x1e0: {  	v62 =	vand.u32 $0x7FF, v6;
	_ =	sdelay $0x1  }
0x1e1: {  	s19 =	sadd.s32 $0x10, s20  }
0x1e2: {  	v63 =	vor.u32 s19, v1;
	[tilespmem:v19+s10+$0x0] =	vst.idx.msk vm13, v5  }
0x1e3: {  	[tilespmem:v5+s13+$0x0] =	vst.idx.msk $0xffff, v63  }
0x1e4: {  	v5 =	vld.idx.msk [tilespmem:v62+s10+$0x0], $0xffff;
	_ =	sdelay $0x2  }
0x1e5: {  	v21 =	vshrl.u32 v6, $0xB;
	vm14 =	vgt.u32 v6, $0xFFFF  }
0x1e6: {  	v22 =	vand.u32 $0x1F, v21  }
0x1e7: {  	v5 =	vadd.s32 v22, v5  }
0x1e8: {  	v23 =	vand.u32 $0x7FF, v7;
	_ =	sdelay $0x1  }
0x1e9: {  	s28 =	sadd.s32 $0x20, s20  }
0x1ea: {  	v24 =	vor.u32 s28, v1;
	[tilespmem:v62+s10+$0x0] =	vst.idx.msk vm14, v5  }
0x1eb: {  	[tilespmem:v5+s13+$0x0] =	vst.idx.msk $0xffff, v24  }
0x1ec: {  	v5 =	vld.idx.msk [tilespmem:v23+s10+$0x0], $0xffff;
	_ =	sdelay $0x2  }
0x1ed: {  	v25 =	vshrl.u32 v7, $0xB;
	vm15 =	vgt.u32 v7, $0xFFFF  }
0x1ee: {  	v26 =	vand.u32 $0x1F, v25  }
0x1ef: {  	v5 =	vadd.s32 v26, v5  }
0x1f0: {  	v27 =	vand.u32 $0x7FF, v9;
	_ =	sdelay $0x1  }
0x1f1: {  	s29 =	sadd.s32 $0x30, s20  }
0x1f2: {  	v28 =	vor.u32 s29, v1;
	[tilespmem:v23+s10+$0x0] =	vst.idx.msk vm15, v5  }
0x1f3: {  	[tilespmem:v5+s13+$0x0] =	vst.idx.msk $0xffff, v28  }
0x1f4: {  	v5 =	vld.idx.msk [tilespmem:v27+s10+$0x0], $0xffff;
	_ =	sdelay $0x2  }
0x1f5: {  	v29 =	vshrl.u32 v9, $0xB;
	vm4 =	vgt.u32 v9, $0xFFFF  }
0x1f6: {  	v6 =	vand.u32 $0x1F, v29  }
0x1f7: {  	v5 =	vadd.s32 v6, v5  }
0x1f8: {  	v30 =	vand.u32 $0x7FF, v10;
	_ =	sdelay $0x1  }
0x1f9: {  	s30 =	sadd.s32 $0x40, s20  }
0x1fa: {  	v31 =	vor.u32 s30, v1;
	[tilespmem:v27+s10+$0x0] =	vst.idx.msk vm4, v5  }
0x1fb: {  	[tilespmem:v5+s13+$0x0] =	vst.idx.msk $0xffff, v31  }
0x1fc: {  	v5 =	vld.idx.msk [tilespmem:v30+s10+$0x0], $0xffff;
	_ =	sdelay $0x2  }
0x1fd: {  	v32 =	vshrl.u32 v10, $0xB;
	vm5 =	vgt.u32 v10, $0xFFFF  }
0x1fe: {  	v7 =	vand.u32 $0x1F, v32  }
0x1ff: {  	v5 =	vadd.s32 v7, v5  }
0x200: {  	v33 =	vand.u32 $0x7FF, v11;
	_ =	sdelay $0x1  }
0x201: {  	s31 =	sadd.s32 $0x50, s20  }
0x202: {  	v34 =	vor.u32 s31, v1;
	[tilespmem:v30+s10+$0x0] =	vst.idx.msk vm5, v5  }
0x203: {  	[tilespmem:v5+s13+$0x0] =	vst.idx.msk $0xffff, v34  }
0x204: {  	v5 =	vld.idx.msk [tilespmem:v33+s10+$0x0], $0xffff;
	_ =	sdelay $0x2  }
0x205: {  	v35 =	vshrl.u32 v11, $0xB;
	vm6 =	vgt.u32 v11, $0xFFFF  }
0x206: {  	v6 =	vand.u32 $0x1F, v35  }
0x207: {  	v5 =	vadd.s32 v6, v5  }
0x208: {  	v36 =	vand.u32 $0x7FF, v12;
	_ =	sdelay $0x1  }
0x209: {  	s21 =	sadd.s32 $0x60, s20  }
0x20a: {  	v37 =	vor.u32 s21, v1;
	[tilespmem:v33+s10+$0x0] =	vst.idx.msk vm6, v5  }
0x20b: {  	[tilespmem:v5+s13+$0x0] =	vst.idx.msk $0xffff, v37  }
0x20c: {  	v5 =	vld.idx.msk [tilespmem:v36+s10+$0x0], $0xffff;
	_ =	sdelay $0x2  }
0x20d: {  	v38 =	vshrl.u32 v12, $0xB;
	vm7 =	vgt.u32 v12, $0xFFFF  }
0x20e: {  	v7 =	vand.u32 $0x1F, v38  }
0x20f: {  	v5 =	vadd.s32 v7, v5  }
0x210: {  	v39 =	vand.u32 $0x7FF, v13;
	_ =	sdelay $0x1  }
0x211: {  	s22 =	sadd.s32 $0x70, s20  }
0x212: {  	v40 =	vor.u32 s22, v1;
	[tilespmem:v36+s10+$0x0] =	vst.idx.msk vm7, v5  }
0x213: {  	[tilespmem:v5+s13+$0x0] =	vst.idx.msk $0xffff, v40  }
0x214: {  	v5 =	vld.idx.msk [tilespmem:v39+s10+$0x0], $0xffff;
	_ =	sdelay $0x2  }
0x215: {  	v41 =	vshrl.u32 v13, $0xB;
	vm8 =	vgt.u32 v13, $0xFFFF  }
0x216: {  	v6 =	vand.u32 $0x1F, v41  }
0x217: {  	v5 =	vadd.s32 v6, v5  }
0x218: {  	v42 =	vand.u32 $0x7FF, v14;
	_ =	sdelay $0x1  }
0x219: {  	s23 =	sadd.s32 $0x80, s20  }
0x21a: {  	v43 =	vor.u32 s23, v1;
	[tilespmem:v39+s10+$0x0] =	vst.idx.msk vm8, v5  }
0x21b: {  	[tilespmem:v5+s13+$0x0] =	vst.idx.msk $0xffff, v43  }
0x21c: {  	v5 =	vld.idx.msk [tilespmem:v42+s10+$0x0], $0xffff;
	_ =	sdelay $0x2  }
0x21d: {  	v44 =	vshrl.u32 v14, $0xB;
	vm9 =	vgt.u32 v14, $0xFFFF  }
0x21e: {  	v7 =	vand.u32 $0x1F, v44  }
0x21f: {  	v5 =	vadd.s32 v7, v5  }
0x220: {  	v45 =	vand.u32 $0x7FF, v15;
	_ =	sdelay $0x1  }
0x221: {  	s24 =	sadd.s32 $0x90, s20  }
0x222: {  	v46 =	vor.u32 s24, v1;
	[tilespmem:v42+s10+$0x0] =	vst.idx.msk vm9, v5  }
0x223: {  	[tilespmem:v5+s13+$0x0] =	vst.idx.msk $0xffff, v46  }
0x224: {  	v5 =	vld.idx.msk [tilespmem:v45+s10+$0x0], $0xffff;
	_ =	sdelay $0x2  }
0x225: {  	v47 =	vshrl.u32 v15, $0xB;
	vm10 =	vgt.u32 v15, $0xFFFF  }
0x226: {  	v6 =	vand.u32 $0x1F, v47  }
0x227: {  	v5 =	vadd.s32 v6, v5  }
0x228: {  	v48 =	vand.u32 $0x7FF, v16;
	_ =	sdelay $0x1  }
0x229: {  	s25 =	sadd.s32 $0xA0, s20  }
0x22a: {  	v49 =	vor.u32 s25, v1;
	[tilespmem:v45+s10+$0x0] =	vst.idx.msk vm10, v5  }
0x22b: {  	[tilespmem:v5+s13+$0x0] =	vst.idx.msk $0xffff, v49  }
0x22c: {  	v5 =	vld.idx.msk [tilespmem:v48+s10+$0x0], $0xffff;
	_ =	sdelay $0x2  }
0x22d: {  	v50 =	vshrl.u32 v16, $0xB;
	vm11 =	vgt.u32 v16, $0xFFFF  }
0x22e: {  	v7 =	vand.u32 $0x1F, v50  }
0x22f: {  	v5 =	vadd.s32 v7, v5  }
0x230: {  	v51 =	vand.u32 $0x7FF, v17;
	_ =	sdelay $0x1  }
0x231: {  	s26 =	sadd.s32 $0xB0, s20  }
0x232: {  	v52 =	vor.u32 s26, v1;
	[tilespmem:v48+s10+$0x0] =	vst.idx.msk vm11, v5  }
0x233: {  	[tilespmem:v5+s13+$0x0] =	vst.idx.msk $0xffff, v52  }
0x234: {  	v5 =	vld.idx.msk [tilespmem:v51+s10+$0x0], $0xffff;
	_ =	sdelay $0x2  }
0x235: {  	v53 =	vshrl.u32 v17, $0xB;
	vm12 =	vgt.u32 v17, $0xFFFF  }
0x236: {  	v6 =	vand.u32 $0x1F, v53  }
0x237: {  	v5 =	vadd.s32 v6, v5  }
0x238: {  	v54 =	vand.u32 $0x7FF, v59;
	_ =	sdelay $0x1  }
0x239: {  	s28 =	sadd.s32 $0xC0, s20  }
0x23a: {  	v55 =	vor.u32 s28, v1;
	[tilespmem:v51+s10+$0x0] =	vst.idx.msk vm12, v5  }
0x23b: {  	[tilespmem:v5+s13+$0x0] =	vst.idx.msk $0xffff, v55  }
0x23c: {  	v5 =	vld.idx.msk [tilespmem:v54+s10+$0x0], $0xffff;
	_ =	sdelay $0x2  }
0x23d: {  	v56 =	vshrl.u32 v59, $0xB;
	vm13 =	vgt.u32 v59, $0xFFFF  }
0x23e: {  	v57 =	vand.u32 $0x1F, v56  }
0x23f: {  	v4 =	vadd.s32 v57, v5  }
0x240: {  	v58 =	vand.u32 $0x7FF, v3;
	_ =	sdelay $0x1  }
0x241: {  	s29 =	sadd.s32 $0xD0, s20  }
0x242: {  	v59 =	vor.u32 s29, v1;
	[tilespmem:v54+s10+$0x0] =	vst.idx.msk vm13, v4  }
0x243: {  	[tilespmem:v4+s13+$0x0] =	vst.idx.msk $0xffff, v59  }
0x244: {  	v4 =	vld.idx.msk [tilespmem:v58+s10+$0x0], $0xffff;
	_ =	sdelay $0x2  }
0x245: {  	v60 =	vshrl.u32 v3, $0xB;
	vm14 =	vgt.u32 v3, $0xFFFF  }
0x246: {  	v3 =	vand.u32 $0x1F, v60  }
0x247: {  	v3 =	vadd.s32 v3, v4  }
0x248: {  	v61 =	vand.u32 $0x7FF, v2;
	_ =	sdelay $0x1  }
0x249: {  	s30 =	sadd.s32 $0xE0, s20  }
0x24a: {  	v62 =	vor.u32 s30, v1;
	[tilespmem:v58+s10+$0x0] =	vst.idx.msk vm14, v3  }
0x24b: {  	[tilespmem:v3+s13+$0x0] =	vst.idx.msk $0xffff, v62  }
0x24c: {  	v3 =	vld.idx.msk [tilespmem:v61+s10+$0x0], $0xffff;
	_ =	sdelay $0x2  }
0x24d: {  	v63 =	vshrl.u32 v2, $0xB;
	vm15 =	vgt.u32 v2, $0xFFFF  }
0x24e: {  	v2 =	vand.u32 $0x1F, v63  }
0x24f: {  	p0 =	sne.s32 s20, $0x7F00;
	v2 =	vadd.s32 v2, v3  }
.Ltmp10:
0x250: {  	_ = 	snop;
	(pc) =	sbr.rel @p0 .LBB2_19-.Ltmp10, $4  }
0x251: {  	_ = 	snop  }
0x252: {  	s31 =	sadd.s32 $0xF0, s20  }
0x253: {  	v3 =	vor.u32 s31, v1;
	[tilespmem:v61+s10+$0x0] =	vst.idx.msk vm15, v2  }
0x254: {  	s20 =	sadd.s32 $0x100, s20;
	s18 =	sadd.s32 $0x100, s18;
	[tilespmem:v2+s13+$0x0] =	vst.idx.msk $0xffff, v3  }
0x255: {  	s21 =	simm.s32 $0x0  }
0x256: {  	v2 =	vld [tilespmem:s21+$0x1C800];
	_ =	sdelay $0x4  }
0x257: {  	(xrf0) =	vadd.scan.msk.s32 $0xffff, v2;
	_ =	sdelay $0x5  }
0x258: {  	v3, _, _ =	vpop (xrf0)  }
0x259: {  	s18 =	simm.s32 $0xFFFFFFFF;
	(v2sf) =	vpush v3, $0xF  }
0x25a: {  	v2 =	vsub.s32 s18, v2  }
0x25b: {  	v2 =	vadd.s32 v3, v2  }
0x25c: {  	s19 =	simm.s32 $0x10;
	s20 =	simm.s32 $0x80;
	[tilespmem:s21+$0x1C800] =	vst v2  }
.LBB2_21:
0x25d: {  	p0 =	sne.s32 s20, $0x1FC0;
	v2 =	vld [tilespmem:s19+$0x1C800];
	_ =	sdelay $0x4  }
0x25e: {  	(xrf0) =	vadd.scan.msk.s32 $0xffff, v2;
	_ =	sdelay $0x5  }
.Ltmp11:
0x25f: {  	v3, _, _ =	vpop (xrf0);
	s21 =	spop (v2sf);
	(pc) =	sbr.rel @p0 .LBB2_21-.Ltmp11, $4  }
0x260: {  	(v2sf) =	vpush v3, $0xF;
	s18 =	sadd.s32 s18, s21  }
0x261: {  	v2 =	vsub.s32 s18, v2  }
0x262: {  	v2 =	vadd.s32 v3, v2  }
0x263: {  	[tilespmem:s19+$0x1C800] =	vst v2;
	s19 =	sshra.s32 s20, $0x2;
	s20 =	sadd.s32 $0x40, s20  }
0x264: {  	_ =	sdelay $0x1  }
0x265: {  	v2 =	vld [tilespmem:s19+$0x1C800];
	_ =	sdelay $0x4  }
0x266: {  	(xrf0) =	vadd.scan.msk.s32 $0xffff, v2;
	_ =	sdelay $0x3  }
0x267: {  	s20 =	spop (v2sf)  }
0x268: {  	s18 =	sadd.s32 s18, s20  }
0x269: {  	v5, _, _ =	vpop (xrf0);
	v2 =	vsub.s32 s18, v2  }
0x26a: {  	v2 =	vadd.s32 v5, v2  }
0x26b: {  	s29 =	simm.s32 $0x8040;
	[tilespmem:s19+$0x1C800] =	vst v2  }
0x26c: {  	v2 =	vld [tilespmem:s29+$0xFFFFFFC0]  }
0x26d: {  	v3 =	vld [tilespmem:s29+$0x30]  }
0x26e: {  	v4 =	vld [tilespmem:s29+$0x20]  }
0x26f: {  	v6 =	vld [tilespmem:s29+$0x10]  }
0x270: {  	v7 =	vld [tilespmem:s29+$0x0]  }
0x271: {  	v8 =	vld [tilespmem:s29+$0xFFFFFFF0]  }
0x272: {  	v9 =	vld [tilespmem:s29+$0xFFFFFFE0]  }
0x273: {  	s30 =	simm.s32 $0x80C0;
	v10 =	vld [tilespmem:s29+$0xFFFFFFD0]  }
0x274: {  	s18 =	simm.s32 $0x0;
	v12 =	vld [tilespmem:s30+$0x30]  }
0x275: {  	v2 =	vld.idx.msk [tilespmem:v2+s18+$0x0], $0xffff  }
0x276: {  	v3 =	vld.idx.msk [tilespmem:v3+s18+$0x0], $0xffff  }
0x277: {  	v4 =	vld.idx.msk [tilespmem:v4+s18+$0x0], $0xffff  }
0x278: {  	v6 =	vld.idx.msk [tilespmem:v6+s18+$0x0], $0xffff  }
0x279: {  	v7 =	vld.idx.msk [tilespmem:v7+s18+$0x0], $0xffff  }
0x27a: {  	v11 =	vld.idx.msk [tilespmem:v8+s18+$0x0], $0xffff;
	v2 =	vshrl.u32 v2, $0xB  }
0x27b: {  	v9 =	vld.idx.msk [tilespmem:v9+s18+$0x0], $0xffff;
	v14 =	vand.u32 $0x7FF, v2;
	v2 =	vshrl.u32 v3, $0xB  }
0x27c: {  	v10 =	vld.idx.msk [tilespmem:v10+s18+$0x0], $0xffff;
	v3 =	vshrl.u32 v4, $0xB;
	v8 =	vand.u32 $0x7FF, v2;
	(xrf1) =	vunique.msk.u32 $0xffff, v14  }
0x27d: {  	v2 =	vld [tilespmem:s30+$0xFFFFFFC0];
	v3 =	vand.u32 $0x7FF, v3;
	(xrf1) =	vunique.msk.u32 $0xffff, v8  }
0x27e: {  	v15 =	vld [tilespmem:s30+$0x20];
	v4 =	vshrl.u32 v6, $0xB;
	(xrf1) =	vunique.msk.u32 $0xffff, v3  }
0x27f: {  	v16 =	vld [tilespmem:s30+$0x10];
	v7 =	vshrl.u32 v7, $0xB;
	v6 =	vand.u32 $0x7FF, v4  }
0x280: {  	v11 =	vshrl.u32 v11, $0xB;
	v4 =	vand.u32 $0x7FF, v7;
	v7 =	vshrl.u32 v9, $0xB;
	v9 =	vld [tilespmem:s30+$0x0];
	(xrf1) =	vunique.msk.u32 $0xffff, v6  }
0x281: {  	v17 =	vld [tilespmem:s30+$0xFFFFFFF0];
	v11 =	vand.u32 $0x7FF, v11;
	(xrf1) =	vunique.msk.u32 $0xffff, v4  }
0x282: {  	(v2sf) =	vpush v5, $0xF;
	v5 =	vld [tilespmem:s30+$0xFFFFFFE0];
	v10 =	vshrl.u32 v10, $0xB;
	v7 =	vand.u32 $0x7FF, v7;
	(xrf1) =	vunique.msk.u32 $0xffff, v11  }
0x283: {  	v18 =	vld [tilespmem:s30+$0xFFFFFFD0];
	v13 =	vand.u32 $0x7FF, v10;
	(xrf1) =	vunique.msk.u32 $0xffff, v7  }
0x284: {  	v19 =	vld.idx.msk [tilespmem:v12+s18+$0x0], $0xffff;
	(xrf1) =	vunique.msk.u32 $0xffff, v13  }
0x285: {  	v2 =	vld.idx.msk [tilespmem:v2+s18+$0x0], $0xffff  }
0x286: {  	v20 =	vld.idx.msk [tilespmem:v15+s18+$0x0], $0xffff  }
0x287: {  	v16 =	vld.idx.msk [tilespmem:v16+s18+$0x0], $0xffff  }
0x288: {  	v9 =	vld.idx.msk [tilespmem:v9+s18+$0x0], $0xffff  }
0x289: {  	v21 =	vld.idx.msk [tilespmem:v17+s18+$0x0], $0xffff  }
0x28a: {  	v24 =	vld.idx.msk [tilespmem:v5+s18+$0x0], $0xffff;
	v2 =	vshrl.u32 v2, $0xB;
	_, v10, vm1 =	vpop (xrf1)  }
0x28b: {  	v18 =	vld.idx.msk [tilespmem:v18+s18+$0x0], $0xffff;
	v17 =	vshll.u32 v10, $0xB;
	_, v12, vm0 =	vpop (xrf1);
	v10 =	vand.u32 $0x7FF, v2;
	v2 =	vshrl.u32 v19, $0xB  }
0x28c: {  	s21 =	simm.s32 $0x8140;
	v5 =	vshrl.u32 v20, $0xB;
	v19 =	vsel vm1, $0x10000, v0;
	_, v15, vm1 =	vpop (xrf1);
	v2 =	vand.u32 $0x7FF, v2;
	(xrf1) =	vunique.msk.u32 $0xffff, v10  }
0x28d: {  	v22 =	vld [tilespmem:s21+$0xFFFFFFC0];
	v16 =	vshrl.u32 v16, $0xB;
	v5 =	vand.u32 $0x7FF, v5;
	v26 =	vshrl.u32 v9, $0xB;
	(xrf1) =	vunique.msk.u32 $0xffff, v2  }
0x28e: {  	v23 =	vld [tilespmem:s21+$0x30];
	v9 =	vand.u32 $0x7FF, v16;
	v16 =	vshrl.u32 v21, $0xB;
	v19 =	vor.u32 v17, v19;
	_, v28, vm2 =	vpop (xrf1);
	(xrf1) =	vunique.msk.u32 $0xffff, v5  }
0x28f: {  	v25 =	vld [tilespmem:s21+$0x20];
	v21 =	vshrl.u32 v24, $0xB;
	v20 =	vor.u32 v14, v19;
	v14 =	vand.u32 $0x7FF, v26;
	_, v17, vm3 =	vpop (xrf1);
	(xrf1) =	vunique.msk.u32 $0xffff, v9  }
0x290: {  	v29 =	vld [tilespmem:s21+$0x0];
	v31 =	vshrl.u32 v18, $0xB;
	v16 =	vand.u32 $0x7FF, v16;
	v18 =	vand.u32 $0x7FF, v21;
	_, v35, vm4 =	vpop (xrf1);
	(xrf1) =	vunique.msk.u32 $0xffff, v14  }
0x291: {  	v21 =	vand.u32 $0x7FF, v31;
	v19 =	vsel vm1, $0x10000, v0;
	v26 =	vld [tilespmem:s21+$0x10];
	v24 =	vshll.u32 v28, $0xB;
	_, v27, vm1 =	vpop (xrf1);
	(xrf1) =	vunique.msk.u32 $0xffff, v16  }
0x292: {  	s23 =	simm.s32 $0x10;
	s22 =	simm.s32 $0x0;
	v30 =	vld [tilespmem:s21+$0xFFFFFFF0];
	v32 =	vsel vm2, $0x10000, v0;
	v33 =	vsel vm4, $0x10000, v0;
	v35 =	vshll.u32 v35, $0xB;
	_, v28, vm5 =	vpop (xrf1);
	(xrf1) =	vunique.msk.u32 $0xffff, v18  }
0x293: {  	s20 =	simm.s32 $0x18040;
	s19 =	simm.s32 $0x18040;
	s31 =	spop (v2sf);
	v31 =	vld [tilespmem:s21+$0xFFFFFFE0];
	v34 =	vsel vm5, $0x10000, v0;
	(xrf1) =	vunique.msk.u32 $0xffff, v21;
	v36 =	vshll.u32 v28, $0xB;
	v28 =	vsel vm3, $0x10000, v0  }
.LBB2_23:
0x294: {  	[tilespmem:s19+$0xFFFFFFC0] =	vst v20;
	v20 =	vor.u32 v36, v34;
	v34 =	vsel vm1, $0x10000, v0;
	v33 =	vor.u32 v35, v33;
	v35 =	vmovc v4  }
0x295: {  	s23 =	sadd.s32 $0x8, s23;
	v37 =	vld [tilespmem:s21+$0xFFFFFFD0];
	s20 =	sadd.s32 $0x80, s20;
	v4 =	vmovc v14;
	v14 =	vmovc v7;
	v7 =	vmov v18;
	v18 =	vmov v13;
	v13 =	vmov v21  }
0x296: {  	p0 =	slt.u32 s23, $0x3F8;
	v21 =	vld.idx.msk [tilespmem:v22+s22+$0x0], $0xffff;
	v18 =	vor.u32 v18, v20;
	v20 =	vshll.u32 v27, $0xB;
	v22 =	vor.u32 v11, v33;
	v11 =	vmovc v16  }
0x297: {  	v15 =	vshll.u32 v15, $0xB;
	v16 =	vld.idx.msk [tilespmem:v23+s22+$0x0], $0xffff;
	v20 =	vor.u32 v20, v34;
	[tilespmem:s19+$0xFFFFFFF0] =	vst v22;
	v22 =	vor.u32 v24, v32  }
0x298: {  	v17 =	vshll.u32 v17, $0xB;
	v15 =	vor.u32 v15, v19;
	v23 =	vld.idx.msk [tilespmem:v25+s22+$0x0], $0xffff;
	[tilespmem:s19+$0xFFFFFFD0] =	vst v18;
	v14 =	vor.u32 v14, v20  }
0x299: {  	v22 =	vor.u32 v6, v22;
	v18 =	vld.idx.msk [tilespmem:v26+s22+$0x0], $0xffff;
	[tilespmem:s19+$0xFFFFFFE0] =	vst v14;
	v14 =	vor.u32 v17, v28;
	v17 =	vsel vm0, $0x10000, v0  }
0x29a: {  	v20 =	vshll.u32 v12, $0xB;
	v19 =	vld.idx.msk [tilespmem:v29+s22+$0x0], $0xffff;
	v14 =	vor.u32 v35, v14;
	[tilespmem:s19+$0x10] =	vst v22;
	v22 =	vor.u32 v3, v15  }
0x29b: {  	v6 =	vmov v9;
	v17 =	vor.u32 v20, v17;
	v3 =	vmov v5;
	v24 =	vld.idx.msk [tilespmem:v30+s22+$0x0], $0xffff;
	_, v12, vm0 =	vpop (xrf1);
	[tilespmem:s19+$0x20] =	vst v22  }
0x29c: {  	v5 =	vshrl.u32 v21, $0xB;
	v21 =	vld.idx.msk [tilespmem:v31+s22+$0x0], $0xffff;
	v9 =	vshll.u32 v12, $0xB;
	v20 =	vsel vm0, $0x10000, v0;
	_, v12, vm0 =	vpop (xrf1)  }
0x29d: {  	v8 =	vor.u32 v8, v17;
	v28 =	vand.u32 $0x7FF, v5;
	v5 =	vshrl.u32 v16, $0xB;
	v30 =	vld.idx.msk [tilespmem:v37+s22+$0x0], $0xffff;
	_, v15, vm1 =	vpop (xrf1);
	[tilespmem:s19+$0x0] =	vst v14;
	s22 =	smov.u32 s18  }
0x29e: {  	s21 =	sadd.s32 $0x80, s21;
	v14 =	vshrl.u32 v23, $0xB;
	v37 =	vand.u32 $0x7FF, v5;
	(xrf1) =	vunique.msk.u32 $0xffff, v28;
	_, v29, vm2 =	vpop (xrf1);
	[tilespmem:s19+$0x30] =	vst v8;
	s19 =	smov.u32 s20  }
0x29f: {  	v8 =	vshrl.u32 v18, $0xB;
	v5 =	vand.u32 $0x7FF, v14;
	v14 =	vor.u32 v9, v20;
	v22 =	vld [tilespmem:s21+$0xFFFFFFC0];
	(xrf1) =	vunique.msk.u32 $0xffff, v37;
	_, v17, vm3 =	vpop (xrf1)  }
0x2a0: {  	v16 =	vshrl.u32 v19, $0xB;
	v9 =	vand.u32 $0x7FF, v8;
	v20 =	vor.u32 v10, v14;
	v23 =	vld [tilespmem:s21+$0x30];
	(xrf1) =	vunique.msk.u32 $0xffff, v5;
	_, v35, vm4 =	vpop (xrf1)  }
.Ltmp12:
0x2a1: {  	v19 =	vsel vm1, $0x10000, v0;
	v8 =	vshrl.u32 v24, $0xB;
	v14 =	vand.u32 $0x7FF, v16;
	v25 =	vld [tilespmem:s21+$0x20];
	(xrf1) =	vunique.msk.u32 $0xffff, v9;
	_, v27, vm1 =	vpop (xrf1);
	(pc) =	sbr.rel @p0 .LBB2_23-.Ltmp12, $4  }
0x2a2: {  	v24 =	vshll.u32 v29, $0xB;
	v21 =	vshrl.u32 v21, $0xB;
	v16 =	vand.u32 $0x7FF, v8;
	v26 =	vld [tilespmem:s21+$0x10];
	(xrf1) =	vunique.msk.u32 $0xffff, v14;
	_, v36, vm5 =	vpop (xrf1)  }
0x2a3: {  	v10 =	vmovc v28;
	v33 =	vsel vm4, $0x10000, v0;
	v31 =	vshrl.u32 v30, $0xB;
	v18 =	vand.u32 $0x7FF, v21;
	v29 =	vld [tilespmem:s21+$0x0];
	(xrf1) =	vunique.msk.u32 $0xffff, v16  }
0x2a4: {  	v32 =	vsel vm2, $0x10000, v0;
	v21 =	vand.u32 $0x7FF, v31;
	v34 =	vsel vm5, $0x10000, v0;
	v8 =	vmovc v2;
	v30 =	vld [tilespmem:s21+$0xFFFFFFF0];
	(xrf1) =	vunique.msk.u32 $0xffff, v18  }
0x2a5: {  	v28 =	vsel vm3, $0x10000, v0;
	v35 =	vshll.u32 v35, $0xB;
	v36 =	vshll.u32 v36, $0xB;
	v2 =	vmovc v37;
	v31 =	vld [tilespmem:s21+$0xFFFFFFE0];
	(xrf1) =	vunique.msk.u32 $0xffff, v21  }
0x2a6: {  	_ =	sdelay $0x2  }
0x2a7: {  	v37 =	vld [tilespmem:s21+$0xFFFFFFD0]  }
0x2a8: {  	v22 =	vld.idx.msk [tilespmem:v22+s22+$0x0], $0xffff;
	v34 =	vor.u32 v36, v34  }
0x2a9: {  	v23 =	vld.idx.msk [tilespmem:v23+s22+$0x0], $0xffff;
	v63 =	vsel vm1, $0x10000, v0;
	v33 =	vor.u32 v35, v33;
	v41 =	vshll.u32 v27, $0xB  }
0x2aa: {  	v25 =	vld.idx.msk [tilespmem:v25+s22+$0x0], $0xffff;
	v24 =	vor.u32 v24, v32;
	v15 =	vshll.u32 v15, $0xB;
	v17 =	vshll.u32 v17, $0xB  }
0x2ab: {  	v47 =	vsel vm0, $0x10000, v0;
	v12 =	vshll.u32 v12, $0xB;
	[tilespmem:s19+$0xFFFFFFC0] =	vst v20;
	v26 =	vld.idx.msk [tilespmem:v26+s22+$0x0], $0xffff;
	v34 =	vor.u32 v13, v34  }
0x2ac: {  	v33 =	vor.u32 v11, v33;
	v15 =	vor.u32 v15, v19;
	v17 =	vor.u32 v17, v28;
	v29 =	vld.idx.msk [tilespmem:v29+s22+$0x0], $0xffff  }
0x2ad: {  	v6 =	vor.u32 v6, v24;
	v12 =	vor.u32 v12, v47;
	v4 =	vor.u32 v4, v17;
	[tilespmem:s19+$0xFFFFFFF0] =	vst v33  }
0x2ae: {  	v3 =	vor.u32 v3, v15;
	v8 =	vor.u32 v8, v12;
	[tilespmem:s19+$0xFFFFFFD0] =	vst v34;
	v30 =	vld.idx.msk [tilespmem:v30+s22+$0x0], $0xffff;
	v22 =	vshrl.u32 v22, $0xB  }
0x2af: {  	[tilespmem:s19+$0x10] =	vst v6;
	v31 =	vld.idx.msk [tilespmem:v31+s22+$0x0], $0xffff;
	v40 =	vshrl.u32 v23, $0xB;
	v23 =	vor.u32 v41, v63;
	v22 =	vand.u32 $0x7FF, v22  }
0x2b0: {  	v25 =	vshrl.u32 v25, $0xB;
	v13 =	vand.u32 $0x7FF, v40;
	v26 =	vshrl.u32 v26, $0xB;
	(xrf1) =	vunique.msk.u32 $0xffff, v22  }
0x2b1: {  	v11 =	vand.u32 $0x7FF, v25;
	_, v45, vm2 =	vpop (xrf1);
	v7 =	vor.u32 v7, v23;
	v43 =	vshrl.u32 v29, $0xB;
	(xrf1) =	vunique.msk.u32 $0xffff, v13  }
0x2b2: {  	v26 =	vand.u32 $0x7FF, v26;
	v51 =	vshll.u32 v45, $0xB;
	v52 =	vsel vm2, $0x10000, v0;
	v42 =	vld.idx.msk [tilespmem:v37+s22+$0x0], $0xffff;
	(xrf1) =	vunique.msk.u32 $0xffff, v11  }
0x2b3: {  	v44 =	vshrl.u32 v30, $0xB;
	v25 =	vand.u32 $0x7FF, v43;
	v54 =	vor.u32 v51, v52;
	_, v23, vm14 =	vpop (xrf1);
	(xrf1) =	vunique.msk.u32 $0xffff, v26  }
0x2b4: {  	v31 =	vshrl.u32 v31, $0xB;
	v29 =	vand.u32 $0x7FF, v44;
	v10 =	vor.u32 v10, v54;
	_, v46, vm3 =	vpop (xrf1);
	(xrf1) =	vunique.msk.u32 $0xffff, v25  }
0x2b5: {  	v31 =	vand.u32 $0x7FF, v31;
	v43 =	vsel vm14, $0x10000, v0;
	_, v48, vm15 =	vpop (xrf1);
	v55 =	vsel vm3, $0x10000, v0;
	(xrf1) =	vunique.msk.u32 $0xffff, v29  }
0x2b6: {  	[tilespmem:s19+$0x20] =	vst v3;
	v36 =	vshll.u32 v46, $0xB;
	v46 =	vshll.u32 v23, $0xB;
	v57 =	vshll.u32 v48, $0xB  }
0x2b7: {  	_, v49, vm4 =	vpop (xrf1);
	v60 =	vsel vm15, $0x10000, v0;
	v39 =	vor.u32 v36, v55;
	v27 =	vshrl.u32 v42, $0xB;
	(xrf1) =	vunique.msk.u32 $0xffff, v31  }
0x2b8: {  	[tilespmem:s19+$0x0] =	vst v4;
	v4 =	vor.u32 v46, v43;
	v62 =	vsel vm4, $0x10000, v0;
	v27 =	vand.u32 $0x7FF, v27  }
0x2b9: {  	_, v50, vm5 =	vpop (xrf1);
	v35 =	vor.u32 v57, v60;
	v37 =	vshll.u32 v49, $0xB;
	v2 =	vor.u32 v2, v4;
	(xrf1) =	vunique.msk.u32 $0xffff, v27  }
0x2ba: {  	[tilespmem:s19+$0x30] =	vst v8;
	_, v53, vm7 =	vpop (xrf1);
	v58 =	vsel vm5, $0x10000, v0;
	v61 =	vshll.u32 v50, $0xB;
	v40 =	vor.u32 v37, v62  }
0x2bb: {  	s20 =	sadd.s32 $0x80, s20;
	[tilespmem:s19+$0xFFFFFFE0] =	vst v7;
	v42 =	vor.u32 v9, v35;
	_, v56, vm8 =	vpop (xrf1);
	v3 =	vsel vm7, $0x10000, v0;
	v6 =	vor.u32 v61, v58  }
0x2bc: {  	[tilespmem:s20+$0xFFFFFFC0] =	vst v10;
	v63 =	vshll.u32 v53, $0xB;
	v59 =	vsel vm8, $0x10000, v0;
	v20 =	vshll.u32 v56, $0xB  }
0x2bd: {  	[tilespmem:s20+$0x30] =	vst v2;
	v44 =	vor.u32 v14, v40;
	v3 =	vor.u32 v63, v3;
	v7 =	vor.u32 v20, v59  }
0x2be: {  	[tilespmem:s20+$0x10] =	vst v42;
	v6 =	vor.u32 v16, v6;
	v3 =	vor.u32 v18, v3;
	v33 =	vor.u32 v21, v7;
	_, v28, vm9 =	vpop (xrf1)  }
0x2bf: {  	[tilespmem:s20+$0xFFFFFFE0] =	vst v3;
	v3 =	vor.u32 v5, v39;
	_, v34, vm10 =	vpop (xrf1);
	v47 =	vshll.u32 v28, $0xB;
	v48 =	vsel vm9, $0x10000, v0  }
0x2c0: {  	[tilespmem:s20+$0x0] =	vst v44;
	_, v38, vm11 =	vpop (xrf1);
	v50 =	vor.u32 v47, v48;
	v62 =	vsel vm10, $0x10000, v0;
	v63 =	vshll.u32 v34, $0xB  }
0x2c1: {  	[tilespmem:s20+$0xFFFFFFF0] =	vst v6;
	_, v41, vm4 =	vpop (xrf1);
	v52 =	vor.u32 v22, v50;
	v53 =	vsel vm11, $0x10000, v0;
	v60 =	vshll.u32 v38, $0xB  }
0x2c2: {  	[tilespmem:s20+$0x20] =	vst v3;
	_, v45, vm12 =	vpop (xrf1);
	v3 =	vshll.u32 v41, $0xB;
	v57 =	vsel vm4, $0x10000, v0;
	v5 =	vor.u32 v60, v53  }
0x2c3: {  	s31 =	sadd.s32 $0x80, s20;
	[tilespmem:s20+$0xFFFFFFD0] =	vst v33;
	_, v49, vm13 =	vpop (xrf1);
	v2 =	vsel vm12, $0x10000, v0;
	v3 =	vor.u32 v3, v57;
	v61 =	vshll.u32 v45, $0xB  }
0x2c4: {  	[tilespmem:s31+$0xFFFFFFC0] =	vst v52;
	v55 =	vsel vm13, $0x10000, v0;
	v58 =	vshll.u32 v49, $0xB;
	v3 =	vor.u32 v26, v3  }
0x2c5: {  	_, v51, vm14 =	vpop (xrf1);
	v2 =	vor.u32 v61, v2;
	v10 =	vor.u32 v58, v55;
	[tilespmem:s31+$0x10] =	vst v3;
	v3 =	vor.u32 v11, v5  }
0x2c6: {  	v59 =	vsel vm14, $0x10000, v0;
	v8 =	vshll.u32 v51, $0xB;
	v2 =	vor.u32 v25, v2;
	[tilespmem:s31+$0x20] =	vst v3  }
0x2c7: {  	_, v54, vm15 =	vpop (xrf1);
	v10 =	vor.u32 v29, v10;
	v4 =	vor.u32 v8, v59;
	v3 =	vor.u32 v63, v62;
	[tilespmem:s31+$0x0] =	vst v2  }
0x2c8: {  	v56 =	vsel vm15, $0x10000, v0;
	v6 =	vshll.u32 v54, $0xB;
	[tilespmem:s31+$0xFFFFFFF0] =	vst v10;
	v4 =	vor.u32 v31, v4  }
0x2c9: {  	v2 =	vor.u32 v13, v3;
	v6 =	vor.u32 v6, v56;
	[tilespmem:s31+$0xFFFFFFE0] =	vst v4  }
0x2ca: {  	[tilespmem:s31+$0x30] =	vst v2;
	v6 =	vor.u32 v27, v6  }
0x2cb: {  	[tilespmem:s31+$0xFFFFFFD0] =	vst v6  }
.LBB2_25:
0x2cc: {  	s19 =	sshra.s32 s18, $0x2  }
0x2cd: {  	v2 =	vld [tilespmem:s19+$0x18000]  }
0x2ce: {  	v3 =	vld [tilespmem:s19+$0x8000]  }
0x2cf: {  	v4 =	vld [tilespmem:s19+$0x18010]  }
0x2d0: {  	v5 =	vld [tilespmem:s19+$0x8010]  }
0x2d1: {  	v6 =	vld [tilespmem:s19+$0x18020]  }
0x2d2: {  	v7 =	vld [tilespmem:s19+$0x8020]  }
0x2d3: {  	v8 =	vld [tilespmem:s19+$0x18030]  }
0x2d4: {  	v9 =	vld [tilespmem:s19+$0x8030]  }
0x2d5: {  	v10 =	vld [tilespmem:s19+$0x18040]  }
0x2d6: {  	v11 =	vld [tilespmem:s19+$0x8040]  }
0x2d7: {  	v12 =	vld [tilespmem:s19+$0x18050]  }
0x2d8: {  	v13 =	vld [tilespmem:s19+$0x8050]  }
0x2d9: {  	v14 =	vld [tilespmem:s19+$0x18060]  }
0x2da: {  	v15 =	vld [tilespmem:s19+$0x8060]  }
0x2db: {  	v16 =	vld [tilespmem:s19+$0x18070]  }
0x2dc: {  	v17 =	vld [tilespmem:s19+$0x8070]  }
0x2dd: {  	v18 =	vld [tilespmem:s19+$0x18080]  }
0x2de: {  	v19 =	vld [tilespmem:s19+$0x8080]  }
0x2df: {  	v20 =	vld [tilespmem:s19+$0x18090];
	v22 =	vand.u32 $0x7FF, v2  }
0x2e0: {  	v21 =	vld [tilespmem:s19+$0x8090]  }
0x2e1: {  	v23 =	vld [tilespmem:s19+$0x180A0]  }
0x2e2: {  	v24 =	vld [tilespmem:s19+$0x80A0]  }
0x2e3: {  	v25 =	vld [tilespmem:s19+$0x180B0]  }
0x2e4: {  	v27 =	vld.idx.msk [tilespmem:v22+s11+$0x0], $0xffff  }
0x2e5: {  	v26 =	vld [tilespmem:s19+$0x80B0]  }
0x2e6: {  	v28 =	vld [tilespmem:s19+$0x180C0]  }
0x2e7: {  	v29 =	vld [tilespmem:s19+$0x80C0];
	v30 =	vshrl.u32 v2, $0xB;
	vm0 =	vgt.u32 v2, $0xFFFF  }
0x2e8: {  	v31 =	vld [tilespmem:s19+$0x80D0];
	v30 =	vand.u32 $0x1F, v30  }
0x2e9: {  	v32 =	vld [tilespmem:s19+$0x180E0];
	v27 =	vadd.s32 v30, v27  }
0x2ea: {  	v34 =	vld [tilespmem:s19+$0x180F0];
	v33 =	vand.u32 $0x7FF, v4  }
0x2eb: {  	v35 =	vld [tilespmem:s19+$0x80F0]  }
0x2ec: {  	v2 =	vld [tilespmem:s19+$0x180D0]  }
0x2ed: {  	v30 =	vld [tilespmem:s19+$0x80E0];
	[tilespmem:v22+s11+$0x0] =	vst.idx.msk vm0, v27  }
0x2ee: {  	[tilespmem:v27+s14+$0x0] =	vst.idx.msk $0xffff, v3  }
0x2ef: {  	v3 =	vld.idx.msk [tilespmem:v33+s11+$0x0], $0xffff;
	_ =	sdelay $0x2  }
0x2f0: {  	v36 =	vshrl.u32 v4, $0xB;
	vm13 =	vgt.u32 v4, $0xFFFF  }
0x2f1: {  	v37 =	vand.u32 $0x1F, v36  }
0x2f2: {  	v3 =	vadd.s32 v37, v3  }
0x2f3: {  	v38 =	vand.u32 $0x7FF, v6;
	_ =	sdelay $0x2  }
0x2f4: {  	[tilespmem:v33+s11+$0x0] =	vst.idx.msk vm13, v3  }
0x2f5: {  	[tilespmem:v3+s14+$0x0] =	vst.idx.msk $0xffff, v5  }
0x2f6: {  	v3 =	vld.idx.msk [tilespmem:v38+s11+$0x0], $0xffff;
	_ =	sdelay $0x2  }
0x2f7: {  	v39 =	vshrl.u32 v6, $0xB;
	vm14 =	vgt.u32 v6, $0xFFFF  }
0x2f8: {  	v5 =	vand.u32 $0x1F, v39  }
0x2f9: {  	v3 =	vadd.s32 v5, v3  }
0x2fa: {  	v40 =	vand.u32 $0x7FF, v8;
	_ =	sdelay $0x2  }
0x2fb: {  	[tilespmem:v38+s11+$0x0] =	vst.idx.msk vm14, v3  }
0x2fc: {  	[tilespmem:v3+s14+$0x0] =	vst.idx.msk $0xffff, v7  }
0x2fd: {  	v3 =	vld.idx.msk [tilespmem:v40+s11+$0x0], $0xffff;
	_ =	sdelay $0x2  }
0x2fe: {  	v41 =	vshrl.u32 v8, $0xB;
	vm15 =	vgt.u32 v8, $0xFFFF  }
0x2ff: {  	v4 =	vand.u32 $0x1F, v41  }
0x300: {  	v3 =	vadd.s32 v4, v3  }
0x301: {  	v42 =	vand.u32 $0x7FF, v10;
	_ =	sdelay $0x2  }
0x302: {  	[tilespmem:v40+s11+$0x0] =	vst.idx.msk vm15, v3  }
0x303: {  	[tilespmem:v3+s14+$0x0] =	vst.idx.msk $0xffff, v9  }
0x304: {  	v3 =	vld.idx.msk [tilespmem:v42+s11+$0x0], $0xffff;
	_ =	sdelay $0x2  }
0x305: {  	v43 =	vshrl.u32 v10, $0xB;
	vm4 =	vgt.u32 v10, $0xFFFF  }
0x306: {  	v5 =	vand.u32 $0x1F, v43  }
0x307: {  	v3 =	vadd.s32 v5, v3  }
0x308: {  	v44 =	vand.u32 $0x7FF, v12;
	_ =	sdelay $0x2  }
0x309: {  	[tilespmem:v42+s11+$0x0] =	vst.idx.msk vm4, v3  }
0x30a: {  	[tilespmem:v3+s14+$0x0] =	vst.idx.msk $0xffff, v11  }
0x30b: {  	v3 =	vld.idx.msk [tilespmem:v44+s11+$0x0], $0xffff;
	_ =	sdelay $0x2  }
0x30c: {  	v45 =	vshrl.u32 v12, $0xB;
	vm5 =	vgt.u32 v12, $0xFFFF  }
0x30d: {  	v4 =	vand.u32 $0x1F, v45  }
0x30e: {  	v3 =	vadd.s32 v4, v3  }
0x30f: {  	v46 =	vand.u32 $0x7FF, v14;
	_ =	sdelay $0x2  }
0x310: {  	[tilespmem:v44+s11+$0x0] =	vst.idx.msk vm5, v3  }
0x311: {  	[tilespmem:v3+s14+$0x0] =	vst.idx.msk $0xffff, v13  }
0x312: {  	v3 =	vld.idx.msk [tilespmem:v46+s11+$0x0], $0xffff;
	_ =	sdelay $0x2  }
0x313: {  	v47 =	vshrl.u32 v14, $0xB;
	vm6 =	vgt.u32 v14, $0xFFFF  }
0x314: {  	v5 =	vand.u32 $0x1F, v47  }
0x315: {  	v3 =	vadd.s32 v5, v3  }
0x316: {  	v48 =	vand.u32 $0x7FF, v16;
	_ =	sdelay $0x2  }
0x317: {  	[tilespmem:v46+s11+$0x0] =	vst.idx.msk vm6, v3  }
0x318: {  	[tilespmem:v3+s14+$0x0] =	vst.idx.msk $0xffff, v15  }
0x319: {  	v3 =	vld.idx.msk [tilespmem:v48+s11+$0x0], $0xffff;
	_ =	sdelay $0x2  }
0x31a: {  	v49 =	vshrl.u32 v16, $0xB;
	vm7 =	vgt.u32 v16, $0xFFFF  }
0x31b: {  	v4 =	vand.u32 $0x1F, v49  }
0x31c: {  	v3 =	vadd.s32 v4, v3  }
0x31d: {  	v50 =	vand.u32 $0x7FF, v18;
	_ =	sdelay $0x2  }
0x31e: {  	[tilespmem:v48+s11+$0x0] =	vst.idx.msk vm7, v3  }
0x31f: {  	[tilespmem:v3+s14+$0x0] =	vst.idx.msk $0xffff, v17  }
0x320: {  	v3 =	vld.idx.msk [tilespmem:v50+s11+$0x0], $0xffff;
	_ =	sdelay $0x2  }
0x321: {  	v51 =	vshrl.u32 v18, $0xB;
	vm8 =	vgt.u32 v18, $0xFFFF  }
0x322: {  	v5 =	vand.u32 $0x1F, v51  }
0x323: {  	v3 =	vadd.s32 v5, v3  }
0x324: {  	v52 =	vand.u32 $0x7FF, v20;
	_ =	sdelay $0x2  }
0x325: {  	[tilespmem:v50+s11+$0x0] =	vst.idx.msk vm8, v3  }
0x326: {  	[tilespmem:v3+s14+$0x0] =	vst.idx.msk $0xffff, v19  }
0x327: {  	v3 =	vld.idx.msk [tilespmem:v52+s11+$0x0], $0xffff;
	_ =	sdelay $0x2  }
0x328: {  	v53 =	vshrl.u32 v20, $0xB;
	vm9 =	vgt.u32 v20, $0xFFFF  }
0x329: {  	v4 =	vand.u32 $0x1F, v53  }
0x32a: {  	v3 =	vadd.s32 v4, v3  }
0x32b: {  	v54 =	vand.u32 $0x7FF, v23;
	_ =	sdelay $0x2  }
0x32c: {  	[tilespmem:v52+s11+$0x0] =	vst.idx.msk vm9, v3  }
0x32d: {  	[tilespmem:v3+s14+$0x0] =	vst.idx.msk $0xffff, v21  }
0x32e: {  	v3 =	vld.idx.msk [tilespmem:v54+s11+$0x0], $0xffff;
	_ =	sdelay $0x2  }
0x32f: {  	v55 =	vshrl.u32 v23, $0xB;
	vm10 =	vgt.u32 v23, $0xFFFF  }
0x330: {  	v5 =	vand.u32 $0x1F, v55  }
0x331: {  	v3 =	vadd.s32 v5, v3  }
0x332: {  	v56 =	vand.u32 $0x7FF, v25;
	_ =	sdelay $0x2  }
0x333: {  	[tilespmem:v54+s11+$0x0] =	vst.idx.msk vm10, v3  }
0x334: {  	[tilespmem:v3+s14+$0x0] =	vst.idx.msk $0xffff, v24  }
0x335: {  	v3 =	vld.idx.msk [tilespmem:v56+s11+$0x0], $0xffff;
	_ =	sdelay $0x2  }
0x336: {  	v57 =	vshrl.u32 v25, $0xB;
	vm11 =	vgt.u32 v25, $0xFFFF  }
0x337: {  	v4 =	vand.u32 $0x1F, v57  }
0x338: {  	v3 =	vadd.s32 v4, v3  }
0x339: {  	v58 =	vand.u32 $0x7FF, v28;
	_ =	sdelay $0x2  }
0x33a: {  	[tilespmem:v56+s11+$0x0] =	vst.idx.msk vm11, v3  }
0x33b: {  	[tilespmem:v3+s14+$0x0] =	vst.idx.msk $0xffff, v26  }
0x33c: {  	v3 =	vld.idx.msk [tilespmem:v58+s11+$0x0], $0xffff;
	_ =	sdelay $0x2  }
0x33d: {  	v59 =	vshrl.u32 v28, $0xB;
	vm12 =	vgt.u32 v28, $0xFFFF  }
0x33e: {  	v5 =	vand.u32 $0x1F, v59  }
0x33f: {  	v3 =	vadd.s32 v5, v3  }
0x340: {  	v60 =	vand.u32 $0x7FF, v2;
	_ =	sdelay $0x2  }
0x341: {  	[tilespmem:v58+s11+$0x0] =	vst.idx.msk vm12, v3  }
0x342: {  	[tilespmem:v3+s14+$0x0] =	vst.idx.msk $0xffff, v29  }
0x343: {  	v3 =	vld.idx.msk [tilespmem:v60+s11+$0x0], $0xffff;
	_ =	sdelay $0x2  }
0x344: {  	v61 =	vshrl.u32 v2, $0xB;
	vm13 =	vgt.u32 v2, $0xFFFF  }
0x345: {  	v2 =	vand.u32 $0x1F, v61  }
0x346: {  	v2 =	vadd.s32 v2, v3  }
0x347: {  	v3 =	vand.u32 $0x7FF, v32;
	_ =	sdelay $0x2  }
0x348: {  	[tilespmem:v60+s11+$0x0] =	vst.idx.msk vm13, v2  }
0x349: {  	[tilespmem:v2+s14+$0x0] =	vst.idx.msk $0xffff, v31  }
0x34a: {  	v2 =	vld.idx.msk [tilespmem:v3+s11+$0x0], $0xffff;
	_ =	sdelay $0x2  }
0x34b: {  	v62 =	vshrl.u32 v32, $0xB;
	vm14 =	vgt.u32 v32, $0xFFFF  }
0x34c: {  	v4 =	vand.u32 $0x1F, v62  }
0x34d: {  	v2 =	vadd.s32 v4, v2  }
0x34e: {  	v63 =	vand.u32 $0x7FF, v34;
	_ =	sdelay $0x2  }
0x34f: {  	[tilespmem:v3+s11+$0x0] =	vst.idx.msk vm14, v2  }
0x350: {  	[tilespmem:v2+s14+$0x0] =	vst.idx.msk $0xffff, v30  }
0x351: {  	v2 =	vld.idx.msk [tilespmem:v63+s11+$0x0], $0xffff;
	_ =	sdelay $0x2  }
0x352: {  	vm15 =	vgt.u32 v34, $0xFFFF;
	v3 =	vshrl.u32 v34, $0xB  }
0x353: {  	v3 =	vand.u32 $0x1F, v3  }
0x354: {  	p0 =	sne.s32 s18, $0xFC00;
	v2 =	vadd.s32 v3, v2  }
.Ltmp13:
0x355: {  	_ = 	snop;
	(pc) =	sbr.rel @p0 .LBB2_25-.Ltmp13, $3  }
0x356: {  	_ =	sdelay $0x1  }
0x357: {  	[tilespmem:v63+s11+$0x0] =	vst.idx.msk vm15, v2  }
0x358: {  	s18 =	sadd.s32 $0x400, s18;
	[tilespmem:v2+s14+$0x0] =	vst.idx.msk $0xffff, v35  }
0x359: {  	s21 =	simm.s32 $0x0  }
0x35a: {  	v2 =	vld [tilespmem:s21+$0xC000]  }
0x35b: {  	v3 =	vld [tilespmem:s21+$0xC010]  }
0x35c: {  	v4 =	vld [tilespmem:s21+$0xC020]  }
0x35d: {  	v5 =	vld [tilespmem:s21+$0xC030]  }
0x35e: {  	v6 =	vld [tilespmem:s21+$0xC040]  }
0x35f: {  	v7 =	vld [tilespmem:s21+$0xC050]  }
0x360: {  	v8 =	vld [tilespmem:s21+$0xC060]  }
0x361: {  	s19 =	simm.s32 $0x80;
	v9 =	vld [tilespmem:s21+$0xC070]  }
0x362: {  	v11 =	vld [tilespmem:s19+$0xC000]  }
0x363: {  	v13 =	vld [tilespmem:s19+$0xC010]  }
0x364: {  	v14 =	vld [tilespmem:s19+$0xC030]  }
0x365: {  	s20 =	simm.s32 $0x100;
	v15 =	vld [tilespmem:s19+$0xC050]  }
0x366: {  	v19 =	vld [tilespmem:s20+$0xC000]  }
0x367: {  	s18 =	simm.s32 $0x0;
	v23 =	vld [tilespmem:s20+$0xC010]  }
0x368: {  	v2 =	vld.idx.msk [tilespmem:v2+s18+$0x0], $0xffff  }
0x369: {  	v4 =	vld.idx.msk [tilespmem:v4+s18+$0x0], $0xffff  }
0x36a: {  	v5 =	vld.idx.msk [tilespmem:v5+s18+$0x0], $0xffff  }
0x36b: {  	v6 =	vld.idx.msk [tilespmem:v6+s18+$0x0], $0xffff  }
0x36c: {  	v7 =	vld.idx.msk [tilespmem:v7+s18+$0x0], $0xffff  }
0x36d: {  	v8 =	vld.idx.msk [tilespmem:v8+s18+$0x0], $0xffff;
	v2 =	vshrl.u32 v2, $0xB  }
0x36e: {  	v10 =	vld.idx.msk [tilespmem:v9+s18+$0x0], $0xffff;
	v22 =	vand.u32 $0x7FF, v2;
	v2 =	vshrl.u32 v4, $0xB  }
0x36f: {  	v24 =	vld [tilespmem:s20+$0xC020];
	v5 =	vshrl.u32 v5, $0xB;
	v2 =	vand.u32 $0x7FF, v2;
	(xrf1) =	vunique.msk.u32 $0xffff, v22  }
0x370: {  	v4 =	vld [tilespmem:s19+$0xC020];
	v12 =	vand.u32 $0x7FF, v5;
	v5 =	vshrl.u32 v6, $0xB;
	(xrf1) =	vunique.msk.u32 $0xffff, v2  }
0x371: {  	v28 =	vld [tilespmem:s20+$0xC030];
	v17 =	vand.u32 $0x7FF, v5;
	v5 =	vshrl.u32 v7, $0xB;
	(xrf1) =	vunique.msk.u32 $0xffff, v12  }
0x372: {  	v6 =	vld [tilespmem:s19+$0xC040];
	v7 =	vshrl.u32 v8, $0xB;
	v5 =	vand.u32 $0x7FF, v5;
	(xrf1) =	vunique.msk.u32 $0xffff, v17  }
0x373: {  	v3 =	vld.idx.msk [tilespmem:v3+s18+$0x0], $0xffff;
	v9 =	vand.u32 $0x7FF, v7;
	v7 =	vshrl.u32 v10, $0xB;
	(xrf1) =	vunique.msk.u32 $0xffff, v5  }
0x374: {  	v8 =	vld [tilespmem:s19+$0xC060];
	v21 =	vand.u32 $0x7FF, v7;
	(xrf1) =	vunique.msk.u32 $0xffff, v9  }
0x375: {  	v10 =	vld [tilespmem:s19+$0xC070];
	(xrf1) =	vunique.msk.u32 $0xffff, v21  }
0x376: {  	v11 =	vld.idx.msk [tilespmem:v11+s18+$0x0], $0xffff  }
0x377: {  	v13 =	vld.idx.msk [tilespmem:v13+s18+$0x0], $0xffff  }
0x378: {  	v4 =	vld.idx.msk [tilespmem:v4+s18+$0x0], $0xffff  }
0x379: {  	v14 =	vld.idx.msk [tilespmem:v14+s18+$0x0], $0xffff;
	v3 =	vshrl.u32 v3, $0xB  }
0x37a: {  	v7 =	vand.u32 $0x7FF, v3;
	v16 =	vld.idx.msk [tilespmem:v6+s18+$0x0], $0xffff  }
0x37b: {  	v15 =	vld.idx.msk [tilespmem:v15+s18+$0x0], $0xffff;
	v3 =	vshrl.u32 v11, $0xB;
	(xrf1) =	vunique.msk.u32 $0xffff, v7  }
0x37c: {  	v6 =	vand.u32 $0x7FF, v3;
	v8 =	vld.idx.msk [tilespmem:v8+s18+$0x0], $0xffff  }
0x37d: {  	(xrf1) =	vunique.msk.u32 $0xffff, v6;
	v18 =	vld.idx.msk [tilespmem:v10+s18+$0x0], $0xffff;
	v3 =	vshrl.u32 v4, $0xB;
	_, v20, vm3 =	vpop (xrf1)  }
0x37e: {  	v30 =	vld [tilespmem:s20+$0xC040];
	v10 =	vshrl.u32 v14, $0xB;
	v4 =	vand.u32 $0x7FF, v3;
	_, v27, vm2 =	vpop (xrf1)  }
0x37f: {  	v31 =	vld [tilespmem:s20+$0xC050];
	v3 =	vand.u32 $0x7FF, v10;
	v10 =	vshrl.u32 v16, $0xB;
	(xrf1) =	vunique.msk.u32 $0xffff, v4;
	_, v25, vm1 =	vpop (xrf1)  }
0x380: {  	v33 =	vld [tilespmem:s20+$0xC060];
	v11 =	vshrl.u32 v15, $0xB;
	v10 =	vand.u32 $0x7FF, v10;
	(xrf1) =	vunique.msk.u32 $0xffff, v3;
	_, v29, vm4 =	vpop (xrf1)  }
0x381: {  	v35 =	vld.idx.msk [tilespmem:v19+s18+$0x0], $0xffff;
	v26 =	vshrl.u32 v13, $0xB;
	v13 =	vshrl.u32 v8, $0xB;
	v8 =	vand.u32 $0x7FF, v11;
	(xrf1) =	vunique.msk.u32 $0xffff, v10;
	_, v15, vm0 =	vpop (xrf1)  }
0x382: {  	v19 =	vld.idx.msk [tilespmem:v23+s18+$0x0], $0xffff;
	v11 =	vand.u32 $0x7FF, v13;
	v16 =	vshrl.u32 v18, $0xB;
	_, v14, vm5 =	vpop (xrf1);
	(xrf1) =	vunique.msk.u32 $0xffff, v8  }
0x383: {  	v23 =	vld.idx.msk [tilespmem:v24+s18+$0x0], $0xffff;
	v16 =	vand.u32 $0x7FF, v16;
	v34 =	vsel vm3, $0x10000, v0;
	v37 =	vshll.u32 v20, $0xB;
	_, v32, vm15 =	vpop (xrf1);
	(xrf1) =	vunique.msk.u32 $0xffff, v11  }
0x384: {  	v18 =	vld [tilespmem:s20+$0xC070];
	v20 =	vsel vm2, $0x10000, v0;
	v29 =	vshll.u32 v29, $0xB;
	v38 =	vsel vm4, $0x10000, v0  }
0x385: {  	v24 =	vld.idx.msk [tilespmem:v28+s18+$0x0], $0xffff;
	v28 =	vor.u32 v37, v34;
	v62 =	vshll.u32 v25, $0xB;
	v29 =	vor.u32 v29, v38;
	(xrf1) =	vunique.msk.u32 $0xffff, v16  }
0x386: {  	v63 =	vsel vm1, $0x10000, v0;
	v32 =	vshll.u32 v32, $0xB;
	v36 =	vsel vm15, $0x10000, v0  }
0x387: {  	v22 =	vor.u32 v22, v28;
	v28 =	vshll.u32 v27, $0xB;
	v32 =	vor.u32 v32, v36  }
0x388: {  	v25 =	vld.idx.msk [tilespmem:v30+s18+$0x0], $0xffff;
	v36 =	vor.u32 v21, v32;
	v21 =	vor.u32 v17, v29;
	v17 =	vand.u32 $0x7FF, v26  }
0x389: {  	v27 =	vld.idx.msk [tilespmem:v33+s18+$0x0], $0xffff;
	v13 =	vsel vm5, $0x10000, v0;
	v14 =	vshll.u32 v14, $0xB;
	_, v29, vm2 =	vpop (xrf1);
	v32 =	vshrl.u32 v35, $0xB;
	(xrf1) =	vunique.msk.u32 $0xffff, v17  }
0x38a: {  	s22 =	simm.s32 $0x10;
	s23 =	simm.s32 $0x600;
	v26 =	vld.idx.msk [tilespmem:v31+s18+$0x0], $0xffff;
	v30 =	vsel vm2, $0x10000, v0;
	v31 =	vshll.u32 v29, $0xB;
	v29 =	vor.u32 v62, v63;
	[tilespmem:s21+$0x18070] =	vst v36  }
.LBB2_27:
0x38b: {  	v32 =	vand.u32 $0x7FF, v32;
	_, v33, vm3 =	vpop (xrf1);
	v30 =	vor.u32 v31, v30;
	[tilespmem:s21+$0x18040] =	vst v21;
	v21 =	vshll.u32 v15, $0xB  }
0x38c: {  	s24 =	sshra.s32 s23, $0x2;
	s22 =	sadd.s32 $0x8, s22;
	v18 =	vld.idx.msk [tilespmem:v18+s18+$0x0], $0xffff;
	v34 =	vmovc v8;
	v31 =	vmovc v11;
	v35 =	vmov v16;
	v36 =	vmov v7;
	v7 =	vmov v17  }
0x38d: {  	v37 =	vshrl.u32 v19, $0xB;
	v8 =	vshrl.u32 v23, $0xB;
	v11 =	vor.u32 v28, v20;
	v17 =	vld [tilespmem:s24+$0xC000];
	p0 =	slt.u32 s22, $0x3F8;
	_, v38, vm2 =	vpop (xrf1);
	[tilespmem:s21+$0x18000] =	vst v22  }
0x38e: {  	v23 =	vor.u32 v12, v29;
	v20 =	vand.u32 $0x7FF, v8;
	v8 =	vshrl.u32 v24, $0xB;
	v19 =	vld [tilespmem:s24+$0xC010];
	(xrf1) =	vunique.msk.u32 $0xffff, v32;
	_, v22, vm1 =	vpop (xrf1)  }
0x38f: {  	v12 =	vsel vm0, $0x10000, v0;
	v28 =	vand.u32 $0x7FF, v8;
	v8 =	vshrl.u32 v25, $0xB;
	v24 =	vld [tilespmem:s24+$0xC020];
	(xrf1) =	vunique.msk.u32 $0xffff, v20;
	_, v25, vm4 =	vpop (xrf1)  }
0x390: {  	v39 =	vand.u32 $0x7FF, v8;
	v8 =	vshrl.u32 v26, $0xB;
	v26 =	vor.u32 v21, v12;
	v29 =	vld [tilespmem:s24+$0xC030];
	(xrf1) =	vunique.msk.u32 $0xffff, v28;
	_, v15, vm0 =	vpop (xrf1)  }
0x391: {  	v8 =	vand.u32 $0x7FF, v8;
	v12 =	vshrl.u32 v27, $0xB;
	v27 =	vor.u32 v2, v11;
	v40 =	vld [tilespmem:s24+$0xC040];
	(xrf1) =	vunique.msk.u32 $0xffff, v39;
	_, v16, vm5 =	vpop (xrf1)  }
0x392: {  	v45 =	vor.u32 v14, v13;
	v2 =	vmovc v4;
	v11 =	vand.u32 $0x7FF, v12;
	v41 =	vld [tilespmem:s24+$0xC050];
	(xrf1) =	vunique.msk.u32 $0xffff, v8;
	v13 =	vsel vm5, $0x10000, v0  }
0x393: {  	v9 =	vor.u32 v9, v45;
	v44 =	vshrl.u32 v18, $0xB;
	v14 =	vshll.u32 v16, $0xB;
	v42 =	vld [tilespmem:s24+$0xC060];
	(xrf1) =	vunique.msk.u32 $0xffff, v11;
	_, v21, vm5 =	vpop (xrf1)  }
0x394: {  	v43 =	vsel vm3, $0x10000, v0;
	v4 =	vmovc v20;
	v16 =	vand.u32 $0x7FF, v44;
	v12 =	vmovc v3;
	v18 =	vld [tilespmem:s24+$0xC070];
	v21 =	vshll.u32 v21, $0xB;
	[tilespmem:s21+$0x18060] =	vst v9  }
0x395: {  	v3 =	vmovc v28;
	v20 =	vsel vm5, $0x10000, v0;
	v44 =	vld.idx.msk [tilespmem:v17+s18+$0x0], $0xffff;
	(xrf1) =	vunique.msk.u32 $0xffff, v16;
	v17 =	vshll.u32 v25, $0xB;
	v25 =	vor.u32 v36, v30  }
0x396: {  	v28 =	vshll.u32 v33, $0xB;
	v9 =	vmovc v31;
	v30 =	vsel vm4, $0x10000, v0;
	v21 =	vor.u32 v21, v20;
	v19 =	vld.idx.msk [tilespmem:v19+s18+$0x0], $0xffff;
	[tilespmem:s21+$0x18030] =	vst v23  }
.Ltmp14:
0x397: {  	v20 =	vsel vm2, $0x10000, v0;
	v17 =	vor.u32 v17, v30;
	v33 =	vor.u32 v35, v21;
	v23 =	vld.idx.msk [tilespmem:v24+s18+$0x0], $0xffff;
	[tilespmem:s21+$0x18010] =	vst v25;
	(pc) =	sbr.rel @p0 .LBB2_27-.Ltmp14, $4  }
0x398: {  	v5 =	vor.u32 v5, v26;
	v21 =	vor.u32 v10, v17;
	v24 =	vld.idx.msk [tilespmem:v29+s18+$0x0], $0xffff;
	v29 =	vshll.u32 v22, $0xB;
	_, v31, vm2 =	vpop (xrf1);
	[tilespmem:s21+$0x18020] =	vst v27  }
0x399: {  	v35 =	vsel vm1, $0x10000, v0;
	v17 =	vand.u32 $0x7FF, v37;
	v10 =	vmovc v39;
	v22 =	vor.u32 v28, v43;
	v25 =	vld.idx.msk [tilespmem:v40+s18+$0x0], $0xffff;
	[tilespmem:s21+$0x18050] =	vst v5;
	s21 =	smov.u32 s19;
	s19 =	smov.u32 s20;
	s20 =	smov.u32 s24  }
0x39a: {  	v28 =	vshll.u32 v38, $0xB;
	v22 =	vor.u32 v6, v22;
	v30 =	vsel vm2, $0x10000, v0;
	v6 =	vmovc v32;
	v26 =	vld.idx.msk [tilespmem:v41+s18+$0x0], $0xffff;
	(xrf1) =	vunique.msk.u32 $0xffff, v17  }
0x39b: {  	s23 =	sadd.s32 $0x200, s23;
	v31 =	vshll.u32 v31, $0xB;
	v29 =	vor.u32 v29, v35;
	v5 =	vmovc v34;
	v32 =	vshrl.u32 v44, $0xB;
	v27 =	vld.idx.msk [tilespmem:v42+s18+$0x0], $0xffff;
	[tilespmem:s21+$0x18070] =	vst v33  }
0x39c: {  	_ = 	snop  }
0x39d: {  	v32 =	vand.u32 $0x7FF, v32;
	v43 =	vshrl.u32 v23, $0xB  }
0x39e: {  	v30 =	vor.u32 v31, v30;
	v15 =	vshll.u32 v15, $0xB;
	v20 =	vor.u32 v28, v20  }
0x39f: {  	v12 =	vor.u32 v12, v29;
	v49 =	vsel vm0, $0x10000, v0;
	v13 =	vor.u32 v14, v13  }
0x3a0: {  	v33 =	vld.idx.msk [tilespmem:v18+s18+$0x0], $0xffff;
	v51 =	vshrl.u32 v19, $0xB;
	v18 =	vand.u32 $0x7FF, v43;
	v44 =	vshrl.u32 v24, $0xB  }
0x3a1: {  	_, v47, vm4 =	vpop (xrf1);
	(xrf1) =	vunique.msk.u32 $0xffff, v32;
	v15 =	vor.u32 v15, v49;
	v2 =	vor.u32 v2, v20;
	v9 =	vor.u32 v9, v13  }
0x3a2: {  	v55 =	vsel vm4, $0x10000, v0;
	v23 =	vand.u32 $0x7FF, v44;
	v45 =	vshrl.u32 v25, $0xB;
	(xrf1) =	vunique.msk.u32 $0xffff, v18  }
0x3a3: {  	v14 =	vand.u32 $0x7FF, v51;
	v24 =	vand.u32 $0x7FF, v45;
	v46 =	vshrl.u32 v26, $0xB;
	(xrf1) =	vunique.msk.u32 $0xffff, v23  }
0x3a4: {  	_, v34, vm3 =	vpop (xrf1);
	v7 =	vor.u32 v7, v30;
	v25 =	vand.u32 $0x7FF, v46;
	v27 =	vshrl.u32 v27, $0xB;
	(xrf1) =	vunique.msk.u32 $0xffff, v24  }
0x3a5: {  	v60 =	vshll.u32 v47, $0xB;
	_, v35, vm2 =	vpop (xrf1);
	v27 =	vand.u32 $0x7FF, v27;
	(xrf1) =	vunique.msk.u32 $0xffff, v25;
	v33 =	vshrl.u32 v33, $0xB  }
0x3a6: {  	[tilespmem:s21+$0x18060] =	vst v9;
	v61 =	vsel vm3, $0x10000, v0;
	_, v48, vm5 =	vpop (xrf1);
	(xrf1) =	vunique.msk.u32 $0xffff, v27;
	v33 =	vand.u32 $0x7FF, v33  }
0x3a7: {  	v5 =	vor.u32 v5, v15;
	v30 =	vor.u32 v60, v55;
	v40 =	vshll.u32 v34, $0xB;
	_, v36, vm1 =	vpop (xrf1);
	(xrf1) =	vunique.msk.u32 $0xffff, v33  }
0x3a8: {  	[tilespmem:s21+$0x18020] =	vst v2;
	v63 =	vshll.u32 v35, $0xB;
	v31 =	vsel vm2, $0x10000, v0;
	v2 =	vor.u32 v6, v30;
	_, v50, vm6 =	vpop (xrf1)  }
0x3a9: {  	[tilespmem:s21+$0x18050] =	vst v5;
	v5 =	vor.u32 v40, v61;
	v56 =	vshll.u32 v48, $0xB;
	_, v53, vm7 =	vpop (xrf1);
	(xrf1) =	vunique.msk.u32 $0xffff, v14  }
0x3aa: {  	v58 =	vsel vm5, $0x10000, v0;
	v9 =	vor.u32 v63, v31;
	[tilespmem:s19+$0x18000] =	vst v2;
	v2 =	vor.u32 v4, v5  }
0x3ab: {  	[tilespmem:s21+$0x18000] =	vst v22;
	v22 =	vor.u32 v56, v58;
	v42 =	vshll.u32 v36, $0xB;
	v43 =	vsel vm1, $0x10000, v0  }
0x3ac: {  	[tilespmem:s21+$0x18040] =	vst v21;
	v3 =	vor.u32 v3, v9;
	v52 =	vsel vm6, $0x10000, v0;
	v54 =	vshll.u32 v50, $0xB  }
0x3ad: {  	[tilespmem:s21+$0x18030] =	vst v12;
	v10 =	vor.u32 v10, v22;
	v45 =	vor.u32 v42, v43;
	v47 =	vor.u32 v54, v52  }
0x3ae: {  	[tilespmem:s19+$0x18020] =	vst v2;
	v2 =	vor.u32 v8, v45;
	v13 =	vshll.u32 v53, $0xB;
	v57 =	vsel vm7, $0x10000, v0;
	_, v59, vm0 =	vpop (xrf1)  }
0x3af: {  	[tilespmem:s21+$0x18010] =	vst v7;
	v13 =	vor.u32 v13, v57;
	v37 =	vsel vm0, $0x10000, v0;
	v38 =	vshll.u32 v59, $0xB;
	_, v29, vm8 =	vpop (xrf1)  }
0x3b0: {  	[tilespmem:s19+$0x18030] =	vst v3;
	v11 =	vor.u32 v11, v47;
	v62 =	vor.u32 v16, v13;
	v6 =	vor.u32 v38, v37;
	_, v35, vm9 =	vpop (xrf1)  }
0x3b1: {  	[tilespmem:s19+$0x18040] =	vst v10;
	v6 =	vor.u32 v17, v6;
	v50 =	vsel vm8, $0x10000, v0;
	v3 =	vshll.u32 v29, $0xB;
	_, v39, vm10 =	vpop (xrf1)  }
0x3b2: {  	[tilespmem:s19+$0x18050] =	vst v2;
	v53 =	vsel vm9, $0x10000, v0;
	v3 =	vor.u32 v3, v50;
	v58 =	vshll.u32 v35, $0xB;
	_, v41, vm11 =	vpop (xrf1)  }
0x3b3: {  	[tilespmem:s19+$0x18060] =	vst v11;
	v54 =	vshll.u32 v39, $0xB;
	v56 =	vsel vm10, $0x10000, v0;
	v3 =	vor.u32 v32, v3;
	_, v44, vm12 =	vpop (xrf1)  }
0x3b4: {  	[tilespmem:s19+$0x18070] =	vst v62;
	v7 =	vshll.u32 v41, $0xB;
	v52 =	vsel vm11, $0x10000, v0;
	v60 =	vor.u32 v54, v56;
	_, v46, vm13 =	vpop (xrf1)  }
0x3b5: {  	[tilespmem:s19+$0x18010] =	vst v6;
	v7 =	vor.u32 v7, v52;
	v48 =	vsel vm13, $0x10000, v0;
	_, v49, vm14 =	vpop (xrf1);
	v10 =	vshll.u32 v46, $0xB  }
0x3b6: {  	[tilespmem:s20+$0x18000] =	vst v3;
	v2 =	vor.u32 v24, v7;
	v5 =	vshll.u32 v49, $0xB;
	v51 =	vsel vm14, $0x10000, v0  }
0x3b7: {  	v62 =	vor.u32 v23, v60;
	_, v55, vm15 =	vpop (xrf1);
	[tilespmem:s20+$0x18040] =	vst v2;
	v2 =	vor.u32 v10, v48;
	v5 =	vor.u32 v5, v51  }
0x3b8: {  	[tilespmem:s20+$0x18030] =	vst v62;
	v57 =	vsel vm15, $0x10000, v0;
	v59 =	vshll.u32 v55, $0xB;
	v2 =	vor.u32 v27, v2  }
0x3b9: {  	v61 =	vshll.u32 v44, $0xB;
	v5 =	vor.u32 v33, v5;
	v3 =	vor.u32 v59, v57;
	[tilespmem:s20+$0x18060] =	vst v2  }
0x3ba: {  	v63 =	vsel vm12, $0x10000, v0;
	v2 =	vor.u32 v58, v53;
	[tilespmem:s20+$0x18070] =	vst v5;
	v3 =	vor.u32 v14, v3  }
0x3bb: {  	v4 =	vor.u32 v61, v63;
	v2 =	vor.u32 v18, v2;
	[tilespmem:s20+$0x18010] =	vst v3  }
0x3bc: {  	[tilespmem:s20+$0x18020] =	vst v2;
	v2 =	vor.u32 v25, v4  }
0x3bd: {  	[tilespmem:s20+$0x18050] =	vst v2  }
.LBB2_29:
0x3be: {  	s19 =	sshra.s32 s18, $0x2  }
0x3bf: {  	v2 =	vld [tilespmem:s19+$0x18000]  }
0x3c0: {  	v3 =	vld [tilespmem:s19+$0xC000]  }
0x3c1: {  	v4 =	vld [tilespmem:s19+$0x18010]  }
0x3c2: {  	v5 =	vld [tilespmem:s19+$0xC010]  }
0x3c3: {  	v6 =	vld [tilespmem:s19+$0x18020]  }
0x3c4: {  	v7 =	vld [tilespmem:s19+$0xC020]  }
0x3c5: {  	v8 =	vld [tilespmem:s19+$0x18030]  }
0x3c6: {  	v9 =	vld [tilespmem:s19+$0xC030]  }
0x3c7: {  	v10 =	vld [tilespmem:s19+$0x18040]  }
0x3c8: {  	v11 =	vld [tilespmem:s19+$0xC040]  }
0x3c9: {  	v12 =	vld [tilespmem:s19+$0x18050]  }
0x3ca: {  	v13 =	vld [tilespmem:s19+$0xC050]  }
0x3cb: {  	v14 =	vld [tilespmem:s19+$0x18060]  }
0x3cc: {  	v15 =	vld [tilespmem:s19+$0xC060]  }
0x3cd: {  	v16 =	vld [tilespmem:s19+$0x18070]  }
0x3ce: {  	v17 =	vld [tilespmem:s19+$0xC070]  }
0x3cf: {  	v18 =	vld [tilespmem:s19+$0x18080]  }
0x3d0: {  	v19 =	vld [tilespmem:s19+$0xC080]  }
0x3d1: {  	v20 =	vld [tilespmem:s19+$0x18090];
	v22 =	vand.u32 $0x7FF, v2  }
0x3d2: {  	v21 =	vld [tilespmem:s19+$0xC090]  }
0x3d3: {  	v23 =	vld [tilespmem:s19+$0x180A0]  }
0x3d4: {  	v24 =	vld [tilespmem:s19+$0xC0A0]  }
0x3d5: {  	v25 =	vld [tilespmem:s19+$0x180B0]  }
0x3d6: {  	v27 =	vld.idx.msk [tilespmem:v22+s11+$0x0], $0xffff  }
0x3d7: {  	v26 =	vld [tilespmem:s19+$0xC0B0]  }
0x3d8: {  	v28 =	vld [tilespmem:s19+$0x180C0]  }
0x3d9: {  	v29 =	vld [tilespmem:s19+$0xC0C0];
	v30 =	vshrl.u32 v2, $0xB;
	vm0 =	vgt.u32 v2, $0xFFFF  }
0x3da: {  	v31 =	vld [tilespmem:s19+$0xC0D0];
	v30 =	vand.u32 $0x1F, v30  }
0x3db: {  	v32 =	vld [tilespmem:s19+$0x180E0];
	v27 =	vadd.s32 v30, v27  }
0x3dc: {  	v34 =	vld [tilespmem:s19+$0x180F0];
	v33 =	vand.u32 $0x7FF, v4  }
0x3dd: {  	v35 =	vld [tilespmem:s19+$0xC0F0]  }
0x3de: {  	v2 =	vld [tilespmem:s19+$0x180D0]  }
0x3df: {  	v30 =	vld [tilespmem:s19+$0xC0E0];
	[tilespmem:v22+s11+$0x0] =	vst.idx.msk vm0, v27  }
0x3e0: {  	[tilespmem:v27+s14+$0x0] =	vst.idx.msk $0xffff, v3  }
0x3e1: {  	v3 =	vld.idx.msk [tilespmem:v33+s11+$0x0], $0xffff;
	_ =	sdelay $0x2  }
0x3e2: {  	v36 =	vshrl.u32 v4, $0xB;
	vm13 =	vgt.u32 v4, $0xFFFF  }
0x3e3: {  	v37 =	vand.u32 $0x1F, v36  }
0x3e4: {  	v3 =	vadd.s32 v37, v3  }
0x3e5: {  	v38 =	vand.u32 $0x7FF, v6;
	_ =	sdelay $0x2  }
0x3e6: {  	[tilespmem:v33+s11+$0x0] =	vst.idx.msk vm13, v3  }
0x3e7: {  	[tilespmem:v3+s14+$0x0] =	vst.idx.msk $0xffff, v5  }
0x3e8: {  	v3 =	vld.idx.msk [tilespmem:v38+s11+$0x0], $0xffff;
	_ =	sdelay $0x2  }
0x3e9: {  	v39 =	vshrl.u32 v6, $0xB;
	vm14 =	vgt.u32 v6, $0xFFFF  }
0x3ea: {  	v5 =	vand.u32 $0x1F, v39  }
0x3eb: {  	v3 =	vadd.s32 v5, v3  }
0x3ec: {  	v40 =	vand.u32 $0x7FF, v8;
	_ =	sdelay $0x2  }
0x3ed: {  	[tilespmem:v38+s11+$0x0] =	vst.idx.msk vm14, v3  }
0x3ee: {  	[tilespmem:v3+s14+$0x0] =	vst.idx.msk $0xffff, v7  }
0x3ef: {  	v3 =	vld.idx.msk [tilespmem:v40+s11+$0x0], $0xffff;
	_ =	sdelay $0x2  }
0x3f0: {  	v41 =	vshrl.u32 v8, $0xB;
	vm15 =	vgt.u32 v8, $0xFFFF  }
0x3f1: {  	v4 =	vand.u32 $0x1F, v41  }
0x3f2: {  	v3 =	vadd.s32 v4, v3  }
0x3f3: {  	v42 =	vand.u32 $0x7FF, v10;
	_ =	sdelay $0x2  }
0x3f4: {  	[tilespmem:v40+s11+$0x0] =	vst.idx.msk vm15, v3  }
0x3f5: {  	[tilespmem:v3+s14+$0x0] =	vst.idx.msk $0xffff, v9  }
0x3f6: {  	v3 =	vld.idx.msk [tilespmem:v42+s11+$0x0], $0xffff;
	_ =	sdelay $0x2  }
0x3f7: {  	v43 =	vshrl.u32 v10, $0xB;
	vm4 =	vgt.u32 v10, $0xFFFF  }
0x3f8: {  	v5 =	vand.u32 $0x1F, v43  }
0x3f9: {  	v3 =	vadd.s32 v5, v3  }
0x3fa: {  	v44 =	vand.u32 $0x7FF, v12;
	_ =	sdelay $0x2  }
0x3fb: {  	[tilespmem:v42+s11+$0x0] =	vst.idx.msk vm4, v3  }
0x3fc: {  	[tilespmem:v3+s14+$0x0] =	vst.idx.msk $0xffff, v11  }
0x3fd: {  	v3 =	vld.idx.msk [tilespmem:v44+s11+$0x0], $0xffff;
	_ =	sdelay $0x2  }
0x3fe: {  	v45 =	vshrl.u32 v12, $0xB;
	vm5 =	vgt.u32 v12, $0xFFFF  }
0x3ff: {  	v4 =	vand.u32 $0x1F, v45  }
0x400: {  	v3 =	vadd.s32 v4, v3  }
0x401: {  	v46 =	vand.u32 $0x7FF, v14;
	_ =	sdelay $0x2  }
0x402: {  	[tilespmem:v44+s11+$0x0] =	vst.idx.msk vm5, v3  }
0x403: {  	[tilespmem:v3+s14+$0x0] =	vst.idx.msk $0xffff, v13  }
0x404: {  	v3 =	vld.idx.msk [tilespmem:v46+s11+$0x0], $0xffff;
	_ =	sdelay $0x2  }
0x405: {  	v47 =	vshrl.u32 v14, $0xB;
	vm6 =	vgt.u32 v14, $0xFFFF  }
0x406: {  	v5 =	vand.u32 $0x1F, v47  }
0x407: {  	v3 =	vadd.s32 v5, v3  }
0x408: {  	v48 =	vand.u32 $0x7FF, v16;
	_ =	sdelay $0x2  }
0x409: {  	[tilespmem:v46+s11+$0x0] =	vst.idx.msk vm6, v3  }
0x40a: {  	[tilespmem:v3+s14+$0x0] =	vst.idx.msk $0xffff, v15  }
0x40b: {  	v3 =	vld.idx.msk [tilespmem:v48+s11+$0x0], $0xffff;
	_ =	sdelay $0x2  }
0x40c: {  	v49 =	vshrl.u32 v16, $0xB;
	vm7 =	vgt.u32 v16, $0xFFFF  }
0x40d: {  	v4 =	vand.u32 $0x1F, v49  }
0x40e: {  	v3 =	vadd.s32 v4, v3  }
0x40f: {  	v50 =	vand.u32 $0x7FF, v18;
	_ =	sdelay $0x2  }
0x410: {  	[tilespmem:v48+s11+$0x0] =	vst.idx.msk vm7, v3  }
0x411: {  	[tilespmem:v3+s14+$0x0] =	vst.idx.msk $0xffff, v17  }
0x412: {  	v3 =	vld.idx.msk [tilespmem:v50+s11+$0x0], $0xffff;
	_ =	sdelay $0x2  }
0x413: {  	v51 =	vshrl.u32 v18, $0xB;
	vm8 =	vgt.u32 v18, $0xFFFF  }
0x414: {  	v5 =	vand.u32 $0x1F, v51  }
0x415: {  	v3 =	vadd.s32 v5, v3  }
0x416: {  	v52 =	vand.u32 $0x7FF, v20;
	_ =	sdelay $0x2  }
0x417: {  	[tilespmem:v50+s11+$0x0] =	vst.idx.msk vm8, v3  }
0x418: {  	[tilespmem:v3+s14+$0x0] =	vst.idx.msk $0xffff, v19  }
0x419: {  	v3 =	vld.idx.msk [tilespmem:v52+s11+$0x0], $0xffff;
	_ =	sdelay $0x2  }
0x41a: {  	v53 =	vshrl.u32 v20, $0xB;
	vm9 =	vgt.u32 v20, $0xFFFF  }
0x41b: {  	v4 =	vand.u32 $0x1F, v53  }
0x41c: {  	v3 =	vadd.s32 v4, v3  }
0x41d: {  	v54 =	vand.u32 $0x7FF, v23;
	_ =	sdelay $0x2  }
0x41e: {  	[tilespmem:v52+s11+$0x0] =	vst.idx.msk vm9, v3  }
0x41f: {  	[tilespmem:v3+s14+$0x0] =	vst.idx.msk $0xffff, v21  }
0x420: {  	v3 =	vld.idx.msk [tilespmem:v54+s11+$0x0], $0xffff;
	_ =	sdelay $0x2  }
0x421: {  	v55 =	vshrl.u32 v23, $0xB;
	vm10 =	vgt.u32 v23, $0xFFFF  }
0x422: {  	v5 =	vand.u32 $0x1F, v55  }
0x423: {  	v3 =	vadd.s32 v5, v3  }
0x424: {  	v56 =	vand.u32 $0x7FF, v25;
	_ =	sdelay $0x2  }
0x425: {  	[tilespmem:v54+s11+$0x0] =	vst.idx.msk vm10, v3  }
0x426: {  	[tilespmem:v3+s14+$0x0] =	vst.idx.msk $0xffff, v24  }
0x427: {  	v3 =	vld.idx.msk [tilespmem:v56+s11+$0x0], $0xffff;
	_ =	sdelay $0x2  }
0x428: {  	v57 =	vshrl.u32 v25, $0xB;
	vm11 =	vgt.u32 v25, $0xFFFF  }
0x429: {  	v4 =	vand.u32 $0x1F, v57  }
0x42a: {  	v3 =	vadd.s32 v4, v3  }
0x42b: {  	v58 =	vand.u32 $0x7FF, v28;
	_ =	sdelay $0x2  }
0x42c: {  	[tilespmem:v56+s11+$0x0] =	vst.idx.msk vm11, v3  }
0x42d: {  	[tilespmem:v3+s14+$0x0] =	vst.idx.msk $0xffff, v26  }
0x42e: {  	v3 =	vld.idx.msk [tilespmem:v58+s11+$0x0], $0xffff;
	_ =	sdelay $0x2  }
0x42f: {  	v59 =	vshrl.u32 v28, $0xB;
	vm12 =	vgt.u32 v28, $0xFFFF  }
0x430: {  	v5 =	vand.u32 $0x1F, v59  }
0x431: {  	v3 =	vadd.s32 v5, v3  }
0x432: {  	v60 =	vand.u32 $0x7FF, v2;
	_ =	sdelay $0x2  }
0x433: {  	[tilespmem:v58+s11+$0x0] =	vst.idx.msk vm12, v3  }
0x434: {  	[tilespmem:v3+s14+$0x0] =	vst.idx.msk $0xffff, v29  }
0x435: {  	v3 =	vld.idx.msk [tilespmem:v60+s11+$0x0], $0xffff;
	_ =	sdelay $0x2  }
0x436: {  	v61 =	vshrl.u32 v2, $0xB;
	vm13 =	vgt.u32 v2, $0xFFFF  }
0x437: {  	v2 =	vand.u32 $0x1F, v61  }
0x438: {  	v2 =	vadd.s32 v2, v3  }
0x439: {  	v3 =	vand.u32 $0x7FF, v32;
	_ =	sdelay $0x2  }
0x43a: {  	[tilespmem:v60+s11+$0x0] =	vst.idx.msk vm13, v2  }
0x43b: {  	[tilespmem:v2+s14+$0x0] =	vst.idx.msk $0xffff, v31  }
0x43c: {  	v2 =	vld.idx.msk [tilespmem:v3+s11+$0x0], $0xffff;
	_ =	sdelay $0x2  }
0x43d: {  	v62 =	vshrl.u32 v32, $0xB;
	vm14 =	vgt.u32 v32, $0xFFFF  }
0x43e: {  	v4 =	vand.u32 $0x1F, v62  }
0x43f: {  	v2 =	vadd.s32 v4, v2  }
0x440: {  	v63 =	vand.u32 $0x7FF, v34;
	_ =	sdelay $0x2  }
0x441: {  	[tilespmem:v3+s11+$0x0] =	vst.idx.msk vm14, v2  }
0x442: {  	[tilespmem:v2+s14+$0x0] =	vst.idx.msk $0xffff, v30  }
0x443: {  	v2 =	vld.idx.msk [tilespmem:v63+s11+$0x0], $0xffff;
	_ =	sdelay $0x2  }
0x444: {  	vm15 =	vgt.u32 v34, $0xFFFF;
	v3 =	vshrl.u32 v34, $0xB  }
0x445: {  	v3 =	vand.u32 $0x1F, v3  }
0x446: {  	p0 =	sne.s32 s18, $0xFC00;
	v2 =	vadd.s32 v3, v2  }
.Ltmp15:
0x447: {  	_ = 	snop;
	(pc) =	sbr.rel @p0 .LBB2_29-.Ltmp15, $3  }
0x448: {  	_ =	sdelay $0x1  }
0x449: {  	[tilespmem:v63+s11+$0x0] =	vst.idx.msk vm15, v2  }
0x44a: {  	s18 =	sadd.s32 $0x400, s18;
	[tilespmem:v2+s14+$0x0] =	vst.idx.msk $0xffff, v35  }
0x44b: {  	p1 =	por $0x1, $0x1  }
.Ltmp16:
0x44c: {  	_ = 	snop;
	(pc) =	sbr.rel @!p1 .LBB2_31-.Ltmp16, $2  }
0x44d: {  	_ =	sdelay $0x2  }
0x44e: {  	s18 =	simm.s32 $0xFFFFFFFF;
	s22 =	simm.s32 $0x0;
	p0 =	por $0x0, $0x0  }
0x44f: {  	v2 =	vld [tilespmem:s22+$0x1D000];
	_ =	sdelay $0x4  }
0x450: {  	(xrf0) =	vadd.scan.msk.s32 $0xffff, v2;
	_ =	sdelay $0x4  }
0x451: {  	p1 =	por $0x1, $0x1  }
.Ltmp17:
0x452: {  	v3, _, _ =	vpop (xrf0);
	(pc) =	sbr.rel @!p1 .LBB2_33-.Ltmp17, $4  }
0x453: {  	(v2sf) =	vpush v3, $0xF  }
0x454: {  	v2 =	vsub.s32 s18, v2  }
0x455: {  	s20 =	simm.s32 $0x10;
	v2 =	vadd.s32 v3, v2  }
0x456: {  	s21 =	simm.s32 $0x80;
	p0 =	por $0x1, $0x1;
	s19 =	simm.s32 $0xFFFFFFFF;
	[tilespmem:s22+$0x1D000] =	vst v2  }
.LBB2_34:
0x457: {  	p1 =	sne.s32 s21, $0x1FC0;
	v2 =	vld [tilespmem:s20+$0x1D000];
	_ =	sdelay $0x4  }
0x458: {  	(xrf0) =	vadd.scan.msk.s32 $0xffff, v2;
	_ =	sdelay $0x5  }
.Ltmp18:
0x459: {  	v3, _, _ =	vpop (xrf0);
	s22 =	spop (v2sf);
	(pc) =	sbr.rel @p1 .LBB2_34-.Ltmp18, $4  }
0x45a: {  	(v2sf) =	vpush v3, $0xF;
	s19 =	sadd.s32 s19, s22  }
0x45b: {  	v2 =	vsub.s32 s19, v2  }
0x45c: {  	v2 =	vadd.s32 v3, v2  }
0x45d: {  	[tilespmem:s20+$0x1D000] =	vst v2;
	s20 =	sshra.s32 s21, $0x2;
	s21 =	sadd.s32 $0x40, s21  }
0x45e: {  	s22 =	smov.u32 s20  }
.LBB2_36:
0x45f: {  	_ =	sdelay $0x1  }
0x460: {  	v2 =	vld [tilespmem:s22+$0x1D000];
	_ =	sdelay $0x4  }
0x461: {  	(xrf0) =	vadd.scan.msk.s32 $0xffff, v2;
	_ =	sdelay $0x2  }
0x462: {  	s20 =	spop @p0 (v2sf)  }
0x463: {  	s19 =	sadd.s32 @p0 s19, s20  }
0x464: {  	s18 =	smov.u32 @p0 s19  }
0x465: {  	v6, _, _ =	vpop (xrf0);
	v2 =	vsub.s32 s18, v2  }
0x466: {  	v2 =	vadd.s32 v6, v2  }
0x467: {  	s29 =	simm.s32 $0x10040;
	[tilespmem:s22+$0x1D000] =	vst v2  }
0x468: {  	v2 =	vld [tilespmem:s29+$0xFFFFFFC0]  }
0x469: {  	v3 =	vld [tilespmem:s29+$0x30]  }
0x46a: {  	v4 =	vld [tilespmem:s29+$0x20]  }
0x46b: {  	v5 =	vld [tilespmem:s29+$0x10]  }
0x46c: {  	v7 =	vld [tilespmem:s29+$0x0]  }
0x46d: {  	v8 =	vld [tilespmem:s29+$0xFFFFFFF0]  }
0x46e: {  	v9 =	vld [tilespmem:s29+$0xFFFFFFE0]  }
0x46f: {  	s30 =	simm.s32 $0x100C0;
	v10 =	vld [tilespmem:s29+$0xFFFFFFD0]  }
0x470: {  	v13 =	vld [tilespmem:s30+$0xFFFFFFC0]  }
0x471: {  	s18 =	simm.s32 $0x0;
	v14 =	vld [tilespmem:s30+$0x30]  }
0x472: {  	v2 =	vld.idx.msk [tilespmem:v2+s18+$0x0], $0xffff  }
0x473: {  	v3 =	vld.idx.msk [tilespmem:v3+s18+$0x0], $0xffff  }
0x474: {  	v4 =	vld.idx.msk [tilespmem:v4+s18+$0x0], $0xffff  }
0x475: {  	v11 =	vld.idx.msk [tilespmem:v5+s18+$0x0], $0xffff  }
0x476: {  	v7 =	vld.idx.msk [tilespmem:v7+s18+$0x0], $0xffff  }
0x477: {  	v10 =	vld.idx.msk [tilespmem:v10+s18+$0x0], $0xffff  }
0x478: {  	v12 =	vld.idx.msk [tilespmem:v8+s18+$0x0], $0xffff;
	v2 =	vshrl.u32 v2, $0x16  }
0x479: {  	v9 =	vld.idx.msk [tilespmem:v9+s18+$0x0], $0xffff;
	v3 =	vshrl.u32 v3, $0x16;
	(xrf1) =	vunique.msk.u32 $0xffff, v2  }
0x47a: {  	v16 =	vld [tilespmem:s30+$0x20];
	v5 =	vshrl.u32 v4, $0x16;
	(xrf1) =	vunique.msk.u32 $0xffff, v3  }
0x47b: {  	v8 =	vshrl.u32 v11, $0x16;
	v4 =	vshrl.u32 v7, $0x16;
	v7 =	vld [tilespmem:s30+$0x10];
	(xrf1) =	vunique.msk.u32 $0xffff, v5  }
0x47c: {  	v11 =	vshrl.u32 v10, $0x16;
	v10 =	vld [tilespmem:s30+$0xFFFFFFE0];
	(xrf1) =	vunique.msk.u32 $0xffff, v8  }
0x47d: {  	v17 =	vld [tilespmem:s30+$0xFFFFFFF0];
	v15 =	vshrl.u32 v12, $0x16;
	(xrf1) =	vunique.msk.u32 $0xffff, v4  }
0x47e: {  	v12 =	vld [tilespmem:s30+$0x0];
	v9 =	vshrl.u32 v9, $0x16;
	(xrf1) =	vunique.msk.u32 $0xffff, v15  }
0x47f: {  	v18 =	vld [tilespmem:s30+$0xFFFFFFD0];
	(xrf1) =	vunique.msk.u32 $0xffff, v9  }
0x480: {  	(v2sf) =	vpush v6, $0xF;
	v6 =	vld.idx.msk [tilespmem:v13+s18+$0x0], $0xffff;
	(xrf1) =	vunique.msk.u32 $0xffff, v11  }
0x481: {  	v13 =	vld.idx.msk [tilespmem:v14+s18+$0x0], $0xffff  }
0x482: {  	v14 =	vld.idx.msk [tilespmem:v16+s18+$0x0], $0xffff  }
0x483: {  	v16 =	vld.idx.msk [tilespmem:v7+s18+$0x0], $0xffff  }
0x484: {  	v22 =	vld.idx.msk [tilespmem:v10+s18+$0x0], $0xffff;
	_ =	sdelay $0x1  }
0x485: {  	v19 =	vld.idx.msk [tilespmem:v12+s18+$0x0], $0xffff  }
0x486: {  	v17 =	vld.idx.msk [tilespmem:v17+s18+$0x0], $0xffff;
	v6 =	vshrl.u32 v6, $0x16;
	_, v7, vm0 =	vpop (xrf1)  }
0x487: {  	s21 =	simm.s32 $0x10140;
	v24 =	vld.idx.msk [tilespmem:v18+s18+$0x0], $0xffff;
	v12 =	vshrl.u32 v14, $0x16;
	(xrf1) =	vunique.msk.u32 $0xffff, v6;
	_, v10, vm1 =	vpop (xrf1);
	v21 =	vshll.u32 v7, $0xB;
	v7 =	vshrl.u32 v13, $0x16  }
0x488: {  	v25 =	vld [tilespmem:s21+$0xFFFFFFC0];
	v14 =	vshrl.u32 v16, $0x16;
	v18 =	vshrl.u32 v22, $0x16;
	v23 =	vsel vm0, $0x10000, v0;
	_, v13, vm2 =	vpop (xrf1);
	(xrf1) =	vunique.msk.u32 $0xffff, v7  }
0x489: {  	v26 =	vld [tilespmem:s21+$0x30];
	v30 =	vshll.u32 v10, $0xB;
	v31 =	vsel vm1, $0x10000, v0;
	v16 =	vor.u32 v21, v23;
	_, v10, vm0 =	vpop (xrf1);
	(xrf1) =	vunique.msk.u32 $0xffff, v12  }
0x48a: {  	v27 =	vld [tilespmem:s21+$0x20];
	v32 =	vshll.u32 v13, $0xB;
	v13 =	vshrl.u32 v19, $0x16;
	v23 =	vsel vm2, $0x10000, v0;
	_, v33, vm1 =	vpop (xrf1);
	(xrf1) =	vunique.msk.u32 $0xffff, v14  }
0x48b: {  	v28 =	vld [tilespmem:s21+$0x10];
	v20 =	vshll.u32 v10, $0xB;
	v21 =	vsel vm0, $0x10000, v0;
	v10 =	vshrl.u32 v17, $0x16;
	_, v36, vm0 =	vpop (xrf1);
	(xrf1) =	vunique.msk.u32 $0xffff, v13  }
0x48c: {  	v29 =	vld [tilespmem:s21+$0x0];
	v22 =	vshrl.u32 v24, $0x16;
	v23 =	vor.u32 v32, v23;
	v17 =	vsel vm1, $0x10000, v0;
	_, v19, vm1 =	vpop (xrf1);
	(xrf1) =	vunique.msk.u32 $0xffff, v10  }
0x48d: {  	v24 =	vshll.u32 v33, $0xB;
	v37 =	vshll.u32 v19, $0xB;
	v19 =	vor.u32 v30, v31;
	_, v30, vm2 =	vpop (xrf1);
	v31 =	vld [tilespmem:s21+$0xFFFFFFF0];
	(xrf1) =	vunique.msk.u32 $0xffff, v18  }
0x48e: {  	s20 =	simm.s32 $0x18040;
	v32 =	vld [tilespmem:s21+$0xFFFFFFE0];
	v38 =	vsel vm1, $0x10000, v0;
	v30 =	vshll.u32 v30, $0xB;
	v35 =	vsel vm2, $0x10000, v0;
	(xrf1) =	vunique.msk.u32 $0xffff, v22  }
0x48f: {  	s19 =	simm.s32 $0x18040;
	s22 =	simm.s32 $0x10;
	v34 =	vld [tilespmem:s21+$0xFFFFFFD0];
	s31 =	spop (v2sf);
	v33 =	vor.u32 v37, v38;
	v35 =	vor.u32 v30, v35;
	v30 =	vshll.u32 v36, $0xB  }
.LBB2_37:
0x490: {  	s22 =	sadd.s32 $0x8, s22;
	v25 =	vld.idx.msk [tilespmem:v25+s18+$0x0], $0xffff;
	v35 =	vor.u32 v11, v35;
	v36 =	vsel vm0, $0x10000, v0;
	v20 =	vor.u32 v20, v21;
	s19 =	sadd.s32 $0x80, s19;
	v11 =	vmovc v22  }
0x491: {  	v22 =	vor.u32 v9, v33;
	v9 =	vmov v18;
	p0 =	slt.u32 s22, $0x3F8;
	v21 =	vld.idx.msk [tilespmem:v26+s18+$0x0], $0xffff;
	[tilespmem:s20+$0xFFFFFFD0] =	vst v35;
	v26 =	vor.u32 v30, v36  }
0x492: {  	v18 =	vld.idx.msk [tilespmem:v27+s18+$0x0], $0xffff;
	[tilespmem:s20+$0xFFFFFFE0] =	vst v22;
	v15 =	vor.u32 v15, v26;
	v26 =	vor.u32 v8, v20;
	v8 =	vmov v14  }
0x493: {  	v17 =	vor.u32 v24, v17;
	v23 =	vor.u32 v5, v23;
	v5 =	vmov v12;
	v14 =	vld.idx.msk [tilespmem:v28+s18+$0x0], $0xffff;
	[tilespmem:s20+$0x10] =	vst v26  }
0x494: {  	v12 =	vor.u32 v2, v16;
	v16 =	vor.u32 v3, v19;
	v2 =	vmov v6;
	v22 =	vld.idx.msk [tilespmem:v29+s18+$0x0], $0xffff;
	[tilespmem:s20+$0x20] =	vst v23  }
0x495: {  	v3 =	vmov v7;
	v19 =	vld.idx.msk [tilespmem:v31+s18+$0x0], $0xffff;
	_, v20, vm0 =	vpop (xrf1);
	[tilespmem:s20+$0xFFFFFFC0] =	vst v12;
	v12 =	vor.u32 v4, v17;
	v4 =	vmov v13  }
0x496: {  	v6 =	vshrl.u32 v25, $0x16;
	v23 =	vld.idx.msk [tilespmem:v32+s18+$0x0], $0xffff;
	v17 =	vshll.u32 v20, $0xB;
	v24 =	vsel vm0, $0x10000, v0;
	_, v13, vm0 =	vpop (xrf1);
	[tilespmem:s20+$0x30] =	vst v16  }
0x497: {  	s21 =	sadd.s32 $0x80, s21;
	v7 =	vshrl.u32 v21, $0x16;
	v30 =	vld.idx.msk [tilespmem:v34+s18+$0x0], $0xffff;
	(xrf1) =	vunique.msk.u32 $0xffff, v6;
	v31 =	vshll.u32 v13, $0xB;
	_, v13, vm1 =	vpop (xrf1);
	[tilespmem:s20+$0x0] =	vst v12  }
0x498: {  	v12 =	vshrl.u32 v18, $0x16;
	v25 =	vld [tilespmem:s21+$0xFFFFFFC0];
	(xrf1) =	vunique.msk.u32 $0xffff, v7;
	v32 =	vshll.u32 v13, $0xB;
	_, v13, vm2 =	vpop (xrf1);
	[tilespmem:s20+$0xFFFFFFF0] =	vst v15;
	s20 =	smov.u32 s19  }
0x499: {  	v35 =	vsel vm0, $0x10000, v0;
	v14 =	vshrl.u32 v14, $0x16;
	v26 =	vld [tilespmem:s21+$0x30];
	(xrf1) =	vunique.msk.u32 $0xffff, v12;
	v20 =	vshll.u32 v13, $0xB;
	_, v33, vm3 =	vpop (xrf1)  }
0x49a: {  	v16 =	vor.u32 v17, v24;
	v13 =	vshrl.u32 v22, $0x16;
	v21 =	vsel vm2, $0x10000, v0;
	v27 =	vld [tilespmem:s21+$0x20];
	(xrf1) =	vunique.msk.u32 $0xffff, v14;
	_, v36, vm0 =	vpop (xrf1)  }
.Ltmp19:
0x49b: {  	v24 =	vsel vm1, $0x10000, v0;
	v34 =	vshrl.u32 v19, $0x16;
	v17 =	vsel vm3, $0x10000, v0;
	v28 =	vld [tilespmem:s21+$0x10];
	(xrf1) =	vunique.msk.u32 $0xffff, v13;
	_, v19, vm1 =	vpop (xrf1);
	(pc) =	sbr.rel @p0 .LBB2_37-.Ltmp19, $4  }
0x49c: {  	v18 =	vshrl.u32 v23, $0x16;
	v29 =	vld [tilespmem:s21+$0x0];
	(xrf1) =	vunique.msk.u32 $0xffff, v34;
	v37 =	vshll.u32 v19, $0xB;
	v19 =	vor.u32 v31, v35;
	_, v15, vm2 =	vpop (xrf1)  }
0x49d: {  	v23 =	vor.u32 v32, v24;
	v22 =	vshrl.u32 v30, $0x16;
	v31 =	vld [tilespmem:s21+$0xFFFFFFF0];
	(xrf1) =	vunique.msk.u32 $0xffff, v18;
	v30 =	vshll.u32 v15, $0xB;
	v15 =	vmovc v10  }
0x49e: {  	v24 =	vshll.u32 v33, $0xB;
	v38 =	vsel vm1, $0x10000, v0;
	v35 =	vsel vm2, $0x10000, v0;
	v10 =	vmovc v34;
	v32 =	vld [tilespmem:s21+$0xFFFFFFE0];
	(xrf1) =	vunique.msk.u32 $0xffff, v22  }
0x49f: {  	v33 =	vor.u32 v37, v38;
	v35 =	vor.u32 v30, v35;
	v30 =	vshll.u32 v36, $0xB;
	v34 =	vld [tilespmem:s21+$0xFFFFFFD0]  }
0x4a0: {  	_ =	sdelay $0x3  }
0x4a1: {  	v25 =	vld.idx.msk [tilespmem:v25+s18+$0x0], $0xffff  }
0x4a2: {  	v26 =	vld.idx.msk [tilespmem:v26+s18+$0x0], $0xffff  }
0x4a3: {  	v27 =	vld.idx.msk [tilespmem:v27+s18+$0x0], $0xffff  }
0x4a4: {  	v28 =	vld.idx.msk [tilespmem:v28+s18+$0x0], $0xffff;
	v11 =	vor.u32 v11, v35;
	v20 =	vor.u32 v20, v21  }
0x4a5: {  	v46 =	vsel vm0, $0x10000, v0;
	v9 =	vor.u32 v9, v33;
	v5 =	vor.u32 v5, v23;
	v29 =	vld.idx.msk [tilespmem:v29+s18+$0x0], $0xffff;
	[tilespmem:s20+$0xFFFFFFD0] =	vst v11  }
0x4a6: {  	v2 =	vor.u32 v2, v16;
	v3 =	vor.u32 v3, v19;
	[tilespmem:s20+$0xFFFFFFE0] =	vst v9;
	v31 =	vld.idx.msk [tilespmem:v31+s18+$0x0], $0xffff;
	v25 =	vshrl.u32 v25, $0x16  }
0x4a7: {  	v8 =	vor.u32 v8, v20;
	v30 =	vor.u32 v30, v46;
	v32 =	vld.idx.msk [tilespmem:v32+s18+$0x0], $0xffff;
	v26 =	vshrl.u32 v26, $0x16;
	(xrf1) =	vunique.msk.u32 $0xffff, v25  }
0x4a8: {  	v15 =	vor.u32 v15, v30;
	v30 =	vor.u32 v24, v17;
	v34 =	vld.idx.msk [tilespmem:v34+s18+$0x0], $0xffff;
	v27 =	vshrl.u32 v27, $0x16;
	_, v36, vm2 =	vpop (xrf1);
	(xrf1) =	vunique.msk.u32 $0xffff, v26  }
0x4a9: {  	[tilespmem:s20+$0xFFFFFFC0] =	vst v2;
	v4 =	vor.u32 v4, v30;
	v28 =	vshrl.u32 v28, $0x16;
	_, v37, vm3 =	vpop (xrf1);
	(xrf1) =	vunique.msk.u32 $0xffff, v27  }
0x4aa: {  	[tilespmem:s20+$0xFFFFFFF0] =	vst v15;
	v29 =	vshrl.u32 v29, $0x16;
	v48 =	vsel vm2, $0x10000, v0;
	_, v38, vm4 =	vpop (xrf1);
	(xrf1) =	vunique.msk.u32 $0xffff, v28  }
0x4ab: {  	v2 =	vshll.u32 v36, $0xB;
	v31 =	vshrl.u32 v31, $0x16;
	v49 =	vsel vm3, $0x10000, v0;
	_, v39, vm5 =	vpop (xrf1);
	(xrf1) =	vunique.msk.u32 $0xffff, v29  }
0x4ac: {  	v2 =	vor.u32 v2, v48;
	v46 =	vshll.u32 v37, $0xB;
	v32 =	vshrl.u32 v32, $0x16;
	_, v40, vm6 =	vpop (xrf1);
	(xrf1) =	vunique.msk.u32 $0xffff, v31  }
0x4ad: {  	v53 =	vsel vm4, $0x10000, v0;
	v48 =	vshll.u32 v38, $0xB;
	v34 =	vshrl.u32 v34, $0x16;
	_, v41, vm7 =	vpop (xrf1);
	(xrf1) =	vunique.msk.u32 $0xffff, v32  }
0x4ae: {  	v2 =	vor.u32 v6, v2;
	v50 =	vsel vm5, $0x10000, v0;
	v39 =	vshll.u32 v39, $0xB;
	_, v42, vm8 =	vpop (xrf1);
	(xrf1) =	vunique.msk.u32 $0xffff, v34  }
0x4af: {  	[tilespmem:s20+$0x0] =	vst v4;
	v15 =	vor.u32 v48, v53;
	v52 =	vsel vm6, $0x10000, v0;
	v4 =	vor.u32 v39, v50;
	_, v43, vm9 =	vpop (xrf1)  }
0x4b0: {  	[tilespmem:s20+$0x30] =	vst v3;
	v60 =	vsel vm7, $0x10000, v0;
	v54 =	vsel vm9, $0x10000, v0;
	v3 =	vshll.u32 v43, $0xB  }
0x4b1: {  	s19 =	sadd.s32 $0x80, s19;
	[tilespmem:s20+$0x20] =	vst v5;
	v56 =	vsel vm8, $0x10000, v0;
	v43 =	vshll.u32 v42, $0xB;
	v3 =	vor.u32 v3, v54  }
0x4b2: {  	[tilespmem:s19+$0xFFFFFFC0] =	vst v2;
	v50 =	vshll.u32 v41, $0xB;
	v5 =	vor.u32 v43, v56;
	v3 =	vor.u32 v22, v3  }
0x4b3: {  	[tilespmem:s19+$0xFFFFFFD0] =	vst v3;
	v3 =	vor.u32 v18, v5;
	v5 =	vor.u32 v46, v49;
	v49 =	vshll.u32 v40, $0xB  }
0x4b4: {  	[tilespmem:s19+$0xFFFFFFE0] =	vst v3;
	v3 =	vor.u32 v14, v4;
	v4 =	vor.u32 v49, v52;
	v5 =	vor.u32 v7, v5  }
0x4b5: {  	[tilespmem:s19+$0x10] =	vst v3;
	v3 =	vor.u32 v12, v15;
	v12 =	vor.u32 v50, v60;
	v2 =	vor.u32 v13, v4;
	_, v44, vm10 =	vpop (xrf1)  }
0x4b6: {  	[tilespmem:s19+$0x20] =	vst v3;
	v3 =	vor.u32 v10, v12;
	_, v45, vm11 =	vpop (xrf1);
	v11 =	vsel vm10, $0x10000, v0;
	v53 =	vshll.u32 v44, $0xB  }
0x4b7: {  	[tilespmem:s19+$0x30] =	vst v5;
	_, v47, vm1 =	vpop (xrf1);
	v33 =	vsel vm11, $0x10000, v0;
	v54 =	vshll.u32 v45, $0xB;
	v4 =	vor.u32 v53, v11  }
0x4b8: {  	[tilespmem:s19+$0x0] =	vst v2;
	_, v51, vm15 =	vpop (xrf1);
	v2 =	vshll.u32 v47, $0xB;
	v60 =	vsel vm1, $0x10000, v0;
	v5 =	vor.u32 v54, v33  }
0x4b9: {  	[tilespmem:s19+$0xFFFFFFF0] =	vst v3;
	v4 =	vor.u32 v25, v4;
	_, v55, vm12 =	vpop (xrf1);
	v62 =	vsel vm15, $0x10000, v0;
	v3 =	vshll.u32 v51, $0xB  }
0x4ba: {  	s31 =	sadd.s32 $0x80, s19;
	[tilespmem:s20+$0x10] =	vst v8;
	v2 =	vor.u32 v2, v60;
	v5 =	vor.u32 v26, v5;
	_, v57, vm13 =	vpop (xrf1);
	v3 =	vor.u32 v3, v62  }
0x4bb: {  	[tilespmem:s31+$0xFFFFFFC0] =	vst v4;
	v62 =	vsel vm12, $0x10000, v0;
	v2 =	vor.u32 v27, v2;
	_, v61, vm14 =	vpop (xrf1);
	v3 =	vor.u32 v28, v3  }
0x4bc: {  	[tilespmem:s31+$0x20] =	vst v2;
	v2 =	vsel vm13, $0x10000, v0;
	_, v63, vm15 =	vpop (xrf1);
	v23 =	vsel vm14, $0x10000, v0;
	v59 =	vshll.u32 v61, $0xB  }
0x4bd: {  	[tilespmem:s31+$0x10] =	vst v3;
	v3 =	vshll.u32 v55, $0xB;
	v58 =	vsel vm15, $0x10000, v0;
	v7 =	vor.u32 v59, v23  }
0x4be: {  	[tilespmem:s31+$0x30] =	vst v5;
	v56 =	vshll.u32 v63, $0xB;
	v3 =	vor.u32 v3, v62;
	v61 =	vor.u32 v32, v7  }
0x4bf: {  	v63 =	vshll.u32 v57, $0xB;
	v6 =	vor.u32 v56, v58;
	v3 =	vor.u32 v29, v3;
	[tilespmem:s31+$0xFFFFFFE0] =	vst v61  }
0x4c0: {  	v2 =	vor.u32 v63, v2;
	v6 =	vor.u32 v34, v6;
	[tilespmem:s31+$0x0] =	vst v3  }
0x4c1: {  	v2 =	vor.u32 v31, v2;
	[tilespmem:s31+$0xFFFFFFD0] =	vst v6  }
0x4c2: {  	[tilespmem:s31+$0xFFFFFFF0] =	vst v2  }
.LBB2_39:
0x4c3: {  	s19 =	sshra.s32 s18, $0x2  }
0x4c4: {  	v2 =	vld [tilespmem:s19+$0x18000]  }
0x4c5: {  	v3 =	vld [tilespmem:s19+$0x10000]  }
0x4c6: {  	v4 =	vld [tilespmem:s19+$0x18010]  }
0x4c7: {  	v5 =	vld [tilespmem:s19+$0x10010]  }
0x4c8: {  	v6 =	vld [tilespmem:s19+$0x18020]  }
0x4c9: {  	v7 =	vld [tilespmem:s19+$0x10020]  }
0x4ca: {  	v8 =	vld [tilespmem:s19+$0x18030]  }
0x4cb: {  	v9 =	vld [tilespmem:s19+$0x10030]  }
0x4cc: {  	v10 =	vld [tilespmem:s19+$0x18040]  }
0x4cd: {  	v11 =	vld [tilespmem:s19+$0x10040]  }
0x4ce: {  	v12 =	vld [tilespmem:s19+$0x18050]  }
0x4cf: {  	v13 =	vld [tilespmem:s19+$0x10050]  }
0x4d0: {  	v14 =	vld [tilespmem:s19+$0x18060]  }
0x4d1: {  	v15 =	vld [tilespmem:s19+$0x10060]  }
0x4d2: {  	v16 =	vld [tilespmem:s19+$0x18070]  }
0x4d3: {  	v17 =	vld [tilespmem:s19+$0x10070]  }
0x4d4: {  	v18 =	vld [tilespmem:s19+$0x18080]  }
0x4d5: {  	v19 =	vld [tilespmem:s19+$0x10080]  }
0x4d6: {  	v20 =	vld [tilespmem:s19+$0x18090];
	v22 =	vand.u32 $0x7FF, v2  }
0x4d7: {  	v21 =	vld [tilespmem:s19+$0x10090]  }
0x4d8: {  	v23 =	vld [tilespmem:s19+$0x180A0]  }
0x4d9: {  	v24 =	vld [tilespmem:s19+$0x100A0]  }
0x4da: {  	v25 =	vld [tilespmem:s19+$0x180B0]  }
0x4db: {  	v27 =	vld.idx.msk [tilespmem:v22+s12+$0x0], $0xffff  }
0x4dc: {  	v26 =	vld [tilespmem:s19+$0x100B0]  }
0x4dd: {  	v28 =	vld [tilespmem:s19+$0x180C0]  }
0x4de: {  	v29 =	vld [tilespmem:s19+$0x100C0];
	v30 =	vshrl.u32 v2, $0xB;
	vm0 =	vgt.u32 v2, $0xFFFF  }
0x4df: {  	v31 =	vld [tilespmem:s19+$0x100D0];
	v30 =	vand.u32 $0x1F, v30  }
0x4e0: {  	v32 =	vld [tilespmem:s19+$0x180E0];
	v27 =	vadd.s32 v30, v27  }
0x4e1: {  	v34 =	vld [tilespmem:s19+$0x180F0];
	v33 =	vand.u32 $0x7FF, v4  }
0x4e2: {  	v35 =	vld [tilespmem:s19+$0x100F0]  }
0x4e3: {  	v2 =	vld [tilespmem:s19+$0x180D0]  }
0x4e4: {  	v30 =	vld [tilespmem:s19+$0x100E0];
	[tilespmem:v22+s12+$0x0] =	vst.idx.msk vm0, v27  }
0x4e5: {  	[tilespmem:v27+s13+$0x0] =	vst.idx.msk $0xffff, v3  }
0x4e6: {  	v3 =	vld.idx.msk [tilespmem:v33+s12+$0x0], $0xffff;
	_ =	sdelay $0x2  }
0x4e7: {  	v36 =	vshrl.u32 v4, $0xB;
	vm13 =	vgt.u32 v4, $0xFFFF  }
0x4e8: {  	v37 =	vand.u32 $0x1F, v36  }
0x4e9: {  	v3 =	vadd.s32 v37, v3  }
0x4ea: {  	v38 =	vand.u32 $0x7FF, v6;
	_ =	sdelay $0x2  }
0x4eb: {  	[tilespmem:v33+s12+$0x0] =	vst.idx.msk vm13, v3  }
0x4ec: {  	[tilespmem:v3+s13+$0x0] =	vst.idx.msk $0xffff, v5  }
0x4ed: {  	v3 =	vld.idx.msk [tilespmem:v38+s12+$0x0], $0xffff;
	_ =	sdelay $0x2  }
0x4ee: {  	v39 =	vshrl.u32 v6, $0xB;
	vm14 =	vgt.u32 v6, $0xFFFF  }
0x4ef: {  	v5 =	vand.u32 $0x1F, v39  }
0x4f0: {  	v3 =	vadd.s32 v5, v3  }
0x4f1: {  	v40 =	vand.u32 $0x7FF, v8;
	_ =	sdelay $0x2  }
0x4f2: {  	[tilespmem:v38+s12+$0x0] =	vst.idx.msk vm14, v3  }
0x4f3: {  	[tilespmem:v3+s13+$0x0] =	vst.idx.msk $0xffff, v7  }
0x4f4: {  	v3 =	vld.idx.msk [tilespmem:v40+s12+$0x0], $0xffff;
	_ =	sdelay $0x2  }
0x4f5: {  	v41 =	vshrl.u32 v8, $0xB;
	vm15 =	vgt.u32 v8, $0xFFFF  }
0x4f6: {  	v4 =	vand.u32 $0x1F, v41  }
0x4f7: {  	v3 =	vadd.s32 v4, v3  }
0x4f8: {  	v42 =	vand.u32 $0x7FF, v10;
	_ =	sdelay $0x2  }
0x4f9: {  	[tilespmem:v40+s12+$0x0] =	vst.idx.msk vm15, v3  }
0x4fa: {  	[tilespmem:v3+s13+$0x0] =	vst.idx.msk $0xffff, v9  }
0x4fb: {  	v3 =	vld.idx.msk [tilespmem:v42+s12+$0x0], $0xffff;
	_ =	sdelay $0x2  }
0x4fc: {  	v43 =	vshrl.u32 v10, $0xB;
	vm4 =	vgt.u32 v10, $0xFFFF  }
0x4fd: {  	v5 =	vand.u32 $0x1F, v43  }
0x4fe: {  	v3 =	vadd.s32 v5, v3  }
0x4ff: {  	v44 =	vand.u32 $0x7FF, v12;
	_ =	sdelay $0x2  }
0x500: {  	[tilespmem:v42+s12+$0x0] =	vst.idx.msk vm4, v3  }
0x501: {  	[tilespmem:v3+s13+$0x0] =	vst.idx.msk $0xffff, v11  }
0x502: {  	v3 =	vld.idx.msk [tilespmem:v44+s12+$0x0], $0xffff;
	_ =	sdelay $0x2  }
0x503: {  	v45 =	vshrl.u32 v12, $0xB;
	vm5 =	vgt.u32 v12, $0xFFFF  }
0x504: {  	v4 =	vand.u32 $0x1F, v45  }
0x505: {  	v3 =	vadd.s32 v4, v3  }
0x506: {  	v46 =	vand.u32 $0x7FF, v14;
	_ =	sdelay $0x2  }
0x507: {  	[tilespmem:v44+s12+$0x0] =	vst.idx.msk vm5, v3  }
0x508: {  	[tilespmem:v3+s13+$0x0] =	vst.idx.msk $0xffff, v13  }
0x509: {  	v3 =	vld.idx.msk [tilespmem:v46+s12+$0x0], $0xffff;
	_ =	sdelay $0x2  }
0x50a: {  	v47 =	vshrl.u32 v14, $0xB;
	vm6 =	vgt.u32 v14, $0xFFFF  }
0x50b: {  	v5 =	vand.u32 $0x1F, v47  }
0x50c: {  	v3 =	vadd.s32 v5, v3  }
0x50d: {  	v48 =	vand.u32 $0x7FF, v16;
	_ =	sdelay $0x2  }
0x50e: {  	[tilespmem:v46+s12+$0x0] =	vst.idx.msk vm6, v3  }
0x50f: {  	[tilespmem:v3+s13+$0x0] =	vst.idx.msk $0xffff, v15  }
0x510: {  	v3 =	vld.idx.msk [tilespmem:v48+s12+$0x0], $0xffff;
	_ =	sdelay $0x2  }
0x511: {  	v49 =	vshrl.u32 v16, $0xB;
	vm7 =	vgt.u32 v16, $0xFFFF  }
0x512: {  	v4 =	vand.u32 $0x1F, v49  }
0x513: {  	v3 =	vadd.s32 v4, v3  }
0x514: {  	v50 =	vand.u32 $0x7FF, v18;
	_ =	sdelay $0x2  }
0x515: {  	[tilespmem:v48+s12+$0x0] =	vst.idx.msk vm7, v3  }
0x516: {  	[tilespmem:v3+s13+$0x0] =	vst.idx.msk $0xffff, v17  }
0x517: {  	v3 =	vld.idx.msk [tilespmem:v50+s12+$0x0], $0xffff;
	_ =	sdelay $0x2  }
0x518: {  	v51 =	vshrl.u32 v18, $0xB;
	vm8 =	vgt.u32 v18, $0xFFFF  }
0x519: {  	v5 =	vand.u32 $0x1F, v51  }
0x51a: {  	v3 =	vadd.s32 v5, v3  }
0x51b: {  	v52 =	vand.u32 $0x7FF, v20;
	_ =	sdelay $0x2  }
0x51c: {  	[tilespmem:v50+s12+$0x0] =	vst.idx.msk vm8, v3  }
0x51d: {  	[tilespmem:v3+s13+$0x0] =	vst.idx.msk $0xffff, v19  }
0x51e: {  	v3 =	vld.idx.msk [tilespmem:v52+s12+$0x0], $0xffff;
	_ =	sdelay $0x2  }
0x51f: {  	v53 =	vshrl.u32 v20, $0xB;
	vm9 =	vgt.u32 v20, $0xFFFF  }
0x520: {  	v4 =	vand.u32 $0x1F, v53  }
0x521: {  	v3 =	vadd.s32 v4, v3  }
0x522: {  	v54 =	vand.u32 $0x7FF, v23;
	_ =	sdelay $0x2  }
0x523: {  	[tilespmem:v52+s12+$0x0] =	vst.idx.msk vm9, v3  }
0x524: {  	[tilespmem:v3+s13+$0x0] =	vst.idx.msk $0xffff, v21  }
0x525: {  	v3 =	vld.idx.msk [tilespmem:v54+s12+$0x0], $0xffff;
	_ =	sdelay $0x2  }
0x526: {  	v55 =	vshrl.u32 v23, $0xB;
	vm10 =	vgt.u32 v23, $0xFFFF  }
0x527: {  	v5 =	vand.u32 $0x1F, v55  }
0x528: {  	v3 =	vadd.s32 v5, v3  }
0x529: {  	v56 =	vand.u32 $0x7FF, v25;
	_ =	sdelay $0x2  }
0x52a: {  	[tilespmem:v54+s12+$0x0] =	vst.idx.msk vm10, v3  }
0x52b: {  	[tilespmem:v3+s13+$0x0] =	vst.idx.msk $0xffff, v24  }
0x52c: {  	v3 =	vld.idx.msk [tilespmem:v56+s12+$0x0], $0xffff;
	_ =	sdelay $0x2  }
0x52d: {  	v57 =	vshrl.u32 v25, $0xB;
	vm11 =	vgt.u32 v25, $0xFFFF  }
0x52e: {  	v4 =	vand.u32 $0x1F, v57  }
0x52f: {  	v3 =	vadd.s32 v4, v3  }
0x530: {  	v58 =	vand.u32 $0x7FF, v28;
	_ =	sdelay $0x2  }
0x531: {  	[tilespmem:v56+s12+$0x0] =	vst.idx.msk vm11, v3  }
0x532: {  	[tilespmem:v3+s13+$0x0] =	vst.idx.msk $0xffff, v26  }
0x533: {  	v3 =	vld.idx.msk [tilespmem:v58+s12+$0x0], $0xffff;
	_ =	sdelay $0x2  }
0x534: {  	v59 =	vshrl.u32 v28, $0xB;
	vm12 =	vgt.u32 v28, $0xFFFF  }
0x535: {  	v5 =	vand.u32 $0x1F, v59  }
0x536: {  	v3 =	vadd.s32 v5, v3  }
0x537: {  	v60 =	vand.u32 $0x7FF, v2;
	_ =	sdelay $0x2  }
0x538: {  	[tilespmem:v58+s12+$0x0] =	vst.idx.msk vm12, v3  }
0x539: {  	[tilespmem:v3+s13+$0x0] =	vst.idx.msk $0xffff, v29  }
0x53a: {  	v3 =	vld.idx.msk [tilespmem:v60+s12+$0x0], $0xffff;
	_ =	sdelay $0x2  }
0x53b: {  	v61 =	vshrl.u32 v2, $0xB;
	vm13 =	vgt.u32 v2, $0xFFFF  }
0x53c: {  	v2 =	vand.u32 $0x1F, v61  }
0x53d: {  	v2 =	vadd.s32 v2, v3  }
0x53e: {  	v3 =	vand.u32 $0x7FF, v32;
	_ =	sdelay $0x2  }
0x53f: {  	[tilespmem:v60+s12+$0x0] =	vst.idx.msk vm13, v2  }
0x540: {  	[tilespmem:v2+s13+$0x0] =	vst.idx.msk $0xffff, v31  }
0x541: {  	v2 =	vld.idx.msk [tilespmem:v3+s12+$0x0], $0xffff;
	_ =	sdelay $0x2  }
0x542: {  	v62 =	vshrl.u32 v32, $0xB;
	vm14 =	vgt.u32 v32, $0xFFFF  }
0x543: {  	v4 =	vand.u32 $0x1F, v62  }
0x544: {  	v2 =	vadd.s32 v4, v2  }
0x545: {  	v63 =	vand.u32 $0x7FF, v34;
	_ =	sdelay $0x2  }
0x546: {  	[tilespmem:v3+s12+$0x0] =	vst.idx.msk vm14, v2  }
0x547: {  	[tilespmem:v2+s13+$0x0] =	vst.idx.msk $0xffff, v30  }
0x548: {  	v2 =	vld.idx.msk [tilespmem:v63+s12+$0x0], $0xffff;
	_ =	sdelay $0x2  }
0x549: {  	vm15 =	vgt.u32 v34, $0xFFFF;
	v3 =	vshrl.u32 v34, $0xB  }
0x54a: {  	v3 =	vand.u32 $0x1F, v3  }
0x54b: {  	p0 =	sne.s32 s18, $0xFC00;
	v2 =	vadd.s32 v3, v2  }
.Ltmp20:
0x54c: {  	_ = 	snop;
	(pc) =	sbr.rel @p0 .LBB2_39-.Ltmp20, $3  }
0x54d: {  	_ =	sdelay $0x1  }
0x54e: {  	[tilespmem:v63+s12+$0x0] =	vst.idx.msk vm15, v2  }
0x54f: {  	s18 =	sadd.s32 $0x400, s18;
	[tilespmem:v2+s13+$0x0] =	vst.idx.msk $0xffff, v35  }
0x550: {  	s21 =	simm.s32 $0x0  }
0x551: {  	v2 =	vld [tilespmem:s21+$0x14000]  }
0x552: {  	v3 =	vld [tilespmem:s21+$0x14010]  }
0x553: {  	v4 =	vld [tilespmem:s21+$0x14020]  }
0x554: {  	v5 =	vld [tilespmem:s21+$0x14030]  }
0x555: {  	v6 =	vld [tilespmem:s21+$0x14040]  }
0x556: {  	v7 =	vld [tilespmem:s21+$0x14050]  }
0x557: {  	v8 =	vld [tilespmem:s21+$0x14060]  }
0x558: {  	s19 =	simm.s32 $0x80;
	v9 =	vld [tilespmem:s21+$0x14070]  }
0x559: {  	v10 =	vld [tilespmem:s19+$0x14000]  }
0x55a: {  	v13 =	vld [tilespmem:s19+$0x14050]  }
0x55b: {  	s18 =	simm.s32 $0x0;
	v17 =	vld [tilespmem:s19+$0x14070]  }
0x55c: {  	v4 =	vld.idx.msk [tilespmem:v4+s18+$0x0], $0xffff  }
0x55d: {  	v5 =	vld.idx.msk [tilespmem:v5+s18+$0x0], $0xffff  }
0x55e: {  	v6 =	vld.idx.msk [tilespmem:v6+s18+$0x0], $0xffff  }
0x55f: {  	v7 =	vld.idx.msk [tilespmem:v7+s18+$0x0], $0xffff  }
0x560: {  	v8 =	vld.idx.msk [tilespmem:v8+s18+$0x0], $0xffff  }
0x561: {  	v9 =	vld.idx.msk [tilespmem:v9+s18+$0x0], $0xffff  }
0x562: {  	v14 =	vshrl.u32 v4, $0x16;
	v4 =	vld [tilespmem:s19+$0x14010]  }
0x563: {  	v15 =	vshrl.u32 v5, $0x16;
	v5 =	vld [tilespmem:s19+$0x14020]  }
0x564: {  	v11 =	vshrl.u32 v6, $0x16;
	v6 =	vld [tilespmem:s19+$0x14030]  }
0x565: {  	v12 =	vshrl.u32 v7, $0x16;
	v7 =	vld [tilespmem:s19+$0x14040];
	(xrf1) =	vunique.msk.u32 $0xffff, v14  }
0x566: {  	v2 =	vld.idx.msk [tilespmem:v2+s18+$0x0], $0xffff;
	(xrf1) =	vunique.msk.u32 $0xffff, v15  }
0x567: {  	v16 =	vshrl.u32 v9, $0x16;
	v9 =	vld [tilespmem:s19+$0x14060];
	(xrf1) =	vunique.msk.u32 $0xffff, v11  }
0x568: {  	v3 =	vld.idx.msk [tilespmem:v3+s18+$0x0], $0xffff;
	v8 =	vshrl.u32 v8, $0x16;
	(xrf1) =	vunique.msk.u32 $0xffff, v12  }
0x569: {  	v10 =	vld.idx.msk [tilespmem:v10+s18+$0x0], $0xffff;
	(xrf1) =	vunique.msk.u32 $0xffff, v8  }
0x56a: {  	(xrf1) =	vunique.msk.u32 $0xffff, v16;
	v18 =	vld.idx.msk [tilespmem:v4+s18+$0x0], $0xffff  }
0x56b: {  	v4 =	vld.idx.msk [tilespmem:v5+s18+$0x0], $0xffff  }
0x56c: {  	v5 =	vld.idx.msk [tilespmem:v6+s18+$0x0], $0xffff  }
0x56d: {  	v6 =	vld.idx.msk [tilespmem:v7+s18+$0x0], $0xffff  }
0x56e: {  	v7 =	vld.idx.msk [tilespmem:v13+s18+$0x0], $0xffff  }
0x56f: {  	v19 =	vshrl.u32 v2, $0x16;
	v9 =	vld.idx.msk [tilespmem:v9+s18+$0x0], $0xffff  }
0x570: {  	s20 =	simm.s32 $0x100;
	v20 =	vshrl.u32 v3, $0x16;
	(xrf1) =	vunique.msk.u32 $0xffff, v19;
	v13 =	vld.idx.msk [tilespmem:v17+s18+$0x0], $0xffff  }
0x571: {  	(xrf1) =	vunique.msk.u32 $0xffff, v20;
	v17 =	vld [tilespmem:s20+$0x14000];
	_ =	sdelay $0x1  }
0x572: {  	v2 =	vshrl.u32 v10, $0x16;
	_, v10, vm0 =	vpop (xrf1)  }
0x573: {  	v23 =	vld [tilespmem:s20+$0x14010];
	v3 =	vshrl.u32 v4, $0x16;
	v4 =	vshrl.u32 v5, $0x16;
	_, v22, vm10 =	vpop (xrf1)  }
0x574: {  	v29 =	vld [tilespmem:s20+$0x14030];
	v5 =	vshrl.u32 v6, $0x16;
	v6 =	vshrl.u32 v7, $0x16;
	v7 =	vshrl.u32 v9, $0x16;
	(xrf1) =	vunique.msk.u32 $0xffff, v3;
	_, v25, vm11 =	vpop (xrf1)  }
0x575: {  	v26 =	vld [tilespmem:s20+$0x14020];
	v9 =	vshrl.u32 v13, $0x16;
	v10 =	vshll.u32 v10, $0xB;
	v21 =	vsel vm0, $0x10000, v0;
	(xrf1) =	vunique.msk.u32 $0xffff, v4;
	_, v28, vm12 =	vpop (xrf1)  }
0x576: {  	v32 =	vld [tilespmem:s20+$0x14040];
	v22 =	vshll.u32 v22, $0xB;
	v24 =	vsel vm10, $0x10000, v0;
	(xrf1) =	vunique.msk.u32 $0xffff, v5;
	v10 =	vor.u32 v10, v21;
	_, v31, vm13 =	vpop (xrf1)  }
0x577: {  	v33 =	vld [tilespmem:s20+$0x14050];
	v25 =	vshll.u32 v25, $0xB;
	v27 =	vsel vm11, $0x10000, v0;
	v28 =	vshll.u32 v28, $0xB;
	_, v55, vm1 =	vpop (xrf1);
	(xrf1) =	vunique.msk.u32 $0xffff, v6  }
0x578: {  	v59 =	vld.idx.msk [tilespmem:v17+s18+$0x0], $0xffff;
	v30 =	vsel vm12, $0x10000, v0;
	v54 =	vshll.u32 v31, $0xB;
	v13 =	vsel vm13, $0x10000, v0;
	(xrf1) =	vunique.msk.u32 $0xffff, v7  }
0x579: {  	v34 =	vld [tilespmem:s20+$0x14060];
	v17 =	vor.u32 v22, v24;
	v28 =	vor.u32 v28, v30;
	v13 =	vor.u32 v54, v13;
	(xrf1) =	vunique.msk.u32 $0xffff, v9  }
0x57a: {  	v25 =	vor.u32 v25, v27;
	v56 =	vor.u32 v12, v28;
	v12 =	vld [tilespmem:s20+$0x14070];
	v8 =	vor.u32 v8, v13  }
0x57b: {  	v11 =	vor.u32 v11, v25;
	v31 =	vshll.u32 v55, $0xB;
	v57 =	vsel vm1, $0x10000, v0  }
0x57c: {  	v10 =	vor.u32 v14, v10;
	v14 =	vld.idx.msk [tilespmem:v29+s18+$0x0], $0xffff;
	[tilespmem:s21+$0x18040] =	vst v11;
	v58 =	vor.u32 v31, v57  }
0x57d: {  	v15 =	vor.u32 v15, v17;
	v11 =	vld.idx.msk [tilespmem:v23+s18+$0x0], $0xffff;
	v13 =	vor.u32 v16, v58;
	_, v16, vm14 =	vpop (xrf1);
	[tilespmem:s21+$0x18060] =	vst v8  }
0x57e: {  	(xrf1) =	vunique.msk.u32 $0xffff, v2;
	[tilespmem:s21+$0x18070] =	vst v13;
	v13 =	vld.idx.msk [tilespmem:v26+s18+$0x0], $0xffff;
	v16 =	vshll.u32 v16, $0xB;
	v60 =	vsel vm14, $0x10000, v0;
	_, v8, vm15 =	vpop (xrf1)  }
0x57f: {  	[tilespmem:s21+$0x18020] =	vst v10;
	v17 =	vld.idx.msk [tilespmem:v33+s18+$0x0], $0xffff;
	v61 =	vshll.u32 v8, $0xB;
	v62 =	vsel vm15, $0x10000, v0;
	v8 =	vshrl.u32 v18, $0x16  }
0x580: {  	[tilespmem:s21+$0x18030] =	vst v15;
	v15 =	vld.idx.msk [tilespmem:v32+s18+$0x0], $0xffff;
	v16 =	vor.u32 v16, v60;
	v63 =	vor.u32 v61, v62;
	(xrf1) =	vunique.msk.u32 $0xffff, v8  }
0x581: {  	s22 =	simm.s32 $0x10;
	s23 =	simm.s32 $0x600;
	v10 =	vshrl.u32 v59, $0x16;
	[tilespmem:s21+$0x18050] =	vst v56;
	v16 =	vor.u32 v19, v16;
	v18 =	vld.idx.msk [tilespmem:v34+s18+$0x0], $0xffff;
	v19 =	vor.u32 v20, v63  }
.LBB2_41:
0x582: {  	s24 =	sshra.s32 s23, $0x2;
	s22 =	sadd.s32 $0x8, s22;
	v12 =	vld.idx.msk [tilespmem:v12+s18+$0x0], $0xffff;
	_, v20, vm0 =	vpop (xrf1);
	[tilespmem:s21+$0x18010] =	vst v19;
	v19 =	vmov v11;
	v21 =	vmov v2;
	v2 =	vmov v10  }
0x583: {  	v22 =	vshrl.u32 v13, $0x16;
	v10 =	vld [tilespmem:s24+$0x14000];
	p0 =	slt.u32 s22, $0x3F8;
	v13 =	vshll.u32 v20, $0xB;
	v20 =	vsel vm0, $0x10000, v0;
	_, v11, vm0 =	vpop (xrf1);
	[tilespmem:s21+$0x18000] =	vst v16;
	s21 =	smov.u32 s19;
	s19 =	smov.u32 s20  }
0x584: {  	v23 =	vshrl.u32 v14, $0x16;
	s20 =	smov.u32 s24;
	v16 =	vld [tilespmem:s24+$0x14010];
	(xrf1) =	vunique.msk.u32 $0xffff, v22;
	v14 =	vshll.u32 v11, $0xB;
	v24 =	vsel vm0, $0x10000, v0;
	_, v11, vm0 =	vpop (xrf1)  }
0x585: {  	v15 =	vshrl.u32 v15, $0x16;
	v25 =	vld [tilespmem:s20+$0x14020];
	(xrf1) =	vunique.msk.u32 $0xffff, v23;
	v11 =	vshll.u32 v11, $0xB;
	v26 =	vsel vm0, $0x10000, v0;
	_, v27, vm0 =	vpop (xrf1)  }
0x586: {  	v17 =	vshrl.u32 v17, $0x16;
	v28 =	vld [tilespmem:s20+$0x14030];
	(xrf1) =	vunique.msk.u32 $0xffff, v15;
	v27 =	vshll.u32 v27, $0xB;
	v29 =	vsel vm0, $0x10000, v0;
	_, v30, vm0 =	vpop (xrf1)  }
0x587: {  	v18 =	vshrl.u32 v18, $0x16;
	v31 =	vld [tilespmem:s20+$0x14040];
	(xrf1) =	vunique.msk.u32 $0xffff, v17;
	v27 =	vor.u32 v27, v29;
	v29 =	vshll.u32 v30, $0xB;
	_, v30, vm1 =	vpop (xrf1)  }
0x588: {  	v33 =	vshrl.u32 v12, $0x16;
	v34 =	vsel vm0, $0x10000, v0;
	v32 =	vld [tilespmem:s20+$0x14050];
	(xrf1) =	vunique.msk.u32 $0xffff, v18;
	v30 =	vshll.u32 v30, $0xB  }
0x589: {  	v11 =	vor.u32 v11, v26;
	v26 =	vor.u32 v6, v27;
	v27 =	vsel vm1, $0x10000, v0;
	v6 =	vmovc v17;
	v35 =	vld [tilespmem:s20+$0x14060];
	(xrf1) =	vunique.msk.u32 $0xffff, v33  }
0x58a: {  	v36 =	vor.u32 v5, v11;
	v11 =	vor.u32 v29, v34;
	v17 =	vor.u32 v30, v27;
	v12 =	vld [tilespmem:s20+$0x14070];
	[tilespmem:s21+$0x18050] =	vst v26  }
0x58b: {  	v5 =	vmov v15;
	v26 =	vor.u32 v7, v11;
	v17 =	vor.u32 v9, v17;
	v10 =	vld.idx.msk [tilespmem:v10+s18+$0x0], $0xffff;
	[tilespmem:s21+$0x18040] =	vst v36  }
0x58c: {  	v14 =	vor.u32 v14, v24;
	v9 =	vor.u32 v13, v20;
	v7 =	vmov v18;
	v11 =	vld.idx.msk [tilespmem:v16+s18+$0x0], $0xffff;
	[tilespmem:s21+$0x18070] =	vst v17;
	_, v15, vm0 =	vpop (xrf1)  }
.Ltmp21:
0x58d: {  	v17 =	vor.u32 v3, v9;
	v13 =	vld.idx.msk [tilespmem:v25+s18+$0x0], $0xffff;
	v16 =	vshll.u32 v15, $0xB;
	v15 =	vor.u32 v4, v14;
	[tilespmem:s21+$0x18060] =	vst v26;
	(pc) =	sbr.rel @p0 .LBB2_41-.Ltmp21, $4  }
0x58e: {  	v3 =	vmov v22;
	v18 =	vsel vm0, $0x10000, v0;
	v14 =	vld.idx.msk [tilespmem:v28+s18+$0x0], $0xffff;
	(xrf1) =	vunique.msk.u32 $0xffff, v2;
	[tilespmem:s21+$0x18030] =	vst v15;
	_, v4, vm0 =	vpop (xrf1)  }
0x58f: {  	v20 =	vshrl.u32 v19, $0x16;
	v9 =	vmovc v33;
	v15 =	vld.idx.msk [tilespmem:v31+s18+$0x0], $0xffff;
	v19 =	vshll.u32 v4, $0xB;
	v22 =	vsel vm0, $0x10000, v0;
	[tilespmem:s21+$0x18020] =	vst v17;
	v4 =	vmovc v23  }
0x590: {  	v16 =	vor.u32 v16, v18;
	v17 =	vld.idx.msk [tilespmem:v32+s18+$0x0], $0xffff;
	(xrf1) =	vunique.msk.u32 $0xffff, v20;
	v19 =	vor.u32 v19, v22  }
0x591: {  	s23 =	sadd.s32 $0x200, s23;
	v16 =	vor.u32 v21, v16;
	v10 =	vshrl.u32 v10, $0x16;
	v18 =	vld.idx.msk [tilespmem:v35+s18+$0x0], $0xffff;
	v19 =	vor.u32 v8, v19;
	v8 =	vmovc v20  }
0x592: {  	_ =	sdelay $0x2  }
0x593: {  	v13 =	vshrl.u32 v13, $0x16  }
0x594: {  	v12 =	vld.idx.msk [tilespmem:v12+s18+$0x0], $0xffff;
	v14 =	vshrl.u32 v14, $0x16;
	(xrf1) =	vunique.msk.u32 $0xffff, v13  }
0x595: {  	v15 =	vshrl.u32 v15, $0x16;
	(xrf1) =	vunique.msk.u32 $0xffff, v14  }
0x596: {  	v17 =	vshrl.u32 v17, $0x16;
	(xrf1) =	vunique.msk.u32 $0xffff, v15  }
0x597: {  	_, v20, vm0 =	vpop (xrf1);
	v18 =	vshrl.u32 v18, $0x16;
	(xrf1) =	vunique.msk.u32 $0xffff, v17  }
0x598: {  	v11 =	vshrl.u32 v11, $0x16;
	_, v21, vm1 =	vpop (xrf1);
	v22 =	vsel vm0, $0x10000, v0;
	v20 =	vshll.u32 v20, $0xB;
	(xrf1) =	vunique.msk.u32 $0xffff, v18  }
0x599: {  	_, v23, vm4 =	vpop (xrf1);
	v24 =	vsel vm1, $0x10000, v0;
	v21 =	vshll.u32 v21, $0xB;
	v12 =	vshrl.u32 v12, $0x16  }
0x59a: {  	v37 =	vor.u32 v20, v22;
	_, v25, vm5 =	vpop (xrf1);
	v23 =	vshll.u32 v23, $0xB;
	v26 =	vsel vm4, $0x10000, v0;
	(xrf1) =	vunique.msk.u32 $0xffff, v12  }
0x59b: {  	v38 =	vor.u32 v21, v24;
	v3 =	vor.u32 v3, v37;
	v25 =	vshll.u32 v25, $0xB;
	(xrf1) =	vunique.msk.u32 $0xffff, v10  }
0x59c: {  	v27 =	vsel vm5, $0x10000, v0;
	_, v28, vm6 =	vpop (xrf1);
	v23 =	vor.u32 v23, v26;
	v4 =	vor.u32 v4, v38;
	(xrf1) =	vunique.msk.u32 $0xffff, v11  }
0x59d: {  	v25 =	vor.u32 v25, v27;
	_, v62, vm7 =	vpop (xrf1);
	v63 =	vshll.u32 v28, $0xB;
	v32 =	vsel vm6, $0x10000, v0  }
0x59e: {  	[tilespmem:s21+$0x18010] =	vst v19;
	v5 =	vor.u32 v5, v23;
	v26 =	vshll.u32 v62, $0xB;
	v33 =	vsel vm7, $0x10000, v0  }
0x59f: {  	[tilespmem:s21+$0x18000] =	vst v16;
	v6 =	vor.u32 v6, v25;
	v27 =	vor.u32 v63, v32;
	v35 =	vor.u32 v26, v33;
	_, v34, vm0 =	vpop (xrf1)  }
0x5a0: {  	[tilespmem:s19+$0x18020] =	vst v3;
	v7 =	vor.u32 v7, v27;
	v39 =	vshll.u32 v34, $0xB;
	v40 =	vsel vm0, $0x10000, v0;
	_, v36, vm8 =	vpop (xrf1)  }
0x5a1: {  	[tilespmem:s19+$0x18050] =	vst v6;
	v6 =	vor.u32 v39, v40;
	v42 =	vshll.u32 v36, $0xB;
	v43 =	vsel vm8, $0x10000, v0  }
0x5a2: {  	[tilespmem:s19+$0x18040] =	vst v5;
	v9 =	vor.u32 v9, v35;
	v2 =	vor.u32 v2, v6;
	v5 =	vor.u32 v42, v43;
	_, v41, vm2 =	vpop (xrf1)  }
0x5a3: {  	[tilespmem:s19+$0x18030] =	vst v4;
	v5 =	vor.u32 v8, v5;
	_, v44, vm9 =	vpop (xrf1);
	v45 =	vsel vm2, $0x10000, v0;
	v49 =	vshll.u32 v41, $0xB  }
0x5a4: {  	[tilespmem:s19+$0x18060] =	vst v7;
	_, v46, vm10 =	vpop (xrf1);
	v50 =	vshll.u32 v44, $0xB;
	v59 =	vsel vm9, $0x10000, v0;
	v4 =	vor.u32 v49, v45  }
0x5a5: {  	[tilespmem:s19+$0x18070] =	vst v9;
	v47 =	vsel vm10, $0x10000, v0;
	_, v48, vm11 =	vpop (xrf1);
	v3 =	vshll.u32 v46, $0xB;
	v6 =	vor.u32 v50, v59  }
0x5a6: {  	[tilespmem:s19+$0x18000] =	vst v2;
	v4 =	vor.u32 v13, v4;
	v51 =	vsel vm11, $0x10000, v0;
	_, v52, vm12 =	vpop (xrf1);
	v7 =	vshll.u32 v48, $0xB  }
0x5a7: {  	[tilespmem:s19+$0x18010] =	vst v5;
	v2 =	vor.u32 v3, v47;
	v53 =	vsel vm12, $0x10000, v0;
	v55 =	vor.u32 v7, v51  }
0x5a8: {  	[tilespmem:s20+$0x18020] =	vst v4;
	_, v54, vm13 =	vpop (xrf1);
	v56 =	vshll.u32 v52, $0xB;
	v2 =	vor.u32 v15, v2;
	v3 =	vor.u32 v17, v55  }
0x5a9: {  	v57 =	vshll.u32 v54, $0xB;
	v58 =	vsel vm13, $0x10000, v0;
	_, v60, vm14 =	vpop (xrf1);
	[tilespmem:s20+$0x18050] =	vst v3;
	v3 =	vor.u32 v56, v53  }
0x5aa: {  	v6 =	vor.u32 v14, v6;
	[tilespmem:s20+$0x18040] =	vst v2;
	v5 =	vor.u32 v57, v58;
	_, v61, vm15 =	vpop (xrf1);
	v2 =	vor.u32 v18, v3  }
0x5ab: {  	v3 =	vor.u32 v12, v5;
	v62 =	vsel vm15, $0x10000, v0;
	[tilespmem:s20+$0x18060] =	vst v2;
	v2 =	vshll.u32 v61, $0xB  }
0x5ac: {  	v63 =	vsel vm14, $0x10000, v0;
	[tilespmem:s20+$0x18070] =	vst v3;
	v3 =	vshll.u32 v60, $0xB;
	v2 =	vor.u32 v2, v62  }
0x5ad: {  	[tilespmem:s20+$0x18030] =	vst v6;
	v3 =	vor.u32 v3, v63;
	v2 =	vor.u32 v11, v2  }
0x5ae: {  	v3 =	vor.u32 v10, v3;
	[tilespmem:s20+$0x18010] =	vst v2  }
0x5af: {  	[tilespmem:s20+$0x18000] =	vst v3  }
.LBB2_43:
0x5b0: {  	s19 =	sshra.s32 s18, $0x2  }
0x5b1: {  	v2 =	vld [tilespmem:s19+$0x18000]  }
0x5b2: {  	v3 =	vld [tilespmem:s19+$0x14000]  }
0x5b3: {  	v4 =	vld [tilespmem:s19+$0x18010]  }
0x5b4: {  	v5 =	vld [tilespmem:s19+$0x14010]  }
0x5b5: {  	v6 =	vld [tilespmem:s19+$0x18020]  }
0x5b6: {  	v7 =	vld [tilespmem:s19+$0x14020]  }
0x5b7: {  	v8 =	vld [tilespmem:s19+$0x18030]  }
0x5b8: {  	v9 =	vld [tilespmem:s19+$0x14030]  }
0x5b9: {  	v10 =	vld [tilespmem:s19+$0x18040]  }
0x5ba: {  	v11 =	vld [tilespmem:s19+$0x14040]  }
0x5bb: {  	v12 =	vld [tilespmem:s19+$0x18050]  }
0x5bc: {  	v13 =	vld [tilespmem:s19+$0x14050]  }
0x5bd: {  	v14 =	vld [tilespmem:s19+$0x18060]  }
0x5be: {  	v15 =	vld [tilespmem:s19+$0x14060]  }
0x5bf: {  	v16 =	vld [tilespmem:s19+$0x18070]  }
0x5c0: {  	v17 =	vld [tilespmem:s19+$0x14070]  }
0x5c1: {  	v18 =	vld [tilespmem:s19+$0x18080]  }
0x5c2: {  	v19 =	vld [tilespmem:s19+$0x14080]  }
0x5c3: {  	v20 =	vld [tilespmem:s19+$0x18090];
	v22 =	vand.u32 $0x7FF, v2  }
0x5c4: {  	v21 =	vld [tilespmem:s19+$0x14090]  }
0x5c5: {  	v23 =	vld [tilespmem:s19+$0x180A0]  }
0x5c6: {  	v24 =	vld [tilespmem:s19+$0x140A0]  }
0x5c7: {  	v25 =	vld [tilespmem:s19+$0x180B0]  }
0x5c8: {  	v27 =	vld.idx.msk [tilespmem:v22+s12+$0x0], $0xffff  }
0x5c9: {  	v26 =	vld [tilespmem:s19+$0x140B0]  }
0x5ca: {  	v28 =	vld [tilespmem:s19+$0x180C0]  }
0x5cb: {  	v29 =	vld [tilespmem:s19+$0x140C0];
	v30 =	vshrl.u32 v2, $0xB;
	vm0 =	vgt.u32 v2, $0xFFFF  }
0x5cc: {  	v31 =	vld [tilespmem:s19+$0x140D0];
	v30 =	vand.u32 $0x1F, v30  }
0x5cd: {  	v32 =	vld [tilespmem:s19+$0x180E0];
	v27 =	vadd.s32 v30, v27  }
0x5ce: {  	v34 =	vld [tilespmem:s19+$0x180F0];
	v33 =	vand.u32 $0x7FF, v4  }
0x5cf: {  	v35 =	vld [tilespmem:s19+$0x140F0]  }
0x5d0: {  	v2 =	vld [tilespmem:s19+$0x180D0]  }
0x5d1: {  	v30 =	vld [tilespmem:s19+$0x140E0];
	[tilespmem:v22+s12+$0x0] =	vst.idx.msk vm0, v27  }
0x5d2: {  	[tilespmem:v27+s13+$0x0] =	vst.idx.msk $0xffff, v3  }
0x5d3: {  	v3 =	vld.idx.msk [tilespmem:v33+s12+$0x0], $0xffff;
	_ =	sdelay $0x2  }
0x5d4: {  	v36 =	vshrl.u32 v4, $0xB;
	vm13 =	vgt.u32 v4, $0xFFFF  }
0x5d5: {  	v37 =	vand.u32 $0x1F, v36  }
0x5d6: {  	v3 =	vadd.s32 v37, v3  }
0x5d7: {  	v38 =	vand.u32 $0x7FF, v6;
	_ =	sdelay $0x2  }
0x5d8: {  	[tilespmem:v33+s12+$0x0] =	vst.idx.msk vm13, v3  }
0x5d9: {  	[tilespmem:v3+s13+$0x0] =	vst.idx.msk $0xffff, v5  }
0x5da: {  	v3 =	vld.idx.msk [tilespmem:v38+s12+$0x0], $0xffff;
	_ =	sdelay $0x2  }
0x5db: {  	v39 =	vshrl.u32 v6, $0xB;
	vm14 =	vgt.u32 v6, $0xFFFF  }
0x5dc: {  	v5 =	vand.u32 $0x1F, v39  }
0x5dd: {  	v3 =	vadd.s32 v5, v3  }
0x5de: {  	v40 =	vand.u32 $0x7FF, v8;
	_ =	sdelay $0x2  }
0x5df: {  	[tilespmem:v38+s12+$0x0] =	vst.idx.msk vm14, v3  }
0x5e0: {  	[tilespmem:v3+s13+$0x0] =	vst.idx.msk $0xffff, v7  }
0x5e1: {  	v3 =	vld.idx.msk [tilespmem:v40+s12+$0x0], $0xffff;
	_ =	sdelay $0x2  }
0x5e2: {  	v41 =	vshrl.u32 v8, $0xB;
	vm15 =	vgt.u32 v8, $0xFFFF  }
0x5e3: {  	v4 =	vand.u32 $0x1F, v41  }
0x5e4: {  	v3 =	vadd.s32 v4, v3  }
0x5e5: {  	v42 =	vand.u32 $0x7FF, v10;
	_ =	sdelay $0x2  }
0x5e6: {  	[tilespmem:v40+s12+$0x0] =	vst.idx.msk vm15, v3  }
0x5e7: {  	[tilespmem:v3+s13+$0x0] =	vst.idx.msk $0xffff, v9  }
0x5e8: {  	v3 =	vld.idx.msk [tilespmem:v42+s12+$0x0], $0xffff;
	_ =	sdelay $0x2  }
0x5e9: {  	v43 =	vshrl.u32 v10, $0xB;
	vm4 =	vgt.u32 v10, $0xFFFF  }
0x5ea: {  	v5 =	vand.u32 $0x1F, v43  }
0x5eb: {  	v3 =	vadd.s32 v5, v3  }
0x5ec: {  	v44 =	vand.u32 $0x7FF, v12;
	_ =	sdelay $0x2  }
0x5ed: {  	[tilespmem:v42+s12+$0x0] =	vst.idx.msk vm4, v3  }
0x5ee: {  	[tilespmem:v3+s13+$0x0] =	vst.idx.msk $0xffff, v11  }
0x5ef: {  	v3 =	vld.idx.msk [tilespmem:v44+s12+$0x0], $0xffff;
	_ =	sdelay $0x2  }
0x5f0: {  	v45 =	vshrl.u32 v12, $0xB;
	vm5 =	vgt.u32 v12, $0xFFFF  }
0x5f1: {  	v4 =	vand.u32 $0x1F, v45  }
0x5f2: {  	v3 =	vadd.s32 v4, v3  }
0x5f3: {  	v46 =	vand.u32 $0x7FF, v14;
	_ =	sdelay $0x2  }
0x5f4: {  	[tilespmem:v44+s12+$0x0] =	vst.idx.msk vm5, v3  }
0x5f5: {  	[tilespmem:v3+s13+$0x0] =	vst.idx.msk $0xffff, v13  }
0x5f6: {  	v3 =	vld.idx.msk [tilespmem:v46+s12+$0x0], $0xffff;
	_ =	sdelay $0x2  }
0x5f7: {  	v47 =	vshrl.u32 v14, $0xB;
	vm6 =	vgt.u32 v14, $0xFFFF  }
0x5f8: {  	v5 =	vand.u32 $0x1F, v47  }
0x5f9: {  	v3 =	vadd.s32 v5, v3  }
0x5fa: {  	v48 =	vand.u32 $0x7FF, v16;
	_ =	sdelay $0x2  }
0x5fb: {  	[tilespmem:v46+s12+$0x0] =	vst.idx.msk vm6, v3  }
0x5fc: {  	[tilespmem:v3+s13+$0x0] =	vst.idx.msk $0xffff, v15  }
0x5fd: {  	v3 =	vld.idx.msk [tilespmem:v48+s12+$0x0], $0xffff;
	_ =	sdelay $0x2  }
0x5fe: {  	v49 =	vshrl.u32 v16, $0xB;
	vm7 =	vgt.u32 v16, $0xFFFF  }
0x5ff: {  	v4 =	vand.u32 $0x1F, v49  }
0x600: {  	v3 =	vadd.s32 v4, v3  }
0x601: {  	v50 =	vand.u32 $0x7FF, v18;
	_ =	sdelay $0x2  }
0x602: {  	[tilespmem:v48+s12+$0x0] =	vst.idx.msk vm7, v3  }
0x603: {  	[tilespmem:v3+s13+$0x0] =	vst.idx.msk $0xffff, v17  }
0x604: {  	v3 =	vld.idx.msk [tilespmem:v50+s12+$0x0], $0xffff;
	_ =	sdelay $0x2  }
0x605: {  	v51 =	vshrl.u32 v18, $0xB;
	vm8 =	vgt.u32 v18, $0xFFFF  }
0x606: {  	v5 =	vand.u32 $0x1F, v51  }
0x607: {  	v3 =	vadd.s32 v5, v3  }
0x608: {  	v52 =	vand.u32 $0x7FF, v20;
	_ =	sdelay $0x2  }
0x609: {  	[tilespmem:v50+s12+$0x0] =	vst.idx.msk vm8, v3  }
0x60a: {  	[tilespmem:v3+s13+$0x0] =	vst.idx.msk $0xffff, v19  }
0x60b: {  	v3 =	vld.idx.msk [tilespmem:v52+s12+$0x0], $0xffff;
	_ =	sdelay $0x2  }
0x60c: {  	v53 =	vshrl.u32 v20, $0xB;
	vm9 =	vgt.u32 v20, $0xFFFF  }
0x60d: {  	v4 =	vand.u32 $0x1F, v53  }
0x60e: {  	v3 =	vadd.s32 v4, v3  }
0x60f: {  	v54 =	vand.u32 $0x7FF, v23;
	_ =	sdelay $0x2  }
0x610: {  	[tilespmem:v52+s12+$0x0] =	vst.idx.msk vm9, v3  }
0x611: {  	[tilespmem:v3+s13+$0x0] =	vst.idx.msk $0xffff, v21  }
0x612: {  	v3 =	vld.idx.msk [tilespmem:v54+s12+$0x0], $0xffff;
	_ =	sdelay $0x2  }
0x613: {  	v55 =	vshrl.u32 v23, $0xB;
	vm10 =	vgt.u32 v23, $0xFFFF  }
0x614: {  	v5 =	vand.u32 $0x1F, v55  }
0x615: {  	v3 =	vadd.s32 v5, v3  }
0x616: {  	v56 =	vand.u32 $0x7FF, v25;
	_ =	sdelay $0x2  }
0x617: {  	[tilespmem:v54+s12+$0x0] =	vst.idx.msk vm10, v3  }
0x618: {  	[tilespmem:v3+s13+$0x0] =	vst.idx.msk $0xffff, v24  }
0x619: {  	v3 =	vld.idx.msk [tilespmem:v56+s12+$0x0], $0xffff;
	_ =	sdelay $0x2  }
0x61a: {  	v57 =	vshrl.u32 v25, $0xB;
	vm11 =	vgt.u32 v25, $0xFFFF  }
0x61b: {  	v4 =	vand.u32 $0x1F, v57  }
0x61c: {  	v3 =	vadd.s32 v4, v3  }
0x61d: {  	v58 =	vand.u32 $0x7FF, v28;
	_ =	sdelay $0x2  }
0x61e: {  	[tilespmem:v56+s12+$0x0] =	vst.idx.msk vm11, v3  }
0x61f: {  	[tilespmem:v3+s13+$0x0] =	vst.idx.msk $0xffff, v26  }
0x620: {  	v3 =	vld.idx.msk [tilespmem:v58+s12+$0x0], $0xffff;
	_ =	sdelay $0x2  }
0x621: {  	v59 =	vshrl.u32 v28, $0xB;
	vm12 =	vgt.u32 v28, $0xFFFF  }
0x622: {  	v5 =	vand.u32 $0x1F, v59  }
0x623: {  	v3 =	vadd.s32 v5, v3  }
0x624: {  	v60 =	vand.u32 $0x7FF, v2;
	_ =	sdelay $0x2  }
0x625: {  	[tilespmem:v58+s12+$0x0] =	vst.idx.msk vm12, v3  }
0x626: {  	[tilespmem:v3+s13+$0x0] =	vst.idx.msk $0xffff, v29  }
0x627: {  	v3 =	vld.idx.msk [tilespmem:v60+s12+$0x0], $0xffff;
	_ =	sdelay $0x2  }
0x628: {  	v61 =	vshrl.u32 v2, $0xB;
	vm13 =	vgt.u32 v2, $0xFFFF  }
0x629: {  	v2 =	vand.u32 $0x1F, v61  }
0x62a: {  	v2 =	vadd.s32 v2, v3  }
0x62b: {  	v3 =	vand.u32 $0x7FF, v32;
	_ =	sdelay $0x2  }
0x62c: {  	[tilespmem:v60+s12+$0x0] =	vst.idx.msk vm13, v2  }
0x62d: {  	[tilespmem:v2+s13+$0x0] =	vst.idx.msk $0xffff, v31  }
0x62e: {  	v2 =	vld.idx.msk [tilespmem:v3+s12+$0x0], $0xffff;
	_ =	sdelay $0x2  }
0x62f: {  	v62 =	vshrl.u32 v32, $0xB;
	vm14 =	vgt.u32 v32, $0xFFFF  }
0x630: {  	v4 =	vand.u32 $0x1F, v62  }
0x631: {  	v2 =	vadd.s32 v4, v2  }
0x632: {  	v63 =	vand.u32 $0x7FF, v34;
	_ =	sdelay $0x2  }
0x633: {  	[tilespmem:v3+s12+$0x0] =	vst.idx.msk vm14, v2  }
0x634: {  	[tilespmem:v2+s13+$0x0] =	vst.idx.msk $0xffff, v30  }
0x635: {  	v2 =	vld.idx.msk [tilespmem:v63+s12+$0x0], $0xffff;
	_ =	sdelay $0x2  }
0x636: {  	vm15 =	vgt.u32 v34, $0xFFFF;
	v3 =	vshrl.u32 v34, $0xB  }
0x637: {  	v3 =	vand.u32 $0x1F, v3  }
0x638: {  	p0 =	sne.s32 s18, $0xFC00;
	v2 =	vadd.s32 v3, v2  }
.Ltmp22:
0x639: {  	_ = 	snop;
	(pc) =	sbr.rel @p0 .LBB2_43-.Ltmp22, $3  }
0x63a: {  	_ =	sdelay $0x1  }
0x63b: {  	[tilespmem:v63+s12+$0x0] =	vst.idx.msk vm15, v2  }
0x63c: {  	s18 =	sadd.s32 $0x400, s18;
	[tilespmem:v2+s13+$0x0] =	vst.idx.msk $0xffff, v35  }
0x63d: {  	s17 =	sadd.s32 s2, s17;
	s16 =	sadd.s32 $0x1, s16  }
0x63e: {  	[hbm4b:s17+s7] =	stream.strided.scatter [tilespmem:s13], [sflag:$0x1], $0x8000, s8, s7, $0x38;
	[tilespmem:$0x1D800] =	vst v63  }
0x63f: {  	p0 =	sne.s32 s16, $0x4  }
.Ltmp23:
0x640: {  	_ = 	snop;
	(pc) =	sbr.rel @p0 .LBB2_2-.Ltmp23, $4  }
.Ltmp24:
0x641: {  	_ = 	snop;
	(pc) =	sbr.rel @!p0 .LBB2_45-.Ltmp24, $4  }
0x642: {  	_ =	swait.ge [sflag:s9], $0x8000  }
0x643: {  	[sflag:s9] =	ssyncset.done $0x0  }
0x644: {  	[sflag:s9] =	ssyncadd.s32 $0xFFFF8000  }
0x645: {  	_ = 	snop  }
.LBB2_7:
.Ltmp25:
0x646: {  	(pc) =	sbr.rel .LBB2_12-.Ltmp25, $2  }
0x647: {  	_ =	sdelay $0x2  }
0x648: {  	s19 =	simm.s32 $0xFFFFFFFF  }
.LBB2_31:
.Ltmp26:
0x649: {  	(pc) =	sbr.rel .LBB2_36-.Ltmp26, $2  }
0x64a: {  	_ =	sdelay $0x2  }
0x64b: {  	s19 =	simm.s32 $0xFFFFFFFF  }
.LBB2_9:
.Ltmp27:
0x64c: {  	(pc) =	sbr.rel .LBB2_12-.Ltmp27, $2  }
0x64d: {  	_ =	sdelay $0x2  }
0x64e: {  	s22 =	simm.s32 $0x10;
	s19 =	simm.s32 $0xFFFFFFFF  }
.LBB2_33:
.Ltmp28:
0x64f: {  	(pc) =	sbr.rel .LBB2_36-.Ltmp28, $2  }
0x650: {  	_ =	sdelay $0x2  }
0x651: {  	s22 =	simm.s32 $0x10;
	s19 =	simm.s32 $0xFFFFFFFF  }
.LBB2_46:
0x652: {  	_ =	sfence.sel $0x180000  }
0x653: {  	[bflag:$0x0] =	sbarrier.arrive $0xFFFF  }
0x654: {  	p0 =	sne.s32 s3, $0x0;
	_ =	strace $0x90000047  }
0x655: {  	s0 =	sadd.s32 @!p0 $0x100000, s0;
	[bflag:$0x2] =	sbarrier.arrive $0xFFFF  }
0x656: {  	[sflag:s0] =	ssyncadd.tile.s32 @!p0 $0x1;
	_ =	shalt  }
.Lfunc_end2:
_tile_overlayer_lowered:
.L_overlay_start_2:
0x657: {  	(tag) =	ssettag $0x2  }
0x658: {  	s0 =	rddreg [dreg:$0x0];
	s2 =	stileid.u32  }
0x659: {  	s1 =	rddreg [dreg:$0x1];
	p0 =	sne.s32 s2, $0x0  }
0x65a: {  	s3 =	rddreg [dreg:$0x2];
	[bflag:$0x3] =	sbarrier.arrive $0xFFFF;
	s2 =	simm.s32 @!p0 $0x1C01  }
0x65b: {  	[timem:s3], [sflag:s2] =	dma.local @!p0 [hbm:s0], s1  }
0x65c: {  	s0 =	simm.s32 @!p0 $0x1  }
0x65d: {  	_ =	swait.ge @!p0 [sflag:s0], s1  }
0x65e: {  	s1 =	ssub.s32 @!p0 $0x0, s1;
	[sflag:s0] =	ssyncset.done @!p0 $0x0  }
0x65f: {  	[sflag:s0] =	ssyncadd.s32 @!p0 s1  }
0x660: {  	[bflag:$0x3] =	sbarrier.arrive $0xFFFF  }
0x661: {  	_ =	shalt  }

</sc_bundles>
